<compile_context>
chip_gen: v7x
topology: tpu7x:2x2x1
jax: 0.10.2.dev20260603
libtpu: 0.0.44.dev20260713+nightly
codegen_flags: <defaults>
</compile_context>

<pallas_src>
import functools

import jax
import jax.numpy as jnp
from jax import lax
from jax.experimental import pallas as pl
from jax.experimental.pallas import tpu as pltpu
from jax.experimental.pallas import tpu_sc as plsc

N = 50000
E = 800000
H = 64
NCLS = 10

NC = 2
NS = 16
LANES = 16

CH = 128
KPG = 8
GRP = CH * KPG
GROUPS = 49
EPT = GROUPS * GRP
EPAD = NS * EPT
NACC = 50176
ZPT = NACC // NS
DPT = N // NS

NLPAD = 204800
NLPT = NLPAD // (NC * NS)

R = 2000
NBLK = N // R

_f32 = jnp.float32
_i32 = jnp.int32

_mesh = plsc.VectorSubcoreMesh(
    core_axis_name="c", subcore_axis_name="s", num_cores=NC, num_subcores=NS)
_sc_params = pltpu.CompilerParams(use_tc_tiling_on_sc=False)


def _zero_fill(buf, rows, w):
    def zb(i, carry):
        for c in range(w // LANES):
            buf[i, pl.ds(c * LANES, LANES)] = jnp.zeros((LANES,), _f32)
        return carry
    lax.fori_loop(0, rows, zb, 0)


def _zero_acc(acc, buf, sid, grp):
    zb0 = sid * ZPT
    off = 0
    while off < ZPT:
        sz = min(grp, ZPT - off)
        pltpu.sync_copy(buf.at[pl.ds(0, sz)], acc.at[pl.ds(zb0 + off, sz)])
        off += sz


def _drain_acc(acc, out_hbm, cid, sid):
    db = sid * DPT
    ob = cid * N + db
    for off, sz in ((0, 1024), (1024, 1024), (2048, 1024), (3072, DPT - 3072)):
        pltpu.sync_copy(acc.at[pl.ds(db + off, sz)],
                        out_hbm.at[pl.ds(ob + off, sz)])



@functools.partial(
    pl.kernel,
    out_type=jax.ShapeDtypeStruct((NLPAD, 16), _f32),
    mesh=_mesh,
    compiler_params=_sc_params,
    scratch_types=[
        pltpu.VMEM((NLPT,), _i32),
        pltpu.VMEM((1280, 16), _f32),
        pltpu.SemaphoreType.DMA,
    ],
)
def _sc_node_embed(emb_hbm, nl_hbm, out_hbm, idxv, rows, sem):
    cid = lax.axis_index("c")
    sid = lax.axis_index("s")
    wid = sid * NC + cid
    base = wid * NLPT
    pltpu.sync_copy(nl_hbm.at[pl.ds(base, NLPT)], idxv)

    def gbody(g, carry):
        gb = g * 1280
        cps = []
        for k in range(10):
            cps.append(pltpu.async_copy(
                emb_hbm.at[idxv.at[pl.ds(gb + k * CH, CH)]],
                rows.at[pl.ds(k * CH, CH)], sem))
        for cp in cps:
            cp.wait()
        pltpu.sync_copy(rows, out_hbm.at[pl.ds(base + gb, 1280)])
        return carry
    lax.fori_loop(0, NLPT // 1280, gbody, 0)



def _make_segsum(w, kpg):
    grp = kpg * CH
    groups = EPT // grp

    @functools.partial(
        pl.kernel,
        out_type=jax.ShapeDtypeStruct((NC * N, w), _f32),
        mesh=_mesh,
        compiler_params=_sc_params,
        scratch_types=[
            pltpu.VMEM_SHARED((NACC, w), _f32),
            pltpu.VMEM((grp,), _i32),
            pltpu.VMEM((kpg, CH), _i32),
            pltpu.VMEM((grp, w), _f32),
            pltpu.SemaphoreType.DMA,
            pltpu.SemaphoreType.DMA,
        ],
    )
    def k(tbl_hbm, src_hbm, dst_hbm, out_hbm, acc, srcv, dstv, rows, sem, ssem):
        cid = lax.axis_index("c")
        sid = lax.axis_index("s")
        _zero_fill(rows, grp, w)
        _zero_acc(acc, rows, sid, grp)
        plsc.subcore_barrier()

        tb = sid * EPT
        itb = cid * EPAD + tb
        rtb = tb // CH

        def gbody(g, carry):
            gb = g * grp
            pltpu.sync_copy(src_hbm.at[pl.ds(itb + gb, grp)], srcv)
            pltpu.sync_copy(dst_hbm.at[pl.ds(rtb + g * kpg, kpg)], dstv)
            cps = []
            for k_ in range(kpg):
                cps.append(pltpu.async_copy(
                    tbl_hbm.at[srcv.at[pl.ds(k_ * CH, CH)]],
                    rows.at[pl.ds(k_ * CH, CH)], sem))
            scs = []
            for k_ in range(kpg):
                cps[k_].wait()
                scs.append(pltpu.async_copy(
                    rows.at[pl.ds(k_ * CH, CH)],
                    acc.at[dstv.at[k_]], ssem, add=True))
            for sc in scs:
                sc.wait()
            return carry
        lax.fori_loop(0, groups, gbody, 0)
        plsc.subcore_barrier()
        _drain_acc(acc, out_hbm, cid, sid)
    return k


_sc_segsum32 = _make_segsum(32, 4)



S16_KPG = 8
S16_GRP = S16_KPG * CH
S16_GROUPS = EPT // S16_GRP
S16_SPLIT = 25


@functools.partial(
    pl.kernel,
    out_type=(jax.ShapeDtypeStruct((NC * N, 16), _f32),
              jax.ShapeDtypeStruct((NC * N, 8), _f32)),
    mesh=_mesh,
    compiler_params=_sc_params,
    scratch_types=[
        pltpu.VMEM_SHARED((NACC, 16), _f32),
        pltpu.VMEM_SHARED((NACC, 8), _f32),
        pltpu.VMEM((S16_GRP,), _i32),
        pltpu.VMEM((S16_KPG, CH), _i32),
        pltpu.VMEM((S16_GRP, 16), _f32),
        pltpu.VMEM((S16_GRP, 8), _f32),
        pltpu.SemaphoreType.DMA,
        pltpu.SemaphoreType.DMA,
    ],
)
def _sc_segsum16et(tbl_hbm, src_hbm, dst_hbm, et_hbm, out_hbm, outt_hbm,
                   acc, acc_t, srcv, dstv, rows, etv, sem, ssem):
    cid = lax.axis_index("c")
    sid = lax.axis_index("s")
    _zero_fill(rows, S16_GRP, 16)
    _zero_acc(acc, rows, sid, S16_GRP)

    def z8(i, carry):
        etv[i, :] = jnp.zeros((8,), _f32)
        return carry
    lax.fori_loop(0, S16_GRP, z8, 0)
    _zero_acc(acc_t, etv, sid, S16_GRP)
    plsc.subcore_barrier()

    tb = sid * EPT
    itb = cid * EPAD + tb
    rtb = tb // CH

    def gbody(g, carry):
        gb = g * S16_GRP
        pltpu.sync_copy(src_hbm.at[pl.ds(itb + gb, S16_GRP)], srcv)
        pltpu.sync_copy(dst_hbm.at[pl.ds(rtb + g * S16_KPG, S16_KPG)], dstv)
        cps = []
        for k_ in range(S16_KPG):
            cps.append(pltpu.async_copy(
                tbl_hbm.at[srcv.at[pl.ds(k_ * CH, CH)]],
                rows.at[pl.ds(k_ * CH, CH)], sem))
        mine = jnp.where(cid == 0, g < S16_SPLIT, g >= S16_SPLIT)
        scs = []

        @pl.when(mine)
        def _():
            for k_ in range(S16_KPG):
                r0 = tb + gb + k_ * CH

                @pl.when(r0 < E)
                def _chunk(k_=k_, r0=r0):
                    pltpu.sync_copy(et_hbm.at[pl.ds(r0, CH)],
                                    etv.at[pl.ds(k_ * CH, CH)])
                    pltpu.sync_copy(etv.at[pl.ds(k_ * CH, CH)],
                                    acc_t.at[dstv.at[k_]], add=True)

        for k_ in range(S16_KPG):
            cps[k_].wait()
            scs.append(pltpu.async_copy(
                rows.at[pl.ds(k_ * CH, CH)],
                acc.at[dstv.at[k_]], ssem, add=True))
        for sc in scs:
            sc.wait()
        return carry
    lax.fori_loop(0, S16_GROUPS, gbody, 0)
    plsc.subcore_barrier()
    _drain_acc(acc, out_hbm, cid, sid)
    _drain_acc(acc_t, outt_hbm, cid, sid)



EA_KPG = 8
EA_GRP = EA_KPG * CH
EA_GROUPS = EPT // EA_GRP


@functools.partial(
    pl.kernel,
    out_type=jax.ShapeDtypeStruct((NC * N, 16), _f32),
    mesh=_mesh,
    compiler_params=_sc_params,
    scratch_types=[
        pltpu.VMEM_SHARED((NACC, 16), _f32),
        pltpu.VMEM((EA_GRP,), _i32),
        pltpu.VMEM((EA_KPG, CH), _i32),
        pltpu.VMEM((EA_GRP, 16), _f32),
        pltpu.SemaphoreType.DMA,
        pltpu.SemaphoreType.DMA,
    ],
)
def _sc_edge_aggs(emb_hbm, el_hbm, dst_hbm, oute_hbm,
                  acc_e, elv, dstv, erows, sem, ssem):
    cid = lax.axis_index("c")
    sid = lax.axis_index("s")
    _zero_fill(erows, EA_GRP, 16)
    _zero_acc(acc_e, erows, sid, EA_GRP)
    plsc.subcore_barrier()

    tb = sid * EPT
    itb = cid * EPAD + tb
    rtb = tb // CH

    def gbody(g, carry):
        gb = g * EA_GRP
        pltpu.sync_copy(el_hbm.at[pl.ds(itb + gb, EA_GRP)], elv)
        pltpu.sync_copy(dst_hbm.at[pl.ds(rtb + g * EA_KPG, EA_KPG)], dstv)
        cps = []
        for k_ in range(EA_KPG):
            cps.append(pltpu.async_copy(
                emb_hbm.at[elv.at[pl.ds(k_ * CH, CH)]],
                erows.at[pl.ds(k_ * CH, CH)], sem))
        scs = []
        for k_ in range(EA_KPG):
            cps[k_].wait()
            scs.append(pltpu.async_copy(
                erows.at[pl.ds(k_ * CH, CH)],
                acc_e.at[dstv.at[k_]], ssem, add=True))
        for sc in scs:
            sc.wait()
        return carry
    lax.fori_loop(0, EA_GROUPS, gbody, 0)
    plsc.subcore_barrier()
    _drain_acc(acc_e, oute_hbm, cid, sid)



def _tc_build_nf(nt_ref, ne_ref, out_ref):
    nt = nt_ref[...]
    ne = ne_ref[...].reshape(R, 4, 16)
    q0 = ne[:, 0, :]
    q1 = ne[:, 1, :]
    q2 = ne[:, 2, :]
    q3 = ne[:, 3, :]
    h0 = jnp.concatenate([nt, q0[:, 0:5], q1[:, 0:3]], axis=1)
    h1 = jnp.concatenate([q1[:, 3:5], q2[:, 0:5], q3[:, 0:5],
                          jnp.zeros((R, 4), _f32)], axis=1)
    out_ref[0] = h0
    out_ref[1] = h1


def _dot(x, w):
    return jnp.dot(x, w, preferred_element_type=_f32)


def _tc_layer0(nf_ref, a0l_ref, a0h_ref, ael_ref, aeh_ref, atl_ref, ath_ref,
               wb_ref, b_ref, out_ref):
    w = wb_ref[...]
    h = (_dot(nf_ref[0], w[0:16]) + _dot(nf_ref[1], w[16:32])
         + _dot(a0l_ref[...], w[32:48]) + _dot(a0h_ref[...], w[48:64])
         + _dot(ael_ref[...], w[64:80]) + _dot(aeh_ref[...], w[80:96])
         + _dot(atl_ref[...], w[96:104]) + _dot(ath_ref[...], w[104:112])
         + b_ref[...])
    h = jnp.maximum(h, 0.0)
    out_ref[0] = h[:, :32]
    out_ref[1] = h[:, 32:]


def _tc_layer1(h_ref, a1l_ref, a1h_ref, ael_ref, aeh_ref, atl_ref, ath_ref,
               wb_ref, b_ref, out_ref):
    w = wb_ref[...]
    h = (_dot(h_ref[0], w[0:32]) + _dot(h_ref[1], w[32:64])
         + _dot(a1l_ref[...], w[64:96]) + _dot(a1h_ref[...], w[96:128])
         + _dot(ael_ref[...], w[128:144]) + _dot(aeh_ref[...], w[144:160])
         + _dot(atl_ref[...], w[160:168]) + _dot(ath_ref[...], w[168:176])
         + b_ref[...])
    h = jnp.maximum(h, 0.0)
    out_ref[pl.ds(pl.program_id(0), 1), :] = jnp.sum(h, axis=0, keepdims=True)


def _tc_final(ps_ref, wfc_ref, bfc_ref, out_ref):
    s = jnp.sum(ps_ref[...], axis=0, keepdims=True)
    out_ref[...] = jnp.dot(s, wfc_ref[...], preferred_element_type=_f32) \
        + bfc_ref[...]


def _pad_rows(w, rows):
    return jnp.concatenate(
        [w, jnp.zeros((rows - w.shape[0], w.shape[1]), _f32)], axis=0)


def kernel(node_types, node_labels, edge_types, edge_labels, edge_index, emb,
           W_self0, W_src0, W_edge0, b0, W_self1, W_src1, W_edge1, b1,
           W_fc, b_fc):
    emb16 = jnp.zeros((emb.shape[0], 16), _f32).at[:, :5].set(emb)
    nl_flat = jnp.concatenate(
        [node_labels.reshape(-1).astype(_i32),
         jnp.zeros((NLPAD - 4 * N,), _i32)])

    src = edge_index[0].astype(_i32)
    dst = edge_index[1].astype(_i32)
    padn = EPAD - E
    srcp = jnp.concatenate([src, jnp.zeros((padn,), _i32)])
    src2 = jnp.concatenate([srcp, srcp + N])
    dstp = jnp.concatenate([dst, jnp.full((padn,), N, _i32)])
    dst2d = dstp.reshape(EPAD // CH, CH)
    el0 = edge_labels[:, 0].astype(_i32)
    el1 = edge_labels[:, 1].astype(_i32)
    el2 = jnp.concatenate([
        jnp.concatenate([el0, jnp.zeros((padn,), _i32)]),
        jnp.concatenate([el1, jnp.zeros((padn,), _i32)])])

    wb0 = jnp.concatenate([
        _pad_rows(W_self0, 32), _pad_rows(W_src0, 32),
        _pad_rows(W_edge0[0:5], 16), _pad_rows(W_edge0[5:10], 16),
        W_edge0[10:18], W_edge0[10:18]], axis=0)
    wb1 = jnp.concatenate([
        W_self1, W_src1,
        _pad_rows(W_edge1[0:5], 16), _pad_rows(W_edge1[5:10], 16),
        W_edge1[10:18], W_edge1[10:18]], axis=0)
    b0r = b0.reshape(1, H)
    b1r = b1.reshape(1, H)
    bfcr = b_fc.reshape(1, NCLS)

    ne_pad = _sc_node_embed(emb16, nl_flat)

    nf = pl.pallas_call(
        _tc_build_nf,
        grid=(NBLK,),
        in_specs=[
            pl.BlockSpec((R, 8), lambda i: (i, 0)),
            pl.BlockSpec((4 * R, 16), lambda i: (i, 0)),
        ],
        out_specs=pl.BlockSpec((2, R, 16), lambda i: (0, i, 0)),
        out_shape=jax.ShapeDtypeStruct((2, N, 16), _f32),
    )(node_types, ne_pad)

    a0, agg_t = _sc_segsum16et(nf.reshape(NC * N, 16), src2, dst2d, edge_types)
    agg_e = _sc_edge_aggs(emb16, el2, dst2d)

    lo = lambda i: (i, 0)
    hi = lambda i: (i + NBLK, 0)

    h1 = pl.pallas_call(
        _tc_layer0,
        grid=(NBLK,),
        in_specs=[
            pl.BlockSpec((2, R, 16), lambda i: (0, i, 0)),
            pl.BlockSpec((R, 16), lo), pl.BlockSpec((R, 16), hi),
            pl.BlockSpec((R, 16), lo), pl.BlockSpec((R, 16), hi),
            pl.BlockSpec((R, 8), lo), pl.BlockSpec((R, 8), hi),
            pl.BlockSpec((112, H), lambda i: (0, 0)),
            pl.BlockSpec((1, H), lambda i: (0, 0)),
        ],
        out_specs=pl.BlockSpec((2, R, 32), lambda i: (0, i, 0)),
        out_shape=jax.ShapeDtypeStruct((2, N, 32), _f32),
    )(nf, a0, a0, agg_e, agg_e, agg_t, agg_t, wb0, b0r)

    a1 = _sc_segsum32(h1.reshape(NC * N, 32), src2, dst2d)

    psums = pl.pallas_call(
        _tc_layer1,
        grid=(NBLK,),
        in_specs=[
            pl.BlockSpec((2, R, 32), lambda i: (0, i, 0)),
            pl.BlockSpec((R, 32), lo), pl.BlockSpec((R, 32), hi),
            pl.BlockSpec((R, 16), lo), pl.BlockSpec((R, 16), hi),
            pl.BlockSpec((R, 8), lo), pl.BlockSpec((R, 8), hi),
            pl.BlockSpec((176, H), lambda i: (0, 0)),
            pl.BlockSpec((1, H), lambda i: (0, 0)),
        ],
        out_specs=pl.BlockSpec((NBLK, H), lambda i: (0, 0)),
        out_shape=jax.ShapeDtypeStruct((NBLK, H), _f32),
    )(h1, a1, a1, agg_e, agg_e, agg_t, agg_t, wb1, b1r)

    out = pl.pallas_call(
        _tc_final,
        out_shape=jax.ShapeDtypeStruct((1, NCLS), _f32),
    )(psums, W_fc, bfcr)
    return out

# --- scband reference (transcript-rebuilt; emitter-appended) ---
"""Pipeline reference for scband-model-42391327211836 (READ-ONLY COPY).

The authoritative reference and input builder live on the scoring server;
editing this copy changes nothing except your own understanding.
"""

import jax, jax.numpy as jnp
import numpy as np

N = 50000
E = 800000
NUM_TOK = 5000
EMB = 5
NODE_TYPE_DIM = 8
EDGE_TYPE_DIM = 8
NODE_LBL = 4
EDGE_LBL = 2
NODE_DIM = NODE_TYPE_DIM + NODE_LBL * EMB  # 28
EDGE_DIM = EDGE_TYPE_DIM + EDGE_LBL * EMB  # 18
H = 64
NCLS = 10


def setup_inputs(seed: int = 0) -> dict:
    key = jax.random.key(seed)
    ks = jax.random.split(key, 16)
    node_types = jax.random.uniform(ks[0], (N, NODE_TYPE_DIM), dtype=jnp.float32)
    node_labels = jax.random.randint(ks[1], (N, NODE_LBL), 0, NUM_TOK)
    edge_types = jax.random.uniform(ks[2], (E, EDGE_TYPE_DIM), dtype=jnp.float32)
    edge_labels = jax.random.randint(ks[3], (E, EDGE_LBL), 0, NUM_TOK)
    edge_index = jax.random.randint(ks[4], (2, E), 0, N)
    emb = jax.random.normal(ks[5], (NUM_TOK, EMB), dtype=jnp.float32) * 0.1
    W_self0 = jax.random.normal(ks[6], (NODE_DIM, H), dtype=jnp.float32) * 0.05
    W_src0 = jax.random.normal(ks[7], (NODE_DIM, H), dtype=jnp.float32) * 0.05
    W_edge0 = jax.random.normal(ks[8], (EDGE_DIM, H), dtype=jnp.float32) * 0.05
    b0 = jnp.zeros((H,), dtype=jnp.float32)
    W_self1 = jax.random.normal(ks[9], (H, H), dtype=jnp.float32) * 0.05
    W_src1 = jax.random.normal(ks[10], (H, H), dtype=jnp.float32) * 0.05
    W_edge1 = jax.random.normal(ks[11], (EDGE_DIM, H), dtype=jnp.float32) * 0.05
    b1 = jnp.zeros((H,), dtype=jnp.float32)
    W_fc = jax.random.normal(ks[12], (H, NCLS), dtype=jnp.float32) * 0.05
    b_fc = jnp.zeros((NCLS,), dtype=jnp.float32)
    return {
        'node_types': node_types, 'node_labels': node_labels,
        'edge_types': edge_types, 'edge_labels': edge_labels,
        'edge_index': edge_index, 'emb': emb,
        'W_self0': W_self0, 'W_src0': W_src0, 'W_edge0': W_edge0, 'b0': b0,
        'W_self1': W_self1, 'W_src1': W_src1, 'W_edge1': W_edge1, 'b1': b1,
        'W_fc': W_fc, 'b_fc': b_fc,
    }


def reference(node_types, node_labels, edge_types, edge_labels, edge_index, emb,
              W_self0, W_src0, W_edge0, b0, W_self1, W_src1, W_edge1, b1, W_fc, b_fc):
    # Embedding lookup for node labels -> flatten per node, concat with type features
    node_embed = jnp.take(emb, node_labels, axis=0).reshape(N, -1)
    node_features = jnp.concatenate([node_types, node_embed], axis=1)
    # Embedding lookup for edge labels -> flatten per edge, concat with edge type features
    edge_embed = jnp.take(emb, edge_labels, axis=0).reshape(E, -1)
    edge_features = jnp.concatenate([edge_embed, edge_types], axis=1)
    src = edge_index[0]
    dst = edge_index[1]
    h = node_features
    layers = [(W_self0, W_src0, W_edge0, b0), (W_self1, W_src1, W_edge1, b1)]
    for (Ws, Wr, We, b) in layers:
        # edGNN message: transform gathered source node state + edge features
        msg = jnp.take(h, src, axis=0) @ Wr + edge_features @ We
        # scatter-add aggregation at destination nodes
        agg = jax.ops.segment_sum(msg, dst, num_segments=N)
        h = jax.nn.relu(h @ Ws + agg + b)
    # dgl.sum_nodes over the (single) graph -> readout
    sum_node = jnp.sum(h, axis=0, keepdims=True)
    final_output = sum_node @ W_fc + b_fc
    return final_output

if __name__ == "__main__":
    import jax
    _d = setup_inputs()
    print(jax.jit(kernel)(*tuple(_d.values())))

</pallas_src>

<mosaic_0001>
#map = affine_map<(d0, d1) -> (0, 0)>
#map1 = affine_map<(d0, d1) -> (0)>
module attributes {stable_mosaic.version = 14 : i64} {
  func.func @_sc_node_embed(%arg0: i32, %arg1: i32, %arg2: memref<5000x16xf32, #tpu.memory_space<hbm>>, %arg3: memref<204800xi32, #tpu.memory_space<hbm>>, %arg4: memref<204800x16xf32, #tpu.memory_space<hbm>>, %arg5: memref<6400xi32, #tpu.memory_space<vmem>>, %arg6: memref<1280x16xf32, #tpu.memory_space<vmem>>, %arg7: memref<!tpu.dma_semaphore, #tpu.memory_space<semaphore_mem>>) attributes {dimension_semantics = [#tpu.dimension_semantics<core_parallel>, #tpu.dimension_semantics<subcore_parallel>], iteration_bounds = array<i64: 2, 16>, scalar_prefetch = 0 : i64, scratch_operands = 3 : i64, tpu.core_type = #tpu.core_type<sc_vector_subcore>, window_params = [{transform_indices = #map}, {transform_indices = #map1}, {transform_indices = #map}]} {
    %mul3A = arith.constant 2 : i32
    %mul3A_0 = arith.muli %arg1, %mul3A : i32
    %add3A = arith.addi %mul3A_0, %arg0 : i32
    %mul3A_1 = arith.constant 6400 : i32
    %mul3A_2 = arith.muli %add3A, %mul3A_1 : i32
    "tpu.region"() ({
      %run_scoped3A = tpu.sem_alloc : memref<!tpu.dma_semaphore, #tpu.memory_space<semaphore_mem>>
      %dma_start3A = tpu.memref_slice %arg3[%mul3A_2] : memref<204800xi32, #tpu.memory_space<hbm>> -> memref<6400xi32, #tpu.memory_space<hbm>>
      %dma_start3A_8 = tpu.memref_slice %arg3[%mul3A_2] : memref<204800xi32, #tpu.memory_space<hbm>> -> memref<6400xi32, #tpu.memory_space<hbm>>
      tpu.enqueue_dma source(%dma_start3A_8 : memref<6400xi32, #tpu.memory_space<hbm>>) target(%arg5 : memref<6400xi32, #tpu.memory_space<vmem>>) target_semaphore(%run_scoped3A : memref<!tpu.dma_semaphore, #tpu.memory_space<semaphore_mem>>)
      %dma_wait3A = tpu.memref_slice %arg3[%mul3A_2] : memref<204800xi32, #tpu.memory_space<hbm>> -> memref<6400xi32, #tpu.memory_space<hbm>>
      %dma_wait3A_9 = tpu.memref_slice %arg3[%mul3A_2] : memref<204800xi32, #tpu.memory_space<hbm>> -> memref<6400xi32, #tpu.memory_space<hbm>>
      tpu.wait_dma2 semaphore(%run_scoped3A : memref<!tpu.dma_semaphore, #tpu.memory_space<semaphore_mem>>) src(%dma_wait3A_9 : memref<6400xi32, #tpu.memory_space<hbm>>) dst(%arg5 : memref<6400xi32, #tpu.memory_space<vmem>>)
      tpu.yield
    }) : () -> ()
    %scan3A = arith.constant 0 : i32
    %scan3A_3 = arith.constant 0 : i32
    %scan3A_4 = arith.constant 5 : i32
    %scan3A_5 = arith.addi %scan3A_3, %scan3A_4 : i32
    %scan3A_6 = arith.constant 1 : i32
    scf.for %scan3A_8 = %scan3A_3 to %scan3A_5 step %scan3A_6  : i32 {
      %mul3A_9 = arith.constant 1280 : i32
      %mul3A_10 = arith.muli %scan3A_8, %mul3A_9 : i32
      %add3A_11 = arith.constant 0 : i32
      %add3A_12 = arith.addi %mul3A_10, %add3A_11 : i32
      %dma_start3A = arith.constant 0 : i32
      %dma_start3A_13 = arith.constant 0 : i32
      %dma_start3A_14 = tpu.memref_slice %arg6[%dma_start3A, %dma_start3A_13] : memref<1280x16xf32, #tpu.memory_space<vmem>> -> memref<128x16xf32, #tpu.memory_space<vmem>>
      %dma_start3A_15 = tpu.memref_slice %arg5[%add3A_12] : memref<6400xi32, #tpu.memory_space<vmem>> -> memref<128xi32, #tpu.memory_space<vmem>>
      %dma_start3A_16 = arith.constant 0 : i32
      %dma_start3A_17 = arith.constant 0 : i32
      %dma_start3A_18 = tpu.memref_slice %arg2[%dma_start3A_16, %dma_start3A_17] : memref<5000x16xf32, #tpu.memory_space<hbm>> -> memref<5000x16xf32, #tpu.memory_space<hbm>>
      tpu.enqueue_indirect_dma source(%dma_start3A_18 : memref<5000x16xf32, #tpu.memory_space<hbm>>) target(%dma_start3A_14 : memref<128x16xf32, #tpu.memory_space<vmem>>) offsets(%dma_start3A_15 : memref<128xi32, #tpu.memory_space<vmem>>) semaphore(%arg7 : memref<!tpu.dma_semaphore, #tpu.memory_space<semaphore_mem>>)
      %add3A_19 = arith.constant 128 : i32
      %add3A_20 = arith.addi %mul3A_10, %add3A_19 : i32
      %dma_start3A_21 = arith.constant 128 : i32
      %dma_start3A_22 = arith.constant 0 : i32
      %dma_start3A_23 = tpu.memref_slice %arg6[%dma_start3A_21, %dma_start3A_22] : memref<1280x16xf32, #tpu.memory_space<vmem>> -> memref<128x16xf32, #tpu.memory_space<vmem>>
      %dma_start3A_24 = tpu.memref_slice %arg5[%add3A_20] : memref<6400xi32, #tpu.memory_space<vmem>> -> memref<128xi32, #tpu.memory_space<vmem>>
      %dma_start3A_25 = arith.constant 0 : i32
      %dma_start3A_26 = arith.constant 0 : i32
      %dma_start3A_27 = tpu.memref_slice %arg2[%dma_start3A_25, %dma_start3A_26] : memref<5000x16xf32, #tpu.memory_space<hbm>> -> memref<5000x16xf32, #tpu.memory_space<hbm>>
      tpu.enqueue_indirect_dma source(%dma_start3A_27 : memref<5000x16xf32, #tpu.memory_space<hbm>>) target(%dma_start3A_23 : memref<128x16xf32, #tpu.memory_space<vmem>>) offsets(%dma_start3A_24 : memref<128xi32, #tpu.memory_space<vmem>>) semaphore(%arg7 : memref<!tpu.dma_semaphore, #tpu.memory_space<semaphore_mem>>)
      %add3A_28 = arith.constant 256 : i32
      %add3A_29 = arith.addi %mul3A_10, %add3A_28 : i32
      %dma_start3A_30 = arith.constant 256 : i32
      %dma_start3A_31 = arith.constant 0 : i32
      %dma_start3A_32 = tpu.memref_slice %arg6[%dma_start3A_30, %dma_start3A_31] : memref<1280x16xf32, #tpu.memory_space<vmem>> -> memref<128x16xf32, #tpu.memory_space<vmem>>
      %dma_start3A_33 = tpu.memref_slice %arg5[%add3A_29] : memref<6400xi32, #tpu.memory_space<vmem>> -> memref<128xi32, #tpu.memory_space<vmem>>
      %dma_start3A_34 = arith.constant 0 : i32
      %dma_start3A_35 = arith.constant 0 : i32
      %dma_start3A_36 = tpu.memref_slice %arg2[%dma_start3A_34, %dma_start3A_35] : memref<5000x16xf32, #tpu.memory_space<hbm>> -> memref<5000x16xf32, #tpu.memory_space<hbm>>
      tpu.enqueue_indirect_dma source(%dma_start3A_36 : memref<5000x16xf32, #tpu.memory_space<hbm>>) target(%dma_start3A_32 : memref<128x16xf32, #tpu.memory_space<vmem>>) offsets(%dma_start3A_33 : memref<128xi32, #tpu.memory_space<vmem>>) semaphore(%arg7 : memref<!tpu.dma_semaphore, #tpu.memory_space<semaphore_mem>>)
      %add3A_37 = arith.constant 384 : i32
      %add3A_38 = arith.addi %mul3A_10, %add3A_37 : i32
      %dma_start3A_39 = arith.constant 384 : i32
      %dma_start3A_40 = arith.constant 0 : i32
      %dma_start3A_41 = tpu.memref_slice %arg6[%dma_start3A_39, %dma_start3A_40] : memref<1280x16xf32, #tpu.memory_space<vmem>> -> memref<128x16xf32, #tpu.memory_space<vmem>>
      %dma_start3A_42 = tpu.memref_slice %arg5[%add3A_38] : memref<6400xi32, #tpu.memory_space<vmem>> -> memref<128xi32, #tpu.memory_space<vmem>>
      %dma_start3A_43 = arith.constant 0 : i32
      %dma_start3A_44 = arith.constant 0 : i32
      %dma_start3A_45 = tpu.memref_slice %arg2[%dma_start3A_43, %dma_start3A_44] : memref<5000x16xf32, #tpu.memory_space<hbm>> -> memref<5000x16xf32, #tpu.memory_space<hbm>>
      tpu.enqueue_indirect_dma source(%dma_start3A_45 : memref<5000x16xf32, #tpu.memory_space<hbm>>) target(%dma_start3A_41 : memref<128x16xf32, #tpu.memory_space<vmem>>) offsets(%dma_start3A_42 : memref<128xi32, #tpu.memory_space<vmem>>) semaphore(%arg7 : memref<!tpu.dma_semaphore, #tpu.memory_space<semaphore_mem>>)
      %add3A_46 = arith.constant 512 : i32
      %add3A_47 = arith.addi %mul3A_10, %add3A_46 : i32
      %dma_start3A_48 = arith.constant 512 : i32
      %dma_start3A_49 = arith.constant 0 : i32
      %dma_start3A_50 = tpu.memref_slice %arg6[%dma_start3A_48, %dma_start3A_49] : memref<1280x16xf32, #tpu.memory_space<vmem>> -> memref<128x16xf32, #tpu.memory_space<vmem>>
      %dma_start3A_51 = tpu.memref_slice %arg5[%add3A_47] : memref<6400xi32, #tpu.memory_space<vmem>> -> memref<128xi32, #tpu.memory_space<vmem>>
      %dma_start3A_52 = arith.constant 0 : i32
      %dma_start3A_53 = arith.constant 0 : i32
      %dma_start3A_54 = tpu.memref_slice %arg2[%dma_start3A_52, %dma_start3A_53] : memref<5000x16xf32, #tpu.memory_space<hbm>> -> memref<5000x16xf32, #tpu.memory_space<hbm>>
      tpu.enqueue_indirect_dma source(%dma_start3A_54 : memref<5000x16xf32, #tpu.memory_space<hbm>>) target(%dma_start3A_50 : memref<128x16xf32, #tpu.memory_space<vmem>>) offsets(%dma_start3A_51 : memref<128xi32, #tpu.memory_space<vmem>>) semaphore(%arg7 : memref<!tpu.dma_semaphore, #tpu.memory_space<semaphore_mem>>)
      %add3A_55 = arith.constant 640 : i32
      %add3A_56 = arith.addi %mul3A_10, %add3A_55 : i32
      %dma_start3A_57 = arith.constant 640 : i32
      %dma_start3A_58 = arith.constant 0 : i32
      %dma_start3A_59 = tpu.memref_slice %arg6[%dma_start3A_57, %dma_start3A_58] : memref<1280x16xf32, #tpu.memory_space<vmem>> -> memref<128x16xf32, #tpu.memory_space<vmem>>
      %dma_start3A_60 = tpu.memref_slice %arg5[%add3A_56] : memref<6400xi32, #tpu.memory_space<vmem>> -> memref<128xi32, #tpu.memory_space<vmem>>
      %dma_start3A_61 = arith.constant 0 : i32
      %dma_start3A_62 = arith.constant 0 : i32
      %dma_start3A_63 = tpu.memref_slice %arg2[%dma_start3A_61, %dma_start3A_62] : memref<5000x16xf32, #tpu.memory_space<hbm>> -> memref<5000x16xf32, #tpu.memory_space<hbm>>
      tpu.enqueue_indirect_dma source(%dma_start3A_63 : memref<5000x16xf32, #tpu.memory_space<hbm>>) target(%dma_start3A_59 : memref<128x16xf32, #tpu.memory_space<vmem>>) offsets(%dma_start3A_60 : memref<128xi32, #tpu.memory_space<vmem>>) semaphore(%arg7 : memref<!tpu.dma_semaphore, #tpu.memory_space<semaphore_mem>>)
      %add3A_64 = arith.constant 768 : i32
      %add3A_65 = arith.addi %mul3A_10, %add3A_64 : i32
      %dma_start3A_66 = arith.constant 768 : i32
      %dma_start3A_67 = arith.constant 0 : i32
      %dma_start3A_68 = tpu.memref_slice %arg6[%dma_start3A_66, %dma_start3A_67] : memref<1280x16xf32, #tpu.memory_space<vmem>> -> memref<128x16xf32, #tpu.memory_space<vmem>>
      %dma_start3A_69 = tpu.memref_slice %arg5[%add3A_65] : memref<6400xi32, #tpu.memory_space<vmem>> -> memref<128xi32, #tpu.memory_space<vmem>>
      %dma_start3A_70 = arith.constant 0 : i32
      %dma_start3A_71 = arith.constant 0 : i32
      %dma_start3A_72 = tpu.memref_slice %arg2[%dma_start3A_70, %dma_start3A_71] : memref<5000x16xf32, #tpu.memory_space<hbm>> -> memref<5000x16xf32, #tpu.memory_space<hbm>>
      tpu.enqueue_indirect_dma source(%dma_start3A_72 : memref<5000x16xf32, #tpu.memory_space<hbm>>) target(%dma_start3A_68 : memref<128x16xf32, #tpu.memory_space<vmem>>) offsets(%dma_start3A_69 : memref<128xi32, #tpu.memory_space<vmem>>) semaphore(%arg7 : memref<!tpu.dma_semaphore, #tpu.memory_space<semaphore_mem>>)
      %add3A_73 = arith.constant 896 : i32
      %add3A_74 = arith.addi %mul3A_10, %add3A_73 : i32
      %dma_start3A_75 = arith.constant 896 : i32
      %dma_start3A_76 = arith.constant 0 : i32
      %dma_start3A_77 = tpu.memref_slice %arg6[%dma_start3A_75, %dma_start3A_76] : memref<1280x16xf32, #tpu.memory_space<vmem>> -> memref<128x16xf32, #tpu.memory_space<vmem>>
      %dma_start3A_78 = tpu.memref_slice %arg5[%add3A_74] : memref<6400xi32, #tpu.memory_space<vmem>> -> memref<128xi32, #tpu.memory_space<vmem>>
      %dma_start3A_79 = arith.constant 0 : i32
      %dma_start3A_80 = arith.constant 0 : i32
      %dma_start3A_81 = tpu.memref_slice %arg2[%dma_start3A_79, %dma_start3A_80] : memref<5000x16xf32, #tpu.memory_space<hbm>> -> memref<5000x16xf32, #tpu.memory_space<hbm>>
      tpu.enqueue_indirect_dma source(%dma_start3A_81 : memref<5000x16xf32, #tpu.memory_space<hbm>>) target(%dma_start3A_77 : memref<128x16xf32, #tpu.memory_space<vmem>>) offsets(%dma_start3A_78 : memref<128xi32, #tpu.memory_space<vmem>>) semaphore(%arg7 : memref<!tpu.dma_semaphore, #tpu.memory_space<semaphore_mem>>)
      %add3A_82 = arith.constant 1024 : i32
      %add3A_83 = arith.addi %mul3A_10, %add3A_82 : i32
      %dma_start3A_84 = arith.constant 1024 : i32
      %dma_start3A_85 = arith.constant 0 : i32
      %dma_start3A_86 = tpu.memref_slice %arg6[%dma_start3A_84, %dma_start3A_85] : memref<1280x16xf32, #tpu.memory_space<vmem>> -> memref<128x16xf32, #tpu.memory_space<vmem>>
      %dma_start3A_87 = tpu.memref_slice %arg5[%add3A_83] : memref<6400xi32, #tpu.memory_space<vmem>> -> memref<128xi32, #tpu.memory_space<vmem>>
      %dma_start3A_88 = arith.constant 0 : i32
      %dma_start3A_89 = arith.constant 0 : i32
      %dma_start3A_90 = tpu.memref_slice %arg2[%dma_start3A_88, %dma_start3A_89] : memref<5000x16xf32, #tpu.memory_space<hbm>> -> memref<5000x16xf32, #tpu.memory_space<hbm>>
      tpu.enqueue_indirect_dma source(%dma_start3A_90 : memref<5000x16xf32, #tpu.memory_space<hbm>>) target(%dma_start3A_86 : memref<128x16xf32, #tpu.memory_space<vmem>>) offsets(%dma_start3A_87 : memref<128xi32, #tpu.memory_space<vmem>>) semaphore(%arg7 : memref<!tpu.dma_semaphore, #tpu.memory_space<semaphore_mem>>)
      %add3A_91 = arith.constant 1152 : i32
      %add3A_92 = arith.addi %mul3A_10, %add3A_91 : i32
      %dma_start3A_93 = arith.constant 1152 : i32
      %dma_start3A_94 = arith.constant 0 : i32
      %dma_start3A_95 = tpu.memref_slice %arg6[%dma_start3A_93, %dma_start3A_94] : memref<1280x16xf32, #tpu.memory_space<vmem>> -> memref<128x16xf32, #tpu.memory_space<vmem>>
      %dma_start3A_96 = tpu.memref_slice %arg5[%add3A_92] : memref<6400xi32, #tpu.memory_space<vmem>> -> memref<128xi32, #tpu.memory_space<vmem>>
      %dma_start3A_97 = arith.constant 0 : i32
      %dma_start3A_98 = arith.constant 0 : i32
      %dma_start3A_99 = tpu.memref_slice %arg2[%dma_start3A_97, %dma_start3A_98] : memref<5000x16xf32, #tpu.memory_space<hbm>> -> memref<5000x16xf32, #tpu.memory_space<hbm>>
      tpu.enqueue_indirect_dma source(%dma_start3A_99 : memref<5000x16xf32, #tpu.memory_space<hbm>>) target(%dma_start3A_95 : memref<128x16xf32, #tpu.memory_space<vmem>>) offsets(%dma_start3A_96 : memref<128xi32, #tpu.memory_space<vmem>>) semaphore(%arg7 : memref<!tpu.dma_semaphore, #tpu.memory_space<semaphore_mem>>)
      %dma_wait3A = arith.constant 0 : i32
      %dma_wait3A_100 = arith.constant 0 : i32
      %dma_wait3A_101 = tpu.memref_slice %arg6[%dma_wait3A, %dma_wait3A_100] : memref<1280x16xf32, #tpu.memory_space<vmem>> -> memref<128x16xf32, #tpu.memory_space<vmem>>
      %dma_wait3A_102 = tpu.memref_slice %arg5[%add3A_12] : memref<6400xi32, #tpu.memory_space<vmem>> -> memref<128xi32, #tpu.memory_space<vmem>>
      %dma_wait3A_103 = arith.constant 0 : i32
      %dma_wait3A_104 = arith.constant 0 : i32
      %dma_wait3A_105 = tpu.memref_slice %arg2[%dma_wait3A_103, %dma_wait3A_104] : memref<5000x16xf32, #tpu.memory_space<hbm>> -> memref<5000x16xf32, #tpu.memory_space<hbm>>
      tpu.wait_indirect_dma semaphore(%arg7 : memref<!tpu.dma_semaphore, #tpu.memory_space<semaphore_mem>>) src(%dma_wait3A_105 : memref<5000x16xf32, #tpu.memory_space<hbm>>) dst(%dma_wait3A_101 : memref<128x16xf32, #tpu.memory_space<vmem>>)
      %dma_wait3A_106 = arith.constant 128 : i32
      %dma_wait3A_107 = arith.constant 0 : i32
      %dma_wait3A_108 = tpu.memref_slice %arg6[%dma_wait3A_106, %dma_wait3A_107] : memref<1280x16xf32, #tpu.memory_space<vmem>> -> memref<128x16xf32, #tpu.memory_space<vmem>>
      %dma_wait3A_109 = tpu.memref_slice %arg5[%add3A_20] : memref<6400xi32, #tpu.memory_space<vmem>> -> memref<128xi32, #tpu.memory_space<vmem>>
      %dma_wait3A_110 = arith.constant 0 : i32
      %dma_wait3A_111 = arith.constant 0 : i32
      %dma_wait3A_112 = tpu.memref_slice %arg2[%dma_wait3A_110, %dma_wait3A_111] : memref<5000x16xf32, #tpu.memory_space<hbm>> -> memref<5000x16xf32, #tpu.memory_space<hbm>>
      tpu.wait_indirect_dma semaphore(%arg7 : memref<!tpu.dma_semaphore, #tpu.memory_space<semaphore_mem>>) src(%dma_wait3A_112 : memref<5000x16xf32, #tpu.memory_space<hbm>>) dst(%dma_wait3A_108 : memref<128x16xf32, #tpu.memory_space<vmem>>)
      %dma_wait3A_113 = arith.constant 256 : i32
      %dma_wait3A_114 = arith.constant 0 : i32
      %dma_wait3A_115 = tpu.memref_slice %arg6[%dma_wait3A_113, %dma_wait3A_114] : memref<1280x16xf32, #tpu.memory_space<vmem>> -> memref<128x16xf32, #tpu.memory_space<vmem>>
      %dma_wait3A_116 = tpu.memref_slice %arg5[%add3A_29] : memref<6400xi32, #tpu.memory_space<vmem>> -> memref<128xi32, #tpu.memory_space<vmem>>
      %dma_wait3A_117 = arith.constant 0 : i32
      %dma_wait3A_118 = arith.constant 0 : i32
      %dma_wait3A_119 = tpu.memref_slice %arg2[%dma_wait3A_117, %dma_wait3A_118] : memref<5000x16xf32, #tpu.memory_space<hbm>> -> memref<5000x16xf32, #tpu.memory_space<hbm>>
      tpu.wait_indirect_dma semaphore(%arg7 : memref<!tpu.dma_semaphore, #tpu.memory_space<semaphore_mem>>) src(%dma_wait3A_119 : memref<5000x16xf32, #tpu.memory_space<hbm>>) dst(%dma_wait3A_115 : memref<128x16xf32, #tpu.memory_space<vmem>>)
      %dma_wait3A_120 = arith.constant 384 : i32
      %dma_wait3A_121 = arith.constant 0 : i32
      %dma_wait3A_122 = tpu.memref_slice %arg6[%dma_wait3A_120, %dma_wait3A_121] : memref<1280x16xf32, #tpu.memory_space<vmem>> -> memref<128x16xf32, #tpu.memory_space<vmem>>
      %dma_wait3A_123 = tpu.memref_slice %arg5[%add3A_38] : memref<6400xi32, #tpu.memory_space<vmem>> -> memref<128xi32, #tpu.memory_space<vmem>>
      %dma_wait3A_124 = arith.constant 0 : i32
      %dma_wait3A_125 = arith.constant 0 : i32
      %dma_wait3A_126 = tpu.memref_slice %arg2[%dma_wait3A_124, %dma_wait3A_125] : memref<5000x16xf32, #tpu.memory_space<hbm>> -> memref<5000x16xf32, #tpu.memory_space<hbm>>
      tpu.wait_indirect_dma semaphore(%arg7 : memref<!tpu.dma_semaphore, #tpu.memory_space<semaphore_mem>>) src(%dma_wait3A_126 : memref<5000x16xf32, #tpu.memory_space<hbm>>) dst(%dma_wait3A_122 : memref<128x16xf32, #tpu.memory_space<vmem>>)
      %dma_wait3A_127 = arith.constant 512 : i32
      %dma_wait3A_128 = arith.constant 0 : i32
      %dma_wait3A_129 = tpu.memref_slice %arg6[%dma_wait3A_127, %dma_wait3A_128] : memref<1280x16xf32, #tpu.memory_space<vmem>> -> memref<128x16xf32, #tpu.memory_space<vmem>>
      %dma_wait3A_130 = tpu.memref_slice %arg5[%add3A_47] : memref<6400xi32, #tpu.memory_space<vmem>> -> memref<128xi32, #tpu.memory_space<vmem>>
      %dma_wait3A_131 = arith.constant 0 : i32
      %dma_wait3A_132 = arith.constant 0 : i32
      %dma_wait3A_133 = tpu.memref_slice %arg2[%dma_wait3A_131, %dma_wait3A_132] : memref<5000x16xf32, #tpu.memory_space<hbm>> -> memref<5000x16xf32, #tpu.memory_space<hbm>>
      tpu.wait_indirect_dma semaphore(%arg7 : memref<!tpu.dma_semaphore, #tpu.memory_space<semaphore_mem>>) src(%dma_wait3A_133 : memref<5000x16xf32, #tpu.memory_space<hbm>>) dst(%dma_wait3A_129 : memref<128x16xf32, #tpu.memory_space<vmem>>)
      %dma_wait3A_134 = arith.constant 640 : i32
      %dma_wait3A_135 = arith.constant 0 : i32
      %dma_wait3A_136 = tpu.memref_slice %arg6[%dma_wait3A_134, %dma_wait3A_135] : memref<1280x16xf32, #tpu.memory_space<vmem>> -> memref<128x16xf32, #tpu.memory_space<vmem>>
      %dma_wait3A_137 = tpu.memref_slice %arg5[%add3A_56] : memref<6400xi32, #tpu.memory_space<vmem>> -> memref<128xi32, #tpu.memory_space<vmem>>
      %dma_wait3A_138 = arith.constant 0 : i32
      %dma_wait3A_139 = arith.constant 0 : i32
      %dma_wait3A_140 = tpu.memref_slice %arg2[%dma_wait3A_138, %dma_wait3A_139] : memref<5000x16xf32, #tpu.memory_space<hbm>> -> memref<5000x16xf32, #tpu.memory_space<hbm>>
      tpu.wait_indirect_dma semaphore(%arg7 : memref<!tpu.dma_semaphore, #tpu.memory_space<semaphore_mem>>) src(%dma_wait3A_140 : memref<5000x16xf32, #tpu.memory_space<hbm>>) dst(%dma_wait3A_136 : memref<128x16xf32, #tpu.memory_space<vmem>>)
      %dma_wait3A_141 = arith.constant 768 : i32
      %dma_wait3A_142 = arith.constant 0 : i32
      %dma_wait3A_143 = tpu.memref_slice %arg6[%dma_wait3A_141, %dma_wait3A_142] : memref<1280x16xf32, #tpu.memory_space<vmem>> -> memref<128x16xf32, #tpu.memory_space<vmem>>
      %dma_wait3A_144 = tpu.memref_slice %arg5[%add3A_65] : memref<6400xi32, #tpu.memory_space<vmem>> -> memref<128xi32, #tpu.memory_space<vmem>>
      %dma_wait3A_145 = arith.constant 0 : i32
      %dma_wait3A_146 = arith.constant 0 : i32
      %dma_wait3A_147 = tpu.memref_slice %arg2[%dma_wait3A_145, %dma_wait3A_146] : memref<5000x16xf32, #tpu.memory_space<hbm>> -> memref<5000x16xf32, #tpu.memory_space<hbm>>
      tpu.wait_indirect_dma semaphore(%arg7 : memref<!tpu.dma_semaphore, #tpu.memory_space<semaphore_mem>>) src(%dma_wait3A_147 : memref<5000x16xf32, #tpu.memory_space<hbm>>) dst(%dma_wait3A_143 : memref<128x16xf32, #tpu.memory_space<vmem>>)
      %dma_wait3A_148 = arith.constant 896 : i32
      %dma_wait3A_149 = arith.constant 0 : i32
      %dma_wait3A_150 = tpu.memref_slice %arg6[%dma_wait3A_148, %dma_wait3A_149] : memref<1280x16xf32, #tpu.memory_space<vmem>> -> memref<128x16xf32, #tpu.memory_space<vmem>>
      %dma_wait3A_151 = tpu.memref_slice %arg5[%add3A_74] : memref<6400xi32, #tpu.memory_space<vmem>> -> memref<128xi32, #tpu.memory_space<vmem>>
      %dma_wait3A_152 = arith.constant 0 : i32
      %dma_wait3A_153 = arith.constant 0 : i32
      %dma_wait3A_154 = tpu.memref_slice %arg2[%dma_wait3A_152, %dma_wait3A_153] : memref<5000x16xf32, #tpu.memory_space<hbm>> -> memref<5000x16xf32, #tpu.memory_space<hbm>>
      tpu.wait_indirect_dma semaphore(%arg7 : memref<!tpu.dma_semaphore, #tpu.memory_space<semaphore_mem>>) src(%dma_wait3A_154 : memref<5000x16xf32, #tpu.memory_space<hbm>>) dst(%dma_wait3A_150 : memref<128x16xf32, #tpu.memory_space<vmem>>)
      %dma_wait3A_155 = arith.constant 1024 : i32
      %dma_wait3A_156 = arith.constant 0 : i32
      %dma_wait3A_157 = tpu.memref_slice %arg6[%dma_wait3A_155, %dma_wait3A_156] : memref<1280x16xf32, #tpu.memory_space<vmem>> -> memref<128x16xf32, #tpu.memory_space<vmem>>
      %dma_wait3A_158 = tpu.memref_slice %arg5[%add3A_83] : memref<6400xi32, #tpu.memory_space<vmem>> -> memref<128xi32, #tpu.memory_space<vmem>>
      %dma_wait3A_159 = arith.constant 0 : i32
      %dma_wait3A_160 = arith.constant 0 : i32
      %dma_wait3A_161 = tpu.memref_slice %arg2[%dma_wait3A_159, %dma_wait3A_160] : memref<5000x16xf32, #tpu.memory_space<hbm>> -> memref<5000x16xf32, #tpu.memory_space<hbm>>
      tpu.wait_indirect_dma semaphore(%arg7 : memref<!tpu.dma_semaphore, #tpu.memory_space<semaphore_mem>>) src(%dma_wait3A_161 : memref<5000x16xf32, #tpu.memory_space<hbm>>) dst(%dma_wait3A_157 : memref<128x16xf32, #tpu.memory_space<vmem>>)
      %dma_wait3A_162 = arith.constant 1152 : i32
      %dma_wait3A_163 = arith.constant 0 : i32
      %dma_wait3A_164 = tpu.memref_slice %arg6[%dma_wait3A_162, %dma_wait3A_163] : memref<1280x16xf32, #tpu.memory_space<vmem>> -> memref<128x16xf32, #tpu.memory_space<vmem>>
      %dma_wait3A_165 = tpu.memref_slice %arg5[%add3A_92] : memref<6400xi32, #tpu.memory_space<vmem>> -> memref<128xi32, #tpu.memory_space<vmem>>
      %dma_wait3A_166 = arith.constant 0 : i32
      %dma_wait3A_167 = arith.constant 0 : i32
      %dma_wait3A_168 = tpu.memref_slice %arg2[%dma_wait3A_166, %dma_wait3A_167] : memref<5000x16xf32, #tpu.memory_space<hbm>> -> memref<5000x16xf32, #tpu.memory_space<hbm>>
      tpu.wait_indirect_dma semaphore(%arg7 : memref<!tpu.dma_semaphore, #tpu.memory_space<semaphore_mem>>) src(%dma_wait3A_168 : memref<5000x16xf32, #tpu.memory_space<hbm>>) dst(%dma_wait3A_164 : memref<128x16xf32, #tpu.memory_space<vmem>>)
      %add3A_169 = arith.addi %mul3A_2, %mul3A_10 : i32
      "tpu.region"() ({
        %run_scoped3A = tpu.sem_alloc : memref<!tpu.dma_semaphore, #tpu.memory_space<semaphore_mem>>
        %dma_start3A_170 = arith.constant 0 : i32
        %dma_start3A_171 = tpu.memref_slice %arg4[%add3A_169, %dma_start3A_170] : memref<204800x16xf32, #tpu.memory_space<hbm>> -> memref<1280x16xf32, #tpu.memory_space<hbm>>
        %dma_start3A_172 = arith.constant 0 : i32
        %dma_start3A_173 = tpu.memref_slice %arg4[%add3A_169, %dma_start3A_172] : memref<204800x16xf32, #tpu.memory_space<hbm>> -> memref<1280x16xf32, #tpu.memory_space<hbm>>
        tpu.enqueue_dma source(%arg6 : memref<1280x16xf32, #tpu.memory_space<vmem>>) target(%dma_start3A_173 : memref<1280x16xf32, #tpu.memory_space<hbm>>) target_semaphore(%run_scoped3A : memref<!tpu.dma_semaphore, #tpu.memory_space<semaphore_mem>>)
        %dma_wait3A_174 = arith.constant 0 : i32
        %dma_wait3A_175 = tpu.memref_slice %arg4[%add3A_169, %dma_wait3A_174] : memref<204800x16xf32, #tpu.memory_space<hbm>> -> memref<1280x16xf32, #tpu.memory_space<hbm>>
        %dma_wait3A_176 = arith.constant 0 : i32
        %dma_wait3A_177 = tpu.memref_slice %arg4[%add3A_169, %dma_wait3A_176] : memref<204800x16xf32, #tpu.memory_space<hbm>> -> memref<1280x16xf32, #tpu.memory_space<hbm>>
        tpu.wait_dma2 semaphore(%run_scoped3A : memref<!tpu.dma_semaphore, #tpu.memory_space<semaphore_mem>>) src(%arg6 : memref<1280x16xf32, #tpu.memory_space<vmem>>) dst(%dma_wait3A_177 : memref<1280x16xf32, #tpu.memory_space<hbm>>)
        tpu.yield
      }) : () -> ()
    }
    %scan3A_7 = arith.constant 5 : i32
    return
  }
}

#map = affine_map<(d0, d1) -> (0, 0)>
#map1 = affine_map<(d0, d1) -> (0)>
module attributes {stable_mosaic.version = 14 : i64} {
  func.func @k(%arg0: i32, %arg1: i32, %arg2: memref<100000x32xf32, #tpu.memory_space<hbm>>, %arg3: memref<1605632xi32, #tpu.memory_space<hbm>>, %arg4: memref<6272x128xi32, #tpu.memory_space<hbm>>, %arg5: memref<100000x32xf32, #tpu.memory_space<hbm>>, %arg6: memref<50176x32xf32, #tpu.memory_space<vmem_shared>>, %arg7: memref<512xi32, #tpu.memory_space<vmem>>, %arg8: memref<4x128xi32, #tpu.memory_space<vmem>>, %arg9: memref<512x32xf32, #tpu.memory_space<vmem>>, %arg10: memref<!tpu.dma_semaphore, #tpu.memory_space<semaphore_mem>>, %arg11: memref<!tpu.dma_semaphore, #tpu.memory_space<semaphore_mem>>) attributes {dimension_semantics = [#tpu.dimension_semantics<core_parallel>, #tpu.dimension_semantics<subcore_parallel>], iteration_bounds = array<i64: 2, 16>, scalar_prefetch = 0 : i64, scratch_operands = 6 : i64, tpu.core_type = #tpu.core_type<sc_vector_subcore>, window_params = [{transform_indices = #map}, {transform_indices = #map1}, {transform_indices = #map}, {transform_indices = #map}]} {
    %scan3A = arith.constant 0 : i32
    %scan3A_0 = arith.constant 0 : i32
    %scan3A_1 = arith.constant 512 : i32
    %scan3A_2 = arith.addi %scan3A_0, %scan3A_1 : i32
    %scan3A_3 = arith.constant 1 : i32
    scf.for %scan3A_68 = %scan3A_0 to %scan3A_2 step %scan3A_3  : i32 {
      %broadcast_in_dim3A = arith.constant 0.000000e+00 : f32
      %broadcast_in_dim3A_69 = vector.broadcast %broadcast_in_dim3A : f32 to vector<16xf32>
      %swap3A = arith.index_cast %scan3A_68 : i32 to index
      %swap3A_70 = arith.constant 0 : index
      %swap3A_71 = tpu.vector_load %arg9[%swap3A, %swap3A_70] {strides = array<i32>} : memref<512x32xf32, #tpu.memory_space<vmem>>, vector<1x16xf32>,
      %swap3A_72 = vector.shape_cast %swap3A_71 : vector<1x16xf32> to vector<16xf32>
      %swap3A_73 = vector.shape_cast %broadcast_in_dim3A_69 : vector<16xf32> to vector<1x16xf32>
      tpu.vector_store %arg9[%swap3A, %swap3A_70], %swap3A_73 {strides = array<i32>} : memref<512x32xf32, #tpu.memory_space<vmem>>, vector<1x16xf32>,
      %broadcast_in_dim3A_74 = arith.constant 0.000000e+00 : f32
      %broadcast_in_dim3A_75 = vector.broadcast %broadcast_in_dim3A_74 : f32 to vector<16xf32>
      %swap3A_76 = arith.index_cast %scan3A_68 : i32 to index
      %swap3A_77 = arith.constant 16 : index
      %swap3A_78 = tpu.vector_load %arg9[%swap3A_76, %swap3A_77] {strides = array<i32>} : memref<512x32xf32, #tpu.memory_space<vmem>>, vector<1x16xf32>,
      %swap3A_79 = vector.shape_cast %swap3A_78 : vector<1x16xf32> to vector<16xf32>
      %swap3A_80 = vector.shape_cast %broadcast_in_dim3A_75 : vector<16xf32> to vector<1x16xf32>
      tpu.vector_store %arg9[%swap3A_76, %swap3A_77], %swap3A_80 {strides = array<i32>} : memref<512x32xf32, #tpu.memory_space<vmem>>, vector<1x16xf32>,
    }
    %scan3A_4 = arith.constant 512 : i32
    %mul3A = arith.constant 3136 : i32
    %mul3A_5 = arith.muli %arg1, %mul3A : i32
    %add3A = arith.constant 0 : i32
    %add3A_6 = arith.addi %mul3A_5, %add3A : i32
    "tpu.region"() ({
      %run_scoped3A = tpu.sem_alloc : memref<!tpu.dma_semaphore, #tpu.memory_space<semaphore_mem>>
      %dma_start3A = arith.constant 0 : i32
      %dma_start3A_68 = arith.constant 0 : i32
      %dma_start3A_69 = tpu.memref_slice %arg9[%dma_start3A, %dma_start3A_68] : memref<512x32xf32, #tpu.memory_space<vmem>> -> memref<512x32xf32, #tpu.memory_space<vmem>>
      %dma_start3A_70 = arith.constant 0 : i32
      %dma_start3A_71 = tpu.memref_slice %arg6[%add3A_6, %dma_start3A_70] : memref<50176x32xf32, #tpu.memory_space<vmem_shared>> -> memref<512x32xf32, #tpu.memory_space<vmem_shared>>
      %dma_start3A_72 = arith.constant 0 : i32
      %dma_start3A_73 = tpu.memref_slice %arg6[%add3A_6, %dma_start3A_72] : memref<50176x32xf32, #tpu.memory_space<vmem_shared>> -> memref<512x32xf32, #tpu.memory_space<vmem_shared>>
      %dma_start3A_74 = arith.constant 0 : i32
      %dma_start3A_75 = arith.constant 0 : i32
      %dma_start3A_76 = tpu.memref_slice %arg9[%dma_start3A_74, %dma_start3A_75] : memref<512x32xf32, #tpu.memory_space<vmem>> -> memref<512x32xf32, #tpu.memory_space<vmem>>
      tpu.enqueue_dma source(%dma_start3A_76 : memref<512x32xf32, #tpu.memory_space<vmem>>) target(%dma_start3A_73 : memref<512x32xf32, #tpu.memory_space<vmem_shared>>) target_semaphore(%run_scoped3A : memref<!tpu.dma_semaphore, #tpu.memory_space<semaphore_mem>>)
      %dma_wait3A = arith.constant 0 : i32
      %dma_wait3A_77 = arith.constant 0 : i32
      %dma_wait3A_78 = tpu.memref_slice %arg9[%dma_wait3A, %dma_wait3A_77] : memref<512x32xf32, #tpu.memory_space<vmem>> -> memref<512x32xf32, #tpu.memory_space<vmem>>
      %dma_wait3A_79 = arith.constant 0 : i32
      %dma_wait3A_80 = tpu.memref_slice %arg6[%add3A_6, %dma_wait3A_79] : memref<50176x32xf32, #tpu.memory_space<vmem_shared>> -> memref<512x32xf32, #tpu.memory_space<vmem_shared>>
      %dma_wait3A_81 = arith.constant 0 : i32
      %dma_wait3A_82 = tpu.memref_slice %arg6[%add3A_6, %dma_wait3A_81] : memref<50176x32xf32, #tpu.memory_space<vmem_shared>> -> memref<512x32xf32, #tpu.memory_space<vmem_shared>>
      %dma_wait3A_83 = arith.constant 0 : i32
      %dma_wait3A_84 = arith.constant 0 : i32
      %dma_wait3A_85 = tpu.memref_slice %arg9[%dma_wait3A_83, %dma_wait3A_84] : memref<512x32xf32, #tpu.memory_space<vmem>> -> memref<512x32xf32, #tpu.memory_space<vmem>>
      tpu.wait_dma2 semaphore(%run_scoped3A : memref<!tpu.dma_semaphore, #tpu.memory_space<semaphore_mem>>) src(%dma_wait3A_85 : memref<512x32xf32, #tpu.memory_space<vmem>>) dst(%dma_wait3A_82 : memref<512x32xf32, #tpu.memory_space<vmem_shared>>)
      tpu.yield
    }) : () -> ()
    %add3A_7 = arith.constant 512 : i32
    %add3A_8 = arith.addi %mul3A_5, %add3A_7 : i32
    "tpu.region"() ({
      %run_scoped3A = tpu.sem_alloc : memref<!tpu.dma_semaphore, #tpu.memory_space<semaphore_mem>>
      %dma_start3A = arith.constant 0 : i32
      %dma_start3A_68 = arith.constant 0 : i32
      %dma_start3A_69 = tpu.memref_slice %arg9[%dma_start3A, %dma_start3A_68] : memref<512x32xf32, #tpu.memory_space<vmem>> -> memref<512x32xf32, #tpu.memory_space<vmem>>
      %dma_start3A_70 = arith.constant 0 : i32
      %dma_start3A_71 = tpu.memref_slice %arg6[%add3A_8, %dma_start3A_70] : memref<50176x32xf32, #tpu.memory_space<vmem_shared>> -> memref<512x32xf32, #tpu.memory_space<vmem_shared>>
      %dma_start3A_72 = arith.constant 0 : i32
      %dma_start3A_73 = tpu.memref_slice %arg6[%add3A_8, %dma_start3A_72] : memref<50176x32xf32, #tpu.memory_space<vmem_shared>> -> memref<512x32xf32, #tpu.memory_space<vmem_shared>>
      %dma_start3A_74 = arith.constant 0 : i32
      %dma_start3A_75 = arith.constant 0 : i32
      %dma_start3A_76 = tpu.memref_slice %arg9[%dma_start3A_74, %dma_start3A_75] : memref<512x32xf32, #tpu.memory_space<vmem>> -> memref<512x32xf32, #tpu.memory_space<vmem>>
      tpu.enqueue_dma source(%dma_start3A_76 : memref<512x32xf32, #tpu.memory_space<vmem>>) target(%dma_start3A_73 : memref<512x32xf32, #tpu.memory_space<vmem_shared>>) target_semaphore(%run_scoped3A : memref<!tpu.dma_semaphore, #tpu.memory_space<semaphore_mem>>)
      %dma_wait3A = arith.constant 0 : i32
      %dma_wait3A_77 = arith.constant 0 : i32
      %dma_wait3A_78 = tpu.memref_slice %arg9[%dma_wait3A, %dma_wait3A_77] : memref<512x32xf32, #tpu.memory_space<vmem>> -> memref<512x32xf32, #tpu.memory_space<vmem>>
      %dma_wait3A_79 = arith.constant 0 : i32
      %dma_wait3A_80 = tpu.memref_slice %arg6[%add3A_8, %dma_wait3A_79] : memref<50176x32xf32, #tpu.memory_space<vmem_shared>> -> memref<512x32xf32, #tpu.memory_space<vmem_shared>>
      %dma_wait3A_81 = arith.constant 0 : i32
      %dma_wait3A_82 = tpu.memref_slice %arg6[%add3A_8, %dma_wait3A_81] : memref<50176x32xf32, #tpu.memory_space<vmem_shared>> -> memref<512x32xf32, #tpu.memory_space<vmem_shared>>
      %dma_wait3A_83 = arith.constant 0 : i32
      %dma_wait3A_84 = arith.constant 0 : i32
      %dma_wait3A_85 = tpu.memref_slice %arg9[%dma_wait3A_83, %dma_wait3A_84] : memref<512x32xf32, #tpu.memory_space<vmem>> -> memref<512x32xf32, #tpu.memory_space<vmem>>
      tpu.wait_dma2 semaphore(%run_scoped3A : memref<!tpu.dma_semaphore, #tpu.memory_space<semaphore_mem>>) src(%dma_wait3A_85 : memref<512x32xf32, #tpu.memory_space<vmem>>) dst(%dma_wait3A_82 : memref<512x32xf32, #tpu.memory_space<vmem_shared>>)
      tpu.yield
    }) : () -> ()
    %add3A_9 = arith.constant 1024 : i32
    %add3A_10 = arith.addi %mul3A_5, %add3A_9 : i32
    "tpu.region"() ({
      %run_scoped3A = tpu.sem_alloc : memref<!tpu.dma_semaphore, #tpu.memory_space<semaphore_mem>>
      %dma_start3A = arith.constant 0 : i32
      %dma_start3A_68 = arith.constant 0 : i32
      %dma_start3A_69 = tpu.memref_slice %arg9[%dma_start3A, %dma_start3A_68] : memref<512x32xf32, #tpu.memory_space<vmem>> -> memref<512x32xf32, #tpu.memory_space<vmem>>
      %dma_start3A_70 = arith.constant 0 : i32
      %dma_start3A_71 = tpu.memref_slice %arg6[%add3A_10, %dma_start3A_70] : memref<50176x32xf32, #tpu.memory_space<vmem_shared>> -> memref<512x32xf32, #tpu.memory_space<vmem_shared>>
      %dma_start3A_72 = arith.constant 0 : i32
      %dma_start3A_73 = tpu.memref_slice %arg6[%add3A_10, %dma_start3A_72] : memref<50176x32xf32, #tpu.memory_space<vmem_shared>> -> memref<512x32xf32, #tpu.memory_space<vmem_shared>>
      %dma_start3A_74 = arith.constant 0 : i32
      %dma_start3A_75 = arith.constant 0 : i32
      %dma_start3A_76 = tpu.memref_slice %arg9[%dma_start3A_74, %dma_start3A_75] : memref<512x32xf32, #tpu.memory_space<vmem>> -> memref<512x32xf32, #tpu.memory_space<vmem>>
      tpu.enqueue_dma source(%dma_start3A_76 : memref<512x32xf32, #tpu.memory_space<vmem>>) target(%dma_start3A_73 : memref<512x32xf32, #tpu.memory_space<vmem_shared>>) target_semaphore(%run_scoped3A : memref<!tpu.dma_semaphore, #tpu.memory_space<semaphore_mem>>)
      %dma_wait3A = arith.constant 0 : i32
      %dma_wait3A_77 = arith.constant 0 : i32
      %dma_wait3A_78 = tpu.memref_slice %arg9[%dma_wait3A, %dma_wait3A_77] : memref<512x32xf32, #tpu.memory_space<vmem>> -> memref<512x32xf32, #tpu.memory_space<vmem>>
      %dma_wait3A_79 = arith.constant 0 : i32
      %dma_wait3A_80 = tpu.memref_slice %arg6[%add3A_10, %dma_wait3A_79] : memref<50176x32xf32, #tpu.memory_space<vmem_shared>> -> memref<512x32xf32, #tpu.memory_space<vmem_shared>>
      %dma_wait3A_81 = arith.constant 0 : i32
      %dma_wait3A_82 = tpu.memref_slice %arg6[%add3A_10, %dma_wait3A_81] : memref<50176x32xf32, #tpu.memory_space<vmem_shared>> -> memref<512x32xf32, #tpu.memory_space<vmem_shared>>
      %dma_wait3A_83 = arith.constant 0 : i32
      %dma_wait3A_84 = arith.constant 0 : i32
      %dma_wait3A_85 = tpu.memref_slice %arg9[%dma_wait3A_83, %dma_wait3A_84] : memref<512x32xf32, #tpu.memory_space<vmem>> -> memref<512x32xf32, #tpu.memory_space<vmem>>
      tpu.wait_dma2 semaphore(%run_scoped3A : memref<!tpu.dma_semaphore, #tpu.memory_space<semaphore_mem>>) src(%dma_wait3A_85 : memref<512x32xf32, #tpu.memory_space<vmem>>) dst(%dma_wait3A_82 : memref<512x32xf32, #tpu.memory_space<vmem_shared>>)
      tpu.yield
    }) : () -> ()
    %add3A_11 = arith.constant 1536 : i32
    %add3A_12 = arith.addi %mul3A_5, %add3A_11 : i32
    "tpu.region"() ({
      %run_scoped3A = tpu.sem_alloc : memref<!tpu.dma_semaphore, #tpu.memory_space<semaphore_mem>>
      %dma_start3A = arith.constant 0 : i32
      %dma_start3A_68 = arith.constant 0 : i32
      %dma_start3A_69 = tpu.memref_slice %arg9[%dma_start3A, %dma_start3A_68] : memref<512x32xf32, #tpu.memory_space<vmem>> -> memref<512x32xf32, #tpu.memory_space<vmem>>
      %dma_start3A_70 = arith.constant 0 : i32
      %dma_start3A_71 = tpu.memref_slice %arg6[%add3A_12, %dma_start3A_70] : memref<50176x32xf32, #tpu.memory_space<vmem_shared>> -> memref<512x32xf32, #tpu.memory_space<vmem_shared>>
      %dma_start3A_72 = arith.constant 0 : i32
      %dma_start3A_73 = tpu.memref_slice %arg6[%add3A_12, %dma_start3A_72] : memref<50176x32xf32, #tpu.memory_space<vmem_shared>> -> memref<512x32xf32, #tpu.memory_space<vmem_shared>>
      %dma_start3A_74 = arith.constant 0 : i32
      %dma_start3A_75 = arith.constant 0 : i32
      %dma_start3A_76 = tpu.memref_slice %arg9[%dma_start3A_74, %dma_start3A_75] : memref<512x32xf32, #tpu.memory_space<vmem>> -> memref<512x32xf32, #tpu.memory_space<vmem>>
      tpu.enqueue_dma source(%dma_start3A_76 : memref<512x32xf32, #tpu.memory_space<vmem>>) target(%dma_start3A_73 : memref<512x32xf32, #tpu.memory_space<vmem_shared>>) target_semaphore(%run_scoped3A : memref<!tpu.dma_semaphore, #tpu.memory_space<semaphore_mem>>)
      %dma_wait3A = arith.constant 0 : i32
      %dma_wait3A_77 = arith.constant 0 : i32
      %dma_wait3A_78 = tpu.memref_slice %arg9[%dma_wait3A, %dma_wait3A_77] : memref<512x32xf32, #tpu.memory_space<vmem>> -> memref<512x32xf32, #tpu.memory_space<vmem>>
      %dma_wait3A_79 = arith.constant 0 : i32
      %dma_wait3A_80 = tpu.memref_slice %arg6[%add3A_12, %dma_wait3A_79] : memref<50176x32xf32, #tpu.memory_space<vmem_shared>> -> memref<512x32xf32, #tpu.memory_space<vmem_shared>>
      %dma_wait3A_81 = arith.constant 0 : i32
      %dma_wait3A_82 = tpu.memref_slice %arg6[%add3A_12, %dma_wait3A_81] : memref<50176x32xf32, #tpu.memory_space<vmem_shared>> -> memref<512x32xf32, #tpu.memory_space<vmem_shared>>
      %dma_wait3A_83 = arith.constant 0 : i32
      %dma_wait3A_84 = arith.constant 0 : i32
      %dma_wait3A_85 = tpu.memref_slice %arg9[%dma_wait3A_83, %dma_wait3A_84] : memref<512x32xf32, #tpu.memory_space<vmem>> -> memref<512x32xf32, #tpu.memory_space<vmem>>
      tpu.wait_dma2 semaphore(%run_scoped3A : memref<!tpu.dma_semaphore, #tpu.memory_space<semaphore_mem>>) src(%dma_wait3A_85 : memref<512x32xf32, #tpu.memory_space<vmem>>) dst(%dma_wait3A_82 : memref<512x32xf32, #tpu.memory_space<vmem_shared>>)
      tpu.yield
    }) : () -> ()
    %add3A_13 = arith.constant 2048 : i32
    %add3A_14 = arith.addi %mul3A_5, %add3A_13 : i32
    "tpu.region"() ({
      %run_scoped3A = tpu.sem_alloc : memref<!tpu.dma_semaphore, #tpu.memory_space<semaphore_mem>>
      %dma_start3A = arith.constant 0 : i32
      %dma_start3A_68 = arith.constant 0 : i32
      %dma_start3A_69 = tpu.memref_slice %arg9[%dma_start3A, %dma_start3A_68] : memref<512x32xf32, #tpu.memory_space<vmem>> -> memref<512x32xf32, #tpu.memory_space<vmem>>
      %dma_start3A_70 = arith.constant 0 : i32
      %dma_start3A_71 = tpu.memref_slice %arg6[%add3A_14, %dma_start3A_70] : memref<50176x32xf32, #tpu.memory_space<vmem_shared>> -> memref<512x32xf32, #tpu.memory_space<vmem_shared>>
      %dma_start3A_72 = arith.constant 0 : i32
      %dma_start3A_73 = tpu.memref_slice %arg6[%add3A_14, %dma_start3A_72] : memref<50176x32xf32, #tpu.memory_space<vmem_shared>> -> memref<512x32xf32, #tpu.memory_space<vmem_shared>>
      %dma_start3A_74 = arith.constant 0 : i32
      %dma_start3A_75 = arith.constant 0 : i32
      %dma_start3A_76 = tpu.memref_slice %arg9[%dma_start3A_74, %dma_start3A_75] : memref<512x32xf32, #tpu.memory_space<vmem>> -> memref<512x32xf32, #tpu.memory_space<vmem>>
      tpu.enqueue_dma source(%dma_start3A_76 : memref<512x32xf32, #tpu.memory_space<vmem>>) target(%dma_start3A_73 : memref<512x32xf32, #tpu.memory_space<vmem_shared>>) target_semaphore(%run_scoped3A : memref<!tpu.dma_semaphore, #tpu.memory_space<semaphore_mem>>)
      %dma_wait3A = arith.constant 0 : i32
      %dma_wait3A_77 = arith.constant 0 : i32
      %dma_wait3A_78 = tpu.memref_slice %arg9[%dma_wait3A, %dma_wait3A_77] : memref<512x32xf32, #tpu.memory_space<vmem>> -> memref<512x32xf32, #tpu.memory_space<vmem>>
      %dma_wait3A_79 = arith.constant 0 : i32
      %dma_wait3A_80 = tpu.memref_slice %arg6[%add3A_14, %dma_wait3A_79] : memref<50176x32xf32, #tpu.memory_space<vmem_shared>> -> memref<512x32xf32, #tpu.memory_space<vmem_shared>>
      %dma_wait3A_81 = arith.constant 0 : i32
      %dma_wait3A_82 = tpu.memref_slice %arg6[%add3A_14, %dma_wait3A_81] : memref<50176x32xf32, #tpu.memory_space<vmem_shared>> -> memref<512x32xf32, #tpu.memory_space<vmem_shared>>
      %dma_wait3A_83 = arith.constant 0 : i32
      %dma_wait3A_84 = arith.constant 0 : i32
      %dma_wait3A_85 = tpu.memref_slice %arg9[%dma_wait3A_83, %dma_wait3A_84] : memref<512x32xf32, #tpu.memory_space<vmem>> -> memref<512x32xf32, #tpu.memory_space<vmem>>
      tpu.wait_dma2 semaphore(%run_scoped3A : memref<!tpu.dma_semaphore, #tpu.memory_space<semaphore_mem>>) src(%dma_wait3A_85 : memref<512x32xf32, #tpu.memory_space<vmem>>) dst(%dma_wait3A_82 : memref<512x32xf32, #tpu.memory_space<vmem_shared>>)
      tpu.yield
    }) : () -> ()
    %add3A_15 = arith.constant 2560 : i32
    %add3A_16 = arith.addi %mul3A_5, %add3A_15 : i32
    "tpu.region"() ({
      %run_scoped3A = tpu.sem_alloc : memref<!tpu.dma_semaphore, #tpu.memory_space<semaphore_mem>>
      %dma_start3A = arith.constant 0 : i32
      %dma_start3A_68 = arith.constant 0 : i32
      %dma_start3A_69 = tpu.memref_slice %arg9[%dma_start3A, %dma_start3A_68] : memref<512x32xf32, #tpu.memory_space<vmem>> -> memref<512x32xf32, #tpu.memory_space<vmem>>
      %dma_start3A_70 = arith.constant 0 : i32
      %dma_start3A_71 = tpu.memref_slice %arg6[%add3A_16, %dma_start3A_70] : memref<50176x32xf32, #tpu.memory_space<vmem_shared>> -> memref<512x32xf32, #tpu.memory_space<vmem_shared>>
      %dma_start3A_72 = arith.constant 0 : i32
      %dma_start3A_73 = tpu.memref_slice %arg6[%add3A_16, %dma_start3A_72] : memref<50176x32xf32, #tpu.memory_space<vmem_shared>> -> memref<512x32xf32, #tpu.memory_space<vmem_shared>>
      %dma_start3A_74 = arith.constant 0 : i32
      %dma_start3A_75 = arith.constant 0 : i32
      %dma_start3A_76 = tpu.memref_slice %arg9[%dma_start3A_74, %dma_start3A_75] : memref<512x32xf32, #tpu.memory_space<vmem>> -> memref<512x32xf32, #tpu.memory_space<vmem>>
      tpu.enqueue_dma source(%dma_start3A_76 : memref<512x32xf32, #tpu.memory_space<vmem>>) target(%dma_start3A_73 : memref<512x32xf32, #tpu.memory_space<vmem_shared>>) target_semaphore(%run_scoped3A : memref<!tpu.dma_semaphore, #tpu.memory_space<semaphore_mem>>)
      %dma_wait3A = arith.constant 0 : i32
      %dma_wait3A_77 = arith.constant 0 : i32
      %dma_wait3A_78 = tpu.memref_slice %arg9[%dma_wait3A, %dma_wait3A_77] : memref<512x32xf32, #tpu.memory_space<vmem>> -> memref<512x32xf32, #tpu.memory_space<vmem>>
      %dma_wait3A_79 = arith.constant 0 : i32
      %dma_wait3A_80 = tpu.memref_slice %arg6[%add3A_16, %dma_wait3A_79] : memref<50176x32xf32, #tpu.memory_space<vmem_shared>> -> memref<512x32xf32, #tpu.memory_space<vmem_shared>>
      %dma_wait3A_81 = arith.constant 0 : i32
      %dma_wait3A_82 = tpu.memref_slice %arg6[%add3A_16, %dma_wait3A_81] : memref<50176x32xf32, #tpu.memory_space<vmem_shared>> -> memref<512x32xf32, #tpu.memory_space<vmem_shared>>
      %dma_wait3A_83 = arith.constant 0 : i32
      %dma_wait3A_84 = arith.constant 0 : i32
      %dma_wait3A_85 = tpu.memref_slice %arg9[%dma_wait3A_83, %dma_wait3A_84] : memref<512x32xf32, #tpu.memory_space<vmem>> -> memref<512x32xf32, #tpu.memory_space<vmem>>
      tpu.wait_dma2 semaphore(%run_scoped3A : memref<!tpu.dma_semaphore, #tpu.memory_space<semaphore_mem>>) src(%dma_wait3A_85 : memref<512x32xf32, #tpu.memory_space<vmem>>) dst(%dma_wait3A_82 : memref<512x32xf32, #tpu.memory_space<vmem_shared>>)
      tpu.yield
    }) : () -> ()
    %add3A_17 = arith.constant 3072 : i32
    %add3A_18 = arith.addi %mul3A_5, %add3A_17 : i32
    "tpu.region"() ({
      %run_scoped3A = tpu.sem_alloc : memref<!tpu.dma_semaphore, #tpu.memory_space<semaphore_mem>>
      %dma_start3A = arith.constant 0 : i32
      %dma_start3A_68 = arith.constant 0 : i32
      %dma_start3A_69 = tpu.memref_slice %arg9[%dma_start3A, %dma_start3A_68] : memref<512x32xf32, #tpu.memory_space<vmem>> -> memref<64x32xf32, #tpu.memory_space<vmem>>
      %dma_start3A_70 = arith.constant 0 : i32
      %dma_start3A_71 = tpu.memref_slice %arg6[%add3A_18, %dma_start3A_70] : memref<50176x32xf32, #tpu.memory_space<vmem_shared>> -> memref<64x32xf32, #tpu.memory_space<vmem_shared>>
      %dma_start3A_72 = arith.constant 0 : i32
      %dma_start3A_73 = tpu.memref_slice %arg6[%add3A_18, %dma_start3A_72] : memref<50176x32xf32, #tpu.memory_space<vmem_shared>> -> memref<64x32xf32, #tpu.memory_space<vmem_shared>>
      %dma_start3A_74 = arith.constant 0 : i32
      %dma_start3A_75 = arith.constant 0 : i32
      %dma_start3A_76 = tpu.memref_slice %arg9[%dma_start3A_74, %dma_start3A_75] : memref<512x32xf32, #tpu.memory_space<vmem>> -> memref<64x32xf32, #tpu.memory_space<vmem>>
      tpu.enqueue_dma source(%dma_start3A_76 : memref<64x32xf32, #tpu.memory_space<vmem>>) target(%dma_start3A_73 : memref<64x32xf32, #tpu.memory_space<vmem_shared>>) target_semaphore(%run_scoped3A : memref<!tpu.dma_semaphore, #tpu.memory_space<semaphore_mem>>)
      %dma_wait3A = arith.constant 0 : i32
      %dma_wait3A_77 = arith.constant 0 : i32
      %dma_wait3A_78 = tpu.memref_slice %arg9[%dma_wait3A, %dma_wait3A_77] : memref<512x32xf32, #tpu.memory_space<vmem>> -> memref<64x32xf32, #tpu.memory_space<vmem>>
      %dma_wait3A_79 = arith.constant 0 : i32
      %dma_wait3A_80 = tpu.memref_slice %arg6[%add3A_18, %dma_wait3A_79] : memref<50176x32xf32, #tpu.memory_space<vmem_shared>> -> memref<64x32xf32, #tpu.memory_space<vmem_shared>>
      %dma_wait3A_81 = arith.constant 0 : i32
      %dma_wait3A_82 = tpu.memref_slice %arg6[%add3A_18, %dma_wait3A_81] : memref<50176x32xf32, #tpu.memory_space<vmem_shared>> -> memref<64x32xf32, #tpu.memory_space<vmem_shared>>
      %dma_wait3A_83 = arith.constant 0 : i32
      %dma_wait3A_84 = arith.constant 0 : i32
      %dma_wait3A_85 = tpu.memref_slice %arg9[%dma_wait3A_83, %dma_wait3A_84] : memref<512x32xf32, #tpu.memory_space<vmem>> -> memref<64x32xf32, #tpu.memory_space<vmem>>
      tpu.wait_dma2 semaphore(%run_scoped3A : memref<!tpu.dma_semaphore, #tpu.memory_space<semaphore_mem>>) src(%dma_wait3A_85 : memref<64x32xf32, #tpu.memory_space<vmem>>) dst(%dma_wait3A_82 : memref<64x32xf32, #tpu.memory_space<vmem_shared>>)
      tpu.yield
    }) : () -> ()
    %barrier3A = arith.constant 0 : index
    tpu.barrier barrier_id(%barrier3A)
    %mul3A_19 = arith.constant 50176 : i32
    %mul3A_20 = arith.muli %arg1, %mul3A_19 : i32
    %mul3A_21 = arith.constant 802816 : i32
    %mul3A_22 = arith.muli %arg0, %mul3A_21 : i32
    %add3A_23 = arith.addi %mul3A_22, %mul3A_20 : i32
    %jit3A = arith.constant 128 : i32
    %div3A = arith.divsi %mul3A_20, %jit3A : i32
    %sign3A = arith.constant 0 : i32
    %sign3A_24 = arith.cmpi sgt, %mul3A_20, %sign3A : i32
    %sign3A_25 = arith.extui %sign3A_24 : i1 to i32
    %sign3A_26 = arith.constant 0 : i32
    %sign3A_27 = arith.cmpi slt, %mul3A_20, %sign3A_26 : i32
    %sign3A_28 = arith.extui %sign3A_27 : i1 to i32
    %sign3A_29 = arith.subi %sign3A_25, %sign3A_28 : i32
    %sign3A_30 = arith.constant 0 : i32
    %sign3A_31 = arith.cmpi sgt, %jit3A, %sign3A_30 : i32
    %sign3A_32 = arith.extui %sign3A_31 : i1 to i32
    %sign3A_33 = arith.constant 0 : i32
    %sign3A_34 = arith.cmpi slt, %jit3A, %sign3A_33 : i32
    %sign3A_35 = arith.extui %sign3A_34 : i1 to i32
    %sign3A_36 = arith.subi %sign3A_32, %sign3A_35 : i32
    %ne3A = arith.cmpi ne, %sign3A_29, %sign3A_36 : i32
    %rem3A = arith.remsi %mul3A_20, %jit3A : i32
    %ne3A_37 = arith.constant 0 : i32
    %ne3A_38 = arith.cmpi ne, %rem3A, %ne3A_37 : i32
    %and3A = arith.andi %ne3A, %ne3A_38 : i1
    %sub3A = arith.constant 1 : i32
    %sub3A_39 = arith.subi %div3A, %sub3A : i32
    %select_n3A = arith.select %and3A, %sub3A_39, %div3A : i32
    %scan3A_40 = arith.constant 0 : i32
    %scan3A_41 = arith.constant 0 : i32
    %scan3A_42 = arith.constant 98 : i32
    %scan3A_43 = arith.addi %scan3A_41, %scan3A_42 : i32
    %scan3A_44 = arith.constant 1 : i32
    scf.for %scan3A_68 = %scan3A_41 to %scan3A_43 step %scan3A_44  : i32 {
      %mul3A_69 = arith.constant 512 : i32
      %mul3A_70 = arith.muli %scan3A_68, %mul3A_69 : i32
      %add3A_71 = arith.addi %add3A_23, %mul3A_70 : i32
      "tpu.region"() ({
        %run_scoped3A = tpu.sem_alloc : memref<!tpu.dma_semaphore, #tpu.memory_space<semaphore_mem>>
        %dma_start3A_217 = tpu.memref_slice %arg3[%add3A_71] : memref<1605632xi32, #tpu.memory_space<hbm>> -> memref<512xi32, #tpu.memory_space<hbm>>
        %dma_start3A_218 = tpu.memref_slice %arg3[%add3A_71] : memref<1605632xi32, #tpu.memory_space<hbm>> -> memref<512xi32, #tpu.memory_space<hbm>>
        tpu.enqueue_dma source(%dma_start3A_218 : memref<512xi32, #tpu.memory_space<hbm>>) target(%arg7 : memref<512xi32, #tpu.memory_space<vmem>>) target_semaphore(%run_scoped3A : memref<!tpu.dma_semaphore, #tpu.memory_space<semaphore_mem>>)
        %dma_wait3A_219 = tpu.memref_slice %arg3[%add3A_71] : memref<1605632xi32, #tpu.memory_space<hbm>> -> memref<512xi32, #tpu.memory_space<hbm>>
        %dma_wait3A_220 = tpu.memref_slice %arg3[%add3A_71] : memref<1605632xi32, #tpu.memory_space<hbm>> -> memref<512xi32, #tpu.memory_space<hbm>>
        tpu.wait_dma2 semaphore(%run_scoped3A : memref<!tpu.dma_semaphore, #tpu.memory_space<semaphore_mem>>) src(%dma_wait3A_220 : memref<512xi32, #tpu.memory_space<hbm>>) dst(%arg7 : memref<512xi32, #tpu.memory_space<vmem>>)
        tpu.yield
      }) : () -> ()
      %mul3A_72 = arith.constant 4 : i32
      %mul3A_73 = arith.muli %scan3A_68, %mul3A_72 : i32
      %add3A_74 = arith.addi %select_n3A, %mul3A_73 : i32
      "tpu.region"() ({
        %run_scoped3A = tpu.sem_alloc : memref<!tpu.dma_semaphore, #tpu.memory_space<semaphore_mem>>
        %dma_start3A_217 = arith.constant 0 : i32
        %dma_start3A_218 = tpu.memref_slice %arg4[%add3A_74, %dma_start3A_217] : memref<6272x128xi32, #tpu.memory_space<hbm>> -> memref<4x128xi32, #tpu.memory_space<hbm>>
        %dma_start3A_219 = arith.constant 0 : i32
        %dma_start3A_220 = tpu.memref_slice %arg4[%add3A_74, %dma_start3A_219] : memref<6272x128xi32, #tpu.memory_space<hbm>> -> memref<4x128xi32, #tpu.memory_space<hbm>>
        tpu.enqueue_dma source(%dma_start3A_220 : memref<4x128xi32, #tpu.memory_space<hbm>>) target(%arg8 : memref<4x128xi32, #tpu.memory_space<vmem>>) target_semaphore(%run_scoped3A : memref<!tpu.dma_semaphore, #tpu.memory_space<semaphore_mem>>)
        %dma_wait3A_221 = arith.constant 0 : i32
        %dma_wait3A_222 = tpu.memref_slice %arg4[%add3A_74, %dma_wait3A_221] : memref<6272x128xi32, #tpu.memory_space<hbm>> -> memref<4x128xi32, #tpu.memory_space<hbm>>
        %dma_wait3A_223 = arith.constant 0 : i32
        %dma_wait3A_224 = tpu.memref_slice %arg4[%add3A_74, %dma_wait3A_223] : memref<6272x128xi32, #tpu.memory_space<hbm>> -> memref<4x128xi32, #tpu.memory_space<hbm>>
        tpu.wait_dma2 semaphore(%run_scoped3A : memref<!tpu.dma_semaphore, #tpu.memory_space<semaphore_mem>>) src(%dma_wait3A_224 : memref<4x128xi32, #tpu.memory_space<hbm>>) dst(%arg8 : memref<4x128xi32, #tpu.memory_space<vmem>>)
        tpu.yield
      }) : () -> ()
      %dma_start3A = arith.constant 0 : i32
      %dma_start3A_75 = arith.constant 0 : i32
      %dma_start3A_76 = tpu.memref_slice %arg9[%dma_start3A, %dma_start3A_75] : memref<512x32xf32, #tpu.memory_space<vmem>> -> memref<128x32xf32, #tpu.memory_space<vmem>>
      %dma_start3A_77 = arith.constant 0 : i32
      %dma_start3A_78 = tpu.memref_slice %arg7[%dma_start3A_77] : memref<512xi32, #tpu.memory_space<vmem>> -> memref<128xi32, #tpu.memory_space<vmem>>
      %dma_start3A_79 = arith.constant 0 : i32
      %dma_start3A_80 = arith.constant 0 : i32
      %dma_start3A_81 = tpu.memref_slice %arg2[%dma_start3A_79, %dma_start3A_80] : memref<100000x32xf32, #tpu.memory_space<hbm>> -> memref<100000x32xf32, #tpu.memory_space<hbm>>
      tpu.enqueue_indirect_dma source(%dma_start3A_81 : memref<100000x32xf32, #tpu.memory_space<hbm>>) target(%dma_start3A_76 : memref<128x32xf32, #tpu.memory_space<vmem>>) offsets(%dma_start3A_78 : memref<128xi32, #tpu.memory_space<vmem>>) semaphore(%arg10 : memref<!tpu.dma_semaphore, #tpu.memory_space<semaphore_mem>>)
      %dma_start3A_82 = arith.constant 128 : i32
      %dma_start3A_83 = arith.constant 0 : i32
      %dma_start3A_84 = tpu.memref_slice %arg9[%dma_start3A_82, %dma_start3A_83] : memref<512x32xf32, #tpu.memory_space<vmem>> -> memref<128x32xf32, #tpu.memory_space<vmem>>
      %dma_start3A_85 = arith.constant 128 : i32
      %dma_start3A_86 = tpu.memref_slice %arg7[%dma_start3A_85] : memref<512xi32, #tpu.memory_space<vmem>> -> memref<128xi32, #tpu.memory_space<vmem>>
      %dma_start3A_87 = arith.constant 0 : i32
      %dma_start3A_88 = arith.constant 0 : i32
      %dma_start3A_89 = tpu.memref_slice %arg2[%dma_start3A_87, %dma_start3A_88] : memref<100000x32xf32, #tpu.memory_space<hbm>> -> memref<100000x32xf32, #tpu.memory_space<hbm>>
      tpu.enqueue_indirect_dma source(%dma_start3A_89 : memref<100000x32xf32, #tpu.memory_space<hbm>>) target(%dma_start3A_84 : memref<128x32xf32, #tpu.memory_space<vmem>>) offsets(%dma_start3A_86 : memref<128xi32, #tpu.memory_space<vmem>>) semaphore(%arg10 : memref<!tpu.dma_semaphore, #tpu.memory_space<semaphore_mem>>)
      %dma_start3A_90 = arith.constant 256 : i32
      %dma_start3A_91 = arith.constant 0 : i32
      %dma_start3A_92 = tpu.memref_slice %arg9[%dma_start3A_90, %dma_start3A_91] : memref<512x32xf32, #tpu.memory_space<vmem>> -> memref<128x32xf32, #tpu.memory_space<vmem>>
      %dma_start3A_93 = arith.constant 256 : i32
      %dma_start3A_94 = tpu.memref_slice %arg7[%dma_start3A_93] : memref<512xi32, #tpu.memory_space<vmem>> -> memref<128xi32, #tpu.memory_space<vmem>>
      %dma_start3A_95 = arith.constant 0 : i32
      %dma_start3A_96 = arith.constant 0 : i32
      %dma_start3A_97 = tpu.memref_slice %arg2[%dma_start3A_95, %dma_start3A_96] : memref<100000x32xf32, #tpu.memory_space<hbm>> -> memref<100000x32xf32, #tpu.memory_space<hbm>>
      tpu.enqueue_indirect_dma source(%dma_start3A_97 : memref<100000x32xf32, #tpu.memory_space<hbm>>) target(%dma_start3A_92 : memref<128x32xf32, #tpu.memory_space<vmem>>) offsets(%dma_start3A_94 : memref<128xi32, #tpu.memory_space<vmem>>) semaphore(%arg10 : memref<!tpu.dma_semaphore, #tpu.memory_space<semaphore_mem>>)
      %dma_start3A_98 = arith.constant 384 : i32
      %dma_start3A_99 = arith.constant 0 : i32
      %dma_start3A_100 = tpu.memref_slice %arg9[%dma_start3A_98, %dma_start3A_99] : memref<512x32xf32, #tpu.memory_space<vmem>> -> memref<128x32xf32, #tpu.memory_space<vmem>>
      %dma_start3A_101 = arith.constant 384 : i32
      %dma_start3A_102 = tpu.memref_slice %arg7[%dma_start3A_101] : memref<512xi32, #tpu.memory_space<vmem>> -> memref<128xi32, #tpu.memory_space<vmem>>
      %dma_start3A_103 = arith.constant 0 : i32
      %dma_start3A_104 = arith.constant 0 : i32
      %dma_start3A_105 = tpu.memref_slice %arg2[%dma_start3A_103, %dma_start3A_104] : memref<100000x32xf32, #tpu.memory_space<hbm>> -> memref<100000x32xf32, #tpu.memory_space<hbm>>
      tpu.enqueue_indirect_dma source(%dma_start3A_105 : memref<100000x32xf32, #tpu.memory_space<hbm>>) target(%dma_start3A_100 : memref<128x32xf32, #tpu.memory_space<vmem>>) offsets(%dma_start3A_102 : memref<128xi32, #tpu.memory_space<vmem>>) semaphore(%arg10 : memref<!tpu.dma_semaphore, #tpu.memory_space<semaphore_mem>>)
      %dma_wait3A = arith.constant 0 : i32
      %dma_wait3A_106 = arith.constant 0 : i32
      %dma_wait3A_107 = tpu.memref_slice %arg9[%dma_wait3A, %dma_wait3A_106] : memref<512x32xf32, #tpu.memory_space<vmem>> -> memref<128x32xf32, #tpu.memory_space<vmem>>
      %dma_wait3A_108 = arith.constant 0 : i32
      %dma_wait3A_109 = tpu.memref_slice %arg7[%dma_wait3A_108] : memref<512xi32, #tpu.memory_space<vmem>> -> memref<128xi32, #tpu.memory_space<vmem>>
      %dma_wait3A_110 = arith.constant 0 : i32
      %dma_wait3A_111 = arith.constant 0 : i32
      %dma_wait3A_112 = tpu.memref_slice %arg2[%dma_wait3A_110, %dma_wait3A_111] : memref<100000x32xf32, #tpu.memory_space<hbm>> -> memref<100000x32xf32, #tpu.memory_space<hbm>>
      tpu.wait_indirect_dma semaphore(%arg10 : memref<!tpu.dma_semaphore, #tpu.memory_space<semaphore_mem>>) src(%dma_wait3A_112 : memref<100000x32xf32, #tpu.memory_space<hbm>>) dst(%dma_wait3A_107 : memref<128x32xf32, #tpu.memory_space<vmem>>)
      %dma_start3A_113 = arith.constant 0 : i32
      %dma_start3A_114 = arith.constant 0 : i32
      %dma_start3A_115 = arith.constant 0 : i32
      %dma_start3A_116 = tpu.memref_slice %arg9[%dma_start3A_114, %dma_start3A_115] : memref<512x32xf32, #tpu.memory_space<vmem>> -> memref<128x32xf32, #tpu.memory_space<vmem>>
      %dma_start3A_117 = arith.constant 0 : i32
      %dma_start3A_118 = tpu.memref_slice %arg8[%dma_start3A_113, %dma_start3A_117] : memref<4x128xi32, #tpu.memory_space<vmem>> -> memref<1x128xi32, #tpu.memory_space<vmem>>
      %dma_start3A_119 = tpu.memref_squeeze %dma_start3A_118 : memref<1x128xi32, #tpu.memory_space<vmem>> -> memref<128xi32, #tpu.memory_space<vmem>>
      %dma_start3A_120 = arith.constant 0 : i32
      %dma_start3A_121 = arith.constant 0 : i32
      %dma_start3A_122 = tpu.memref_slice %arg6[%dma_start3A_120, %dma_start3A_121] : memref<50176x32xf32, #tpu.memory_space<vmem_shared>> -> memref<50176x32xf32, #tpu.memory_space<vmem_shared>>
      tpu.enqueue_indirect_dma source(%dma_start3A_116 : memref<128x32xf32, #tpu.memory_space<vmem>>) target(%dma_start3A_122 : memref<50176x32xf32, #tpu.memory_space<vmem_shared>>) offsets(%dma_start3A_119 : memref<128xi32, #tpu.memory_space<vmem>>) semaphore(%arg11 : memref<!tpu.dma_semaphore, #tpu.memory_space<semaphore_mem>>) {add = true}
      %dma_wait3A_123 = arith.constant 128 : i32
      %dma_wait3A_124 = arith.constant 0 : i32
      %dma_wait3A_125 = tpu.memref_slice %arg9[%dma_wait3A_123, %dma_wait3A_124] : memref<512x32xf32, #tpu.memory_space<vmem>> -> memref<128x32xf32, #tpu.memory_space<vmem>>
      %dma_wait3A_126 = arith.constant 128 : i32
      %dma_wait3A_127 = tpu.memref_slice %arg7[%dma_wait3A_126] : memref<512xi32, #tpu.memory_space<vmem>> -> memref<128xi32, #tpu.memory_space<vmem>>
      %dma_wait3A_128 = arith.constant 0 : i32
      %dma_wait3A_129 = arith.constant 0 : i32
      %dma_wait3A_130 = tpu.memref_slice %arg2[%dma_wait3A_128, %dma_wait3A_129] : memref<100000x32xf32, #tpu.memory_space<hbm>> -> memref<100000x32xf32, #tpu.memory_space<hbm>>
      tpu.wait_indirect_dma semaphore(%arg10 : memref<!tpu.dma_semaphore, #tpu.memory_space<semaphore_mem>>) src(%dma_wait3A_130 : memref<100000x32xf32, #tpu.memory_space<hbm>>) dst(%dma_wait3A_125 : memref<128x32xf32, #tpu.memory_space<vmem>>)
      %dma_start3A_131 = arith.constant 1 : i32
      %dma_start3A_132 = arith.constant 128 : i32
      %dma_start3A_133 = arith.constant 0 : i32
      %dma_start3A_134 = tpu.memref_slice %arg9[%dma_start3A_132, %dma_start3A_133] : memref<512x32xf32, #tpu.memory_space<vmem>> -> memref<128x32xf32, #tpu.memory_space<vmem>>
      %dma_start3A_135 = arith.constant 0 : i32
      %dma_start3A_136 = tpu.memref_slice %arg8[%dma_start3A_131, %dma_start3A_135] : memref<4x128xi32, #tpu.memory_space<vmem>> -> memref<1x128xi32, #tpu.memory_space<vmem>>
      %dma_start3A_137 = tpu.memref_squeeze %dma_start3A_136 : memref<1x128xi32, #tpu.memory_space<vmem>> -> memref<128xi32, #tpu.memory_space<vmem>>
      %dma_start3A_138 = arith.constant 0 : i32
      %dma_start3A_139 = arith.constant 0 : i32
      %dma_start3A_140 = tpu.memref_slice %arg6[%dma_start3A_138, %dma_start3A_139] : memref<50176x32xf32, #tpu.memory_space<vmem_shared>> -> memref<50176x32xf32, #tpu.memory_space<vmem_shared>>
      tpu.enqueue_indirect_dma source(%dma_start3A_134 : memref<128x32xf32, #tpu.memory_space<vmem>>) target(%dma_start3A_140 : memref<50176x32xf32, #tpu.memory_space<vmem_shared>>) offsets(%dma_start3A_137 : memref<128xi32, #tpu.memory_space<vmem>>) semaphore(%arg11 : memref<!tpu.dma_semaphore, #tpu.memory_space<semaphore_mem>>) {add = true}
      %dma_wait3A_141 = arith.constant 256 : i32
      %dma_wait3A_142 = arith.constant 0 : i32
      %dma_wait3A_143 = tpu.memref_slice %arg9[%dma_wait3A_141, %dma_wait3A_142] : memref<512x32xf32, #tpu.memory_space<vmem>> -> memref<128x32xf32, #tpu.memory_space<vmem>>
      %dma_wait3A_144 = arith.constant 256 : i32
      %dma_wait3A_145 = tpu.memref_slice %arg7[%dma_wait3A_144] : memref<512xi32, #tpu.memory_space<vmem>> -> memref<128xi32, #tpu.memory_space<vmem>>
      %dma_wait3A_146 = arith.constant 0 : i32
      %dma_wait3A_147 = arith.constant 0 : i32
      %dma_wait3A_148 = tpu.memref_slice %arg2[%dma_wait3A_146, %dma_wait3A_147] : memref<100000x32xf32, #tpu.memory_space<hbm>> -> memref<100000x32xf32, #tpu.memory_space<hbm>>
      tpu.wait_indirect_dma semaphore(%arg10 : memref<!tpu.dma_semaphore, #tpu.memory_space<semaphore_mem>>) src(%dma_wait3A_148 : memref<100000x32xf32, #tpu.memory_space<hbm>>) dst(%dma_wait3A_143 : memref<128x32xf32, #tpu.memory_space<vmem>>)
      %dma_start3A_149 = arith.constant 2 : i32
      %dma_start3A_150 = arith.constant 256 : i32
      %dma_start3A_151 = arith.constant 0 : i32
      %dma_start3A_152 = tpu.memref_slice %arg9[%dma_start3A_150, %dma_start3A_151] : memref<512x32xf32, #tpu.memory_space<vmem>> -> memref<128x32xf32, #tpu.memory_space<vmem>>
      %dma_start3A_153 = arith.constant 0 : i32
      %dma_start3A_154 = tpu.memref_slice %arg8[%dma_start3A_149, %dma_start3A_153] : memref<4x128xi32, #tpu.memory_space<vmem>> -> memref<1x128xi32, #tpu.memory_space<vmem>>
      %dma_start3A_155 = tpu.memref_squeeze %dma_start3A_154 : memref<1x128xi32, #tpu.memory_space<vmem>> -> memref<128xi32, #tpu.memory_space<vmem>>
      %dma_start3A_156 = arith.constant 0 : i32
      %dma_start3A_157 = arith.constant 0 : i32
      %dma_start3A_158 = tpu.memref_slice %arg6[%dma_start3A_156, %dma_start3A_157] : memref<50176x32xf32, #tpu.memory_space<vmem_shared>> -> memref<50176x32xf32, #tpu.memory_space<vmem_shared>>
      tpu.enqueue_indirect_dma source(%dma_start3A_152 : memref<128x32xf32, #tpu.memory_space<vmem>>) target(%dma_start3A_158 : memref<50176x32xf32, #tpu.memory_space<vmem_shared>>) offsets(%dma_start3A_155 : memref<128xi32, #tpu.memory_space<vmem>>) semaphore(%arg11 : memref<!tpu.dma_semaphore, #tpu.memory_space<semaphore_mem>>) {add = true}
      %dma_wait3A_159 = arith.constant 384 : i32
      %dma_wait3A_160 = arith.constant 0 : i32
      %dma_wait3A_161 = tpu.memref_slice %arg9[%dma_wait3A_159, %dma_wait3A_160] : memref<512x32xf32, #tpu.memory_space<vmem>> -> memref<128x32xf32, #tpu.memory_space<vmem>>
      %dma_wait3A_162 = arith.constant 384 : i32
      %dma_wait3A_163 = tpu.memref_slice %arg7[%dma_wait3A_162] : memref<512xi32, #tpu.memory_space<vmem>> -> memref<128xi32, #tpu.memory_space<vmem>>
      %dma_wait3A_164 = arith.constant 0 : i32
      %dma_wait3A_165 = arith.constant 0 : i32
      %dma_wait3A_166 = tpu.memref_slice %arg2[%dma_wait3A_164, %dma_wait3A_165] : memref<100000x32xf32, #tpu.memory_space<hbm>> -> memref<100000x32xf32, #tpu.memory_space<hbm>>
      tpu.wait_indirect_dma semaphore(%arg10 : memref<!tpu.dma_semaphore, #tpu.memory_space<semaphore_mem>>) src(%dma_wait3A_166 : memref<100000x32xf32, #tpu.memory_space<hbm>>) dst(%dma_wait3A_161 : memref<128x32xf32, #tpu.memory_space<vmem>>)
      %dma_start3A_167 = arith.constant 3 : i32
      %dma_start3A_168 = arith.constant 384 : i32
      %dma_start3A_169 = arith.constant 0 : i32
      %dma_start3A_170 = tpu.memref_slice %arg9[%dma_start3A_168, %dma_start3A_169] : memref<512x32xf32, #tpu.memory_space<vmem>> -> memref<128x32xf32, #tpu.memory_space<vmem>>
      %dma_start3A_171 = arith.constant 0 : i32
      %dma_start3A_172 = tpu.memref_slice %arg8[%dma_start3A_167, %dma_start3A_171] : memref<4x128xi32, #tpu.memory_space<vmem>> -> memref<1x128xi32, #tpu.memory_space<vmem>>
      %dma_start3A_173 = tpu.memref_squeeze %dma_start3A_172 : memref<1x128xi32, #tpu.memory_space<vmem>> -> memref<128xi32, #tpu.memory_space<vmem>>
      %dma_start3A_174 = arith.constant 0 : i32
      %dma_start3A_175 = arith.constant 0 : i32
      %dma_start3A_176 = tpu.memref_slice %arg6[%dma_start3A_174, %dma_start3A_175] : memref<50176x32xf32, #tpu.memory_space<vmem_shared>> -> memref<50176x32xf32, #tpu.memory_space<vmem_shared>>
      tpu.enqueue_indirect_dma source(%dma_start3A_170 : memref<128x32xf32, #tpu.memory_space<vmem>>) target(%dma_start3A_176 : memref<50176x32xf32, #tpu.memory_space<vmem_shared>>) offsets(%dma_start3A_173 : memref<128xi32, #tpu.memory_space<vmem>>) semaphore(%arg11 : memref<!tpu.dma_semaphore, #tpu.memory_space<semaphore_mem>>) {add = true}
      %dma_wait3A_177 = arith.constant 0 : i32
      %dma_wait3A_178 = arith.constant 0 : i32
      %dma_wait3A_179 = arith.constant 0 : i32
      %dma_wait3A_180 = tpu.memref_slice %arg9[%dma_wait3A_178, %dma_wait3A_179] : memref<512x32xf32, #tpu.memory_space<vmem>> -> memref<128x32xf32, #tpu.memory_space<vmem>>
      %dma_wait3A_181 = arith.constant 0 : i32
      %dma_wait3A_182 = tpu.memref_slice %arg8[%dma_wait3A_177, %dma_wait3A_181] : memref<4x128xi32, #tpu.memory_space<vmem>> -> memref<1x128xi32, #tpu.memory_space<vmem>>
      %dma_wait3A_183 = tpu.memref_squeeze %dma_wait3A_182 : memref<1x128xi32, #tpu.memory_space<vmem>> -> memref<128xi32, #tpu.memory_space<vmem>>
      %dma_wait3A_184 = arith.constant 0 : i32
      %dma_wait3A_185 = arith.constant 0 : i32
      %dma_wait3A_186 = tpu.memref_slice %arg6[%dma_wait3A_184, %dma_wait3A_185] : memref<50176x32xf32, #tpu.memory_space<vmem_shared>> -> memref<50176x32xf32, #tpu.memory_space<vmem_shared>>
      tpu.wait_indirect_dma semaphore(%arg11 : memref<!tpu.dma_semaphore, #tpu.memory_space<semaphore_mem>>) src(%dma_wait3A_180 : memref<128x32xf32, #tpu.memory_space<vmem>>) dst(%dma_wait3A_186 : memref<50176x32xf32, #tpu.memory_space<vmem_shared>>)
      %dma_wait3A_187 = arith.constant 1 : i32
      %dma_wait3A_188 = arith.constant 128 : i32
      %dma_wait3A_189 = arith.constant 0 : i32
      %dma_wait3A_190 = tpu.memref_slice %arg9[%dma_wait3A_188, %dma_wait3A_189] : memref<512x32xf32, #tpu.memory_space<vmem>> -> memref<128x32xf32, #tpu.memory_space<vmem>>
      %dma_wait3A_191 = arith.constant 0 : i32
      %dma_wait3A_192 = tpu.memref_slice %arg8[%dma_wait3A_187, %dma_wait3A_191] : memref<4x128xi32, #tpu.memory_space<vmem>> -> memref<1x128xi32, #tpu.memory_space<vmem>>
      %dma_wait3A_193 = tpu.memref_squeeze %dma_wait3A_192 : memref<1x128xi32, #tpu.memory_space<vmem>> -> memref<128xi32, #tpu.memory_space<vmem>>
      %dma_wait3A_194 = arith.constant 0 : i32
      %dma_wait3A_195 = arith.constant 0 : i32
      %dma_wait3A_196 = tpu.memref_slice %arg6[%dma_wait3A_194, %dma_wait3A_195] : memref<50176x32xf32, #tpu.memory_space<vmem_shared>> -> memref<50176x32xf32, #tpu.memory_space<vmem_shared>>
      tpu.wait_indirect_dma semaphore(%arg11 : memref<!tpu.dma_semaphore, #tpu.memory_space<semaphore_mem>>) src(%dma_wait3A_190 : memref<128x32xf32, #tpu.memory_space<vmem>>) dst(%dma_wait3A_196 : memref<50176x32xf32, #tpu.memory_space<vmem_shared>>)
      %dma_wait3A_197 = arith.constant 2 : i32
      %dma_wait3A_198 = arith.constant 256 : i32
      %dma_wait3A_199 = arith.constant 0 : i32
      %dma_wait3A_200 = tpu.memref_slice %arg9[%dma_wait3A_198, %dma_wait3A_199] : memref<512x32xf32, #tpu.memory_space<vmem>> -> memref<128x32xf32, #tpu.memory_space<vmem>>
      %dma_wait3A_201 = arith.constant 0 : i32
      %dma_wait3A_202 = tpu.memref_slice %arg8[%dma_wait3A_197, %dma_wait3A_201] : memref<4x128xi32, #tpu.memory_space<vmem>> -> memref<1x128xi32, #tpu.memory_space<vmem>>
      %dma_wait3A_203 = tpu.memref_squeeze %dma_wait3A_202 : memref<1x128xi32, #tpu.memory_space<vmem>> -> memref<128xi32, #tpu.memory_space<vmem>>
      %dma_wait3A_204 = arith.constant 0 : i32
      %dma_wait3A_205 = arith.constant 0 : i32
      %dma_wait3A_206 = tpu.memref_slice %arg6[%dma_wait3A_204, %dma_wait3A_205] : memref<50176x32xf32, #tpu.memory_space<vmem_shared>> -> memref<50176x32xf32, #tpu.memory_space<vmem_shared>>
      tpu.wait_indirect_dma semaphore(%arg11 : memref<!tpu.dma_semaphore, #tpu.memory_space<semaphore_mem>>) src(%dma_wait3A_200 : memref<128x32xf32, #tpu.memory_space<vmem>>) dst(%dma_wait3A_206 : memref<50176x32xf32, #tpu.memory_space<vmem_shared>>)
      %dma_wait3A_207 = arith.constant 3 : i32
      %dma_wait3A_208 = arith.constant 384 : i32
      %dma_wait3A_209 = arith.constant 0 : i32
      %dma_wait3A_210 = tpu.memref_slice %arg9[%dma_wait3A_208, %dma_wait3A_209] : memref<512x32xf32, #tpu.memory_space<vmem>> -> memref<128x32xf32, #tpu.memory_space<vmem>>
      %dma_wait3A_211 = arith.constant 0 : i32
      %dma_wait3A_212 = tpu.memref_slice %arg8[%dma_wait3A_207, %dma_wait3A_211] : memref<4x128xi32, #tpu.memory_space<vmem>> -> memref<1x128xi32, #tpu.memory_space<vmem>>
      %dma_wait3A_213 = tpu.memref_squeeze %dma_wait3A_212 : memref<1x128xi32, #tpu.memory_space<vmem>> -> memref<128xi32, #tpu.memory_space<vmem>>
      %dma_wait3A_214 = arith.constant 0 : i32
      %dma_wait3A_215 = arith.constant 0 : i32
      %dma_wait3A_216 = tpu.memref_slice %arg6[%dma_wait3A_214, %dma_wait3A_215] : memref<50176x32xf32, #tpu.memory_space<vmem_shared>> -> memref<50176x32xf32, #tpu.memory_space<vmem_shared>>
      tpu.wait_indirect_dma semaphore(%arg11 : memref<!tpu.dma_semaphore, #tpu.memory_space<semaphore_mem>>) src(%dma_wait3A_210 : memref<128x32xf32, #tpu.memory_space<vmem>>) dst(%dma_wait3A_216 : memref<50176x32xf32, #tpu.memory_space<vmem_shared>>)
    }
    %scan3A_45 = arith.constant 98 : i32
    %barrier3A_46 = arith.constant 0 : index
    tpu.barrier barrier_id(%barrier3A_46)
    %mul3A_47 = arith.constant 3125 : i32
    %mul3A_48 = arith.muli %arg1, %mul3A_47 : i32
    %mul3A_49 = arith.constant 50000 : i32
    %mul3A_50 = arith.muli %arg0, %mul3A_49 : i32
    %add3A_51 = arith.addi %mul3A_50, %mul3A_48 : i32
    %add3A_52 = arith.constant 0 : i32
    %add3A_53 = arith.addi %mul3A_48, %add3A_52 : i32
    %add3A_54 = arith.constant 0 : i32
    %add3A_55 = arith.addi %add3A_51, %add3A_54 : i32
    "tpu.region"() ({
      %run_scoped3A = tpu.sem_alloc : memref<!tpu.dma_semaphore, #tpu.memory_space<semaphore_mem>>
      %dma_start3A = arith.constant 0 : i32
      %dma_start3A_68 = tpu.memref_slice %arg5[%add3A_55, %dma_start3A] : memref<100000x32xf32, #tpu.memory_space<hbm>> -> memref<1024x32xf32, #tpu.memory_space<hbm>>
      %dma_start3A_69 = arith.constant 0 : i32
      %dma_start3A_70 = tpu.memref_slice %arg6[%add3A_53, %dma_start3A_69] : memref<50176x32xf32, #tpu.memory_space<vmem_shared>> -> memref<1024x32xf32, #tpu.memory_space<vmem_shared>>
      tpu.enqueue_dma source(%dma_start3A_70 : memref<1024x32xf32, #tpu.memory_space<vmem_shared>>) target(%dma_start3A_68 : memref<1024x32xf32, #tpu.memory_space<hbm>>) target_semaphore(%run_scoped3A : memref<!tpu.dma_semaphore, #tpu.memory_space<semaphore_mem>>)
      %dma_wait3A = arith.constant 0 : i32
      %dma_wait3A_71 = tpu.memref_slice %arg5[%add3A_55, %dma_wait3A] : memref<100000x32xf32, #tpu.memory_space<hbm>> -> memref<1024x32xf32, #tpu.memory_space<hbm>>
      %dma_wait3A_72 = arith.constant 0 : i32
      %dma_wait3A_73 = tpu.memref_slice %arg6[%add3A_53, %dma_wait3A_72] : memref<50176x32xf32, #tpu.memory_space<vmem_shared>> -> memref<1024x32xf32, #tpu.memory_space<vmem_shared>>
      tpu.wait_dma2 semaphore(%run_scoped3A : memref<!tpu.dma_semaphore, #tpu.memory_space<semaphore_mem>>) src(%dma_wait3A_73 : memref<1024x32xf32, #tpu.memory_space<vmem_shared>>) dst(%dma_wait3A_71 : memref<1024x32xf32, #tpu.memory_space<hbm>>)
      tpu.yield
    }) : () -> ()
    %add3A_56 = arith.constant 1024 : i32
    %add3A_57 = arith.addi %mul3A_48, %add3A_56 : i32
    %add3A_58 = arith.constant 1024 : i32
    %add3A_59 = arith.addi %add3A_51, %add3A_58 : i32
    "tpu.region"() ({
      %run_scoped3A = tpu.sem_alloc : memref<!tpu.dma_semaphore, #tpu.memory_space<semaphore_mem>>
      %dma_start3A = arith.constant 0 : i32
      %dma_start3A_68 = tpu.memref_slice %arg5[%add3A_59, %dma_start3A] : memref<100000x32xf32, #tpu.memory_space<hbm>> -> memref<1024x32xf32, #tpu.memory_space<hbm>>
      %dma_start3A_69 = arith.constant 0 : i32
      %dma_start3A_70 = tpu.memref_slice %arg6[%add3A_57, %dma_start3A_69] : memref<50176x32xf32, #tpu.memory_space<vmem_shared>> -> memref<1024x32xf32, #tpu.memory_space<vmem_shared>>
      tpu.enqueue_dma source(%dma_start3A_70 : memref<1024x32xf32, #tpu.memory_space<vmem_shared>>) target(%dma_start3A_68 : memref<1024x32xf32, #tpu.memory_space<hbm>>) target_semaphore(%run_scoped3A : memref<!tpu.dma_semaphore, #tpu.memory_space<semaphore_mem>>)
      %dma_wait3A = arith.constant 0 : i32
      %dma_wait3A_71 = tpu.memref_slice %arg5[%add3A_59, %dma_wait3A] : memref<100000x32xf32, #tpu.memory_space<hbm>> -> memref<1024x32xf32, #tpu.memory_space<hbm>>
      %dma_wait3A_72 = arith.constant 0 : i32
      %dma_wait3A_73 = tpu.memref_slice %arg6[%add3A_57, %dma_wait3A_72] : memref<50176x32xf32, #tpu.memory_space<vmem_shared>> -> memref<1024x32xf32, #tpu.memory_space<vmem_shared>>
      tpu.wait_dma2 semaphore(%run_scoped3A : memref<!tpu.dma_semaphore, #tpu.memory_space<semaphore_mem>>) src(%dma_wait3A_73 : memref<1024x32xf32, #tpu.memory_space<vmem_shared>>) dst(%dma_wait3A_71 : memref<1024x32xf32, #tpu.memory_space<hbm>>)
      tpu.yield
    }) : () -> ()
    %add3A_60 = arith.constant 2048 : i32
    %add3A_61 = arith.addi %mul3A_48, %add3A_60 : i32
    %add3A_62 = arith.constant 2048 : i32
    %add3A_63 = arith.addi %add3A_51, %add3A_62 : i32
    "tpu.region"() ({
      %run_scoped3A = tpu.sem_alloc : memref<!tpu.dma_semaphore, #tpu.memory_space<semaphore_mem>>
      %dma_start3A = arith.constant 0 : i32
      %dma_start3A_68 = tpu.memref_slice %arg5[%add3A_63, %dma_start3A] : memref<100000x32xf32, #tpu.memory_space<hbm>> -> memref<1024x32xf32, #tpu.memory_space<hbm>>
      %dma_start3A_69 = arith.constant 0 : i32
      %dma_start3A_70 = tpu.memref_slice %arg6[%add3A_61, %dma_start3A_69] : memref<50176x32xf32, #tpu.memory_space<vmem_shared>> -> memref<1024x32xf32, #tpu.memory_space<vmem_shared>>
      tpu.enqueue_dma source(%dma_start3A_70 : memref<1024x32xf32, #tpu.memory_space<vmem_shared>>) target(%dma_start3A_68 : memref<1024x32xf32, #tpu.memory_space<hbm>>) target_semaphore(%run_scoped3A : memref<!tpu.dma_semaphore, #tpu.memory_space<semaphore_mem>>)
      %dma_wait3A = arith.constant 0 : i32
      %dma_wait3A_71 = tpu.memref_slice %arg5[%add3A_63, %dma_wait3A] : memref<100000x32xf32, #tpu.memory_space<hbm>> -> memref<1024x32xf32, #tpu.memory_space<hbm>>
      %dma_wait3A_72 = arith.constant 0 : i32
      %dma_wait3A_73 = tpu.memref_slice %arg6[%add3A_61, %dma_wait3A_72] : memref<50176x32xf32, #tpu.memory_space<vmem_shared>> -> memref<1024x32xf32, #tpu.memory_space<vmem_shared>>
      tpu.wait_dma2 semaphore(%run_scoped3A : memref<!tpu.dma_semaphore, #tpu.memory_space<semaphore_mem>>) src(%dma_wait3A_73 : memref<1024x32xf32, #tpu.memory_space<vmem_shared>>) dst(%dma_wait3A_71 : memref<1024x32xf32, #tpu.memory_space<hbm>>)
      tpu.yield
    }) : () -> ()
    %add3A_64 = arith.constant 3072 : i32
    %add3A_65 = arith.addi %mul3A_48, %add3A_64 : i32
    %add3A_66 = arith.constant 3072 : i32
    %add3A_67 = arith.addi %add3A_51, %add3A_66 : i32
    "tpu.region"() ({
      %run_scoped3A = tpu.sem_alloc : memref<!tpu.dma_semaphore, #tpu.memory_space<semaphore_mem>>
      %dma_start3A = arith.constant 0 : i32
      %dma_start3A_68 = tpu.memref_slice %arg5[%add3A_67, %dma_start3A] : memref<100000x32xf32, #tpu.memory_space<hbm>> -> memref<53x32xf32, #tpu.memory_space<hbm>>
      %dma_start3A_69 = arith.constant 0 : i32
      %dma_start3A_70 = tpu.memref_slice %arg6[%add3A_65, %dma_start3A_69] : memref<50176x32xf32, #tpu.memory_space<vmem_shared>> -> memref<53x32xf32, #tpu.memory_space<vmem_shared>>
      tpu.enqueue_dma source(%dma_start3A_70 : memref<53x32xf32, #tpu.memory_space<vmem_shared>>) target(%dma_start3A_68 : memref<53x32xf32, #tpu.memory_space<hbm>>) target_semaphore(%run_scoped3A : memref<!tpu.dma_semaphore, #tpu.memory_space<semaphore_mem>>)
      %dma_wait3A = arith.constant 0 : i32
      %dma_wait3A_71 = tpu.memref_slice %arg5[%add3A_67, %dma_wait3A] : memref<100000x32xf32, #tpu.memory_space<hbm>> -> memref<53x32xf32, #tpu.memory_space<hbm>>
      %dma_wait3A_72 = arith.constant 0 : i32
      %dma_wait3A_73 = tpu.memref_slice %arg6[%add3A_65, %dma_wait3A_72] : memref<50176x32xf32, #tpu.memory_space<vmem_shared>> -> memref<53x32xf32, #tpu.memory_space<vmem_shared>>
      tpu.wait_dma2 semaphore(%run_scoped3A : memref<!tpu.dma_semaphore, #tpu.memory_space<semaphore_mem>>) src(%dma_wait3A_73 : memref<53x32xf32, #tpu.memory_space<vmem_shared>>) dst(%dma_wait3A_71 : memref<53x32xf32, #tpu.memory_space<hbm>>)
      tpu.yield
    }) : () -> ()
    return
  }
}

#map = affine_map<(d0, d1) -> (0, 0)>
#map1 = affine_map<(d0, d1) -> (0)>
module attributes {stable_mosaic.version = 14 : i64} {
  func.func @_sc_segsum16et(%arg0: i32, %arg1: i32, %arg2: memref<100000x16xf32, #tpu.memory_space<hbm>>, %arg3: memref<1605632xi32, #tpu.memory_space<hbm>>, %arg4: memref<6272x128xi32, #tpu.memory_space<hbm>>, %arg5: memref<800000x8xf32, #tpu.memory_space<hbm>>, %arg6: memref<100000x16xf32, #tpu.memory_space<hbm>>, %arg7: memref<100000x8xf32, #tpu.memory_space<hbm>>, %arg8: memref<50176x16xf32, #tpu.memory_space<vmem_shared>>, %arg9: memref<50176x8xf32, #tpu.memory_space<vmem_shared>>, %arg10: memref<1024xi32, #tpu.memory_space<vmem>>, %arg11: memref<8x128xi32, #tpu.memory_space<vmem>>, %arg12: memref<1024x16xf32, #tpu.memory_space<vmem>>, %arg13: memref<1024x8xf32, #tpu.memory_space<vmem>>, %arg14: memref<!tpu.dma_semaphore, #tpu.memory_space<semaphore_mem>>, %arg15: memref<!tpu.dma_semaphore, #tpu.memory_space<semaphore_mem>>) attributes {dimension_semantics = [#tpu.dimension_semantics<core_parallel>, #tpu.dimension_semantics<subcore_parallel>], iteration_bounds = array<i64: 2, 16>, scalar_prefetch = 0 : i64, scratch_operands = 8 : i64, tpu.core_type = #tpu.core_type<sc_vector_subcore>, window_params = [{transform_indices = #map}, {transform_indices = #map1}, {transform_indices = #map}, {transform_indices = #map}, {transform_indices = #map}, {transform_indices = #map}]} {
    %scan3A = arith.constant 0 : i32
    %scan3A_0 = arith.constant 0 : i32
    %scan3A_1 = arith.constant 1024 : i32
    %scan3A_2 = arith.addi %scan3A_0, %scan3A_1 : i32
    %scan3A_3 = arith.constant 1 : i32
    scf.for %scan3A_99 = %scan3A_0 to %scan3A_2 step %scan3A_3  : i32 {
      %broadcast_in_dim3A = arith.constant 0.000000e+00 : f32
      %broadcast_in_dim3A_100 = vector.broadcast %broadcast_in_dim3A : f32 to vector<16xf32>
      %swap3A = arith.index_cast %scan3A_99 : i32 to index
      %swap3A_101 = arith.constant 0 : index
      %swap3A_102 = tpu.vector_load %arg12[%swap3A, %swap3A_101] {strides = array<i32>} : memref<1024x16xf32, #tpu.memory_space<vmem>>, vector<1x16xf32>,
      %swap3A_103 = vector.shape_cast %swap3A_102 : vector<1x16xf32> to vector<16xf32>
      %swap3A_104 = vector.shape_cast %broadcast_in_dim3A_100 : vector<16xf32> to vector<1x16xf32>
      tpu.vector_store %arg12[%swap3A, %swap3A_101], %swap3A_104 {strides = array<i32>} : memref<1024x16xf32, #tpu.memory_space<vmem>>, vector<1x16xf32>,
    }
    %scan3A_4 = arith.constant 1024 : i32
    %mul3A = arith.constant 3136 : i32
    %mul3A_5 = arith.muli %arg1, %mul3A : i32
    %add3A = arith.constant 0 : i32
    %add3A_6 = arith.addi %mul3A_5, %add3A : i32
    "tpu.region"() ({
      %run_scoped3A = tpu.sem_alloc : memref<!tpu.dma_semaphore, #tpu.memory_space<semaphore_mem>>
      %dma_start3A = arith.constant 0 : i32
      %dma_start3A_99 = arith.constant 0 : i32
      %dma_start3A_100 = tpu.memref_slice %arg12[%dma_start3A, %dma_start3A_99] : memref<1024x16xf32, #tpu.memory_space<vmem>> -> memref<1024x16xf32, #tpu.memory_space<vmem>>
      %dma_start3A_101 = arith.constant 0 : i32
      %dma_start3A_102 = tpu.memref_slice %arg8[%add3A_6, %dma_start3A_101] : memref<50176x16xf32, #tpu.memory_space<vmem_shared>> -> memref<1024x16xf32, #tpu.memory_space<vmem_shared>>
      %dma_start3A_103 = arith.constant 0 : i32
      %dma_start3A_104 = tpu.memref_slice %arg8[%add3A_6, %dma_start3A_103] : memref<50176x16xf32, #tpu.memory_space<vmem_shared>> -> memref<1024x16xf32, #tpu.memory_space<vmem_shared>>
      %dma_start3A_105 = arith.constant 0 : i32
      %dma_start3A_106 = arith.constant 0 : i32
      %dma_start3A_107 = tpu.memref_slice %arg12[%dma_start3A_105, %dma_start3A_106] : memref<1024x16xf32, #tpu.memory_space<vmem>> -> memref<1024x16xf32, #tpu.memory_space<vmem>>
      tpu.enqueue_dma source(%dma_start3A_107 : memref<1024x16xf32, #tpu.memory_space<vmem>>) target(%dma_start3A_104 : memref<1024x16xf32, #tpu.memory_space<vmem_shared>>) target_semaphore(%run_scoped3A : memref<!tpu.dma_semaphore, #tpu.memory_space<semaphore_mem>>)
      %dma_wait3A = arith.constant 0 : i32
      %dma_wait3A_108 = arith.constant 0 : i32
      %dma_wait3A_109 = tpu.memref_slice %arg12[%dma_wait3A, %dma_wait3A_108] : memref<1024x16xf32, #tpu.memory_space<vmem>> -> memref<1024x16xf32, #tpu.memory_space<vmem>>
      %dma_wait3A_110 = arith.constant 0 : i32
      %dma_wait3A_111 = tpu.memref_slice %arg8[%add3A_6, %dma_wait3A_110] : memref<50176x16xf32, #tpu.memory_space<vmem_shared>> -> memref<1024x16xf32, #tpu.memory_space<vmem_shared>>
      %dma_wait3A_112 = arith.constant 0 : i32
      %dma_wait3A_113 = tpu.memref_slice %arg8[%add3A_6, %dma_wait3A_112] : memref<50176x16xf32, #tpu.memory_space<vmem_shared>> -> memref<1024x16xf32, #tpu.memory_space<vmem_shared>>
      %dma_wait3A_114 = arith.constant 0 : i32
      %dma_wait3A_115 = arith.constant 0 : i32
      %dma_wait3A_116 = tpu.memref_slice %arg12[%dma_wait3A_114, %dma_wait3A_115] : memref<1024x16xf32, #tpu.memory_space<vmem>> -> memref<1024x16xf32, #tpu.memory_space<vmem>>
      tpu.wait_dma2 semaphore(%run_scoped3A : memref<!tpu.dma_semaphore, #tpu.memory_space<semaphore_mem>>) src(%dma_wait3A_116 : memref<1024x16xf32, #tpu.memory_space<vmem>>) dst(%dma_wait3A_113 : memref<1024x16xf32, #tpu.memory_space<vmem_shared>>)
      tpu.yield
    }) : () -> ()
    %add3A_7 = arith.constant 1024 : i32
    %add3A_8 = arith.addi %mul3A_5, %add3A_7 : i32
    "tpu.region"() ({
      %run_scoped3A = tpu.sem_alloc : memref<!tpu.dma_semaphore, #tpu.memory_space<semaphore_mem>>
      %dma_start3A = arith.constant 0 : i32
      %dma_start3A_99 = arith.constant 0 : i32
      %dma_start3A_100 = tpu.memref_slice %arg12[%dma_start3A, %dma_start3A_99] : memref<1024x16xf32, #tpu.memory_space<vmem>> -> memref<1024x16xf32, #tpu.memory_space<vmem>>
      %dma_start3A_101 = arith.constant 0 : i32
      %dma_start3A_102 = tpu.memref_slice %arg8[%add3A_8, %dma_start3A_101] : memref<50176x16xf32, #tpu.memory_space<vmem_shared>> -> memref<1024x16xf32, #tpu.memory_space<vmem_shared>>
      %dma_start3A_103 = arith.constant 0 : i32
      %dma_start3A_104 = tpu.memref_slice %arg8[%add3A_8, %dma_start3A_103] : memref<50176x16xf32, #tpu.memory_space<vmem_shared>> -> memref<1024x16xf32, #tpu.memory_space<vmem_shared>>
      %dma_start3A_105 = arith.constant 0 : i32
      %dma_start3A_106 = arith.constant 0 : i32
      %dma_start3A_107 = tpu.memref_slice %arg12[%dma_start3A_105, %dma_start3A_106] : memref<1024x16xf32, #tpu.memory_space<vmem>> -> memref<1024x16xf32, #tpu.memory_space<vmem>>
      tpu.enqueue_dma source(%dma_start3A_107 : memref<1024x16xf32, #tpu.memory_space<vmem>>) target(%dma_start3A_104 : memref<1024x16xf32, #tpu.memory_space<vmem_shared>>) target_semaphore(%run_scoped3A : memref<!tpu.dma_semaphore, #tpu.memory_space<semaphore_mem>>)
      %dma_wait3A = arith.constant 0 : i32
      %dma_wait3A_108 = arith.constant 0 : i32
      %dma_wait3A_109 = tpu.memref_slice %arg12[%dma_wait3A, %dma_wait3A_108] : memref<1024x16xf32, #tpu.memory_space<vmem>> -> memref<1024x16xf32, #tpu.memory_space<vmem>>
      %dma_wait3A_110 = arith.constant 0 : i32
      %dma_wait3A_111 = tpu.memref_slice %arg8[%add3A_8, %dma_wait3A_110] : memref<50176x16xf32, #tpu.memory_space<vmem_shared>> -> memref<1024x16xf32, #tpu.memory_space<vmem_shared>>
      %dma_wait3A_112 = arith.constant 0 : i32
      %dma_wait3A_113 = tpu.memref_slice %arg8[%add3A_8, %dma_wait3A_112] : memref<50176x16xf32, #tpu.memory_space<vmem_shared>> -> memref<1024x16xf32, #tpu.memory_space<vmem_shared>>
      %dma_wait3A_114 = arith.constant 0 : i32
      %dma_wait3A_115 = arith.constant 0 : i32
      %dma_wait3A_116 = tpu.memref_slice %arg12[%dma_wait3A_114, %dma_wait3A_115] : memref<1024x16xf32, #tpu.memory_space<vmem>> -> memref<1024x16xf32, #tpu.memory_space<vmem>>
      tpu.wait_dma2 semaphore(%run_scoped3A : memref<!tpu.dma_semaphore, #tpu.memory_space<semaphore_mem>>) src(%dma_wait3A_116 : memref<1024x16xf32, #tpu.memory_space<vmem>>) dst(%dma_wait3A_113 : memref<1024x16xf32, #tpu.memory_space<vmem_shared>>)
      tpu.yield
    }) : () -> ()
    %add3A_9 = arith.constant 2048 : i32
    %add3A_10 = arith.addi %mul3A_5, %add3A_9 : i32
    "tpu.region"() ({
      %run_scoped3A = tpu.sem_alloc : memref<!tpu.dma_semaphore, #tpu.memory_space<semaphore_mem>>
      %dma_start3A = arith.constant 0 : i32
      %dma_start3A_99 = arith.constant 0 : i32
      %dma_start3A_100 = tpu.memref_slice %arg12[%dma_start3A, %dma_start3A_99] : memref<1024x16xf32, #tpu.memory_space<vmem>> -> memref<1024x16xf32, #tpu.memory_space<vmem>>
      %dma_start3A_101 = arith.constant 0 : i32
      %dma_start3A_102 = tpu.memref_slice %arg8[%add3A_10, %dma_start3A_101] : memref<50176x16xf32, #tpu.memory_space<vmem_shared>> -> memref<1024x16xf32, #tpu.memory_space<vmem_shared>>
      %dma_start3A_103 = arith.constant 0 : i32
      %dma_start3A_104 = tpu.memref_slice %arg8[%add3A_10, %dma_start3A_103] : memref<50176x16xf32, #tpu.memory_space<vmem_shared>> -> memref<1024x16xf32, #tpu.memory_space<vmem_shared>>
      %dma_start3A_105 = arith.constant 0 : i32
      %dma_start3A_106 = arith.constant 0 : i32
      %dma_start3A_107 = tpu.memref_slice %arg12[%dma_start3A_105, %dma_start3A_106] : memref<1024x16xf32, #tpu.memory_space<vmem>> -> memref<1024x16xf32, #tpu.memory_space<vmem>>
      tpu.enqueue_dma source(%dma_start3A_107 : memref<1024x16xf32, #tpu.memory_space<vmem>>) target(%dma_start3A_104 : memref<1024x16xf32, #tpu.memory_space<vmem_shared>>) target_semaphore(%run_scoped3A : memref<!tpu.dma_semaphore, #tpu.memory_space<semaphore_mem>>)
      %dma_wait3A = arith.constant 0 : i32
      %dma_wait3A_108 = arith.constant 0 : i32
      %dma_wait3A_109 = tpu.memref_slice %arg12[%dma_wait3A, %dma_wait3A_108] : memref<1024x16xf32, #tpu.memory_space<vmem>> -> memref<1024x16xf32, #tpu.memory_space<vmem>>
      %dma_wait3A_110 = arith.constant 0 : i32
      %dma_wait3A_111 = tpu.memref_slice %arg8[%add3A_10, %dma_wait3A_110] : memref<50176x16xf32, #tpu.memory_space<vmem_shared>> -> memref<1024x16xf32, #tpu.memory_space<vmem_shared>>
      %dma_wait3A_112 = arith.constant 0 : i32
      %dma_wait3A_113 = tpu.memref_slice %arg8[%add3A_10, %dma_wait3A_112] : memref<50176x16xf32, #tpu.memory_space<vmem_shared>> -> memref<1024x16xf32, #tpu.memory_space<vmem_shared>>
      %dma_wait3A_114 = arith.constant 0 : i32
      %dma_wait3A_115 = arith.constant 0 : i32
      %dma_wait3A_116 = tpu.memref_slice %arg12[%dma_wait3A_114, %dma_wait3A_115] : memref<1024x16xf32, #tpu.memory_space<vmem>> -> memref<1024x16xf32, #tpu.memory_space<vmem>>
      tpu.wait_dma2 semaphore(%run_scoped3A : memref<!tpu.dma_semaphore, #tpu.memory_space<semaphore_mem>>) src(%dma_wait3A_116 : memref<1024x16xf32, #tpu.memory_space<vmem>>) dst(%dma_wait3A_113 : memref<1024x16xf32, #tpu.memory_space<vmem_shared>>)
      tpu.yield
    }) : () -> ()
    %add3A_11 = arith.constant 3072 : i32
    %add3A_12 = arith.addi %mul3A_5, %add3A_11 : i32
    "tpu.region"() ({
      %run_scoped3A = tpu.sem_alloc : memref<!tpu.dma_semaphore, #tpu.memory_space<semaphore_mem>>
      %dma_start3A = arith.constant 0 : i32
      %dma_start3A_99 = arith.constant 0 : i32
      %dma_start3A_100 = tpu.memref_slice %arg12[%dma_start3A, %dma_start3A_99] : memref<1024x16xf32, #tpu.memory_space<vmem>> -> memref<64x16xf32, #tpu.memory_space<vmem>>
      %dma_start3A_101 = arith.constant 0 : i32
      %dma_start3A_102 = tpu.memref_slice %arg8[%add3A_12, %dma_start3A_101] : memref<50176x16xf32, #tpu.memory_space<vmem_shared>> -> memref<64x16xf32, #tpu.memory_space<vmem_shared>>
      %dma_start3A_103 = arith.constant 0 : i32
      %dma_start3A_104 = tpu.memref_slice %arg8[%add3A_12, %dma_start3A_103] : memref<50176x16xf32, #tpu.memory_space<vmem_shared>> -> memref<64x16xf32, #tpu.memory_space<vmem_shared>>
      %dma_start3A_105 = arith.constant 0 : i32
      %dma_start3A_106 = arith.constant 0 : i32
      %dma_start3A_107 = tpu.memref_slice %arg12[%dma_start3A_105, %dma_start3A_106] : memref<1024x16xf32, #tpu.memory_space<vmem>> -> memref<64x16xf32, #tpu.memory_space<vmem>>
      tpu.enqueue_dma source(%dma_start3A_107 : memref<64x16xf32, #tpu.memory_space<vmem>>) target(%dma_start3A_104 : memref<64x16xf32, #tpu.memory_space<vmem_shared>>) target_semaphore(%run_scoped3A : memref<!tpu.dma_semaphore, #tpu.memory_space<semaphore_mem>>)
      %dma_wait3A = arith.constant 0 : i32
      %dma_wait3A_108 = arith.constant 0 : i32
      %dma_wait3A_109 = tpu.memref_slice %arg12[%dma_wait3A, %dma_wait3A_108] : memref<1024x16xf32, #tpu.memory_space<vmem>> -> memref<64x16xf32, #tpu.memory_space<vmem>>
      %dma_wait3A_110 = arith.constant 0 : i32
      %dma_wait3A_111 = tpu.memref_slice %arg8[%add3A_12, %dma_wait3A_110] : memref<50176x16xf32, #tpu.memory_space<vmem_shared>> -> memref<64x16xf32, #tpu.memory_space<vmem_shared>>
      %dma_wait3A_112 = arith.constant 0 : i32
      %dma_wait3A_113 = tpu.memref_slice %arg8[%add3A_12, %dma_wait3A_112] : memref<50176x16xf32, #tpu.memory_space<vmem_shared>> -> memref<64x16xf32, #tpu.memory_space<vmem_shared>>
      %dma_wait3A_114 = arith.constant 0 : i32
      %dma_wait3A_115 = arith.constant 0 : i32
      %dma_wait3A_116 = tpu.memref_slice %arg12[%dma_wait3A_114, %dma_wait3A_115] : memref<1024x16xf32, #tpu.memory_space<vmem>> -> memref<64x16xf32, #tpu.memory_space<vmem>>
      tpu.wait_dma2 semaphore(%run_scoped3A : memref<!tpu.dma_semaphore, #tpu.memory_space<semaphore_mem>>) src(%dma_wait3A_116 : memref<64x16xf32, #tpu.memory_space<vmem>>) dst(%dma_wait3A_113 : memref<64x16xf32, #tpu.memory_space<vmem_shared>>)
      tpu.yield
    }) : () -> ()
    %scan3A_13 = arith.constant 0 : i32
    %scan3A_14 = arith.constant 0 : i32
    %scan3A_15 = arith.constant 1024 : i32
    %scan3A_16 = arith.addi %scan3A_14, %scan3A_15 : i32
    %scan3A_17 = arith.constant 1 : i32
    scf.for %scan3A_99 = %scan3A_14 to %scan3A_16 step %scan3A_17  : i32 {
      %broadcast_in_dim3A = arith.constant 0.000000e+00 : f32
      %broadcast_in_dim3A_100 = vector.broadcast %broadcast_in_dim3A : f32 to vector<8xf32>
      %swap3A = arith.index_cast %scan3A_99 : i32 to index
      %swap3A_101 = arith.constant 0 : index
      %swap3A_102 = tpu.vector_load %arg13[%swap3A, %swap3A_101] {strides = array<i32>} : memref<1024x8xf32, #tpu.memory_space<vmem>>, vector<1x8xf32>,
      %swap3A_103 = vector.shape_cast %swap3A_102 : vector<1x8xf32> to vector<8xf32>
      %swap3A_104 = vector.shape_cast %broadcast_in_dim3A_100 : vector<8xf32> to vector<1x8xf32>
      tpu.vector_store %arg13[%swap3A, %swap3A_101], %swap3A_104 {strides = array<i32>} : memref<1024x8xf32, #tpu.memory_space<vmem>>, vector<1x8xf32>,
    }
    %scan3A_18 = arith.constant 1024 : i32
    %mul3A_19 = arith.constant 3136 : i32
    %mul3A_20 = arith.muli %arg1, %mul3A_19 : i32
    %add3A_21 = arith.constant 0 : i32
    %add3A_22 = arith.addi %mul3A_20, %add3A_21 : i32
    "tpu.region"() ({
      %run_scoped3A = tpu.sem_alloc : memref<!tpu.dma_semaphore, #tpu.memory_space<semaphore_mem>>
      %dma_start3A = arith.constant 0 : i32
      %dma_start3A_99 = arith.constant 0 : i32
      %dma_start3A_100 = tpu.memref_slice %arg13[%dma_start3A, %dma_start3A_99] : memref<1024x8xf32, #tpu.memory_space<vmem>> -> memref<1024x8xf32, #tpu.memory_space<vmem>>
      %dma_start3A_101 = arith.constant 0 : i32
      %dma_start3A_102 = tpu.memref_slice %arg9[%add3A_22, %dma_start3A_101] : memref<50176x8xf32, #tpu.memory_space<vmem_shared>> -> memref<1024x8xf32, #tpu.memory_space<vmem_shared>>
      %dma_start3A_103 = arith.constant 0 : i32
      %dma_start3A_104 = tpu.memref_slice %arg9[%add3A_22, %dma_start3A_103] : memref<50176x8xf32, #tpu.memory_space<vmem_shared>> -> memref<1024x8xf32, #tpu.memory_space<vmem_shared>>
      %dma_start3A_105 = arith.constant 0 : i32
      %dma_start3A_106 = arith.constant 0 : i32
      %dma_start3A_107 = tpu.memref_slice %arg13[%dma_start3A_105, %dma_start3A_106] : memref<1024x8xf32, #tpu.memory_space<vmem>> -> memref<1024x8xf32, #tpu.memory_space<vmem>>
      tpu.enqueue_dma source(%dma_start3A_107 : memref<1024x8xf32, #tpu.memory_space<vmem>>) target(%dma_start3A_104 : memref<1024x8xf32, #tpu.memory_space<vmem_shared>>) target_semaphore(%run_scoped3A : memref<!tpu.dma_semaphore, #tpu.memory_space<semaphore_mem>>)
      %dma_wait3A = arith.constant 0 : i32
      %dma_wait3A_108 = arith.constant 0 : i32
      %dma_wait3A_109 = tpu.memref_slice %arg13[%dma_wait3A, %dma_wait3A_108] : memref<1024x8xf32, #tpu.memory_space<vmem>> -> memref<1024x8xf32, #tpu.memory_space<vmem>>
      %dma_wait3A_110 = arith.constant 0 : i32
      %dma_wait3A_111 = tpu.memref_slice %arg9[%add3A_22, %dma_wait3A_110] : memref<50176x8xf32, #tpu.memory_space<vmem_shared>> -> memref<1024x8xf32, #tpu.memory_space<vmem_shared>>
      %dma_wait3A_112 = arith.constant 0 : i32
      %dma_wait3A_113 = tpu.memref_slice %arg9[%add3A_22, %dma_wait3A_112] : memref<50176x8xf32, #tpu.memory_space<vmem_shared>> -> memref<1024x8xf32, #tpu.memory_space<vmem_shared>>
      %dma_wait3A_114 = arith.constant 0 : i32
      %dma_wait3A_115 = arith.constant 0 : i32
      %dma_wait3A_116 = tpu.memref_slice %arg13[%dma_wait3A_114, %dma_wait3A_115] : memref<1024x8xf32, #tpu.memory_space<vmem>> -> memref<1024x8xf32, #tpu.memory_space<vmem>>
      tpu.wait_dma2 semaphore(%run_scoped3A : memref<!tpu.dma_semaphore, #tpu.memory_space<semaphore_mem>>) src(%dma_wait3A_116 : memref<1024x8xf32, #tpu.memory_space<vmem>>) dst(%dma_wait3A_113 : memref<1024x8xf32, #tpu.memory_space<vmem_shared>>)
      tpu.yield
    }) : () -> ()
    %add3A_23 = arith.constant 1024 : i32
    %add3A_24 = arith.addi %mul3A_20, %add3A_23 : i32
    "tpu.region"() ({
      %run_scoped3A = tpu.sem_alloc : memref<!tpu.dma_semaphore, #tpu.memory_space<semaphore_mem>>
      %dma_start3A = arith.constant 0 : i32
      %dma_start3A_99 = arith.constant 0 : i32
      %dma_start3A_100 = tpu.memref_slice %arg13[%dma_start3A, %dma_start3A_99] : memref<1024x8xf32, #tpu.memory_space<vmem>> -> memref<1024x8xf32, #tpu.memory_space<vmem>>
      %dma_start3A_101 = arith.constant 0 : i32
      %dma_start3A_102 = tpu.memref_slice %arg9[%add3A_24, %dma_start3A_101] : memref<50176x8xf32, #tpu.memory_space<vmem_shared>> -> memref<1024x8xf32, #tpu.memory_space<vmem_shared>>
      %dma_start3A_103 = arith.constant 0 : i32
      %dma_start3A_104 = tpu.memref_slice %arg9[%add3A_24, %dma_start3A_103] : memref<50176x8xf32, #tpu.memory_space<vmem_shared>> -> memref<1024x8xf32, #tpu.memory_space<vmem_shared>>
      %dma_start3A_105 = arith.constant 0 : i32
      %dma_start3A_106 = arith.constant 0 : i32
      %dma_start3A_107 = tpu.memref_slice %arg13[%dma_start3A_105, %dma_start3A_106] : memref<1024x8xf32, #tpu.memory_space<vmem>> -> memref<1024x8xf32, #tpu.memory_space<vmem>>
      tpu.enqueue_dma source(%dma_start3A_107 : memref<1024x8xf32, #tpu.memory_space<vmem>>) target(%dma_start3A_104 : memref<1024x8xf32, #tpu.memory_space<vmem_shared>>) target_semaphore(%run_scoped3A : memref<!tpu.dma_semaphore, #tpu.memory_space<semaphore_mem>>)
      %dma_wait3A = arith.constant 0 : i32
      %dma_wait3A_108 = arith.constant 0 : i32
      %dma_wait3A_109 = tpu.memref_slice %arg13[%dma_wait3A, %dma_wait3A_108] : memref<1024x8xf32, #tpu.memory_space<vmem>> -> memref<1024x8xf32, #tpu.memory_space<vmem>>
      %dma_wait3A_110 = arith.constant 0 : i32
      %dma_wait3A_111 = tpu.memref_slice %arg9[%add3A_24, %dma_wait3A_110] : memref<50176x8xf32, #tpu.memory_space<vmem_shared>> -> memref<1024x8xf32, #tpu.memory_space<vmem_shared>>
      %dma_wait3A_112 = arith.constant 0 : i32
      %dma_wait3A_113 = tpu.memref_slice %arg9[%add3A_24, %dma_wait3A_112] : memref<50176x8xf32, #tpu.memory_space<vmem_shared>> -> memref<1024x8xf32, #tpu.memory_space<vmem_shared>>
      %dma_wait3A_114 = arith.constant 0 : i32
      %dma_wait3A_115 = arith.constant 0 : i32
      %dma_wait3A_116 = tpu.memref_slice %arg13[%dma_wait3A_114, %dma_wait3A_115] : memref<1024x8xf32, #tpu.memory_space<vmem>> -> memref<1024x8xf32, #tpu.memory_space<vmem>>
      tpu.wait_dma2 semaphore(%run_scoped3A : memref<!tpu.dma_semaphore, #tpu.memory_space<semaphore_mem>>) src(%dma_wait3A_116 : memref<1024x8xf32, #tpu.memory_space<vmem>>) dst(%dma_wait3A_113 : memref<1024x8xf32, #tpu.memory_space<vmem_shared>>)
      tpu.yield
    }) : () -> ()
    %add3A_25 = arith.constant 2048 : i32
    %add3A_26 = arith.addi %mul3A_20, %add3A_25 : i32
    "tpu.region"() ({
      %run_scoped3A = tpu.sem_alloc : memref<!tpu.dma_semaphore, #tpu.memory_space<semaphore_mem>>
      %dma_start3A = arith.constant 0 : i32
      %dma_start3A_99 = arith.constant 0 : i32
      %dma_start3A_100 = tpu.memref_slice %arg13[%dma_start3A, %dma_start3A_99] : memref<1024x8xf32, #tpu.memory_space<vmem>> -> memref<1024x8xf32, #tpu.memory_space<vmem>>
      %dma_start3A_101 = arith.constant 0 : i32
      %dma_start3A_102 = tpu.memref_slice %arg9[%add3A_26, %dma_start3A_101] : memref<50176x8xf32, #tpu.memory_space<vmem_shared>> -> memref<1024x8xf32, #tpu.memory_space<vmem_shared>>
      %dma_start3A_103 = arith.constant 0 : i32
      %dma_start3A_104 = tpu.memref_slice %arg9[%add3A_26, %dma_start3A_103] : memref<50176x8xf32, #tpu.memory_space<vmem_shared>> -> memref<1024x8xf32, #tpu.memory_space<vmem_shared>>
      %dma_start3A_105 = arith.constant 0 : i32
      %dma_start3A_106 = arith.constant 0 : i32
      %dma_start3A_107 = tpu.memref_slice %arg13[%dma_start3A_105, %dma_start3A_106] : memref<1024x8xf32, #tpu.memory_space<vmem>> -> memref<1024x8xf32, #tpu.memory_space<vmem>>
      tpu.enqueue_dma source(%dma_start3A_107 : memref<1024x8xf32, #tpu.memory_space<vmem>>) target(%dma_start3A_104 : memref<1024x8xf32, #tpu.memory_space<vmem_shared>>) target_semaphore(%run_scoped3A : memref<!tpu.dma_semaphore, #tpu.memory_space<semaphore_mem>>)
      %dma_wait3A = arith.constant 0 : i32
      %dma_wait3A_108 = arith.constant 0 : i32
      %dma_wait3A_109 = tpu.memref_slice %arg13[%dma_wait3A, %dma_wait3A_108] : memref<1024x8xf32, #tpu.memory_space<vmem>> -> memref<1024x8xf32, #tpu.memory_space<vmem>>
      %dma_wait3A_110 = arith.constant 0 : i32
      %dma_wait3A_111 = tpu.memref_slice %arg9[%add3A_26, %dma_wait3A_110] : memref<50176x8xf32, #tpu.memory_space<vmem_shared>> -> memref<1024x8xf32, #tpu.memory_space<vmem_shared>>
      %dma_wait3A_112 = arith.constant 0 : i32
      %dma_wait3A_113 = tpu.memref_slice %arg9[%add3A_26, %dma_wait3A_112] : memref<50176x8xf32, #tpu.memory_space<vmem_shared>> -> memref<1024x8xf32, #tpu.memory_space<vmem_shared>>
      %dma_wait3A_114 = arith.constant 0 : i32
      %dma_wait3A_115 = arith.constant 0 : i32
      %dma_wait3A_116 = tpu.memref_slice %arg13[%dma_wait3A_114, %dma_wait3A_115] : memref<1024x8xf32, #tpu.memory_space<vmem>> -> memref<1024x8xf32, #tpu.memory_space<vmem>>
      tpu.wait_dma2 semaphore(%run_scoped3A : memref<!tpu.dma_semaphore, #tpu.memory_space<semaphore_mem>>) src(%dma_wait3A_116 : memref<1024x8xf32, #tpu.memory_space<vmem>>) dst(%dma_wait3A_113 : memref<1024x8xf32, #tpu.memory_space<vmem_shared>>)
      tpu.yield
    }) : () -> ()
    %add3A_27 = arith.constant 3072 : i32
    %add3A_28 = arith.addi %mul3A_20, %add3A_27 : i32
    "tpu.region"() ({
      %run_scoped3A = tpu.sem_alloc : memref<!tpu.dma_semaphore, #tpu.memory_space<semaphore_mem>>
      %dma_start3A = arith.constant 0 : i32
      %dma_start3A_99 = arith.constant 0 : i32
      %dma_start3A_100 = tpu.memref_slice %arg13[%dma_start3A, %dma_start3A_99] : memref<1024x8xf32, #tpu.memory_space<vmem>> -> memref<64x8xf32, #tpu.memory_space<vmem>>
      %dma_start3A_101 = arith.constant 0 : i32
      %dma_start3A_102 = tpu.memref_slice %arg9[%add3A_28, %dma_start3A_101] : memref<50176x8xf32, #tpu.memory_space<vmem_shared>> -> memref<64x8xf32, #tpu.memory_space<vmem_shared>>
      %dma_start3A_103 = arith.constant 0 : i32
      %dma_start3A_104 = tpu.memref_slice %arg9[%add3A_28, %dma_start3A_103] : memref<50176x8xf32, #tpu.memory_space<vmem_shared>> -> memref<64x8xf32, #tpu.memory_space<vmem_shared>>
      %dma_start3A_105 = arith.constant 0 : i32
      %dma_start3A_106 = arith.constant 0 : i32
      %dma_start3A_107 = tpu.memref_slice %arg13[%dma_start3A_105, %dma_start3A_106] : memref<1024x8xf32, #tpu.memory_space<vmem>> -> memref<64x8xf32, #tpu.memory_space<vmem>>
      tpu.enqueue_dma source(%dma_start3A_107 : memref<64x8xf32, #tpu.memory_space<vmem>>) target(%dma_start3A_104 : memref<64x8xf32, #tpu.memory_space<vmem_shared>>) target_semaphore(%run_scoped3A : memref<!tpu.dma_semaphore, #tpu.memory_space<semaphore_mem>>)
      %dma_wait3A = arith.constant 0 : i32
      %dma_wait3A_108 = arith.constant 0 : i32
      %dma_wait3A_109 = tpu.memref_slice %arg13[%dma_wait3A, %dma_wait3A_108] : memref<1024x8xf32, #tpu.memory_space<vmem>> -> memref<64x8xf32, #tpu.memory_space<vmem>>
      %dma_wait3A_110 = arith.constant 0 : i32
      %dma_wait3A_111 = tpu.memref_slice %arg9[%add3A_28, %dma_wait3A_110] : memref<50176x8xf32, #tpu.memory_space<vmem_shared>> -> memref<64x8xf32, #tpu.memory_space<vmem_shared>>
      %dma_wait3A_112 = arith.constant 0 : i32
      %dma_wait3A_113 = tpu.memref_slice %arg9[%add3A_28, %dma_wait3A_112] : memref<50176x8xf32, #tpu.memory_space<vmem_shared>> -> memref<64x8xf32, #tpu.memory_space<vmem_shared>>
      %dma_wait3A_114 = arith.constant 0 : i32
      %dma_wait3A_115 = arith.constant 0 : i32
      %dma_wait3A_116 = tpu.memref_slice %arg13[%dma_wait3A_114, %dma_wait3A_115] : memref<1024x8xf32, #tpu.memory_space<vmem>> -> memref<64x8xf32, #tpu.memory_space<vmem>>
      tpu.wait_dma2 semaphore(%run_scoped3A : memref<!tpu.dma_semaphore, #tpu.memory_space<semaphore_mem>>) src(%dma_wait3A_116 : memref<64x8xf32, #tpu.memory_space<vmem>>) dst(%dma_wait3A_113 : memref<64x8xf32, #tpu.memory_space<vmem_shared>>)
      tpu.yield
    }) : () -> ()
    %barrier3A = arith.constant 0 : index
    tpu.barrier barrier_id(%barrier3A)
    %mul3A_29 = arith.constant 50176 : i32
    %mul3A_30 = arith.muli %arg1, %mul3A_29 : i32
    %mul3A_31 = arith.constant 802816 : i32
    %mul3A_32 = arith.muli %arg0, %mul3A_31 : i32
    %add3A_33 = arith.addi %mul3A_32, %mul3A_30 : i32
    %jit3A = arith.constant 128 : i32
    %div3A = arith.divsi %mul3A_30, %jit3A : i32
    %sign3A = arith.constant 0 : i32
    %sign3A_34 = arith.cmpi sgt, %mul3A_30, %sign3A : i32
    %sign3A_35 = arith.extui %sign3A_34 : i1 to i32
    %sign3A_36 = arith.constant 0 : i32
    %sign3A_37 = arith.cmpi slt, %mul3A_30, %sign3A_36 : i32
    %sign3A_38 = arith.extui %sign3A_37 : i1 to i32
    %sign3A_39 = arith.subi %sign3A_35, %sign3A_38 : i32
    %sign3A_40 = arith.constant 0 : i32
    %sign3A_41 = arith.cmpi sgt, %jit3A, %sign3A_40 : i32
    %sign3A_42 = arith.extui %sign3A_41 : i1 to i32
    %sign3A_43 = arith.constant 0 : i32
    %sign3A_44 = arith.cmpi slt, %jit3A, %sign3A_43 : i32
    %sign3A_45 = arith.extui %sign3A_44 : i1 to i32
    %sign3A_46 = arith.subi %sign3A_42, %sign3A_45 : i32
    %ne3A = arith.cmpi ne, %sign3A_39, %sign3A_46 : i32
    %rem3A = arith.remsi %mul3A_30, %jit3A : i32
    %ne3A_47 = arith.constant 0 : i32
    %ne3A_48 = arith.cmpi ne, %rem3A, %ne3A_47 : i32
    %and3A = arith.andi %ne3A, %ne3A_48 : i1
    %sub3A = arith.constant 1 : i32
    %sub3A_49 = arith.subi %div3A, %sub3A : i32
    %select_n3A = arith.select %and3A, %sub3A_49, %div3A : i32
    %scan3A_50 = arith.constant 0 : i32
    %scan3A_51 = arith.constant 0 : i32
    %scan3A_52 = arith.constant 49 : i32
    %scan3A_53 = arith.addi %scan3A_51, %scan3A_52 : i32
    %scan3A_54 = arith.constant 1 : i32
    scf.for %scan3A_99 = %scan3A_51 to %scan3A_53 step %scan3A_54  : i32 {
      %mul3A_100 = arith.constant 1024 : i32
      %mul3A_101 = arith.muli %scan3A_99, %mul3A_100 : i32
      %add3A_102 = arith.addi %add3A_33, %mul3A_101 : i32
      "tpu.region"() ({
        %run_scoped3A = tpu.sem_alloc : memref<!tpu.dma_semaphore, #tpu.memory_space<semaphore_mem>>
        %dma_start3A_397 = tpu.memref_slice %arg3[%add3A_102] : memref<1605632xi32, #tpu.memory_space<hbm>> -> memref<1024xi32, #tpu.memory_space<hbm>>
        %dma_start3A_398 = tpu.memref_slice %arg3[%add3A_102] : memref<1605632xi32, #tpu.memory_space<hbm>> -> memref<1024xi32, #tpu.memory_space<hbm>>
        tpu.enqueue_dma source(%dma_start3A_398 : memref<1024xi32, #tpu.memory_space<hbm>>) target(%arg10 : memref<1024xi32, #tpu.memory_space<vmem>>) target_semaphore(%run_scoped3A : memref<!tpu.dma_semaphore, #tpu.memory_space<semaphore_mem>>)
        %dma_wait3A_399 = tpu.memref_slice %arg3[%add3A_102] : memref<1605632xi32, #tpu.memory_space<hbm>> -> memref<1024xi32, #tpu.memory_space<hbm>>
        %dma_wait3A_400 = tpu.memref_slice %arg3[%add3A_102] : memref<1605632xi32, #tpu.memory_space<hbm>> -> memref<1024xi32, #tpu.memory_space<hbm>>
        tpu.wait_dma2 semaphore(%run_scoped3A : memref<!tpu.dma_semaphore, #tpu.memory_space<semaphore_mem>>) src(%dma_wait3A_400 : memref<1024xi32, #tpu.memory_space<hbm>>) dst(%arg10 : memref<1024xi32, #tpu.memory_space<vmem>>)
        tpu.yield
      }) : () -> ()
      %mul3A_103 = arith.constant 8 : i32
      %mul3A_104 = arith.muli %scan3A_99, %mul3A_103 : i32
      %add3A_105 = arith.addi %select_n3A, %mul3A_104 : i32
      "tpu.region"() ({
        %run_scoped3A = tpu.sem_alloc : memref<!tpu.dma_semaphore, #tpu.memory_space<semaphore_mem>>
        %dma_start3A_397 = arith.constant 0 : i32
        %dma_start3A_398 = tpu.memref_slice %arg4[%add3A_105, %dma_start3A_397] : memref<6272x128xi32, #tpu.memory_space<hbm>> -> memref<8x128xi32, #tpu.memory_space<hbm>>
        %dma_start3A_399 = arith.constant 0 : i32
        %dma_start3A_400 = tpu.memref_slice %arg4[%add3A_105, %dma_start3A_399] : memref<6272x128xi32, #tpu.memory_space<hbm>> -> memref<8x128xi32, #tpu.memory_space<hbm>>
        tpu.enqueue_dma source(%dma_start3A_400 : memref<8x128xi32, #tpu.memory_space<hbm>>) target(%arg11 : memref<8x128xi32, #tpu.memory_space<vmem>>) target_semaphore(%run_scoped3A : memref<!tpu.dma_semaphore, #tpu.memory_space<semaphore_mem>>)
        %dma_wait3A_401 = arith.constant 0 : i32
        %dma_wait3A_402 = tpu.memref_slice %arg4[%add3A_105, %dma_wait3A_401] : memref<6272x128xi32, #tpu.memory_space<hbm>> -> memref<8x128xi32, #tpu.memory_space<hbm>>
        %dma_wait3A_403 = arith.constant 0 : i32
        %dma_wait3A_404 = tpu.memref_slice %arg4[%add3A_105, %dma_wait3A_403] : memref<6272x128xi32, #tpu.memory_space<hbm>> -> memref<8x128xi32, #tpu.memory_space<hbm>>
        tpu.wait_dma2 semaphore(%run_scoped3A : memref<!tpu.dma_semaphore, #tpu.memory_space<semaphore_mem>>) src(%dma_wait3A_404 : memref<8x128xi32, #tpu.memory_space<hbm>>) dst(%arg11 : memref<8x128xi32, #tpu.memory_space<vmem>>)
        tpu.yield
      }) : () -> ()
      %dma_start3A = arith.constant 0 : i32
      %dma_start3A_106 = arith.constant 0 : i32
      %dma_start3A_107 = tpu.memref_slice %arg12[%dma_start3A, %dma_start3A_106] : memref<1024x16xf32, #tpu.memory_space<vmem>> -> memref<128x16xf32, #tpu.memory_space<vmem>>
      %dma_start3A_108 = arith.constant 0 : i32
      %dma_start3A_109 = tpu.memref_slice %arg10[%dma_start3A_108] : memref<1024xi32, #tpu.memory_space<vmem>> -> memref<128xi32, #tpu.memory_space<vmem>>
      %dma_start3A_110 = arith.constant 0 : i32
      %dma_start3A_111 = arith.constant 0 : i32
      %dma_start3A_112 = tpu.memref_slice %arg2[%dma_start3A_110, %dma_start3A_111] : memref<100000x16xf32, #tpu.memory_space<hbm>> -> memref<100000x16xf32, #tpu.memory_space<hbm>>
      tpu.enqueue_indirect_dma source(%dma_start3A_112 : memref<100000x16xf32, #tpu.memory_space<hbm>>) target(%dma_start3A_107 : memref<128x16xf32, #tpu.memory_space<vmem>>) offsets(%dma_start3A_109 : memref<128xi32, #tpu.memory_space<vmem>>) semaphore(%arg14 : memref<!tpu.dma_semaphore, #tpu.memory_space<semaphore_mem>>)
      %dma_start3A_113 = arith.constant 128 : i32
      %dma_start3A_114 = arith.constant 0 : i32
      %dma_start3A_115 = tpu.memref_slice %arg12[%dma_start3A_113, %dma_start3A_114] : memref<1024x16xf32, #tpu.memory_space<vmem>> -> memref<128x16xf32, #tpu.memory_space<vmem>>
      %dma_start3A_116 = arith.constant 128 : i32
      %dma_start3A_117 = tpu.memref_slice %arg10[%dma_start3A_116] : memref<1024xi32, #tpu.memory_space<vmem>> -> memref<128xi32, #tpu.memory_space<vmem>>
      %dma_start3A_118 = arith.constant 0 : i32
      %dma_start3A_119 = arith.constant 0 : i32
      %dma_start3A_120 = tpu.memref_slice %arg2[%dma_start3A_118, %dma_start3A_119] : memref<100000x16xf32, #tpu.memory_space<hbm>> -> memref<100000x16xf32, #tpu.memory_space<hbm>>
      tpu.enqueue_indirect_dma source(%dma_start3A_120 : memref<100000x16xf32, #tpu.memory_space<hbm>>) target(%dma_start3A_115 : memref<128x16xf32, #tpu.memory_space<vmem>>) offsets(%dma_start3A_117 : memref<128xi32, #tpu.memory_space<vmem>>) semaphore(%arg14 : memref<!tpu.dma_semaphore, #tpu.memory_space<semaphore_mem>>)
      %dma_start3A_121 = arith.constant 256 : i32
      %dma_start3A_122 = arith.constant 0 : i32
      %dma_start3A_123 = tpu.memref_slice %arg12[%dma_start3A_121, %dma_start3A_122] : memref<1024x16xf32, #tpu.memory_space<vmem>> -> memref<128x16xf32, #tpu.memory_space<vmem>>
      %dma_start3A_124 = arith.constant 256 : i32
      %dma_start3A_125 = tpu.memref_slice %arg10[%dma_start3A_124] : memref<1024xi32, #tpu.memory_space<vmem>> -> memref<128xi32, #tpu.memory_space<vmem>>
      %dma_start3A_126 = arith.constant 0 : i32
      %dma_start3A_127 = arith.constant 0 : i32
      %dma_start3A_128 = tpu.memref_slice %arg2[%dma_start3A_126, %dma_start3A_127] : memref<100000x16xf32, #tpu.memory_space<hbm>> -> memref<100000x16xf32, #tpu.memory_space<hbm>>
      tpu.enqueue_indirect_dma source(%dma_start3A_128 : memref<100000x16xf32, #tpu.memory_space<hbm>>) target(%dma_start3A_123 : memref<128x16xf32, #tpu.memory_space<vmem>>) offsets(%dma_start3A_125 : memref<128xi32, #tpu.memory_space<vmem>>) semaphore(%arg14 : memref<!tpu.dma_semaphore, #tpu.memory_space<semaphore_mem>>)
      %dma_start3A_129 = arith.constant 384 : i32
      %dma_start3A_130 = arith.constant 0 : i32
      %dma_start3A_131 = tpu.memref_slice %arg12[%dma_start3A_129, %dma_start3A_130] : memref<1024x16xf32, #tpu.memory_space<vmem>> -> memref<128x16xf32, #tpu.memory_space<vmem>>
      %dma_start3A_132 = arith.constant 384 : i32
      %dma_start3A_133 = tpu.memref_slice %arg10[%dma_start3A_132] : memref<1024xi32, #tpu.memory_space<vmem>> -> memref<128xi32, #tpu.memory_space<vmem>>
      %dma_start3A_134 = arith.constant 0 : i32
      %dma_start3A_135 = arith.constant 0 : i32
      %dma_start3A_136 = tpu.memref_slice %arg2[%dma_start3A_134, %dma_start3A_135] : memref<100000x16xf32, #tpu.memory_space<hbm>> -> memref<100000x16xf32, #tpu.memory_space<hbm>>
      tpu.enqueue_indirect_dma source(%dma_start3A_136 : memref<100000x16xf32, #tpu.memory_space<hbm>>) target(%dma_start3A_131 : memref<128x16xf32, #tpu.memory_space<vmem>>) offsets(%dma_start3A_133 : memref<128xi32, #tpu.memory_space<vmem>>) semaphore(%arg14 : memref<!tpu.dma_semaphore, #tpu.memory_space<semaphore_mem>>)
      %dma_start3A_137 = arith.constant 512 : i32
      %dma_start3A_138 = arith.constant 0 : i32
      %dma_start3A_139 = tpu.memref_slice %arg12[%dma_start3A_137, %dma_start3A_138] : memref<1024x16xf32, #tpu.memory_space<vmem>> -> memref<128x16xf32, #tpu.memory_space<vmem>>
      %dma_start3A_140 = arith.constant 512 : i32
      %dma_start3A_141 = tpu.memref_slice %arg10[%dma_start3A_140] : memref<1024xi32, #tpu.memory_space<vmem>> -> memref<128xi32, #tpu.memory_space<vmem>>
      %dma_start3A_142 = arith.constant 0 : i32
      %dma_start3A_143 = arith.constant 0 : i32
      %dma_start3A_144 = tpu.memref_slice %arg2[%dma_start3A_142, %dma_start3A_143] : memref<100000x16xf32, #tpu.memory_space<hbm>> -> memref<100000x16xf32, #tpu.memory_space<hbm>>
      tpu.enqueue_indirect_dma source(%dma_start3A_144 : memref<100000x16xf32, #tpu.memory_space<hbm>>) target(%dma_start3A_139 : memref<128x16xf32, #tpu.memory_space<vmem>>) offsets(%dma_start3A_141 : memref<128xi32, #tpu.memory_space<vmem>>) semaphore(%arg14 : memref<!tpu.dma_semaphore, #tpu.memory_space<semaphore_mem>>)
      %dma_start3A_145 = arith.constant 640 : i32
      %dma_start3A_146 = arith.constant 0 : i32
      %dma_start3A_147 = tpu.memref_slice %arg12[%dma_start3A_145, %dma_start3A_146] : memref<1024x16xf32, #tpu.memory_space<vmem>> -> memref<128x16xf32, #tpu.memory_space<vmem>>
      %dma_start3A_148 = arith.constant 640 : i32
      %dma_start3A_149 = tpu.memref_slice %arg10[%dma_start3A_148] : memref<1024xi32, #tpu.memory_space<vmem>> -> memref<128xi32, #tpu.memory_space<vmem>>
      %dma_start3A_150 = arith.constant 0 : i32
      %dma_start3A_151 = arith.constant 0 : i32
      %dma_start3A_152 = tpu.memref_slice %arg2[%dma_start3A_150, %dma_start3A_151] : memref<100000x16xf32, #tpu.memory_space<hbm>> -> memref<100000x16xf32, #tpu.memory_space<hbm>>
      tpu.enqueue_indirect_dma source(%dma_start3A_152 : memref<100000x16xf32, #tpu.memory_space<hbm>>) target(%dma_start3A_147 : memref<128x16xf32, #tpu.memory_space<vmem>>) offsets(%dma_start3A_149 : memref<128xi32, #tpu.memory_space<vmem>>) semaphore(%arg14 : memref<!tpu.dma_semaphore, #tpu.memory_space<semaphore_mem>>)
      %dma_start3A_153 = arith.constant 768 : i32
      %dma_start3A_154 = arith.constant 0 : i32
      %dma_start3A_155 = tpu.memref_slice %arg12[%dma_start3A_153, %dma_start3A_154] : memref<1024x16xf32, #tpu.memory_space<vmem>> -> memref<128x16xf32, #tpu.memory_space<vmem>>
      %dma_start3A_156 = arith.constant 768 : i32
      %dma_start3A_157 = tpu.memref_slice %arg10[%dma_start3A_156] : memref<1024xi32, #tpu.memory_space<vmem>> -> memref<128xi32, #tpu.memory_space<vmem>>
      %dma_start3A_158 = arith.constant 0 : i32
      %dma_start3A_159 = arith.constant 0 : i32
      %dma_start3A_160 = tpu.memref_slice %arg2[%dma_start3A_158, %dma_start3A_159] : memref<100000x16xf32, #tpu.memory_space<hbm>> -> memref<100000x16xf32, #tpu.memory_space<hbm>>
      tpu.enqueue_indirect_dma source(%dma_start3A_160 : memref<100000x16xf32, #tpu.memory_space<hbm>>) target(%dma_start3A_155 : memref<128x16xf32, #tpu.memory_space<vmem>>) offsets(%dma_start3A_157 : memref<128xi32, #tpu.memory_space<vmem>>) semaphore(%arg14 : memref<!tpu.dma_semaphore, #tpu.memory_space<semaphore_mem>>)
      %dma_start3A_161 = arith.constant 896 : i32
      %dma_start3A_162 = arith.constant 0 : i32
      %dma_start3A_163 = tpu.memref_slice %arg12[%dma_start3A_161, %dma_start3A_162] : memref<1024x16xf32, #tpu.memory_space<vmem>> -> memref<128x16xf32, #tpu.memory_space<vmem>>
      %dma_start3A_164 = arith.constant 896 : i32
      %dma_start3A_165 = tpu.memref_slice %arg10[%dma_start3A_164] : memref<1024xi32, #tpu.memory_space<vmem>> -> memref<128xi32, #tpu.memory_space<vmem>>
      %dma_start3A_166 = arith.constant 0 : i32
      %dma_start3A_167 = arith.constant 0 : i32
      %dma_start3A_168 = tpu.memref_slice %arg2[%dma_start3A_166, %dma_start3A_167] : memref<100000x16xf32, #tpu.memory_space<hbm>> -> memref<100000x16xf32, #tpu.memory_space<hbm>>
      tpu.enqueue_indirect_dma source(%dma_start3A_168 : memref<100000x16xf32, #tpu.memory_space<hbm>>) target(%dma_start3A_163 : memref<128x16xf32, #tpu.memory_space<vmem>>) offsets(%dma_start3A_165 : memref<128xi32, #tpu.memory_space<vmem>>) semaphore(%arg14 : memref<!tpu.dma_semaphore, #tpu.memory_space<semaphore_mem>>)
      %eq3A = arith.constant 0 : i32
      %eq3A_169 = arith.cmpi eq, %arg0, %eq3A : i32
      %lt3A = arith.constant 25 : i32
      %lt3A_170 = arith.cmpi slt, %scan3A_99, %lt3A : i32
      %ge3A = arith.constant 25 : i32
      %ge3A_171 = arith.cmpi sge, %scan3A_99, %ge3A : i32
      %select_n3A_172 = arith.select %eq3A_169, %lt3A_170, %ge3A_171 : i1
      %convert_element_type3A = arith.extui %select_n3A_172 : i1 to i32
      %cond3A = arith.constant 0 : i32
      %cond3A_173 = arith.cmpi ne, %convert_element_type3A, %cond3A : i32
      scf.if %cond3A_173 {
        %add3A_397 = arith.addi %mul3A_30, %mul3A_101 : i32
        %add3A_398 = arith.constant 0 : i32
        %add3A_399 = arith.addi %add3A_397, %add3A_398 : i32
        %lt3A_400 = arith.constant 800000 : i32
        %lt3A_401 = arith.cmpi slt, %add3A_399, %lt3A_400 : i32
        %convert_element_type3A_402 = arith.extui %lt3A_401 : i1 to i32
        %cond3A_403 = arith.constant 0 : i32
        %cond3A_404 = arith.cmpi ne, %convert_element_type3A_402, %cond3A_403 : i32
        scf.if %cond3A_404 {
          "tpu.region"() ({
            %run_scoped3A_461 = tpu.sem_alloc : memref<!tpu.dma_semaphore, #tpu.memory_space<semaphore_mem>>
            %dma_start3A_462 = arith.constant 0 : i32
            %dma_start3A_463 = arith.constant 0 : i32
            %dma_start3A_464 = tpu.memref_slice %arg13[%dma_start3A_462, %dma_start3A_463] : memref<1024x8xf32, #tpu.memory_space<vmem>> -> memref<128x8xf32, #tpu.memory_space<vmem>>
            %dma_start3A_465 = arith.constant 0 : i32
            %dma_start3A_466 = tpu.memref_slice %arg5[%add3A_399, %dma_start3A_465] : memref<800000x8xf32, #tpu.memory_space<hbm>> -> memref<128x8xf32, #tpu.memory_space<hbm>>
            %dma_start3A_467 = arith.constant 0 : i32
            %dma_start3A_468 = arith.constant 0 : i32
            %dma_start3A_469 = tpu.memref_slice %arg13[%dma_start3A_467, %dma_start3A_468] : memref<1024x8xf32, #tpu.memory_space<vmem>> -> memref<128x8xf32, #tpu.memory_space<vmem>>
            %dma_start3A_470 = arith.constant 0 : i32
            %dma_start3A_471 = tpu.memref_slice %arg5[%add3A_399, %dma_start3A_470] : memref<800000x8xf32, #tpu.memory_space<hbm>> -> memref<128x8xf32, #tpu.memory_space<hbm>>
            tpu.enqueue_dma source(%dma_start3A_471 : memref<128x8xf32, #tpu.memory_space<hbm>>) target(%dma_start3A_469 : memref<128x8xf32, #tpu.memory_space<vmem>>) target_semaphore(%run_scoped3A_461 : memref<!tpu.dma_semaphore, #tpu.memory_space<semaphore_mem>>)
            %dma_wait3A_472 = arith.constant 0 : i32
            %dma_wait3A_473 = arith.constant 0 : i32
            %dma_wait3A_474 = tpu.memref_slice %arg13[%dma_wait3A_472, %dma_wait3A_473] : memref<1024x8xf32, #tpu.memory_space<vmem>> -> memref<128x8xf32, #tpu.memory_space<vmem>>
            %dma_wait3A_475 = arith.constant 0 : i32
            %dma_wait3A_476 = tpu.memref_slice %arg5[%add3A_399, %dma_wait3A_475] : memref<800000x8xf32, #tpu.memory_space<hbm>> -> memref<128x8xf32, #tpu.memory_space<hbm>>
            %dma_wait3A_477 = arith.constant 0 : i32
            %dma_wait3A_478 = arith.constant 0 : i32
            %dma_wait3A_479 = tpu.memref_slice %arg13[%dma_wait3A_477, %dma_wait3A_478] : memref<1024x8xf32, #tpu.memory_space<vmem>> -> memref<128x8xf32, #tpu.memory_space<vmem>>
            %dma_wait3A_480 = arith.constant 0 : i32
            %dma_wait3A_481 = tpu.memref_slice %arg5[%add3A_399, %dma_wait3A_480] : memref<800000x8xf32, #tpu.memory_space<hbm>> -> memref<128x8xf32, #tpu.memory_space<hbm>>
            tpu.wait_dma2 semaphore(%run_scoped3A_461 : memref<!tpu.dma_semaphore, #tpu.memory_space<semaphore_mem>>) src(%dma_wait3A_481 : memref<128x8xf32, #tpu.memory_space<hbm>>) dst(%dma_wait3A_479 : memref<128x8xf32, #tpu.memory_space<vmem>>)
            tpu.yield
          }) : () -> ()
          %run_scoped3A = arith.constant 0 : i32
          "tpu.region"() ({
            %run_scoped3A_461 = tpu.sem_alloc : memref<!tpu.dma_semaphore, #tpu.memory_space<semaphore_mem>>
            %dma_start3A_462 = arith.constant 0 : i32
            %dma_start3A_463 = arith.constant 0 : i32
            %dma_start3A_464 = tpu.memref_slice %arg13[%dma_start3A_462, %dma_start3A_463] : memref<1024x8xf32, #tpu.memory_space<vmem>> -> memref<128x8xf32, #tpu.memory_space<vmem>>
            %dma_start3A_465 = arith.constant 0 : i32
            %dma_start3A_466 = tpu.memref_slice %arg11[%run_scoped3A, %dma_start3A_465] : memref<8x128xi32, #tpu.memory_space<vmem>> -> memref<1x128xi32, #tpu.memory_space<vmem>>
            %dma_start3A_467 = tpu.memref_squeeze %dma_start3A_466 : memref<1x128xi32, #tpu.memory_space<vmem>> -> memref<128xi32, #tpu.memory_space<vmem>>
            %dma_start3A_468 = arith.constant 0 : i32
            %dma_start3A_469 = arith.constant 0 : i32
            %dma_start3A_470 = tpu.memref_slice %arg9[%dma_start3A_468, %dma_start3A_469] : memref<50176x8xf32, #tpu.memory_space<vmem_shared>> -> memref<50176x8xf32, #tpu.memory_space<vmem_shared>>
            tpu.enqueue_indirect_dma source(%dma_start3A_464 : memref<128x8xf32, #tpu.memory_space<vmem>>) target(%dma_start3A_470 : memref<50176x8xf32, #tpu.memory_space<vmem_shared>>) offsets(%dma_start3A_467 : memref<128xi32, #tpu.memory_space<vmem>>) semaphore(%run_scoped3A_461 : memref<!tpu.dma_semaphore, #tpu.memory_space<semaphore_mem>>) {add = true}
            %dma_wait3A_471 = arith.constant 0 : i32
            %dma_wait3A_472 = arith.constant 0 : i32
            %dma_wait3A_473 = tpu.memref_slice %arg13[%dma_wait3A_471, %dma_wait3A_472] : memref<1024x8xf32, #tpu.memory_space<vmem>> -> memref<128x8xf32, #tpu.memory_space<vmem>>
            %dma_wait3A_474 = arith.constant 0 : i32
            %dma_wait3A_475 = tpu.memref_slice %arg11[%run_scoped3A, %dma_wait3A_474] : memref<8x128xi32, #tpu.memory_space<vmem>> -> memref<1x128xi32, #tpu.memory_space<vmem>>
            %dma_wait3A_476 = tpu.memref_squeeze %dma_wait3A_475 : memref<1x128xi32, #tpu.memory_space<vmem>> -> memref<128xi32, #tpu.memory_space<vmem>>
            %dma_wait3A_477 = arith.constant 0 : i32
            %dma_wait3A_478 = arith.constant 0 : i32
            %dma_wait3A_479 = tpu.memref_slice %arg9[%dma_wait3A_477, %dma_wait3A_478] : memref<50176x8xf32, #tpu.memory_space<vmem_shared>> -> memref<50176x8xf32, #tpu.memory_space<vmem_shared>>
            tpu.wait_indirect_dma semaphore(%run_scoped3A_461 : memref<!tpu.dma_semaphore, #tpu.memory_space<semaphore_mem>>) src(%dma_wait3A_473 : memref<128x8xf32, #tpu.memory_space<vmem>>) dst(%dma_wait3A_479 : memref<50176x8xf32, #tpu.memory_space<vmem_shared>>)
            tpu.yield
          }) : () -> ()
        } else {
        }
        %add3A_405 = arith.addi %mul3A_30, %mul3A_101 : i32
        %add3A_406 = arith.constant 128 : i32
        %add3A_407 = arith.addi %add3A_405, %add3A_406 : i32
        %lt3A_408 = arith.constant 800000 : i32
        %lt3A_409 = arith.cmpi slt, %add3A_407, %lt3A_408 : i32
        %convert_element_type3A_410 = arith.extui %lt3A_409 : i1 to i32
        %cond3A_411 = arith.constant 0 : i32
        %cond3A_412 = arith.cmpi ne, %convert_element_type3A_410, %cond3A_411 : i32
        scf.if %cond3A_412 {
          "tpu.region"() ({
            %run_scoped3A_461 = tpu.sem_alloc : memref<!tpu.dma_semaphore, #tpu.memory_space<semaphore_mem>>
            %dma_start3A_462 = arith.constant 128 : i32
            %dma_start3A_463 = arith.constant 0 : i32
            %dma_start3A_464 = tpu.memref_slice %arg13[%dma_start3A_462, %dma_start3A_463] : memref<1024x8xf32, #tpu.memory_space<vmem>> -> memref<128x8xf32, #tpu.memory_space<vmem>>
            %dma_start3A_465 = arith.constant 0 : i32
            %dma_start3A_466 = tpu.memref_slice %arg5[%add3A_407, %dma_start3A_465] : memref<800000x8xf32, #tpu.memory_space<hbm>> -> memref<128x8xf32, #tpu.memory_space<hbm>>
            %dma_start3A_467 = arith.constant 128 : i32
            %dma_start3A_468 = arith.constant 0 : i32
            %dma_start3A_469 = tpu.memref_slice %arg13[%dma_start3A_467, %dma_start3A_468] : memref<1024x8xf32, #tpu.memory_space<vmem>> -> memref<128x8xf32, #tpu.memory_space<vmem>>
            %dma_start3A_470 = arith.constant 0 : i32
            %dma_start3A_471 = tpu.memref_slice %arg5[%add3A_407, %dma_start3A_470] : memref<800000x8xf32, #tpu.memory_space<hbm>> -> memref<128x8xf32, #tpu.memory_space<hbm>>
            tpu.enqueue_dma source(%dma_start3A_471 : memref<128x8xf32, #tpu.memory_space<hbm>>) target(%dma_start3A_469 : memref<128x8xf32, #tpu.memory_space<vmem>>) target_semaphore(%run_scoped3A_461 : memref<!tpu.dma_semaphore, #tpu.memory_space<semaphore_mem>>)
            %dma_wait3A_472 = arith.constant 128 : i32
            %dma_wait3A_473 = arith.constant 0 : i32
            %dma_wait3A_474 = tpu.memref_slice %arg13[%dma_wait3A_472, %dma_wait3A_473] : memref<1024x8xf32, #tpu.memory_space<vmem>> -> memref<128x8xf32, #tpu.memory_space<vmem>>
            %dma_wait3A_475 = arith.constant 0 : i32
            %dma_wait3A_476 = tpu.memref_slice %arg5[%add3A_407, %dma_wait3A_475] : memref<800000x8xf32, #tpu.memory_space<hbm>> -> memref<128x8xf32, #tpu.memory_space<hbm>>
            %dma_wait3A_477 = arith.constant 128 : i32
            %dma_wait3A_478 = arith.constant 0 : i32
            %dma_wait3A_479 = tpu.memref_slice %arg13[%dma_wait3A_477, %dma_wait3A_478] : memref<1024x8xf32, #tpu.memory_space<vmem>> -> memref<128x8xf32, #tpu.memory_space<vmem>>
            %dma_wait3A_480 = arith.constant 0 : i32
            %dma_wait3A_481 = tpu.memref_slice %arg5[%add3A_407, %dma_wait3A_480] : memref<800000x8xf32, #tpu.memory_space<hbm>> -> memref<128x8xf32, #tpu.memory_space<hbm>>
            tpu.wait_dma2 semaphore(%run_scoped3A_461 : memref<!tpu.dma_semaphore, #tpu.memory_space<semaphore_mem>>) src(%dma_wait3A_481 : memref<128x8xf32, #tpu.memory_space<hbm>>) dst(%dma_wait3A_479 : memref<128x8xf32, #tpu.memory_space<vmem>>)
            tpu.yield
          }) : () -> ()
          %run_scoped3A = arith.constant 1 : i32
          "tpu.region"() ({
            %run_scoped3A_461 = tpu.sem_alloc : memref<!tpu.dma_semaphore, #tpu.memory_space<semaphore_mem>>
            %dma_start3A_462 = arith.constant 128 : i32
            %dma_start3A_463 = arith.constant 0 : i32
            %dma_start3A_464 = tpu.memref_slice %arg13[%dma_start3A_462, %dma_start3A_463] : memref<1024x8xf32, #tpu.memory_space<vmem>> -> memref<128x8xf32, #tpu.memory_space<vmem>>
            %dma_start3A_465 = arith.constant 0 : i32
            %dma_start3A_466 = tpu.memref_slice %arg11[%run_scoped3A, %dma_start3A_465] : memref<8x128xi32, #tpu.memory_space<vmem>> -> memref<1x128xi32, #tpu.memory_space<vmem>>
            %dma_start3A_467 = tpu.memref_squeeze %dma_start3A_466 : memref<1x128xi32, #tpu.memory_space<vmem>> -> memref<128xi32, #tpu.memory_space<vmem>>
            %dma_start3A_468 = arith.constant 0 : i32
            %dma_start3A_469 = arith.constant 0 : i32
            %dma_start3A_470 = tpu.memref_slice %arg9[%dma_start3A_468, %dma_start3A_469] : memref<50176x8xf32, #tpu.memory_space<vmem_shared>> -> memref<50176x8xf32, #tpu.memory_space<vmem_shared>>
            tpu.enqueue_indirect_dma source(%dma_start3A_464 : memref<128x8xf32, #tpu.memory_space<vmem>>) target(%dma_start3A_470 : memref<50176x8xf32, #tpu.memory_space<vmem_shared>>) offsets(%dma_start3A_467 : memref<128xi32, #tpu.memory_space<vmem>>) semaphore(%run_scoped3A_461 : memref<!tpu.dma_semaphore, #tpu.memory_space<semaphore_mem>>) {add = true}
            %dma_wait3A_471 = arith.constant 128 : i32
            %dma_wait3A_472 = arith.constant 0 : i32
            %dma_wait3A_473 = tpu.memref_slice %arg13[%dma_wait3A_471, %dma_wait3A_472] : memref<1024x8xf32, #tpu.memory_space<vmem>> -> memref<128x8xf32, #tpu.memory_space<vmem>>
            %dma_wait3A_474 = arith.constant 0 : i32
            %dma_wait3A_475 = tpu.memref_slice %arg11[%run_scoped3A, %dma_wait3A_474] : memref<8x128xi32, #tpu.memory_space<vmem>> -> memref<1x128xi32, #tpu.memory_space<vmem>>
            %dma_wait3A_476 = tpu.memref_squeeze %dma_wait3A_475 : memref<1x128xi32, #tpu.memory_space<vmem>> -> memref<128xi32, #tpu.memory_space<vmem>>
            %dma_wait3A_477 = arith.constant 0 : i32
            %dma_wait3A_478 = arith.constant 0 : i32
            %dma_wait3A_479 = tpu.memref_slice %arg9[%dma_wait3A_477, %dma_wait3A_478] : memref<50176x8xf32, #tpu.memory_space<vmem_shared>> -> memref<50176x8xf32, #tpu.memory_space<vmem_shared>>
            tpu.wait_indirect_dma semaphore(%run_scoped3A_461 : memref<!tpu.dma_semaphore, #tpu.memory_space<semaphore_mem>>) src(%dma_wait3A_473 : memref<128x8xf32, #tpu.memory_space<vmem>>) dst(%dma_wait3A_479 : memref<50176x8xf32, #tpu.memory_space<vmem_shared>>)
            tpu.yield
          }) : () -> ()
        } else {
        }
        %add3A_413 = arith.addi %mul3A_30, %mul3A_101 : i32
        %add3A_414 = arith.constant 256 : i32
        %add3A_415 = arith.addi %add3A_413, %add3A_414 : i32
        %lt3A_416 = arith.constant 800000 : i32
        %lt3A_417 = arith.cmpi slt, %add3A_415, %lt3A_416 : i32
        %convert_element_type3A_418 = arith.extui %lt3A_417 : i1 to i32
        %cond3A_419 = arith.constant 0 : i32
        %cond3A_420 = arith.cmpi ne, %convert_element_type3A_418, %cond3A_419 : i32
        scf.if %cond3A_420 {
          "tpu.region"() ({
            %run_scoped3A_461 = tpu.sem_alloc : memref<!tpu.dma_semaphore, #tpu.memory_space<semaphore_mem>>
            %dma_start3A_462 = arith.constant 256 : i32
            %dma_start3A_463 = arith.constant 0 : i32
            %dma_start3A_464 = tpu.memref_slice %arg13[%dma_start3A_462, %dma_start3A_463] : memref<1024x8xf32, #tpu.memory_space<vmem>> -> memref<128x8xf32, #tpu.memory_space<vmem>>
            %dma_start3A_465 = arith.constant 0 : i32
            %dma_start3A_466 = tpu.memref_slice %arg5[%add3A_415, %dma_start3A_465] : memref<800000x8xf32, #tpu.memory_space<hbm>> -> memref<128x8xf32, #tpu.memory_space<hbm>>
            %dma_start3A_467 = arith.constant 256 : i32
            %dma_start3A_468 = arith.constant 0 : i32
            %dma_start3A_469 = tpu.memref_slice %arg13[%dma_start3A_467, %dma_start3A_468] : memref<1024x8xf32, #tpu.memory_space<vmem>> -> memref<128x8xf32, #tpu.memory_space<vmem>>
            %dma_start3A_470 = arith.constant 0 : i32
            %dma_start3A_471 = tpu.memref_slice %arg5[%add3A_415, %dma_start3A_470] : memref<800000x8xf32, #tpu.memory_space<hbm>> -> memref<128x8xf32, #tpu.memory_space<hbm>>
            tpu.enqueue_dma source(%dma_start3A_471 : memref<128x8xf32, #tpu.memory_space<hbm>>) target(%dma_start3A_469 : memref<128x8xf32, #tpu.memory_space<vmem>>) target_semaphore(%run_scoped3A_461 : memref<!tpu.dma_semaphore, #tpu.memory_space<semaphore_mem>>)
            %dma_wait3A_472 = arith.constant 256 : i32
            %dma_wait3A_473 = arith.constant 0 : i32
            %dma_wait3A_474 = tpu.memref_slice %arg13[%dma_wait3A_472, %dma_wait3A_473] : memref<1024x8xf32, #tpu.memory_space<vmem>> -> memref<128x8xf32, #tpu.memory_space<vmem>>
            %dma_wait3A_475 = arith.constant 0 : i32
            %dma_wait3A_476 = tpu.memref_slice %arg5[%add3A_415, %dma_wait3A_475] : memref<800000x8xf32, #tpu.memory_space<hbm>> -> memref<128x8xf32, #tpu.memory_space<hbm>>
            %dma_wait3A_477 = arith.constant 256 : i32
            %dma_wait3A_478 = arith.constant 0 : i32
            %dma_wait3A_479 = tpu.memref_slice %arg13[%dma_wait3A_477, %dma_wait3A_478] : memref<1024x8xf32, #tpu.memory_space<vmem>> -> memref<128x8xf32, #tpu.memory_space<vmem>>
            %dma_wait3A_480 = arith.constant 0 : i32
            %dma_wait3A_481 = tpu.memref_slice %arg5[%add3A_415, %dma_wait3A_480] : memref<800000x8xf32, #tpu.memory_space<hbm>> -> memref<128x8xf32, #tpu.memory_space<hbm>>
            tpu.wait_dma2 semaphore(%run_scoped3A_461 : memref<!tpu.dma_semaphore, #tpu.memory_space<semaphore_mem>>) src(%dma_wait3A_481 : memref<128x8xf32, #tpu.memory_space<hbm>>) dst(%dma_wait3A_479 : memref<128x8xf32, #tpu.memory_space<vmem>>)
            tpu.yield
          }) : () -> ()
          %run_scoped3A = arith.constant 2 : i32
          "tpu.region"() ({
            %run_scoped3A_461 = tpu.sem_alloc : memref<!tpu.dma_semaphore, #tpu.memory_space<semaphore_mem>>
            %dma_start3A_462 = arith.constant 256 : i32
            %dma_start3A_463 = arith.constant 0 : i32
            %dma_start3A_464 = tpu.memref_slice %arg13[%dma_start3A_462, %dma_start3A_463] : memref<1024x8xf32, #tpu.memory_space<vmem>> -> memref<128x8xf32, #tpu.memory_space<vmem>>
            %dma_start3A_465 = arith.constant 0 : i32
            %dma_start3A_466 = tpu.memref_slice %arg11[%run_scoped3A, %dma_start3A_465] : memref<8x128xi32, #tpu.memory_space<vmem>> -> memref<1x128xi32, #tpu.memory_space<vmem>>
            %dma_start3A_467 = tpu.memref_squeeze %dma_start3A_466 : memref<1x128xi32, #tpu.memory_space<vmem>> -> memref<128xi32, #tpu.memory_space<vmem>>
            %dma_start3A_468 = arith.constant 0 : i32
            %dma_start3A_469 = arith.constant 0 : i32
            %dma_start3A_470 = tpu.memref_slice %arg9[%dma_start3A_468, %dma_start3A_469] : memref<50176x8xf32, #tpu.memory_space<vmem_shared>> -> memref<50176x8xf32, #tpu.memory_space<vmem_shared>>
            tpu.enqueue_indirect_dma source(%dma_start3A_464 : memref<128x8xf32, #tpu.memory_space<vmem>>) target(%dma_start3A_470 : memref<50176x8xf32, #tpu.memory_space<vmem_shared>>) offsets(%dma_start3A_467 : memref<128xi32, #tpu.memory_space<vmem>>) semaphore(%run_scoped3A_461 : memref<!tpu.dma_semaphore, #tpu.memory_space<semaphore_mem>>) {add = true}
            %dma_wait3A_471 = arith.constant 256 : i32
            %dma_wait3A_472 = arith.constant 0 : i32
            %dma_wait3A_473 = tpu.memref_slice %arg13[%dma_wait3A_471, %dma_wait3A_472] : memref<1024x8xf32, #tpu.memory_space<vmem>> -> memref<128x8xf32, #tpu.memory_space<vmem>>
            %dma_wait3A_474 = arith.constant 0 : i32
            %dma_wait3A_475 = tpu.memref_slice %arg11[%run_scoped3A, %dma_wait3A_474] : memref<8x128xi32, #tpu.memory_space<vmem>> -> memref<1x128xi32, #tpu.memory_space<vmem>>
            %dma_wait3A_476 = tpu.memref_squeeze %dma_wait3A_475 : memref<1x128xi32, #tpu.memory_space<vmem>> -> memref<128xi32, #tpu.memory_space<vmem>>
            %dma_wait3A_477 = arith.constant 0 : i32
            %dma_wait3A_478 = arith.constant 0 : i32
            %dma_wait3A_479 = tpu.memref_slice %arg9[%dma_wait3A_477, %dma_wait3A_478] : memref<50176x8xf32, #tpu.memory_space<vmem_shared>> -> memref<50176x8xf32, #tpu.memory_space<vmem_shared>>
            tpu.wait_indirect_dma semaphore(%run_scoped3A_461 : memref<!tpu.dma_semaphore, #tpu.memory_space<semaphore_mem>>) src(%dma_wait3A_473 : memref<128x8xf32, #tpu.memory_space<vmem>>) dst(%dma_wait3A_479 : memref<50176x8xf32, #tpu.memory_space<vmem_shared>>)
            tpu.yield
          }) : () -> ()
        } else {
        }
        %add3A_421 = arith.addi %mul3A_30, %mul3A_101 : i32
        %add3A_422 = arith.constant 384 : i32
        %add3A_423 = arith.addi %add3A_421, %add3A_422 : i32
        %lt3A_424 = arith.constant 800000 : i32
        %lt3A_425 = arith.cmpi slt, %add3A_423, %lt3A_424 : i32
        %convert_element_type3A_426 = arith.extui %lt3A_425 : i1 to i32
        %cond3A_427 = arith.constant 0 : i32
        %cond3A_428 = arith.cmpi ne, %convert_element_type3A_426, %cond3A_427 : i32
        scf.if %cond3A_428 {
          "tpu.region"() ({
            %run_scoped3A_461 = tpu.sem_alloc : memref<!tpu.dma_semaphore, #tpu.memory_space<semaphore_mem>>
            %dma_start3A_462 = arith.constant 384 : i32
            %dma_start3A_463 = arith.constant 0 : i32
            %dma_start3A_464 = tpu.memref_slice %arg13[%dma_start3A_462, %dma_start3A_463] : memref<1024x8xf32, #tpu.memory_space<vmem>> -> memref<128x8xf32, #tpu.memory_space<vmem>>
            %dma_start3A_465 = arith.constant 0 : i32
            %dma_start3A_466 = tpu.memref_slice %arg5[%add3A_423, %dma_start3A_465] : memref<800000x8xf32, #tpu.memory_space<hbm>> -> memref<128x8xf32, #tpu.memory_space<hbm>>
            %dma_start3A_467 = arith.constant 384 : i32
            %dma_start3A_468 = arith.constant 0 : i32
            %dma_start3A_469 = tpu.memref_slice %arg13[%dma_start3A_467, %dma_start3A_468] : memref<1024x8xf32, #tpu.memory_space<vmem>> -> memref<128x8xf32, #tpu.memory_space<vmem>>
            %dma_start3A_470 = arith.constant 0 : i32
            %dma_start3A_471 = tpu.memref_slice %arg5[%add3A_423, %dma_start3A_470] : memref<800000x8xf32, #tpu.memory_space<hbm>> -> memref<128x8xf32, #tpu.memory_space<hbm>>
            tpu.enqueue_dma source(%dma_start3A_471 : memref<128x8xf32, #tpu.memory_space<hbm>>) target(%dma_start3A_469 : memref<128x8xf32, #tpu.memory_space<vmem>>) target_semaphore(%run_scoped3A_461 : memref<!tpu.dma_semaphore, #tpu.memory_space<semaphore_mem>>)
            %dma_wait3A_472 = arith.constant 384 : i32
            %dma_wait3A_473 = arith.constant 0 : i32
            %dma_wait3A_474 = tpu.memref_slice %arg13[%dma_wait3A_472, %dma_wait3A_473] : memref<1024x8xf32, #tpu.memory_space<vmem>> -> memref<128x8xf32, #tpu.memory_space<vmem>>
            %dma_wait3A_475 = arith.constant 0 : i32
            %dma_wait3A_476 = tpu.memref_slice %arg5[%add3A_423, %dma_wait3A_475] : memref<800000x8xf32, #tpu.memory_space<hbm>> -> memref<128x8xf32, #tpu.memory_space<hbm>>
            %dma_wait3A_477 = arith.constant 384 : i32
            %dma_wait3A_478 = arith.constant 0 : i32
            %dma_wait3A_479 = tpu.memref_slice %arg13[%dma_wait3A_477, %dma_wait3A_478] : memref<1024x8xf32, #tpu.memory_space<vmem>> -> memref<128x8xf32, #tpu.memory_space<vmem>>
            %dma_wait3A_480 = arith.constant 0 : i32
            %dma_wait3A_481 = tpu.memref_slice %arg5[%add3A_423, %dma_wait3A_480] : memref<800000x8xf32, #tpu.memory_space<hbm>> -> memref<128x8xf32, #tpu.memory_space<hbm>>
            tpu.wait_dma2 semaphore(%run_scoped3A_461 : memref<!tpu.dma_semaphore, #tpu.memory_space<semaphore_mem>>) src(%dma_wait3A_481 : memref<128x8xf32, #tpu.memory_space<hbm>>) dst(%dma_wait3A_479 : memref<128x8xf32, #tpu.memory_space<vmem>>)
            tpu.yield
          }) : () -> ()
          %run_scoped3A = arith.constant 3 : i32
          "tpu.region"() ({
            %run_scoped3A_461 = tpu.sem_alloc : memref<!tpu.dma_semaphore, #tpu.memory_space<semaphore_mem>>
            %dma_start3A_462 = arith.constant 384 : i32
            %dma_start3A_463 = arith.constant 0 : i32
            %dma_start3A_464 = tpu.memref_slice %arg13[%dma_start3A_462, %dma_start3A_463] : memref<1024x8xf32, #tpu.memory_space<vmem>> -> memref<128x8xf32, #tpu.memory_space<vmem>>
            %dma_start3A_465 = arith.constant 0 : i32
            %dma_start3A_466 = tpu.memref_slice %arg11[%run_scoped3A, %dma_start3A_465] : memref<8x128xi32, #tpu.memory_space<vmem>> -> memref<1x128xi32, #tpu.memory_space<vmem>>
            %dma_start3A_467 = tpu.memref_squeeze %dma_start3A_466 : memref<1x128xi32, #tpu.memory_space<vmem>> -> memref<128xi32, #tpu.memory_space<vmem>>
            %dma_start3A_468 = arith.constant 0 : i32
            %dma_start3A_469 = arith.constant 0 : i32
            %dma_start3A_470 = tpu.memref_slice %arg9[%dma_start3A_468, %dma_start3A_469] : memref<50176x8xf32, #tpu.memory_space<vmem_shared>> -> memref<50176x8xf32, #tpu.memory_space<vmem_shared>>
            tpu.enqueue_indirect_dma source(%dma_start3A_464 : memref<128x8xf32, #tpu.memory_space<vmem>>) target(%dma_start3A_470 : memref<50176x8xf32, #tpu.memory_space<vmem_shared>>) offsets(%dma_start3A_467 : memref<128xi32, #tpu.memory_space<vmem>>) semaphore(%run_scoped3A_461 : memref<!tpu.dma_semaphore, #tpu.memory_space<semaphore_mem>>) {add = true}
            %dma_wait3A_471 = arith.constant 384 : i32
            %dma_wait3A_472 = arith.constant 0 : i32
            %dma_wait3A_473 = tpu.memref_slice %arg13[%dma_wait3A_471, %dma_wait3A_472] : memref<1024x8xf32, #tpu.memory_space<vmem>> -> memref<128x8xf32, #tpu.memory_space<vmem>>
            %dma_wait3A_474 = arith.constant 0 : i32
            %dma_wait3A_475 = tpu.memref_slice %arg11[%run_scoped3A, %dma_wait3A_474] : memref<8x128xi32, #tpu.memory_space<vmem>> -> memref<1x128xi32, #tpu.memory_space<vmem>>
            %dma_wait3A_476 = tpu.memref_squeeze %dma_wait3A_475 : memref<1x128xi32, #tpu.memory_space<vmem>> -> memref<128xi32, #tpu.memory_space<vmem>>
            %dma_wait3A_477 = arith.constant 0 : i32
            %dma_wait3A_478 = arith.constant 0 : i32
            %dma_wait3A_479 = tpu.memref_slice %arg9[%dma_wait3A_477, %dma_wait3A_478] : memref<50176x8xf32, #tpu.memory_space<vmem_shared>> -> memref<50176x8xf32, #tpu.memory_space<vmem_shared>>
            tpu.wait_indirect_dma semaphore(%run_scoped3A_461 : memref<!tpu.dma_semaphore, #tpu.memory_space<semaphore_mem>>) src(%dma_wait3A_473 : memref<128x8xf32, #tpu.memory_space<vmem>>) dst(%dma_wait3A_479 : memref<50176x8xf32, #tpu.memory_space<vmem_shared>>)
            tpu.yield
          }) : () -> ()
        } else {
        }
        %add3A_429 = arith.addi %mul3A_30, %mul3A_101 : i32
        %add3A_430 = arith.constant 512 : i32
        %add3A_431 = arith.addi %add3A_429, %add3A_430 : i32
        %lt3A_432 = arith.constant 800000 : i32
        %lt3A_433 = arith.cmpi slt, %add3A_431, %lt3A_432 : i32
        %convert_element_type3A_434 = arith.extui %lt3A_433 : i1 to i32
        %cond3A_435 = arith.constant 0 : i32
        %cond3A_436 = arith.cmpi ne, %convert_element_type3A_434, %cond3A_435 : i32
        scf.if %cond3A_436 {
          "tpu.region"() ({
            %run_scoped3A_461 = tpu.sem_alloc : memref<!tpu.dma_semaphore, #tpu.memory_space<semaphore_mem>>
            %dma_start3A_462 = arith.constant 512 : i32
            %dma_start3A_463 = arith.constant 0 : i32
            %dma_start3A_464 = tpu.memref_slice %arg13[%dma_start3A_462, %dma_start3A_463] : memref<1024x8xf32, #tpu.memory_space<vmem>> -> memref<128x8xf32, #tpu.memory_space<vmem>>
            %dma_start3A_465 = arith.constant 0 : i32
            %dma_start3A_466 = tpu.memref_slice %arg5[%add3A_431, %dma_start3A_465] : memref<800000x8xf32, #tpu.memory_space<hbm>> -> memref<128x8xf32, #tpu.memory_space<hbm>>
            %dma_start3A_467 = arith.constant 512 : i32
            %dma_start3A_468 = arith.constant 0 : i32
            %dma_start3A_469 = tpu.memref_slice %arg13[%dma_start3A_467, %dma_start3A_468] : memref<1024x8xf32, #tpu.memory_space<vmem>> -> memref<128x8xf32, #tpu.memory_space<vmem>>
            %dma_start3A_470 = arith.constant 0 : i32
            %dma_start3A_471 = tpu.memref_slice %arg5[%add3A_431, %dma_start3A_470] : memref<800000x8xf32, #tpu.memory_space<hbm>> -> memref<128x8xf32, #tpu.memory_space<hbm>>
            tpu.enqueue_dma source(%dma_start3A_471 : memref<128x8xf32, #tpu.memory_space<hbm>>) target(%dma_start3A_469 : memref<128x8xf32, #tpu.memory_space<vmem>>) target_semaphore(%run_scoped3A_461 : memref<!tpu.dma_semaphore, #tpu.memory_space<semaphore_mem>>)
            %dma_wait3A_472 = arith.constant 512 : i32
            %dma_wait3A_473 = arith.constant 0 : i32
            %dma_wait3A_474 = tpu.memref_slice %arg13[%dma_wait3A_472, %dma_wait3A_473] : memref<1024x8xf32, #tpu.memory_space<vmem>> -> memref<128x8xf32, #tpu.memory_space<vmem>>
            %dma_wait3A_475 = arith.constant 0 : i32
            %dma_wait3A_476 = tpu.memref_slice %arg5[%add3A_431, %dma_wait3A_475] : memref<800000x8xf32, #tpu.memory_space<hbm>> -> memref<128x8xf32, #tpu.memory_space<hbm>>
            %dma_wait3A_477 = arith.constant 512 : i32
            %dma_wait3A_478 = arith.constant 0 : i32
            %dma_wait3A_479 = tpu.memref_slice %arg13[%dma_wait3A_477, %dma_wait3A_478] : memref<1024x8xf32, #tpu.memory_space<vmem>> -> memref<128x8xf32, #tpu.memory_space<vmem>>
            %dma_wait3A_480 = arith.constant 0 : i32
            %dma_wait3A_481 = tpu.memref_slice %arg5[%add3A_431, %dma_wait3A_480] : memref<800000x8xf32, #tpu.memory_space<hbm>> -> memref<128x8xf32, #tpu.memory_space<hbm>>
            tpu.wait_dma2 semaphore(%run_scoped3A_461 : memref<!tpu.dma_semaphore, #tpu.memory_space<semaphore_mem>>) src(%dma_wait3A_481 : memref<128x8xf32, #tpu.memory_space<hbm>>) dst(%dma_wait3A_479 : memref<128x8xf32, #tpu.memory_space<vmem>>)
            tpu.yield
          }) : () -> ()
          %run_scoped3A = arith.constant 4 : i32
          "tpu.region"() ({
            %run_scoped3A_461 = tpu.sem_alloc : memref<!tpu.dma_semaphore, #tpu.memory_space<semaphore_mem>>
            %dma_start3A_462 = arith.constant 512 : i32
            %dma_start3A_463 = arith.constant 0 : i32
            %dma_start3A_464 = tpu.memref_slice %arg13[%dma_start3A_462, %dma_start3A_463] : memref<1024x8xf32, #tpu.memory_space<vmem>> -> memref<128x8xf32, #tpu.memory_space<vmem>>
            %dma_start3A_465 = arith.constant 0 : i32
            %dma_start3A_466 = tpu.memref_slice %arg11[%run_scoped3A, %dma_start3A_465] : memref<8x128xi32, #tpu.memory_space<vmem>> -> memref<1x128xi32, #tpu.memory_space<vmem>>
            %dma_start3A_467 = tpu.memref_squeeze %dma_start3A_466 : memref<1x128xi32, #tpu.memory_space<vmem>> -> memref<128xi32, #tpu.memory_space<vmem>>
            %dma_start3A_468 = arith.constant 0 : i32
            %dma_start3A_469 = arith.constant 0 : i32
            %dma_start3A_470 = tpu.memref_slice %arg9[%dma_start3A_468, %dma_start3A_469] : memref<50176x8xf32, #tpu.memory_space<vmem_shared>> -> memref<50176x8xf32, #tpu.memory_space<vmem_shared>>
            tpu.enqueue_indirect_dma source(%dma_start3A_464 : memref<128x8xf32, #tpu.memory_space<vmem>>) target(%dma_start3A_470 : memref<50176x8xf32, #tpu.memory_space<vmem_shared>>) offsets(%dma_start3A_467 : memref<128xi32, #tpu.memory_space<vmem>>) semaphore(%run_scoped3A_461 : memref<!tpu.dma_semaphore, #tpu.memory_space<semaphore_mem>>) {add = true}
            %dma_wait3A_471 = arith.constant 512 : i32
            %dma_wait3A_472 = arith.constant 0 : i32
            %dma_wait3A_473 = tpu.memref_slice %arg13[%dma_wait3A_471, %dma_wait3A_472] : memref<1024x8xf32, #tpu.memory_space<vmem>> -> memref<128x8xf32, #tpu.memory_space<vmem>>
            %dma_wait3A_474 = arith.constant 0 : i32
            %dma_wait3A_475 = tpu.memref_slice %arg11[%run_scoped3A, %dma_wait3A_474] : memref<8x128xi32, #tpu.memory_space<vmem>> -> memref<1x128xi32, #tpu.memory_space<vmem>>
            %dma_wait3A_476 = tpu.memref_squeeze %dma_wait3A_475 : memref<1x128xi32, #tpu.memory_space<vmem>> -> memref<128xi32, #tpu.memory_space<vmem>>
            %dma_wait3A_477 = arith.constant 0 : i32
            %dma_wait3A_478 = arith.constant 0 : i32
            %dma_wait3A_479 = tpu.memref_slice %arg9[%dma_wait3A_477, %dma_wait3A_478] : memref<50176x8xf32, #tpu.memory_space<vmem_shared>> -> memref<50176x8xf32, #tpu.memory_space<vmem_shared>>
            tpu.wait_indirect_dma semaphore(%run_scoped3A_461 : memref<!tpu.dma_semaphore, #tpu.memory_space<semaphore_mem>>) src(%dma_wait3A_473 : memref<128x8xf32, #tpu.memory_space<vmem>>) dst(%dma_wait3A_479 : memref<50176x8xf32, #tpu.memory_space<vmem_shared>>)
            tpu.yield
          }) : () -> ()
        } else {
        }
        %add3A_437 = arith.addi %mul3A_30, %mul3A_101 : i32
        %add3A_438 = arith.constant 640 : i32
        %add3A_439 = arith.addi %add3A_437, %add3A_438 : i32
        %lt3A_440 = arith.constant 800000 : i32
        %lt3A_441 = arith.cmpi slt, %add3A_439, %lt3A_440 : i32
        %convert_element_type3A_442 = arith.extui %lt3A_441 : i1 to i32
        %cond3A_443 = arith.constant 0 : i32
        %cond3A_444 = arith.cmpi ne, %convert_element_type3A_442, %cond3A_443 : i32
        scf.if %cond3A_444 {
          "tpu.region"() ({
            %run_scoped3A_461 = tpu.sem_alloc : memref<!tpu.dma_semaphore, #tpu.memory_space<semaphore_mem>>
            %dma_start3A_462 = arith.constant 640 : i32
            %dma_start3A_463 = arith.constant 0 : i32
            %dma_start3A_464 = tpu.memref_slice %arg13[%dma_start3A_462, %dma_start3A_463] : memref<1024x8xf32, #tpu.memory_space<vmem>> -> memref<128x8xf32, #tpu.memory_space<vmem>>
            %dma_start3A_465 = arith.constant 0 : i32
            %dma_start3A_466 = tpu.memref_slice %arg5[%add3A_439, %dma_start3A_465] : memref<800000x8xf32, #tpu.memory_space<hbm>> -> memref<128x8xf32, #tpu.memory_space<hbm>>
            %dma_start3A_467 = arith.constant 640 : i32
            %dma_start3A_468 = arith.constant 0 : i32
            %dma_start3A_469 = tpu.memref_slice %arg13[%dma_start3A_467, %dma_start3A_468] : memref<1024x8xf32, #tpu.memory_space<vmem>> -> memref<128x8xf32, #tpu.memory_space<vmem>>
            %dma_start3A_470 = arith.constant 0 : i32
            %dma_start3A_471 = tpu.memref_slice %arg5[%add3A_439, %dma_start3A_470] : memref<800000x8xf32, #tpu.memory_space<hbm>> -> memref<128x8xf32, #tpu.memory_space<hbm>>
            tpu.enqueue_dma source(%dma_start3A_471 : memref<128x8xf32, #tpu.memory_space<hbm>>) target(%dma_start3A_469 : memref<128x8xf32, #tpu.memory_space<vmem>>) target_semaphore(%run_scoped3A_461 : memref<!tpu.dma_semaphore, #tpu.memory_space<semaphore_mem>>)
            %dma_wait3A_472 = arith.constant 640 : i32
            %dma_wait3A_473 = arith.constant 0 : i32
            %dma_wait3A_474 = tpu.memref_slice %arg13[%dma_wait3A_472, %dma_wait3A_473] : memref<1024x8xf32, #tpu.memory_space<vmem>> -> memref<128x8xf32, #tpu.memory_space<vmem>>
            %dma_wait3A_475 = arith.constant 0 : i32
            %dma_wait3A_476 = tpu.memref_slice %arg5[%add3A_439, %dma_wait3A_475] : memref<800000x8xf32, #tpu.memory_space<hbm>> -> memref<128x8xf32, #tpu.memory_space<hbm>>
            %dma_wait3A_477 = arith.constant 640 : i32
            %dma_wait3A_478 = arith.constant 0 : i32
            %dma_wait3A_479 = tpu.memref_slice %arg13[%dma_wait3A_477, %dma_wait3A_478] : memref<1024x8xf32, #tpu.memory_space<vmem>> -> memref<128x8xf32, #tpu.memory_space<vmem>>
            %dma_wait3A_480 = arith.constant 0 : i32
            %dma_wait3A_481 = tpu.memref_slice %arg5[%add3A_439, %dma_wait3A_480] : memref<800000x8xf32, #tpu.memory_space<hbm>> -> memref<128x8xf32, #tpu.memory_space<hbm>>
            tpu.wait_dma2 semaphore(%run_scoped3A_461 : memref<!tpu.dma_semaphore, #tpu.memory_space<semaphore_mem>>) src(%dma_wait3A_481 : memref<128x8xf32, #tpu.memory_space<hbm>>) dst(%dma_wait3A_479 : memref<128x8xf32, #tpu.memory_space<vmem>>)
            tpu.yield
          }) : () -> ()
          %run_scoped3A = arith.constant 5 : i32
          "tpu.region"() ({
            %run_scoped3A_461 = tpu.sem_alloc : memref<!tpu.dma_semaphore, #tpu.memory_space<semaphore_mem>>
            %dma_start3A_462 = arith.constant 640 : i32
            %dma_start3A_463 = arith.constant 0 : i32
            %dma_start3A_464 = tpu.memref_slice %arg13[%dma_start3A_462, %dma_start3A_463] : memref<1024x8xf32, #tpu.memory_space<vmem>> -> memref<128x8xf32, #tpu.memory_space<vmem>>
            %dma_start3A_465 = arith.constant 0 : i32
            %dma_start3A_466 = tpu.memref_slice %arg11[%run_scoped3A, %dma_start3A_465] : memref<8x128xi32, #tpu.memory_space<vmem>> -> memref<1x128xi32, #tpu.memory_space<vmem>>
            %dma_start3A_467 = tpu.memref_squeeze %dma_start3A_466 : memref<1x128xi32, #tpu.memory_space<vmem>> -> memref<128xi32, #tpu.memory_space<vmem>>
            %dma_start3A_468 = arith.constant 0 : i32
            %dma_start3A_469 = arith.constant 0 : i32
            %dma_start3A_470 = tpu.memref_slice %arg9[%dma_start3A_468, %dma_start3A_469] : memref<50176x8xf32, #tpu.memory_space<vmem_shared>> -> memref<50176x8xf32, #tpu.memory_space<vmem_shared>>
            tpu.enqueue_indirect_dma source(%dma_start3A_464 : memref<128x8xf32, #tpu.memory_space<vmem>>) target(%dma_start3A_470 : memref<50176x8xf32, #tpu.memory_space<vmem_shared>>) offsets(%dma_start3A_467 : memref<128xi32, #tpu.memory_space<vmem>>) semaphore(%run_scoped3A_461 : memref<!tpu.dma_semaphore, #tpu.memory_space<semaphore_mem>>) {add = true}
            %dma_wait3A_471 = arith.constant 640 : i32
            %dma_wait3A_472 = arith.constant 0 : i32
            %dma_wait3A_473 = tpu.memref_slice %arg13[%dma_wait3A_471, %dma_wait3A_472] : memref<1024x8xf32, #tpu.memory_space<vmem>> -> memref<128x8xf32, #tpu.memory_space<vmem>>
            %dma_wait3A_474 = arith.constant 0 : i32
            %dma_wait3A_475 = tpu.memref_slice %arg11[%run_scoped3A, %dma_wait3A_474] : memref<8x128xi32, #tpu.memory_space<vmem>> -> memref<1x128xi32, #tpu.memory_space<vmem>>
            %dma_wait3A_476 = tpu.memref_squeeze %dma_wait3A_475 : memref<1x128xi32, #tpu.memory_space<vmem>> -> memref<128xi32, #tpu.memory_space<vmem>>
            %dma_wait3A_477 = arith.constant 0 : i32
            %dma_wait3A_478 = arith.constant 0 : i32
            %dma_wait3A_479 = tpu.memref_slice %arg9[%dma_wait3A_477, %dma_wait3A_478] : memref<50176x8xf32, #tpu.memory_space<vmem_shared>> -> memref<50176x8xf32, #tpu.memory_space<vmem_shared>>
            tpu.wait_indirect_dma semaphore(%run_scoped3A_461 : memref<!tpu.dma_semaphore, #tpu.memory_space<semaphore_mem>>) src(%dma_wait3A_473 : memref<128x8xf32, #tpu.memory_space<vmem>>) dst(%dma_wait3A_479 : memref<50176x8xf32, #tpu.memory_space<vmem_shared>>)
            tpu.yield
          }) : () -> ()
        } else {
        }
        %add3A_445 = arith.addi %mul3A_30, %mul3A_101 : i32
        %add3A_446 = arith.constant 768 : i32
        %add3A_447 = arith.addi %add3A_445, %add3A_446 : i32
        %lt3A_448 = arith.constant 800000 : i32
        %lt3A_449 = arith.cmpi slt, %add3A_447, %lt3A_448 : i32
        %convert_element_type3A_450 = arith.extui %lt3A_449 : i1 to i32
        %cond3A_451 = arith.constant 0 : i32
        %cond3A_452 = arith.cmpi ne, %convert_element_type3A_450, %cond3A_451 : i32
        scf.if %cond3A_452 {
          "tpu.region"() ({
            %run_scoped3A_461 = tpu.sem_alloc : memref<!tpu.dma_semaphore, #tpu.memory_space<semaphore_mem>>
            %dma_start3A_462 = arith.constant 768 : i32
            %dma_start3A_463 = arith.constant 0 : i32
            %dma_start3A_464 = tpu.memref_slice %arg13[%dma_start3A_462, %dma_start3A_463] : memref<1024x8xf32, #tpu.memory_space<vmem>> -> memref<128x8xf32, #tpu.memory_space<vmem>>
            %dma_start3A_465 = arith.constant 0 : i32
            %dma_start3A_466 = tpu.memref_slice %arg5[%add3A_447, %dma_start3A_465] : memref<800000x8xf32, #tpu.memory_space<hbm>> -> memref<128x8xf32, #tpu.memory_space<hbm>>
            %dma_start3A_467 = arith.constant 768 : i32
            %dma_start3A_468 = arith.constant 0 : i32
            %dma_start3A_469 = tpu.memref_slice %arg13[%dma_start3A_467, %dma_start3A_468] : memref<1024x8xf32, #tpu.memory_space<vmem>> -> memref<128x8xf32, #tpu.memory_space<vmem>>
            %dma_start3A_470 = arith.constant 0 : i32
            %dma_start3A_471 = tpu.memref_slice %arg5[%add3A_447, %dma_start3A_470] : memref<800000x8xf32, #tpu.memory_space<hbm>> -> memref<128x8xf32, #tpu.memory_space<hbm>>
            tpu.enqueue_dma source(%dma_start3A_471 : memref<128x8xf32, #tpu.memory_space<hbm>>) target(%dma_start3A_469 : memref<128x8xf32, #tpu.memory_space<vmem>>) target_semaphore(%run_scoped3A_461 : memref<!tpu.dma_semaphore, #tpu.memory_space<semaphore_mem>>)
            %dma_wait3A_472 = arith.constant 768 : i32
            %dma_wait3A_473 = arith.constant 0 : i32
            %dma_wait3A_474 = tpu.memref_slice %arg13[%dma_wait3A_472, %dma_wait3A_473] : memref<1024x8xf32, #tpu.memory_space<vmem>> -> memref<128x8xf32, #tpu.memory_space<vmem>>
            %dma_wait3A_475 = arith.constant 0 : i32
            %dma_wait3A_476 = tpu.memref_slice %arg5[%add3A_447, %dma_wait3A_475] : memref<800000x8xf32, #tpu.memory_space<hbm>> -> memref<128x8xf32, #tpu.memory_space<hbm>>
            %dma_wait3A_477 = arith.constant 768 : i32
            %dma_wait3A_478 = arith.constant 0 : i32
            %dma_wait3A_479 = tpu.memref_slice %arg13[%dma_wait3A_477, %dma_wait3A_478] : memref<1024x8xf32, #tpu.memory_space<vmem>> -> memref<128x8xf32, #tpu.memory_space<vmem>>
            %dma_wait3A_480 = arith.constant 0 : i32
            %dma_wait3A_481 = tpu.memref_slice %arg5[%add3A_447, %dma_wait3A_480] : memref<800000x8xf32, #tpu.memory_space<hbm>> -> memref<128x8xf32, #tpu.memory_space<hbm>>
            tpu.wait_dma2 semaphore(%run_scoped3A_461 : memref<!tpu.dma_semaphore, #tpu.memory_space<semaphore_mem>>) src(%dma_wait3A_481 : memref<128x8xf32, #tpu.memory_space<hbm>>) dst(%dma_wait3A_479 : memref<128x8xf32, #tpu.memory_space<vmem>>)
            tpu.yield
          }) : () -> ()
          %run_scoped3A = arith.constant 6 : i32
          "tpu.region"() ({
            %run_scoped3A_461 = tpu.sem_alloc : memref<!tpu.dma_semaphore, #tpu.memory_space<semaphore_mem>>
            %dma_start3A_462 = arith.constant 768 : i32
            %dma_start3A_463 = arith.constant 0 : i32
            %dma_start3A_464 = tpu.memref_slice %arg13[%dma_start3A_462, %dma_start3A_463] : memref<1024x8xf32, #tpu.memory_space<vmem>> -> memref<128x8xf32, #tpu.memory_space<vmem>>
            %dma_start3A_465 = arith.constant 0 : i32
            %dma_start3A_466 = tpu.memref_slice %arg11[%run_scoped3A, %dma_start3A_465] : memref<8x128xi32, #tpu.memory_space<vmem>> -> memref<1x128xi32, #tpu.memory_space<vmem>>
            %dma_start3A_467 = tpu.memref_squeeze %dma_start3A_466 : memref<1x128xi32, #tpu.memory_space<vmem>> -> memref<128xi32, #tpu.memory_space<vmem>>
            %dma_start3A_468 = arith.constant 0 : i32
            %dma_start3A_469 = arith.constant 0 : i32
            %dma_start3A_470 = tpu.memref_slice %arg9[%dma_start3A_468, %dma_start3A_469] : memref<50176x8xf32, #tpu.memory_space<vmem_shared>> -> memref<50176x8xf32, #tpu.memory_space<vmem_shared>>
            tpu.enqueue_indirect_dma source(%dma_start3A_464 : memref<128x8xf32, #tpu.memory_space<vmem>>) target(%dma_start3A_470 : memref<50176x8xf32, #tpu.memory_space<vmem_shared>>) offsets(%dma_start3A_467 : memref<128xi32, #tpu.memory_space<vmem>>) semaphore(%run_scoped3A_461 : memref<!tpu.dma_semaphore, #tpu.memory_space<semaphore_mem>>) {add = true}
            %dma_wait3A_471 = arith.constant 768 : i32
            %dma_wait3A_472 = arith.constant 0 : i32
            %dma_wait3A_473 = tpu.memref_slice %arg13[%dma_wait3A_471, %dma_wait3A_472] : memref<1024x8xf32, #tpu.memory_space<vmem>> -> memref<128x8xf32, #tpu.memory_space<vmem>>
            %dma_wait3A_474 = arith.constant 0 : i32
            %dma_wait3A_475 = tpu.memref_slice %arg11[%run_scoped3A, %dma_wait3A_474] : memref<8x128xi32, #tpu.memory_space<vmem>> -> memref<1x128xi32, #tpu.memory_space<vmem>>
            %dma_wait3A_476 = tpu.memref_squeeze %dma_wait3A_475 : memref<1x128xi32, #tpu.memory_space<vmem>> -> memref<128xi32, #tpu.memory_space<vmem>>
            %dma_wait3A_477 = arith.constant 0 : i32
            %dma_wait3A_478 = arith.constant 0 : i32
            %dma_wait3A_479 = tpu.memref_slice %arg9[%dma_wait3A_477, %dma_wait3A_478] : memref<50176x8xf32, #tpu.memory_space<vmem_shared>> -> memref<50176x8xf32, #tpu.memory_space<vmem_shared>>
            tpu.wait_indirect_dma semaphore(%run_scoped3A_461 : memref<!tpu.dma_semaphore, #tpu.memory_space<semaphore_mem>>) src(%dma_wait3A_473 : memref<128x8xf32, #tpu.memory_space<vmem>>) dst(%dma_wait3A_479 : memref<50176x8xf32, #tpu.memory_space<vmem_shared>>)
            tpu.yield
          }) : () -> ()
        } else {
        }
        %add3A_453 = arith.addi %mul3A_30, %mul3A_101 : i32
        %add3A_454 = arith.constant 896 : i32
        %add3A_455 = arith.addi %add3A_453, %add3A_454 : i32
        %lt3A_456 = arith.constant 800000 : i32
        %lt3A_457 = arith.cmpi slt, %add3A_455, %lt3A_456 : i32
        %convert_element_type3A_458 = arith.extui %lt3A_457 : i1 to i32
        %cond3A_459 = arith.constant 0 : i32
        %cond3A_460 = arith.cmpi ne, %convert_element_type3A_458, %cond3A_459 : i32
        scf.if %cond3A_460 {
          "tpu.region"() ({
            %run_scoped3A_461 = tpu.sem_alloc : memref<!tpu.dma_semaphore, #tpu.memory_space<semaphore_mem>>
            %dma_start3A_462 = arith.constant 896 : i32
            %dma_start3A_463 = arith.constant 0 : i32
            %dma_start3A_464 = tpu.memref_slice %arg13[%dma_start3A_462, %dma_start3A_463] : memref<1024x8xf32, #tpu.memory_space<vmem>> -> memref<128x8xf32, #tpu.memory_space<vmem>>
            %dma_start3A_465 = arith.constant 0 : i32
            %dma_start3A_466 = tpu.memref_slice %arg5[%add3A_455, %dma_start3A_465] : memref<800000x8xf32, #tpu.memory_space<hbm>> -> memref<128x8xf32, #tpu.memory_space<hbm>>
            %dma_start3A_467 = arith.constant 896 : i32
            %dma_start3A_468 = arith.constant 0 : i32
            %dma_start3A_469 = tpu.memref_slice %arg13[%dma_start3A_467, %dma_start3A_468] : memref<1024x8xf32, #tpu.memory_space<vmem>> -> memref<128x8xf32, #tpu.memory_space<vmem>>
            %dma_start3A_470 = arith.constant 0 : i32
            %dma_start3A_471 = tpu.memref_slice %arg5[%add3A_455, %dma_start3A_470] : memref<800000x8xf32, #tpu.memory_space<hbm>> -> memref<128x8xf32, #tpu.memory_space<hbm>>
            tpu.enqueue_dma source(%dma_start3A_471 : memref<128x8xf32, #tpu.memory_space<hbm>>) target(%dma_start3A_469 : memref<128x8xf32, #tpu.memory_space<vmem>>) target_semaphore(%run_scoped3A_461 : memref<!tpu.dma_semaphore, #tpu.memory_space<semaphore_mem>>)
            %dma_wait3A_472 = arith.constant 896 : i32
            %dma_wait3A_473 = arith.constant 0 : i32
            %dma_wait3A_474 = tpu.memref_slice %arg13[%dma_wait3A_472, %dma_wait3A_473] : memref<1024x8xf32, #tpu.memory_space<vmem>> -> memref<128x8xf32, #tpu.memory_space<vmem>>
            %dma_wait3A_475 = arith.constant 0 : i32
            %dma_wait3A_476 = tpu.memref_slice %arg5[%add3A_455, %dma_wait3A_475] : memref<800000x8xf32, #tpu.memory_space<hbm>> -> memref<128x8xf32, #tpu.memory_space<hbm>>
            %dma_wait3A_477 = arith.constant 896 : i32
            %dma_wait3A_478 = arith.constant 0 : i32
            %dma_wait3A_479 = tpu.memref_slice %arg13[%dma_wait3A_477, %dma_wait3A_478] : memref<1024x8xf32, #tpu.memory_space<vmem>> -> memref<128x8xf32, #tpu.memory_space<vmem>>
            %dma_wait3A_480 = arith.constant 0 : i32
            %dma_wait3A_481 = tpu.memref_slice %arg5[%add3A_455, %dma_wait3A_480] : memref<800000x8xf32, #tpu.memory_space<hbm>> -> memref<128x8xf32, #tpu.memory_space<hbm>>
            tpu.wait_dma2 semaphore(%run_scoped3A_461 : memref<!tpu.dma_semaphore, #tpu.memory_space<semaphore_mem>>) src(%dma_wait3A_481 : memref<128x8xf32, #tpu.memory_space<hbm>>) dst(%dma_wait3A_479 : memref<128x8xf32, #tpu.memory_space<vmem>>)
            tpu.yield
          }) : () -> ()
          %run_scoped3A = arith.constant 7 : i32
          "tpu.region"() ({
            %run_scoped3A_461 = tpu.sem_alloc : memref<!tpu.dma_semaphore, #tpu.memory_space<semaphore_mem>>
            %dma_start3A_462 = arith.constant 896 : i32
            %dma_start3A_463 = arith.constant 0 : i32
            %dma_start3A_464 = tpu.memref_slice %arg13[%dma_start3A_462, %dma_start3A_463] : memref<1024x8xf32, #tpu.memory_space<vmem>> -> memref<128x8xf32, #tpu.memory_space<vmem>>
            %dma_start3A_465 = arith.constant 0 : i32
            %dma_start3A_466 = tpu.memref_slice %arg11[%run_scoped3A, %dma_start3A_465] : memref<8x128xi32, #tpu.memory_space<vmem>> -> memref<1x128xi32, #tpu.memory_space<vmem>>
            %dma_start3A_467 = tpu.memref_squeeze %dma_start3A_466 : memref<1x128xi32, #tpu.memory_space<vmem>> -> memref<128xi32, #tpu.memory_space<vmem>>
            %dma_start3A_468 = arith.constant 0 : i32
            %dma_start3A_469 = arith.constant 0 : i32
            %dma_start3A_470 = tpu.memref_slice %arg9[%dma_start3A_468, %dma_start3A_469] : memref<50176x8xf32, #tpu.memory_space<vmem_shared>> -> memref<50176x8xf32, #tpu.memory_space<vmem_shared>>
            tpu.enqueue_indirect_dma source(%dma_start3A_464 : memref<128x8xf32, #tpu.memory_space<vmem>>) target(%dma_start3A_470 : memref<50176x8xf32, #tpu.memory_space<vmem_shared>>) offsets(%dma_start3A_467 : memref<128xi32, #tpu.memory_space<vmem>>) semaphore(%run_scoped3A_461 : memref<!tpu.dma_semaphore, #tpu.memory_space<semaphore_mem>>) {add = true}
            %dma_wait3A_471 = arith.constant 896 : i32
            %dma_wait3A_472 = arith.constant 0 : i32
            %dma_wait3A_473 = tpu.memref_slice %arg13[%dma_wait3A_471, %dma_wait3A_472] : memref<1024x8xf32, #tpu.memory_space<vmem>> -> memref<128x8xf32, #tpu.memory_space<vmem>>
            %dma_wait3A_474 = arith.constant 0 : i32
            %dma_wait3A_475 = tpu.memref_slice %arg11[%run_scoped3A, %dma_wait3A_474] : memref<8x128xi32, #tpu.memory_space<vmem>> -> memref<1x128xi32, #tpu.memory_space<vmem>>
            %dma_wait3A_476 = tpu.memref_squeeze %dma_wait3A_475 : memref<1x128xi32, #tpu.memory_space<vmem>> -> memref<128xi32, #tpu.memory_space<vmem>>
            %dma_wait3A_477 = arith.constant 0 : i32
            %dma_wait3A_478 = arith.constant 0 : i32
            %dma_wait3A_479 = tpu.memref_slice %arg9[%dma_wait3A_477, %dma_wait3A_478] : memref<50176x8xf32, #tpu.memory_space<vmem_shared>> -> memref<50176x8xf32, #tpu.memory_space<vmem_shared>>
            tpu.wait_indirect_dma semaphore(%run_scoped3A_461 : memref<!tpu.dma_semaphore, #tpu.memory_space<semaphore_mem>>) src(%dma_wait3A_473 : memref<128x8xf32, #tpu.memory_space<vmem>>) dst(%dma_wait3A_479 : memref<50176x8xf32, #tpu.memory_space<vmem_shared>>)
            tpu.yield
          }) : () -> ()
        } else {
        }
      } else {
      }
      %dma_wait3A = arith.constant 0 : i32
      %dma_wait3A_174 = arith.constant 0 : i32
      %dma_wait3A_175 = tpu.memref_slice %arg12[%dma_wait3A, %dma_wait3A_174] : memref<1024x16xf32, #tpu.memory_space<vmem>> -> memref<128x16xf32, #tpu.memory_space<vmem>>
      %dma_wait3A_176 = arith.constant 0 : i32
      %dma_wait3A_177 = tpu.memref_slice %arg10[%dma_wait3A_176] : memref<1024xi32, #tpu.memory_space<vmem>> -> memref<128xi32, #tpu.memory_space<vmem>>
      %dma_wait3A_178 = arith.constant 0 : i32
      %dma_wait3A_179 = arith.constant 0 : i32
      %dma_wait3A_180 = tpu.memref_slice %arg2[%dma_wait3A_178, %dma_wait3A_179] : memref<100000x16xf32, #tpu.memory_space<hbm>> -> memref<100000x16xf32, #tpu.memory_space<hbm>>
      tpu.wait_indirect_dma semaphore(%arg14 : memref<!tpu.dma_semaphore, #tpu.memory_space<semaphore_mem>>) src(%dma_wait3A_180 : memref<100000x16xf32, #tpu.memory_space<hbm>>) dst(%dma_wait3A_175 : memref<128x16xf32, #tpu.memory_space<vmem>>)
      %dma_start3A_181 = arith.constant 0 : i32
      %dma_start3A_182 = arith.constant 0 : i32
      %dma_start3A_183 = arith.constant 0 : i32
      %dma_start3A_184 = tpu.memref_slice %arg12[%dma_start3A_182, %dma_start3A_183] : memref<1024x16xf32, #tpu.memory_space<vmem>> -> memref<128x16xf32, #tpu.memory_space<vmem>>
      %dma_start3A_185 = arith.constant 0 : i32
      %dma_start3A_186 = tpu.memref_slice %arg11[%dma_start3A_181, %dma_start3A_185] : memref<8x128xi32, #tpu.memory_space<vmem>> -> memref<1x128xi32, #tpu.memory_space<vmem>>
      %dma_start3A_187 = tpu.memref_squeeze %dma_start3A_186 : memref<1x128xi32, #tpu.memory_space<vmem>> -> memref<128xi32, #tpu.memory_space<vmem>>
      %dma_start3A_188 = arith.constant 0 : i32
      %dma_start3A_189 = arith.constant 0 : i32
      %dma_start3A_190 = tpu.memref_slice %arg8[%dma_start3A_188, %dma_start3A_189] : memref<50176x16xf32, #tpu.memory_space<vmem_shared>> -> memref<50176x16xf32, #tpu.memory_space<vmem_shared>>
      tpu.enqueue_indirect_dma source(%dma_start3A_184 : memref<128x16xf32, #tpu.memory_space<vmem>>) target(%dma_start3A_190 : memref<50176x16xf32, #tpu.memory_space<vmem_shared>>) offsets(%dma_start3A_187 : memref<128xi32, #tpu.memory_space<vmem>>) semaphore(%arg15 : memref<!tpu.dma_semaphore, #tpu.memory_space<semaphore_mem>>) {add = true}
      %dma_wait3A_191 = arith.constant 128 : i32
      %dma_wait3A_192 = arith.constant 0 : i32
      %dma_wait3A_193 = tpu.memref_slice %arg12[%dma_wait3A_191, %dma_wait3A_192] : memref<1024x16xf32, #tpu.memory_space<vmem>> -> memref<128x16xf32, #tpu.memory_space<vmem>>
      %dma_wait3A_194 = arith.constant 128 : i32
      %dma_wait3A_195 = tpu.memref_slice %arg10[%dma_wait3A_194] : memref<1024xi32, #tpu.memory_space<vmem>> -> memref<128xi32, #tpu.memory_space<vmem>>
      %dma_wait3A_196 = arith.constant 0 : i32
      %dma_wait3A_197 = arith.constant 0 : i32
      %dma_wait3A_198 = tpu.memref_slice %arg2[%dma_wait3A_196, %dma_wait3A_197] : memref<100000x16xf32, #tpu.memory_space<hbm>> -> memref<100000x16xf32, #tpu.memory_space<hbm>>
      tpu.wait_indirect_dma semaphore(%arg14 : memref<!tpu.dma_semaphore, #tpu.memory_space<semaphore_mem>>) src(%dma_wait3A_198 : memref<100000x16xf32, #tpu.memory_space<hbm>>) dst(%dma_wait3A_193 : memref<128x16xf32, #tpu.memory_space<vmem>>)
      %dma_start3A_199 = arith.constant 1 : i32
      %dma_start3A_200 = arith.constant 128 : i32
      %dma_start3A_201 = arith.constant 0 : i32
      %dma_start3A_202 = tpu.memref_slice %arg12[%dma_start3A_200, %dma_start3A_201] : memref<1024x16xf32, #tpu.memory_space<vmem>> -> memref<128x16xf32, #tpu.memory_space<vmem>>
      %dma_start3A_203 = arith.constant 0 : i32
      %dma_start3A_204 = tpu.memref_slice %arg11[%dma_start3A_199, %dma_start3A_203] : memref<8x128xi32, #tpu.memory_space<vmem>> -> memref<1x128xi32, #tpu.memory_space<vmem>>
      %dma_start3A_205 = tpu.memref_squeeze %dma_start3A_204 : memref<1x128xi32, #tpu.memory_space<vmem>> -> memref<128xi32, #tpu.memory_space<vmem>>
      %dma_start3A_206 = arith.constant 0 : i32
      %dma_start3A_207 = arith.constant 0 : i32
      %dma_start3A_208 = tpu.memref_slice %arg8[%dma_start3A_206, %dma_start3A_207] : memref<50176x16xf32, #tpu.memory_space<vmem_shared>> -> memref<50176x16xf32, #tpu.memory_space<vmem_shared>>
      tpu.enqueue_indirect_dma source(%dma_start3A_202 : memref<128x16xf32, #tpu.memory_space<vmem>>) target(%dma_start3A_208 : memref<50176x16xf32, #tpu.memory_space<vmem_shared>>) offsets(%dma_start3A_205 : memref<128xi32, #tpu.memory_space<vmem>>) semaphore(%arg15 : memref<!tpu.dma_semaphore, #tpu.memory_space<semaphore_mem>>) {add = true}
      %dma_wait3A_209 = arith.constant 256 : i32
      %dma_wait3A_210 = arith.constant 0 : i32
      %dma_wait3A_211 = tpu.memref_slice %arg12[%dma_wait3A_209, %dma_wait3A_210] : memref<1024x16xf32, #tpu.memory_space<vmem>> -> memref<128x16xf32, #tpu.memory_space<vmem>>
      %dma_wait3A_212 = arith.constant 256 : i32
      %dma_wait3A_213 = tpu.memref_slice %arg10[%dma_wait3A_212] : memref<1024xi32, #tpu.memory_space<vmem>> -> memref<128xi32, #tpu.memory_space<vmem>>
      %dma_wait3A_214 = arith.constant 0 : i32
      %dma_wait3A_215 = arith.constant 0 : i32
      %dma_wait3A_216 = tpu.memref_slice %arg2[%dma_wait3A_214, %dma_wait3A_215] : memref<100000x16xf32, #tpu.memory_space<hbm>> -> memref<100000x16xf32, #tpu.memory_space<hbm>>
      tpu.wait_indirect_dma semaphore(%arg14 : memref<!tpu.dma_semaphore, #tpu.memory_space<semaphore_mem>>) src(%dma_wait3A_216 : memref<100000x16xf32, #tpu.memory_space<hbm>>) dst(%dma_wait3A_211 : memref<128x16xf32, #tpu.memory_space<vmem>>)
      %dma_start3A_217 = arith.constant 2 : i32
      %dma_start3A_218 = arith.constant 256 : i32
      %dma_start3A_219 = arith.constant 0 : i32
      %dma_start3A_220 = tpu.memref_slice %arg12[%dma_start3A_218, %dma_start3A_219] : memref<1024x16xf32, #tpu.memory_space<vmem>> -> memref<128x16xf32, #tpu.memory_space<vmem>>
      %dma_start3A_221 = arith.constant 0 : i32
      %dma_start3A_222 = tpu.memref_slice %arg11[%dma_start3A_217, %dma_start3A_221] : memref<8x128xi32, #tpu.memory_space<vmem>> -> memref<1x128xi32, #tpu.memory_space<vmem>>
      %dma_start3A_223 = tpu.memref_squeeze %dma_start3A_222 : memref<1x128xi32, #tpu.memory_space<vmem>> -> memref<128xi32, #tpu.memory_space<vmem>>
      %dma_start3A_224 = arith.constant 0 : i32
      %dma_start3A_225 = arith.constant 0 : i32
      %dma_start3A_226 = tpu.memref_slice %arg8[%dma_start3A_224, %dma_start3A_225] : memref<50176x16xf32, #tpu.memory_space<vmem_shared>> -> memref<50176x16xf32, #tpu.memory_space<vmem_shared>>
      tpu.enqueue_indirect_dma source(%dma_start3A_220 : memref<128x16xf32, #tpu.memory_space<vmem>>) target(%dma_start3A_226 : memref<50176x16xf32, #tpu.memory_space<vmem_shared>>) offsets(%dma_start3A_223 : memref<128xi32, #tpu.memory_space<vmem>>) semaphore(%arg15 : memref<!tpu.dma_semaphore, #tpu.memory_space<semaphore_mem>>) {add = true}
      %dma_wait3A_227 = arith.constant 384 : i32
      %dma_wait3A_228 = arith.constant 0 : i32
      %dma_wait3A_229 = tpu.memref_slice %arg12[%dma_wait3A_227, %dma_wait3A_228] : memref<1024x16xf32, #tpu.memory_space<vmem>> -> memref<128x16xf32, #tpu.memory_space<vmem>>
      %dma_wait3A_230 = arith.constant 384 : i32
      %dma_wait3A_231 = tpu.memref_slice %arg10[%dma_wait3A_230] : memref<1024xi32, #tpu.memory_space<vmem>> -> memref<128xi32, #tpu.memory_space<vmem>>
      %dma_wait3A_232 = arith.constant 0 : i32
      %dma_wait3A_233 = arith.constant 0 : i32
      %dma_wait3A_234 = tpu.memref_slice %arg2[%dma_wait3A_232, %dma_wait3A_233] : memref<100000x16xf32, #tpu.memory_space<hbm>> -> memref<100000x16xf32, #tpu.memory_space<hbm>>
      tpu.wait_indirect_dma semaphore(%arg14 : memref<!tpu.dma_semaphore, #tpu.memory_space<semaphore_mem>>) src(%dma_wait3A_234 : memref<100000x16xf32, #tpu.memory_space<hbm>>) dst(%dma_wait3A_229 : memref<128x16xf32, #tpu.memory_space<vmem>>)
      %dma_start3A_235 = arith.constant 3 : i32
      %dma_start3A_236 = arith.constant 384 : i32
      %dma_start3A_237 = arith.constant 0 : i32
      %dma_start3A_238 = tpu.memref_slice %arg12[%dma_start3A_236, %dma_start3A_237] : memref<1024x16xf32, #tpu.memory_space<vmem>> -> memref<128x16xf32, #tpu.memory_space<vmem>>
      %dma_start3A_239 = arith.constant 0 : i32
      %dma_start3A_240 = tpu.memref_slice %arg11[%dma_start3A_235, %dma_start3A_239] : memref<8x128xi32, #tpu.memory_space<vmem>> -> memref<1x128xi32, #tpu.memory_space<vmem>>
      %dma_start3A_241 = tpu.memref_squeeze %dma_start3A_240 : memref<1x128xi32, #tpu.memory_space<vmem>> -> memref<128xi32, #tpu.memory_space<vmem>>
      %dma_start3A_242 = arith.constant 0 : i32
      %dma_start3A_243 = arith.constant 0 : i32
      %dma_start3A_244 = tpu.memref_slice %arg8[%dma_start3A_242, %dma_start3A_243] : memref<50176x16xf32, #tpu.memory_space<vmem_shared>> -> memref<50176x16xf32, #tpu.memory_space<vmem_shared>>
      tpu.enqueue_indirect_dma source(%dma_start3A_238 : memref<128x16xf32, #tpu.memory_space<vmem>>) target(%dma_start3A_244 : memref<50176x16xf32, #tpu.memory_space<vmem_shared>>) offsets(%dma_start3A_241 : memref<128xi32, #tpu.memory_space<vmem>>) semaphore(%arg15 : memref<!tpu.dma_semaphore, #tpu.memory_space<semaphore_mem>>) {add = true}
      %dma_wait3A_245 = arith.constant 512 : i32
      %dma_wait3A_246 = arith.constant 0 : i32
      %dma_wait3A_247 = tpu.memref_slice %arg12[%dma_wait3A_245, %dma_wait3A_246] : memref<1024x16xf32, #tpu.memory_space<vmem>> -> memref<128x16xf32, #tpu.memory_space<vmem>>
      %dma_wait3A_248 = arith.constant 512 : i32
      %dma_wait3A_249 = tpu.memref_slice %arg10[%dma_wait3A_248] : memref<1024xi32, #tpu.memory_space<vmem>> -> memref<128xi32, #tpu.memory_space<vmem>>
      %dma_wait3A_250 = arith.constant 0 : i32
      %dma_wait3A_251 = arith.constant 0 : i32
      %dma_wait3A_252 = tpu.memref_slice %arg2[%dma_wait3A_250, %dma_wait3A_251] : memref<100000x16xf32, #tpu.memory_space<hbm>> -> memref<100000x16xf32, #tpu.memory_space<hbm>>
      tpu.wait_indirect_dma semaphore(%arg14 : memref<!tpu.dma_semaphore, #tpu.memory_space<semaphore_mem>>) src(%dma_wait3A_252 : memref<100000x16xf32, #tpu.memory_space<hbm>>) dst(%dma_wait3A_247 : memref<128x16xf32, #tpu.memory_space<vmem>>)
      %dma_start3A_253 = arith.constant 4 : i32
      %dma_start3A_254 = arith.constant 512 : i32
      %dma_start3A_255 = arith.constant 0 : i32
      %dma_start3A_256 = tpu.memref_slice %arg12[%dma_start3A_254, %dma_start3A_255] : memref<1024x16xf32, #tpu.memory_space<vmem>> -> memref<128x16xf32, #tpu.memory_space<vmem>>
      %dma_start3A_257 = arith.constant 0 : i32
      %dma_start3A_258 = tpu.memref_slice %arg11[%dma_start3A_253, %dma_start3A_257] : memref<8x128xi32, #tpu.memory_space<vmem>> -> memref<1x128xi32, #tpu.memory_space<vmem>>
      %dma_start3A_259 = tpu.memref_squeeze %dma_start3A_258 : memref<1x128xi32, #tpu.memory_space<vmem>> -> memref<128xi32, #tpu.memory_space<vmem>>
      %dma_start3A_260 = arith.constant 0 : i32
      %dma_start3A_261 = arith.constant 0 : i32
      %dma_start3A_262 = tpu.memref_slice %arg8[%dma_start3A_260, %dma_start3A_261] : memref<50176x16xf32, #tpu.memory_space<vmem_shared>> -> memref<50176x16xf32, #tpu.memory_space<vmem_shared>>
      tpu.enqueue_indirect_dma source(%dma_start3A_256 : memref<128x16xf32, #tpu.memory_space<vmem>>) target(%dma_start3A_262 : memref<50176x16xf32, #tpu.memory_space<vmem_shared>>) offsets(%dma_start3A_259 : memref<128xi32, #tpu.memory_space<vmem>>) semaphore(%arg15 : memref<!tpu.dma_semaphore, #tpu.memory_space<semaphore_mem>>) {add = true}
      %dma_wait3A_263 = arith.constant 640 : i32
      %dma_wait3A_264 = arith.constant 0 : i32
      %dma_wait3A_265 = tpu.memref_slice %arg12[%dma_wait3A_263, %dma_wait3A_264] : memref<1024x16xf32, #tpu.memory_space<vmem>> -> memref<128x16xf32, #tpu.memory_space<vmem>>
      %dma_wait3A_266 = arith.constant 640 : i32
      %dma_wait3A_267 = tpu.memref_slice %arg10[%dma_wait3A_266] : memref<1024xi32, #tpu.memory_space<vmem>> -> memref<128xi32, #tpu.memory_space<vmem>>
      %dma_wait3A_268 = arith.constant 0 : i32
      %dma_wait3A_269 = arith.constant 0 : i32
      %dma_wait3A_270 = tpu.memref_slice %arg2[%dma_wait3A_268, %dma_wait3A_269] : memref<100000x16xf32, #tpu.memory_space<hbm>> -> memref<100000x16xf32, #tpu.memory_space<hbm>>
      tpu.wait_indirect_dma semaphore(%arg14 : memref<!tpu.dma_semaphore, #tpu.memory_space<semaphore_mem>>) src(%dma_wait3A_270 : memref<100000x16xf32, #tpu.memory_space<hbm>>) dst(%dma_wait3A_265 : memref<128x16xf32, #tpu.memory_space<vmem>>)
      %dma_start3A_271 = arith.constant 5 : i32
      %dma_start3A_272 = arith.constant 640 : i32
      %dma_start3A_273 = arith.constant 0 : i32
      %dma_start3A_274 = tpu.memref_slice %arg12[%dma_start3A_272, %dma_start3A_273] : memref<1024x16xf32, #tpu.memory_space<vmem>> -> memref<128x16xf32, #tpu.memory_space<vmem>>
      %dma_start3A_275 = arith.constant 0 : i32
      %dma_start3A_276 = tpu.memref_slice %arg11[%dma_start3A_271, %dma_start3A_275] : memref<8x128xi32, #tpu.memory_space<vmem>> -> memref<1x128xi32, #tpu.memory_space<vmem>>
      %dma_start3A_277 = tpu.memref_squeeze %dma_start3A_276 : memref<1x128xi32, #tpu.memory_space<vmem>> -> memref<128xi32, #tpu.memory_space<vmem>>
      %dma_start3A_278 = arith.constant 0 : i32
      %dma_start3A_279 = arith.constant 0 : i32
      %dma_start3A_280 = tpu.memref_slice %arg8[%dma_start3A_278, %dma_start3A_279] : memref<50176x16xf32, #tpu.memory_space<vmem_shared>> -> memref<50176x16xf32, #tpu.memory_space<vmem_shared>>
      tpu.enqueue_indirect_dma source(%dma_start3A_274 : memref<128x16xf32, #tpu.memory_space<vmem>>) target(%dma_start3A_280 : memref<50176x16xf32, #tpu.memory_space<vmem_shared>>) offsets(%dma_start3A_277 : memref<128xi32, #tpu.memory_space<vmem>>) semaphore(%arg15 : memref<!tpu.dma_semaphore, #tpu.memory_space<semaphore_mem>>) {add = true}
      %dma_wait3A_281 = arith.constant 768 : i32
      %dma_wait3A_282 = arith.constant 0 : i32
      %dma_wait3A_283 = tpu.memref_slice %arg12[%dma_wait3A_281, %dma_wait3A_282] : memref<1024x16xf32, #tpu.memory_space<vmem>> -> memref<128x16xf32, #tpu.memory_space<vmem>>
      %dma_wait3A_284 = arith.constant 768 : i32
      %dma_wait3A_285 = tpu.memref_slice %arg10[%dma_wait3A_284] : memref<1024xi32, #tpu.memory_space<vmem>> -> memref<128xi32, #tpu.memory_space<vmem>>
      %dma_wait3A_286 = arith.constant 0 : i32
      %dma_wait3A_287 = arith.constant 0 : i32
      %dma_wait3A_288 = tpu.memref_slice %arg2[%dma_wait3A_286, %dma_wait3A_287] : memref<100000x16xf32, #tpu.memory_space<hbm>> -> memref<100000x16xf32, #tpu.memory_space<hbm>>
      tpu.wait_indirect_dma semaphore(%arg14 : memref<!tpu.dma_semaphore, #tpu.memory_space<semaphore_mem>>) src(%dma_wait3A_288 : memref<100000x16xf32, #tpu.memory_space<hbm>>) dst(%dma_wait3A_283 : memref<128x16xf32, #tpu.memory_space<vmem>>)
      %dma_start3A_289 = arith.constant 6 : i32
      %dma_start3A_290 = arith.constant 768 : i32
      %dma_start3A_291 = arith.constant 0 : i32
      %dma_start3A_292 = tpu.memref_slice %arg12[%dma_start3A_290, %dma_start3A_291] : memref<1024x16xf32, #tpu.memory_space<vmem>> -> memref<128x16xf32, #tpu.memory_space<vmem>>
      %dma_start3A_293 = arith.constant 0 : i32
      %dma_start3A_294 = tpu.memref_slice %arg11[%dma_start3A_289, %dma_start3A_293] : memref<8x128xi32, #tpu.memory_space<vmem>> -> memref<1x128xi32, #tpu.memory_space<vmem>>
      %dma_start3A_295 = tpu.memref_squeeze %dma_start3A_294 : memref<1x128xi32, #tpu.memory_space<vmem>> -> memref<128xi32, #tpu.memory_space<vmem>>
      %dma_start3A_296 = arith.constant 0 : i32
      %dma_start3A_297 = arith.constant 0 : i32
      %dma_start3A_298 = tpu.memref_slice %arg8[%dma_start3A_296, %dma_start3A_297] : memref<50176x16xf32, #tpu.memory_space<vmem_shared>> -> memref<50176x16xf32, #tpu.memory_space<vmem_shared>>
      tpu.enqueue_indirect_dma source(%dma_start3A_292 : memref<128x16xf32, #tpu.memory_space<vmem>>) target(%dma_start3A_298 : memref<50176x16xf32, #tpu.memory_space<vmem_shared>>) offsets(%dma_start3A_295 : memref<128xi32, #tpu.memory_space<vmem>>) semaphore(%arg15 : memref<!tpu.dma_semaphore, #tpu.memory_space<semaphore_mem>>) {add = true}
      %dma_wait3A_299 = arith.constant 896 : i32
      %dma_wait3A_300 = arith.constant 0 : i32
      %dma_wait3A_301 = tpu.memref_slice %arg12[%dma_wait3A_299, %dma_wait3A_300] : memref<1024x16xf32, #tpu.memory_space<vmem>> -> memref<128x16xf32, #tpu.memory_space<vmem>>
      %dma_wait3A_302 = arith.constant 896 : i32
      %dma_wait3A_303 = tpu.memref_slice %arg10[%dma_wait3A_302] : memref<1024xi32, #tpu.memory_space<vmem>> -> memref<128xi32, #tpu.memory_space<vmem>>
      %dma_wait3A_304 = arith.constant 0 : i32
      %dma_wait3A_305 = arith.constant 0 : i32
      %dma_wait3A_306 = tpu.memref_slice %arg2[%dma_wait3A_304, %dma_wait3A_305] : memref<100000x16xf32, #tpu.memory_space<hbm>> -> memref<100000x16xf32, #tpu.memory_space<hbm>>
      tpu.wait_indirect_dma semaphore(%arg14 : memref<!tpu.dma_semaphore, #tpu.memory_space<semaphore_mem>>) src(%dma_wait3A_306 : memref<100000x16xf32, #tpu.memory_space<hbm>>) dst(%dma_wait3A_301 : memref<128x16xf32, #tpu.memory_space<vmem>>)
      %dma_start3A_307 = arith.constant 7 : i32
      %dma_start3A_308 = arith.constant 896 : i32
      %dma_start3A_309 = arith.constant 0 : i32
      %dma_start3A_310 = tpu.memref_slice %arg12[%dma_start3A_308, %dma_start3A_309] : memref<1024x16xf32, #tpu.memory_space<vmem>> -> memref<128x16xf32, #tpu.memory_space<vmem>>
      %dma_start3A_311 = arith.constant 0 : i32
      %dma_start3A_312 = tpu.memref_slice %arg11[%dma_start3A_307, %dma_start3A_311] : memref<8x128xi32, #tpu.memory_space<vmem>> -> memref<1x128xi32, #tpu.memory_space<vmem>>
      %dma_start3A_313 = tpu.memref_squeeze %dma_start3A_312 : memref<1x128xi32, #tpu.memory_space<vmem>> -> memref<128xi32, #tpu.memory_space<vmem>>
      %dma_start3A_314 = arith.constant 0 : i32
      %dma_start3A_315 = arith.constant 0 : i32
      %dma_start3A_316 = tpu.memref_slice %arg8[%dma_start3A_314, %dma_start3A_315] : memref<50176x16xf32, #tpu.memory_space<vmem_shared>> -> memref<50176x16xf32, #tpu.memory_space<vmem_shared>>
      tpu.enqueue_indirect_dma source(%dma_start3A_310 : memref<128x16xf32, #tpu.memory_space<vmem>>) target(%dma_start3A_316 : memref<50176x16xf32, #tpu.memory_space<vmem_shared>>) offsets(%dma_start3A_313 : memref<128xi32, #tpu.memory_space<vmem>>) semaphore(%arg15 : memref<!tpu.dma_semaphore, #tpu.memory_space<semaphore_mem>>) {add = true}
      %dma_wait3A_317 = arith.constant 0 : i32
      %dma_wait3A_318 = arith.constant 0 : i32
      %dma_wait3A_319 = arith.constant 0 : i32
      %dma_wait3A_320 = tpu.memref_slice %arg12[%dma_wait3A_318, %dma_wait3A_319] : memref<1024x16xf32, #tpu.memory_space<vmem>> -> memref<128x16xf32, #tpu.memory_space<vmem>>
      %dma_wait3A_321 = arith.constant 0 : i32
      %dma_wait3A_322 = tpu.memref_slice %arg11[%dma_wait3A_317, %dma_wait3A_321] : memref<8x128xi32, #tpu.memory_space<vmem>> -> memref<1x128xi32, #tpu.memory_space<vmem>>
      %dma_wait3A_323 = tpu.memref_squeeze %dma_wait3A_322 : memref<1x128xi32, #tpu.memory_space<vmem>> -> memref<128xi32, #tpu.memory_space<vmem>>
      %dma_wait3A_324 = arith.constant 0 : i32
      %dma_wait3A_325 = arith.constant 0 : i32
      %dma_wait3A_326 = tpu.memref_slice %arg8[%dma_wait3A_324, %dma_wait3A_325] : memref<50176x16xf32, #tpu.memory_space<vmem_shared>> -> memref<50176x16xf32, #tpu.memory_space<vmem_shared>>
      tpu.wait_indirect_dma semaphore(%arg15 : memref<!tpu.dma_semaphore, #tpu.memory_space<semaphore_mem>>) src(%dma_wait3A_320 : memref<128x16xf32, #tpu.memory_space<vmem>>) dst(%dma_wait3A_326 : memref<50176x16xf32, #tpu.memory_space<vmem_shared>>)
      %dma_wait3A_327 = arith.constant 1 : i32
      %dma_wait3A_328 = arith.constant 128 : i32
      %dma_wait3A_329 = arith.constant 0 : i32
      %dma_wait3A_330 = tpu.memref_slice %arg12[%dma_wait3A_328, %dma_wait3A_329] : memref<1024x16xf32, #tpu.memory_space<vmem>> -> memref<128x16xf32, #tpu.memory_space<vmem>>
      %dma_wait3A_331 = arith.constant 0 : i32
      %dma_wait3A_332 = tpu.memref_slice %arg11[%dma_wait3A_327, %dma_wait3A_331] : memref<8x128xi32, #tpu.memory_space<vmem>> -> memref<1x128xi32, #tpu.memory_space<vmem>>
      %dma_wait3A_333 = tpu.memref_squeeze %dma_wait3A_332 : memref<1x128xi32, #tpu.memory_space<vmem>> -> memref<128xi32, #tpu.memory_space<vmem>>
      %dma_wait3A_334 = arith.constant 0 : i32
      %dma_wait3A_335 = arith.constant 0 : i32
      %dma_wait3A_336 = tpu.memref_slice %arg8[%dma_wait3A_334, %dma_wait3A_335] : memref<50176x16xf32, #tpu.memory_space<vmem_shared>> -> memref<50176x16xf32, #tpu.memory_space<vmem_shared>>
      tpu.wait_indirect_dma semaphore(%arg15 : memref<!tpu.dma_semaphore, #tpu.memory_space<semaphore_mem>>) src(%dma_wait3A_330 : memref<128x16xf32, #tpu.memory_space<vmem>>) dst(%dma_wait3A_336 : memref<50176x16xf32, #tpu.memory_space<vmem_shared>>)
      %dma_wait3A_337 = arith.constant 2 : i32
      %dma_wait3A_338 = arith.constant 256 : i32
      %dma_wait3A_339 = arith.constant 0 : i32
      %dma_wait3A_340 = tpu.memref_slice %arg12[%dma_wait3A_338, %dma_wait3A_339] : memref<1024x16xf32, #tpu.memory_space<vmem>> -> memref<128x16xf32, #tpu.memory_space<vmem>>
      %dma_wait3A_341 = arith.constant 0 : i32
      %dma_wait3A_342 = tpu.memref_slice %arg11[%dma_wait3A_337, %dma_wait3A_341] : memref<8x128xi32, #tpu.memory_space<vmem>> -> memref<1x128xi32, #tpu.memory_space<vmem>>
      %dma_wait3A_343 = tpu.memref_squeeze %dma_wait3A_342 : memref<1x128xi32, #tpu.memory_space<vmem>> -> memref<128xi32, #tpu.memory_space<vmem>>
      %dma_wait3A_344 = arith.constant 0 : i32
      %dma_wait3A_345 = arith.constant 0 : i32
      %dma_wait3A_346 = tpu.memref_slice %arg8[%dma_wait3A_344, %dma_wait3A_345] : memref<50176x16xf32, #tpu.memory_space<vmem_shared>> -> memref<50176x16xf32, #tpu.memory_space<vmem_shared>>
      tpu.wait_indirect_dma semaphore(%arg15 : memref<!tpu.dma_semaphore, #tpu.memory_space<semaphore_mem>>) src(%dma_wait3A_340 : memref<128x16xf32, #tpu.memory_space<vmem>>) dst(%dma_wait3A_346 : memref<50176x16xf32, #tpu.memory_space<vmem_shared>>)
      %dma_wait3A_347 = arith.constant 3 : i32
      %dma_wait3A_348 = arith.constant 384 : i32
      %dma_wait3A_349 = arith.constant 0 : i32
      %dma_wait3A_350 = tpu.memref_slice %arg12[%dma_wait3A_348, %dma_wait3A_349] : memref<1024x16xf32, #tpu.memory_space<vmem>> -> memref<128x16xf32, #tpu.memory_space<vmem>>
      %dma_wait3A_351 = arith.constant 0 : i32
      %dma_wait3A_352 = tpu.memref_slice %arg11[%dma_wait3A_347, %dma_wait3A_351] : memref<8x128xi32, #tpu.memory_space<vmem>> -> memref<1x128xi32, #tpu.memory_space<vmem>>
      %dma_wait3A_353 = tpu.memref_squeeze %dma_wait3A_352 : memref<1x128xi32, #tpu.memory_space<vmem>> -> memref<128xi32, #tpu.memory_space<vmem>>
      %dma_wait3A_354 = arith.constant 0 : i32
      %dma_wait3A_355 = arith.constant 0 : i32
      %dma_wait3A_356 = tpu.memref_slice %arg8[%dma_wait3A_354, %dma_wait3A_355] : memref<50176x16xf32, #tpu.memory_space<vmem_shared>> -> memref<50176x16xf32, #tpu.memory_space<vmem_shared>>
      tpu.wait_indirect_dma semaphore(%arg15 : memref<!tpu.dma_semaphore, #tpu.memory_space<semaphore_mem>>) src(%dma_wait3A_350 : memref<128x16xf32, #tpu.memory_space<vmem>>) dst(%dma_wait3A_356 : memref<50176x16xf32, #tpu.memory_space<vmem_shared>>)
      %dma_wait3A_357 = arith.constant 4 : i32
      %dma_wait3A_358 = arith.constant 512 : i32
      %dma_wait3A_359 = arith.constant 0 : i32
      %dma_wait3A_360 = tpu.memref_slice %arg12[%dma_wait3A_358, %dma_wait3A_359] : memref<1024x16xf32, #tpu.memory_space<vmem>> -> memref<128x16xf32, #tpu.memory_space<vmem>>
      %dma_wait3A_361 = arith.constant 0 : i32
      %dma_wait3A_362 = tpu.memref_slice %arg11[%dma_wait3A_357, %dma_wait3A_361] : memref<8x128xi32, #tpu.memory_space<vmem>> -> memref<1x128xi32, #tpu.memory_space<vmem>>
      %dma_wait3A_363 = tpu.memref_squeeze %dma_wait3A_362 : memref<1x128xi32, #tpu.memory_space<vmem>> -> memref<128xi32, #tpu.memory_space<vmem>>
      %dma_wait3A_364 = arith.constant 0 : i32
      %dma_wait3A_365 = arith.constant 0 : i32
      %dma_wait3A_366 = tpu.memref_slice %arg8[%dma_wait3A_364, %dma_wait3A_365] : memref<50176x16xf32, #tpu.memory_space<vmem_shared>> -> memref<50176x16xf32, #tpu.memory_space<vmem_shared>>
      tpu.wait_indirect_dma semaphore(%arg15 : memref<!tpu.dma_semaphore, #tpu.memory_space<semaphore_mem>>) src(%dma_wait3A_360 : memref<128x16xf32, #tpu.memory_space<vmem>>) dst(%dma_wait3A_366 : memref<50176x16xf32, #tpu.memory_space<vmem_shared>>)
      %dma_wait3A_367 = arith.constant 5 : i32
      %dma_wait3A_368 = arith.constant 640 : i32
      %dma_wait3A_369 = arith.constant 0 : i32
      %dma_wait3A_370 = tpu.memref_slice %arg12[%dma_wait3A_368, %dma_wait3A_369] : memref<1024x16xf32, #tpu.memory_space<vmem>> -> memref<128x16xf32, #tpu.memory_space<vmem>>
      %dma_wait3A_371 = arith.constant 0 : i32
      %dma_wait3A_372 = tpu.memref_slice %arg11[%dma_wait3A_367, %dma_wait3A_371] : memref<8x128xi32, #tpu.memory_space<vmem>> -> memref<1x128xi32, #tpu.memory_space<vmem>>
      %dma_wait3A_373 = tpu.memref_squeeze %dma_wait3A_372 : memref<1x128xi32, #tpu.memory_space<vmem>> -> memref<128xi32, #tpu.memory_space<vmem>>
      %dma_wait3A_374 = arith.constant 0 : i32
      %dma_wait3A_375 = arith.constant 0 : i32
      %dma_wait3A_376 = tpu.memref_slice %arg8[%dma_wait3A_374, %dma_wait3A_375] : memref<50176x16xf32, #tpu.memory_space<vmem_shared>> -> memref<50176x16xf32, #tpu.memory_space<vmem_shared>>
      tpu.wait_indirect_dma semaphore(%arg15 : memref<!tpu.dma_semaphore, #tpu.memory_space<semaphore_mem>>) src(%dma_wait3A_370 : memref<128x16xf32, #tpu.memory_space<vmem>>) dst(%dma_wait3A_376 : memref<50176x16xf32, #tpu.memory_space<vmem_shared>>)
      %dma_wait3A_377 = arith.constant 6 : i32
      %dma_wait3A_378 = arith.constant 768 : i32
      %dma_wait3A_379 = arith.constant 0 : i32
      %dma_wait3A_380 = tpu.memref_slice %arg12[%dma_wait3A_378, %dma_wait3A_379] : memref<1024x16xf32, #tpu.memory_space<vmem>> -> memref<128x16xf32, #tpu.memory_space<vmem>>
      %dma_wait3A_381 = arith.constant 0 : i32
      %dma_wait3A_382 = tpu.memref_slice %arg11[%dma_wait3A_377, %dma_wait3A_381] : memref<8x128xi32, #tpu.memory_space<vmem>> -> memref<1x128xi32, #tpu.memory_space<vmem>>
      %dma_wait3A_383 = tpu.memref_squeeze %dma_wait3A_382 : memref<1x128xi32, #tpu.memory_space<vmem>> -> memref<128xi32, #tpu.memory_space<vmem>>
      %dma_wait3A_384 = arith.constant 0 : i32
      %dma_wait3A_385 = arith.constant 0 : i32
      %dma_wait3A_386 = tpu.memref_slice %arg8[%dma_wait3A_384, %dma_wait3A_385] : memref<50176x16xf32, #tpu.memory_space<vmem_shared>> -> memref<50176x16xf32, #tpu.memory_space<vmem_shared>>
      tpu.wait_indirect_dma semaphore(%arg15 : memref<!tpu.dma_semaphore, #tpu.memory_space<semaphore_mem>>) src(%dma_wait3A_380 : memref<128x16xf32, #tpu.memory_space<vmem>>) dst(%dma_wait3A_386 : memref<50176x16xf32, #tpu.memory_space<vmem_shared>>)
      %dma_wait3A_387 = arith.constant 7 : i32
      %dma_wait3A_388 = arith.constant 896 : i32
      %dma_wait3A_389 = arith.constant 0 : i32
      %dma_wait3A_390 = tpu.memref_slice %arg12[%dma_wait3A_388, %dma_wait3A_389] : memref<1024x16xf32, #tpu.memory_space<vmem>> -> memref<128x16xf32, #tpu.memory_space<vmem>>
      %dma_wait3A_391 = arith.constant 0 : i32
      %dma_wait3A_392 = tpu.memref_slice %arg11[%dma_wait3A_387, %dma_wait3A_391] : memref<8x128xi32, #tpu.memory_space<vmem>> -> memref<1x128xi32, #tpu.memory_space<vmem>>
      %dma_wait3A_393 = tpu.memref_squeeze %dma_wait3A_392 : memref<1x128xi32, #tpu.memory_space<vmem>> -> memref<128xi32, #tpu.memory_space<vmem>>
      %dma_wait3A_394 = arith.constant 0 : i32
      %dma_wait3A_395 = arith.constant 0 : i32
      %dma_wait3A_396 = tpu.memref_slice %arg8[%dma_wait3A_394, %dma_wait3A_395] : memref<50176x16xf32, #tpu.memory_space<vmem_shared>> -> memref<50176x16xf32, #tpu.memory_space<vmem_shared>>
      tpu.wait_indirect_dma semaphore(%arg15 : memref<!tpu.dma_semaphore, #tpu.memory_space<semaphore_mem>>) src(%dma_wait3A_390 : memref<128x16xf32, #tpu.memory_space<vmem>>) dst(%dma_wait3A_396 : memref<50176x16xf32, #tpu.memory_space<vmem_shared>>)
    }
    %scan3A_55 = arith.constant 49 : i32
    %barrier3A_56 = arith.constant 0 : index
    tpu.barrier barrier_id(%barrier3A_56)
    %mul3A_57 = arith.constant 3125 : i32
    %mul3A_58 = arith.muli %arg1, %mul3A_57 : i32
    %mul3A_59 = arith.constant 50000 : i32
    %mul3A_60 = arith.muli %arg0, %mul3A_59 : i32
    %add3A_61 = arith.addi %mul3A_60, %mul3A_58 : i32
    %add3A_62 = arith.constant 0 : i32
    %add3A_63 = arith.addi %mul3A_58, %add3A_62 : i32
    %add3A_64 = arith.constant 0 : i32
    %add3A_65 = arith.addi %add3A_61, %add3A_64 : i32
    "tpu.region"() ({
      %run_scoped3A = tpu.sem_alloc : memref<!tpu.dma_semaphore, #tpu.memory_space<semaphore_mem>>
      %dma_start3A = arith.constant 0 : i32
      %dma_start3A_99 = tpu.memref_slice %arg6[%add3A_65, %dma_start3A] : memref<100000x16xf32, #tpu.memory_space<hbm>> -> memref<1024x16xf32, #tpu.memory_space<hbm>>
      %dma_start3A_100 = arith.constant 0 : i32
      %dma_start3A_101 = tpu.memref_slice %arg8[%add3A_63, %dma_start3A_100] : memref<50176x16xf32, #tpu.memory_space<vmem_shared>> -> memref<1024x16xf32, #tpu.memory_space<vmem_shared>>
      tpu.enqueue_dma source(%dma_start3A_101 : memref<1024x16xf32, #tpu.memory_space<vmem_shared>>) target(%dma_start3A_99 : memref<1024x16xf32, #tpu.memory_space<hbm>>) target_semaphore(%run_scoped3A : memref<!tpu.dma_semaphore, #tpu.memory_space<semaphore_mem>>)
      %dma_wait3A = arith.constant 0 : i32
      %dma_wait3A_102 = tpu.memref_slice %arg6[%add3A_65, %dma_wait3A] : memref<100000x16xf32, #tpu.memory_space<hbm>> -> memref<1024x16xf32, #tpu.memory_space<hbm>>
      %dma_wait3A_103 = arith.constant 0 : i32
      %dma_wait3A_104 = tpu.memref_slice %arg8[%add3A_63, %dma_wait3A_103] : memref<50176x16xf32, #tpu.memory_space<vmem_shared>> -> memref<1024x16xf32, #tpu.memory_space<vmem_shared>>
      tpu.wait_dma2 semaphore(%run_scoped3A : memref<!tpu.dma_semaphore, #tpu.memory_space<semaphore_mem>>) src(%dma_wait3A_104 : memref<1024x16xf32, #tpu.memory_space<vmem_shared>>) dst(%dma_wait3A_102 : memref<1024x16xf32, #tpu.memory_space<hbm>>)
      tpu.yield
    }) : () -> ()
    %add3A_66 = arith.constant 1024 : i32
    %add3A_67 = arith.addi %mul3A_58, %add3A_66 : i32
    %add3A_68 = arith.constant 1024 : i32
    %add3A_69 = arith.addi %add3A_61, %add3A_68 : i32
    "tpu.region"() ({
      %run_scoped3A = tpu.sem_alloc : memref<!tpu.dma_semaphore, #tpu.memory_space<semaphore_mem>>
      %dma_start3A = arith.constant 0 : i32
      %dma_start3A_99 = tpu.memref_slice %arg6[%add3A_69, %dma_start3A] : memref<100000x16xf32, #tpu.memory_space<hbm>> -> memref<1024x16xf32, #tpu.memory_space<hbm>>
      %dma_start3A_100 = arith.constant 0 : i32
      %dma_start3A_101 = tpu.memref_slice %arg8[%add3A_67, %dma_start3A_100] : memref<50176x16xf32, #tpu.memory_space<vmem_shared>> -> memref<1024x16xf32, #tpu.memory_space<vmem_shared>>
      tpu.enqueue_dma source(%dma_start3A_101 : memref<1024x16xf32, #tpu.memory_space<vmem_shared>>) target(%dma_start3A_99 : memref<1024x16xf32, #tpu.memory_space<hbm>>) target_semaphore(%run_scoped3A : memref<!tpu.dma_semaphore, #tpu.memory_space<semaphore_mem>>)
      %dma_wait3A = arith.constant 0 : i32
      %dma_wait3A_102 = tpu.memref_slice %arg6[%add3A_69, %dma_wait3A] : memref<100000x16xf32, #tpu.memory_space<hbm>> -> memref<1024x16xf32, #tpu.memory_space<hbm>>
      %dma_wait3A_103 = arith.constant 0 : i32
      %dma_wait3A_104 = tpu.memref_slice %arg8[%add3A_67, %dma_wait3A_103] : memref<50176x16xf32, #tpu.memory_space<vmem_shared>> -> memref<1024x16xf32, #tpu.memory_space<vmem_shared>>
      tpu.wait_dma2 semaphore(%run_scoped3A : memref<!tpu.dma_semaphore, #tpu.memory_space<semaphore_mem>>) src(%dma_wait3A_104 : memref<1024x16xf32, #tpu.memory_space<vmem_shared>>) dst(%dma_wait3A_102 : memref<1024x16xf32, #tpu.memory_space<hbm>>)
      tpu.yield
    }) : () -> ()
    %add3A_70 = arith.constant 2048 : i32
    %add3A_71 = arith.addi %mul3A_58, %add3A_70 : i32
    %add3A_72 = arith.constant 2048 : i32
    %add3A_73 = arith.addi %add3A_61, %add3A_72 : i32
    "tpu.region"() ({
      %run_scoped3A = tpu.sem_alloc : memref<!tpu.dma_semaphore, #tpu.memory_space<semaphore_mem>>
      %dma_start3A = arith.constant 0 : i32
      %dma_start3A_99 = tpu.memref_slice %arg6[%add3A_73, %dma_start3A] : memref<100000x16xf32, #tpu.memory_space<hbm>> -> memref<1024x16xf32, #tpu.memory_space<hbm>>
      %dma_start3A_100 = arith.constant 0 : i32
      %dma_start3A_101 = tpu.memref_slice %arg8[%add3A_71, %dma_start3A_100] : memref<50176x16xf32, #tpu.memory_space<vmem_shared>> -> memref<1024x16xf32, #tpu.memory_space<vmem_shared>>
      tpu.enqueue_dma source(%dma_start3A_101 : memref<1024x16xf32, #tpu.memory_space<vmem_shared>>) target(%dma_start3A_99 : memref<1024x16xf32, #tpu.memory_space<hbm>>) target_semaphore(%run_scoped3A : memref<!tpu.dma_semaphore, #tpu.memory_space<semaphore_mem>>)
      %dma_wait3A = arith.constant 0 : i32
      %dma_wait3A_102 = tpu.memref_slice %arg6[%add3A_73, %dma_wait3A] : memref<100000x16xf32, #tpu.memory_space<hbm>> -> memref<1024x16xf32, #tpu.memory_space<hbm>>
      %dma_wait3A_103 = arith.constant 0 : i32
      %dma_wait3A_104 = tpu.memref_slice %arg8[%add3A_71, %dma_wait3A_103] : memref<50176x16xf32, #tpu.memory_space<vmem_shared>> -> memref<1024x16xf32, #tpu.memory_space<vmem_shared>>
      tpu.wait_dma2 semaphore(%run_scoped3A : memref<!tpu.dma_semaphore, #tpu.memory_space<semaphore_mem>>) src(%dma_wait3A_104 : memref<1024x16xf32, #tpu.memory_space<vmem_shared>>) dst(%dma_wait3A_102 : memref<1024x16xf32, #tpu.memory_space<hbm>>)
      tpu.yield
    }) : () -> ()
    %add3A_74 = arith.constant 3072 : i32
    %add3A_75 = arith.addi %mul3A_58, %add3A_74 : i32
    %add3A_76 = arith.constant 3072 : i32
    %add3A_77 = arith.addi %add3A_61, %add3A_76 : i32
    "tpu.region"() ({
      %run_scoped3A = tpu.sem_alloc : memref<!tpu.dma_semaphore, #tpu.memory_space<semaphore_mem>>
      %dma_start3A = arith.constant 0 : i32
      %dma_start3A_99 = tpu.memref_slice %arg6[%add3A_77, %dma_start3A] : memref<100000x16xf32, #tpu.memory_space<hbm>> -> memref<53x16xf32, #tpu.memory_space<hbm>>
      %dma_start3A_100 = arith.constant 0 : i32
      %dma_start3A_101 = tpu.memref_slice %arg8[%add3A_75, %dma_start3A_100] : memref<50176x16xf32, #tpu.memory_space<vmem_shared>> -> memref<53x16xf32, #tpu.memory_space<vmem_shared>>
      tpu.enqueue_dma source(%dma_start3A_101 : memref<53x16xf32, #tpu.memory_space<vmem_shared>>) target(%dma_start3A_99 : memref<53x16xf32, #tpu.memory_space<hbm>>) target_semaphore(%run_scoped3A : memref<!tpu.dma_semaphore, #tpu.memory_space<semaphore_mem>>)
      %dma_wait3A = arith.constant 0 : i32
      %dma_wait3A_102 = tpu.memref_slice %arg6[%add3A_77, %dma_wait3A] : memref<100000x16xf32, #tpu.memory_space<hbm>> -> memref<53x16xf32, #tpu.memory_space<hbm>>
      %dma_wait3A_103 = arith.constant 0 : i32
      %dma_wait3A_104 = tpu.memref_slice %arg8[%add3A_75, %dma_wait3A_103] : memref<50176x16xf32, #tpu.memory_space<vmem_shared>> -> memref<53x16xf32, #tpu.memory_space<vmem_shared>>
      tpu.wait_dma2 semaphore(%run_scoped3A : memref<!tpu.dma_semaphore, #tpu.memory_space<semaphore_mem>>) src(%dma_wait3A_104 : memref<53x16xf32, #tpu.memory_space<vmem_shared>>) dst(%dma_wait3A_102 : memref<53x16xf32, #tpu.memory_space<hbm>>)
      tpu.yield
    }) : () -> ()
    %mul3A_78 = arith.constant 3125 : i32
    %mul3A_79 = arith.muli %arg1, %mul3A_78 : i32
    %mul3A_80 = arith.constant 50000 : i32
    %mul3A_81 = arith.muli %arg0, %mul3A_80 : i32
    %add3A_82 = arith.addi %mul3A_81, %mul3A_79 : i32
    %add3A_83 = arith.constant 0 : i32
    %add3A_84 = arith.addi %mul3A_79, %add3A_83 : i32
    %add3A_85 = arith.constant 0 : i32
    %add3A_86 = arith.addi %add3A_82, %add3A_85 : i32
    "tpu.region"() ({
      %run_scoped3A = tpu.sem_alloc : memref<!tpu.dma_semaphore, #tpu.memory_space<semaphore_mem>>
      %dma_start3A = arith.constant 0 : i32
      %dma_start3A_99 = tpu.memref_slice %arg7[%add3A_86, %dma_start3A] : memref<100000x8xf32, #tpu.memory_space<hbm>> -> memref<1024x8xf32, #tpu.memory_space<hbm>>
      %dma_start3A_100 = arith.constant 0 : i32
      %dma_start3A_101 = tpu.memref_slice %arg9[%add3A_84, %dma_start3A_100] : memref<50176x8xf32, #tpu.memory_space<vmem_shared>> -> memref<1024x8xf32, #tpu.memory_space<vmem_shared>>
      tpu.enqueue_dma source(%dma_start3A_101 : memref<1024x8xf32, #tpu.memory_space<vmem_shared>>) target(%dma_start3A_99 : memref<1024x8xf32, #tpu.memory_space<hbm>>) target_semaphore(%run_scoped3A : memref<!tpu.dma_semaphore, #tpu.memory_space<semaphore_mem>>)
      %dma_wait3A = arith.constant 0 : i32
      %dma_wait3A_102 = tpu.memref_slice %arg7[%add3A_86, %dma_wait3A] : memref<100000x8xf32, #tpu.memory_space<hbm>> -> memref<1024x8xf32, #tpu.memory_space<hbm>>
      %dma_wait3A_103 = arith.constant 0 : i32
      %dma_wait3A_104 = tpu.memref_slice %arg9[%add3A_84, %dma_wait3A_103] : memref<50176x8xf32, #tpu.memory_space<vmem_shared>> -> memref<1024x8xf32, #tpu.memory_space<vmem_shared>>
      tpu.wait_dma2 semaphore(%run_scoped3A : memref<!tpu.dma_semaphore, #tpu.memory_space<semaphore_mem>>) src(%dma_wait3A_104 : memref<1024x8xf32, #tpu.memory_space<vmem_shared>>) dst(%dma_wait3A_102 : memref<1024x8xf32, #tpu.memory_space<hbm>>)
      tpu.yield
    }) : () -> ()
    %add3A_87 = arith.constant 1024 : i32
    %add3A_88 = arith.addi %mul3A_79, %add3A_87 : i32
    %add3A_89 = arith.constant 1024 : i32
    %add3A_90 = arith.addi %add3A_82, %add3A_89 : i32
    "tpu.region"() ({
      %run_scoped3A = tpu.sem_alloc : memref<!tpu.dma_semaphore, #tpu.memory_space<semaphore_mem>>
      %dma_start3A = arith.constant 0 : i32
      %dma_start3A_99 = tpu.memref_slice %arg7[%add3A_90, %dma_start3A] : memref<100000x8xf32, #tpu.memory_space<hbm>> -> memref<1024x8xf32, #tpu.memory_space<hbm>>
      %dma_start3A_100 = arith.constant 0 : i32
      %dma_start3A_101 = tpu.memref_slice %arg9[%add3A_88, %dma_start3A_100] : memref<50176x8xf32, #tpu.memory_space<vmem_shared>> -> memref<1024x8xf32, #tpu.memory_space<vmem_shared>>
      tpu.enqueue_dma source(%dma_start3A_101 : memref<1024x8xf32, #tpu.memory_space<vmem_shared>>) target(%dma_start3A_99 : memref<1024x8xf32, #tpu.memory_space<hbm>>) target_semaphore(%run_scoped3A : memref<!tpu.dma_semaphore, #tpu.memory_space<semaphore_mem>>)
      %dma_wait3A = arith.constant 0 : i32
      %dma_wait3A_102 = tpu.memref_slice %arg7[%add3A_90, %dma_wait3A] : memref<100000x8xf32, #tpu.memory_space<hbm>> -> memref<1024x8xf32, #tpu.memory_space<hbm>>
      %dma_wait3A_103 = arith.constant 0 : i32
      %dma_wait3A_104 = tpu.memref_slice %arg9[%add3A_88, %dma_wait3A_103] : memref<50176x8xf32, #tpu.memory_space<vmem_shared>> -> memref<1024x8xf32, #tpu.memory_space<vmem_shared>>
      tpu.wait_dma2 semaphore(%run_scoped3A : memref<!tpu.dma_semaphore, #tpu.memory_space<semaphore_mem>>) src(%dma_wait3A_104 : memref<1024x8xf32, #tpu.memory_space<vmem_shared>>) dst(%dma_wait3A_102 : memref<1024x8xf32, #tpu.memory_space<hbm>>)
      tpu.yield
    }) : () -> ()
    %add3A_91 = arith.constant 2048 : i32
    %add3A_92 = arith.addi %mul3A_79, %add3A_91 : i32
    %add3A_93 = arith.constant 2048 : i32
    %add3A_94 = arith.addi %add3A_82, %add3A_93 : i32
    "tpu.region"() ({
      %run_scoped3A = tpu.sem_alloc : memref<!tpu.dma_semaphore, #tpu.memory_space<semaphore_mem>>
      %dma_start3A = arith.constant 0 : i32
      %dma_start3A_99 = tpu.memref_slice %arg7[%add3A_94, %dma_start3A] : memref<100000x8xf32, #tpu.memory_space<hbm>> -> memref<1024x8xf32, #tpu.memory_space<hbm>>
      %dma_start3A_100 = arith.constant 0 : i32
      %dma_start3A_101 = tpu.memref_slice %arg9[%add3A_92, %dma_start3A_100] : memref<50176x8xf32, #tpu.memory_space<vmem_shared>> -> memref<1024x8xf32, #tpu.memory_space<vmem_shared>>
      tpu.enqueue_dma source(%dma_start3A_101 : memref<1024x8xf32, #tpu.memory_space<vmem_shared>>) target(%dma_start3A_99 : memref<1024x8xf32, #tpu.memory_space<hbm>>) target_semaphore(%run_scoped3A : memref<!tpu.dma_semaphore, #tpu.memory_space<semaphore_mem>>)
      %dma_wait3A = arith.constant 0 : i32
      %dma_wait3A_102 = tpu.memref_slice %arg7[%add3A_94, %dma_wait3A] : memref<100000x8xf32, #tpu.memory_space<hbm>> -> memref<1024x8xf32, #tpu.memory_space<hbm>>
      %dma_wait3A_103 = arith.constant 0 : i32
      %dma_wait3A_104 = tpu.memref_slice %arg9[%add3A_92, %dma_wait3A_103] : memref<50176x8xf32, #tpu.memory_space<vmem_shared>> -> memref<1024x8xf32, #tpu.memory_space<vmem_shared>>
      tpu.wait_dma2 semaphore(%run_scoped3A : memref<!tpu.dma_semaphore, #tpu.memory_space<semaphore_mem>>) src(%dma_wait3A_104 : memref<1024x8xf32, #tpu.memory_space<vmem_shared>>) dst(%dma_wait3A_102 : memref<1024x8xf32, #tpu.memory_space<hbm>>)
      tpu.yield
    }) : () -> ()
    %add3A_95 = arith.constant 3072 : i32
    %add3A_96 = arith.addi %mul3A_79, %add3A_95 : i32
    %add3A_97 = arith.constant 3072 : i32
    %add3A_98 = arith.addi %add3A_82, %add3A_97 : i32
    "tpu.region"() ({
      %run_scoped3A = tpu.sem_alloc : memref<!tpu.dma_semaphore, #tpu.memory_space<semaphore_mem>>
      %dma_start3A = arith.constant 0 : i32
      %dma_start3A_99 = tpu.memref_slice %arg7[%add3A_98, %dma_start3A] : memref<100000x8xf32, #tpu.memory_space<hbm>> -> memref<53x8xf32, #tpu.memory_space<hbm>>
      %dma_start3A_100 = arith.constant 0 : i32
      %dma_start3A_101 = tpu.memref_slice %arg9[%add3A_96, %dma_start3A_100] : memref<50176x8xf32, #tpu.memory_space<vmem_shared>> -> memref<53x8xf32, #tpu.memory_space<vmem_shared>>
      tpu.enqueue_dma source(%dma_start3A_101 : memref<53x8xf32, #tpu.memory_space<vmem_shared>>) target(%dma_start3A_99 : memref<53x8xf32, #tpu.memory_space<hbm>>) target_semaphore(%run_scoped3A : memref<!tpu.dma_semaphore, #tpu.memory_space<semaphore_mem>>)
      %dma_wait3A = arith.constant 0 : i32
      %dma_wait3A_102 = tpu.memref_slice %arg7[%add3A_98, %dma_wait3A] : memref<100000x8xf32, #tpu.memory_space<hbm>> -> memref<53x8xf32, #tpu.memory_space<hbm>>
      %dma_wait3A_103 = arith.constant 0 : i32
      %dma_wait3A_104 = tpu.memref_slice %arg9[%add3A_96, %dma_wait3A_103] : memref<50176x8xf32, #tpu.memory_space<vmem_shared>> -> memref<53x8xf32, #tpu.memory_space<vmem_shared>>
      tpu.wait_dma2 semaphore(%run_scoped3A : memref<!tpu.dma_semaphore, #tpu.memory_space<semaphore_mem>>) src(%dma_wait3A_104 : memref<53x8xf32, #tpu.memory_space<vmem_shared>>) dst(%dma_wait3A_102 : memref<53x8xf32, #tpu.memory_space<hbm>>)
      tpu.yield
    }) : () -> ()
    return
  }
}

#map = affine_map<(d0, d1) -> (0, 0)>
#map1 = affine_map<(d0, d1) -> (0)>
module attributes {stable_mosaic.version = 14 : i64} {
  func.func @_sc_edge_aggs(%arg0: i32, %arg1: i32, %arg2: memref<5000x16xf32, #tpu.memory_space<hbm>>, %arg3: memref<1605632xi32, #tpu.memory_space<hbm>>, %arg4: memref<6272x128xi32, #tpu.memory_space<hbm>>, %arg5: memref<100000x16xf32, #tpu.memory_space<hbm>>, %arg6: memref<50176x16xf32, #tpu.memory_space<vmem_shared>>, %arg7: memref<1024xi32, #tpu.memory_space<vmem>>, %arg8: memref<8x128xi32, #tpu.memory_space<vmem>>, %arg9: memref<1024x16xf32, #tpu.memory_space<vmem>>, %arg10: memref<!tpu.dma_semaphore, #tpu.memory_space<semaphore_mem>>, %arg11: memref<!tpu.dma_semaphore, #tpu.memory_space<semaphore_mem>>) attributes {dimension_semantics = [#tpu.dimension_semantics<core_parallel>, #tpu.dimension_semantics<subcore_parallel>], iteration_bounds = array<i64: 2, 16>, scalar_prefetch = 0 : i64, scratch_operands = 6 : i64, tpu.core_type = #tpu.core_type<sc_vector_subcore>, window_params = [{transform_indices = #map}, {transform_indices = #map1}, {transform_indices = #map}, {transform_indices = #map}]} {
    %scan3A = arith.constant 0 : i32
    %scan3A_0 = arith.constant 0 : i32
    %scan3A_1 = arith.constant 1024 : i32
    %scan3A_2 = arith.addi %scan3A_0, %scan3A_1 : i32
    %scan3A_3 = arith.constant 1 : i32
    scf.for %scan3A_62 = %scan3A_0 to %scan3A_2 step %scan3A_3  : i32 {
      %broadcast_in_dim3A = arith.constant 0.000000e+00 : f32
      %broadcast_in_dim3A_63 = vector.broadcast %broadcast_in_dim3A : f32 to vector<16xf32>
      %swap3A = arith.index_cast %scan3A_62 : i32 to index
      %swap3A_64 = arith.constant 0 : index
      %swap3A_65 = tpu.vector_load %arg9[%swap3A, %swap3A_64] {strides = array<i32>} : memref<1024x16xf32, #tpu.memory_space<vmem>>, vector<1x16xf32>,
      %swap3A_66 = vector.shape_cast %swap3A_65 : vector<1x16xf32> to vector<16xf32>
      %swap3A_67 = vector.shape_cast %broadcast_in_dim3A_63 : vector<16xf32> to vector<1x16xf32>
      tpu.vector_store %arg9[%swap3A, %swap3A_64], %swap3A_67 {strides = array<i32>} : memref<1024x16xf32, #tpu.memory_space<vmem>>, vector<1x16xf32>,
    }
    %scan3A_4 = arith.constant 1024 : i32
    %mul3A = arith.constant 3136 : i32
    %mul3A_5 = arith.muli %arg1, %mul3A : i32
    %add3A = arith.constant 0 : i32
    %add3A_6 = arith.addi %mul3A_5, %add3A : i32
    "tpu.region"() ({
      %run_scoped3A = tpu.sem_alloc : memref<!tpu.dma_semaphore, #tpu.memory_space<semaphore_mem>>
      %dma_start3A = arith.constant 0 : i32
      %dma_start3A_62 = arith.constant 0 : i32
      %dma_start3A_63 = tpu.memref_slice %arg9[%dma_start3A, %dma_start3A_62] : memref<1024x16xf32, #tpu.memory_space<vmem>> -> memref<1024x16xf32, #tpu.memory_space<vmem>>
      %dma_start3A_64 = arith.constant 0 : i32
      %dma_start3A_65 = tpu.memref_slice %arg6[%add3A_6, %dma_start3A_64] : memref<50176x16xf32, #tpu.memory_space<vmem_shared>> -> memref<1024x16xf32, #tpu.memory_space<vmem_shared>>
      %dma_start3A_66 = arith.constant 0 : i32
      %dma_start3A_67 = tpu.memref_slice %arg6[%add3A_6, %dma_start3A_66] : memref<50176x16xf32, #tpu.memory_space<vmem_shared>> -> memref<1024x16xf32, #tpu.memory_space<vmem_shared>>
      %dma_start3A_68 = arith.constant 0 : i32
      %dma_start3A_69 = arith.constant 0 : i32
      %dma_start3A_70 = tpu.memref_slice %arg9[%dma_start3A_68, %dma_start3A_69] : memref<1024x16xf32, #tpu.memory_space<vmem>> -> memref<1024x16xf32, #tpu.memory_space<vmem>>
      tpu.enqueue_dma source(%dma_start3A_70 : memref<1024x16xf32, #tpu.memory_space<vmem>>) target(%dma_start3A_67 : memref<1024x16xf32, #tpu.memory_space<vmem_shared>>) target_semaphore(%run_scoped3A : memref<!tpu.dma_semaphore, #tpu.memory_space<semaphore_mem>>)
      %dma_wait3A = arith.constant 0 : i32
      %dma_wait3A_71 = arith.constant 0 : i32
      %dma_wait3A_72 = tpu.memref_slice %arg9[%dma_wait3A, %dma_wait3A_71] : memref<1024x16xf32, #tpu.memory_space<vmem>> -> memref<1024x16xf32, #tpu.memory_space<vmem>>
      %dma_wait3A_73 = arith.constant 0 : i32
      %dma_wait3A_74 = tpu.memref_slice %arg6[%add3A_6, %dma_wait3A_73] : memref<50176x16xf32, #tpu.memory_space<vmem_shared>> -> memref<1024x16xf32, #tpu.memory_space<vmem_shared>>
      %dma_wait3A_75 = arith.constant 0 : i32
      %dma_wait3A_76 = tpu.memref_slice %arg6[%add3A_6, %dma_wait3A_75] : memref<50176x16xf32, #tpu.memory_space<vmem_shared>> -> memref<1024x16xf32, #tpu.memory_space<vmem_shared>>
      %dma_wait3A_77 = arith.constant 0 : i32
      %dma_wait3A_78 = arith.constant 0 : i32
      %dma_wait3A_79 = tpu.memref_slice %arg9[%dma_wait3A_77, %dma_wait3A_78] : memref<1024x16xf32, #tpu.memory_space<vmem>> -> memref<1024x16xf32, #tpu.memory_space<vmem>>
      tpu.wait_dma2 semaphore(%run_scoped3A : memref<!tpu.dma_semaphore, #tpu.memory_space<semaphore_mem>>) src(%dma_wait3A_79 : memref<1024x16xf32, #tpu.memory_space<vmem>>) dst(%dma_wait3A_76 : memref<1024x16xf32, #tpu.memory_space<vmem_shared>>)
      tpu.yield
    }) : () -> ()
    %add3A_7 = arith.constant 1024 : i32
    %add3A_8 = arith.addi %mul3A_5, %add3A_7 : i32
    "tpu.region"() ({
      %run_scoped3A = tpu.sem_alloc : memref<!tpu.dma_semaphore, #tpu.memory_space<semaphore_mem>>
      %dma_start3A = arith.constant 0 : i32
      %dma_start3A_62 = arith.constant 0 : i32
      %dma_start3A_63 = tpu.memref_slice %arg9[%dma_start3A, %dma_start3A_62] : memref<1024x16xf32, #tpu.memory_space<vmem>> -> memref<1024x16xf32, #tpu.memory_space<vmem>>
      %dma_start3A_64 = arith.constant 0 : i32
      %dma_start3A_65 = tpu.memref_slice %arg6[%add3A_8, %dma_start3A_64] : memref<50176x16xf32, #tpu.memory_space<vmem_shared>> -> memref<1024x16xf32, #tpu.memory_space<vmem_shared>>
      %dma_start3A_66 = arith.constant 0 : i32
      %dma_start3A_67 = tpu.memref_slice %arg6[%add3A_8, %dma_start3A_66] : memref<50176x16xf32, #tpu.memory_space<vmem_shared>> -> memref<1024x16xf32, #tpu.memory_space<vmem_shared>>
      %dma_start3A_68 = arith.constant 0 : i32
      %dma_start3A_69 = arith.constant 0 : i32
      %dma_start3A_70 = tpu.memref_slice %arg9[%dma_start3A_68, %dma_start3A_69] : memref<1024x16xf32, #tpu.memory_space<vmem>> -> memref<1024x16xf32, #tpu.memory_space<vmem>>
      tpu.enqueue_dma source(%dma_start3A_70 : memref<1024x16xf32, #tpu.memory_space<vmem>>) target(%dma_start3A_67 : memref<1024x16xf32, #tpu.memory_space<vmem_shared>>) target_semaphore(%run_scoped3A : memref<!tpu.dma_semaphore, #tpu.memory_space<semaphore_mem>>)
      %dma_wait3A = arith.constant 0 : i32
      %dma_wait3A_71 = arith.constant 0 : i32
      %dma_wait3A_72 = tpu.memref_slice %arg9[%dma_wait3A, %dma_wait3A_71] : memref<1024x16xf32, #tpu.memory_space<vmem>> -> memref<1024x16xf32, #tpu.memory_space<vmem>>
      %dma_wait3A_73 = arith.constant 0 : i32
      %dma_wait3A_74 = tpu.memref_slice %arg6[%add3A_8, %dma_wait3A_73] : memref<50176x16xf32, #tpu.memory_space<vmem_shared>> -> memref<1024x16xf32, #tpu.memory_space<vmem_shared>>
      %dma_wait3A_75 = arith.constant 0 : i32
      %dma_wait3A_76 = tpu.memref_slice %arg6[%add3A_8, %dma_wait3A_75] : memref<50176x16xf32, #tpu.memory_space<vmem_shared>> -> memref<1024x16xf32, #tpu.memory_space<vmem_shared>>
      %dma_wait3A_77 = arith.constant 0 : i32
      %dma_wait3A_78 = arith.constant 0 : i32
      %dma_wait3A_79 = tpu.memref_slice %arg9[%dma_wait3A_77, %dma_wait3A_78] : memref<1024x16xf32, #tpu.memory_space<vmem>> -> memref<1024x16xf32, #tpu.memory_space<vmem>>
      tpu.wait_dma2 semaphore(%run_scoped3A : memref<!tpu.dma_semaphore, #tpu.memory_space<semaphore_mem>>) src(%dma_wait3A_79 : memref<1024x16xf32, #tpu.memory_space<vmem>>) dst(%dma_wait3A_76 : memref<1024x16xf32, #tpu.memory_space<vmem_shared>>)
      tpu.yield
    }) : () -> ()
    %add3A_9 = arith.constant 2048 : i32
    %add3A_10 = arith.addi %mul3A_5, %add3A_9 : i32
    "tpu.region"() ({
      %run_scoped3A = tpu.sem_alloc : memref<!tpu.dma_semaphore, #tpu.memory_space<semaphore_mem>>
      %dma_start3A = arith.constant 0 : i32
      %dma_start3A_62 = arith.constant 0 : i32
      %dma_start3A_63 = tpu.memref_slice %arg9[%dma_start3A, %dma_start3A_62] : memref<1024x16xf32, #tpu.memory_space<vmem>> -> memref<1024x16xf32, #tpu.memory_space<vmem>>
      %dma_start3A_64 = arith.constant 0 : i32
      %dma_start3A_65 = tpu.memref_slice %arg6[%add3A_10, %dma_start3A_64] : memref<50176x16xf32, #tpu.memory_space<vmem_shared>> -> memref<1024x16xf32, #tpu.memory_space<vmem_shared>>
      %dma_start3A_66 = arith.constant 0 : i32
      %dma_start3A_67 = tpu.memref_slice %arg6[%add3A_10, %dma_start3A_66] : memref<50176x16xf32, #tpu.memory_space<vmem_shared>> -> memref<1024x16xf32, #tpu.memory_space<vmem_shared>>
      %dma_start3A_68 = arith.constant 0 : i32
      %dma_start3A_69 = arith.constant 0 : i32
      %dma_start3A_70 = tpu.memref_slice %arg9[%dma_start3A_68, %dma_start3A_69] : memref<1024x16xf32, #tpu.memory_space<vmem>> -> memref<1024x16xf32, #tpu.memory_space<vmem>>
      tpu.enqueue_dma source(%dma_start3A_70 : memref<1024x16xf32, #tpu.memory_space<vmem>>) target(%dma_start3A_67 : memref<1024x16xf32, #tpu.memory_space<vmem_shared>>) target_semaphore(%run_scoped3A : memref<!tpu.dma_semaphore, #tpu.memory_space<semaphore_mem>>)
      %dma_wait3A = arith.constant 0 : i32
      %dma_wait3A_71 = arith.constant 0 : i32
      %dma_wait3A_72 = tpu.memref_slice %arg9[%dma_wait3A, %dma_wait3A_71] : memref<1024x16xf32, #tpu.memory_space<vmem>> -> memref<1024x16xf32, #tpu.memory_space<vmem>>
      %dma_wait3A_73 = arith.constant 0 : i32
      %dma_wait3A_74 = tpu.memref_slice %arg6[%add3A_10, %dma_wait3A_73] : memref<50176x16xf32, #tpu.memory_space<vmem_shared>> -> memref<1024x16xf32, #tpu.memory_space<vmem_shared>>
      %dma_wait3A_75 = arith.constant 0 : i32
      %dma_wait3A_76 = tpu.memref_slice %arg6[%add3A_10, %dma_wait3A_75] : memref<50176x16xf32, #tpu.memory_space<vmem_shared>> -> memref<1024x16xf32, #tpu.memory_space<vmem_shared>>
      %dma_wait3A_77 = arith.constant 0 : i32
      %dma_wait3A_78 = arith.constant 0 : i32
      %dma_wait3A_79 = tpu.memref_slice %arg9[%dma_wait3A_77, %dma_wait3A_78] : memref<1024x16xf32, #tpu.memory_space<vmem>> -> memref<1024x16xf32, #tpu.memory_space<vmem>>
      tpu.wait_dma2 semaphore(%run_scoped3A : memref<!tpu.dma_semaphore, #tpu.memory_space<semaphore_mem>>) src(%dma_wait3A_79 : memref<1024x16xf32, #tpu.memory_space<vmem>>) dst(%dma_wait3A_76 : memref<1024x16xf32, #tpu.memory_space<vmem_shared>>)
      tpu.yield
    }) : () -> ()
    %add3A_11 = arith.constant 3072 : i32
    %add3A_12 = arith.addi %mul3A_5, %add3A_11 : i32
    "tpu.region"() ({
      %run_scoped3A = tpu.sem_alloc : memref<!tpu.dma_semaphore, #tpu.memory_space<semaphore_mem>>
      %dma_start3A = arith.constant 0 : i32
      %dma_start3A_62 = arith.constant 0 : i32
      %dma_start3A_63 = tpu.memref_slice %arg9[%dma_start3A, %dma_start3A_62] : memref<1024x16xf32, #tpu.memory_space<vmem>> -> memref<64x16xf32, #tpu.memory_space<vmem>>
      %dma_start3A_64 = arith.constant 0 : i32
      %dma_start3A_65 = tpu.memref_slice %arg6[%add3A_12, %dma_start3A_64] : memref<50176x16xf32, #tpu.memory_space<vmem_shared>> -> memref<64x16xf32, #tpu.memory_space<vmem_shared>>
      %dma_start3A_66 = arith.constant 0 : i32
      %dma_start3A_67 = tpu.memref_slice %arg6[%add3A_12, %dma_start3A_66] : memref<50176x16xf32, #tpu.memory_space<vmem_shared>> -> memref<64x16xf32, #tpu.memory_space<vmem_shared>>
      %dma_start3A_68 = arith.constant 0 : i32
      %dma_start3A_69 = arith.constant 0 : i32
      %dma_start3A_70 = tpu.memref_slice %arg9[%dma_start3A_68, %dma_start3A_69] : memref<1024x16xf32, #tpu.memory_space<vmem>> -> memref<64x16xf32, #tpu.memory_space<vmem>>
      tpu.enqueue_dma source(%dma_start3A_70 : memref<64x16xf32, #tpu.memory_space<vmem>>) target(%dma_start3A_67 : memref<64x16xf32, #tpu.memory_space<vmem_shared>>) target_semaphore(%run_scoped3A : memref<!tpu.dma_semaphore, #tpu.memory_space<semaphore_mem>>)
      %dma_wait3A = arith.constant 0 : i32
      %dma_wait3A_71 = arith.constant 0 : i32
      %dma_wait3A_72 = tpu.memref_slice %arg9[%dma_wait3A, %dma_wait3A_71] : memref<1024x16xf32, #tpu.memory_space<vmem>> -> memref<64x16xf32, #tpu.memory_space<vmem>>
      %dma_wait3A_73 = arith.constant 0 : i32
      %dma_wait3A_74 = tpu.memref_slice %arg6[%add3A_12, %dma_wait3A_73] : memref<50176x16xf32, #tpu.memory_space<vmem_shared>> -> memref<64x16xf32, #tpu.memory_space<vmem_shared>>
      %dma_wait3A_75 = arith.constant 0 : i32
      %dma_wait3A_76 = tpu.memref_slice %arg6[%add3A_12, %dma_wait3A_75] : memref<50176x16xf32, #tpu.memory_space<vmem_shared>> -> memref<64x16xf32, #tpu.memory_space<vmem_shared>>
      %dma_wait3A_77 = arith.constant 0 : i32
      %dma_wait3A_78 = arith.constant 0 : i32
      %dma_wait3A_79 = tpu.memref_slice %arg9[%dma_wait3A_77, %dma_wait3A_78] : memref<1024x16xf32, #tpu.memory_space<vmem>> -> memref<64x16xf32, #tpu.memory_space<vmem>>
      tpu.wait_dma2 semaphore(%run_scoped3A : memref<!tpu.dma_semaphore, #tpu.memory_space<semaphore_mem>>) src(%dma_wait3A_79 : memref<64x16xf32, #tpu.memory_space<vmem>>) dst(%dma_wait3A_76 : memref<64x16xf32, #tpu.memory_space<vmem_shared>>)
      tpu.yield
    }) : () -> ()
    %barrier3A = arith.constant 0 : index
    tpu.barrier barrier_id(%barrier3A)
    %mul3A_13 = arith.constant 50176 : i32
    %mul3A_14 = arith.muli %arg1, %mul3A_13 : i32
    %mul3A_15 = arith.constant 802816 : i32
    %mul3A_16 = arith.muli %arg0, %mul3A_15 : i32
    %add3A_17 = arith.addi %mul3A_16, %mul3A_14 : i32
    %jit3A = arith.constant 128 : i32
    %div3A = arith.divsi %mul3A_14, %jit3A : i32
    %sign3A = arith.constant 0 : i32
    %sign3A_18 = arith.cmpi sgt, %mul3A_14, %sign3A : i32
    %sign3A_19 = arith.extui %sign3A_18 : i1 to i32
    %sign3A_20 = arith.constant 0 : i32
    %sign3A_21 = arith.cmpi slt, %mul3A_14, %sign3A_20 : i32
    %sign3A_22 = arith.extui %sign3A_21 : i1 to i32
    %sign3A_23 = arith.subi %sign3A_19, %sign3A_22 : i32
    %sign3A_24 = arith.constant 0 : i32
    %sign3A_25 = arith.cmpi sgt, %jit3A, %sign3A_24 : i32
    %sign3A_26 = arith.extui %sign3A_25 : i1 to i32
    %sign3A_27 = arith.constant 0 : i32
    %sign3A_28 = arith.cmpi slt, %jit3A, %sign3A_27 : i32
    %sign3A_29 = arith.extui %sign3A_28 : i1 to i32
    %sign3A_30 = arith.subi %sign3A_26, %sign3A_29 : i32
    %ne3A = arith.cmpi ne, %sign3A_23, %sign3A_30 : i32
    %rem3A = arith.remsi %mul3A_14, %jit3A : i32
    %ne3A_31 = arith.constant 0 : i32
    %ne3A_32 = arith.cmpi ne, %rem3A, %ne3A_31 : i32
    %and3A = arith.andi %ne3A, %ne3A_32 : i1
    %sub3A = arith.constant 1 : i32
    %sub3A_33 = arith.subi %div3A, %sub3A : i32
    %select_n3A = arith.select %and3A, %sub3A_33, %div3A : i32
    %scan3A_34 = arith.constant 0 : i32
    %scan3A_35 = arith.constant 0 : i32
    %scan3A_36 = arith.constant 49 : i32
    %scan3A_37 = arith.addi %scan3A_35, %scan3A_36 : i32
    %scan3A_38 = arith.constant 1 : i32
    scf.for %scan3A_62 = %scan3A_35 to %scan3A_37 step %scan3A_38  : i32 {
      %mul3A_63 = arith.constant 1024 : i32
      %mul3A_64 = arith.muli %scan3A_62, %mul3A_63 : i32
      %add3A_65 = arith.addi %add3A_17, %mul3A_64 : i32
      "tpu.region"() ({
        %run_scoped3A = tpu.sem_alloc : memref<!tpu.dma_semaphore, #tpu.memory_space<semaphore_mem>>
        %dma_start3A_355 = tpu.memref_slice %arg3[%add3A_65] : memref<1605632xi32, #tpu.memory_space<hbm>> -> memref<1024xi32, #tpu.memory_space<hbm>>
        %dma_start3A_356 = tpu.memref_slice %arg3[%add3A_65] : memref<1605632xi32, #tpu.memory_space<hbm>> -> memref<1024xi32, #tpu.memory_space<hbm>>
        tpu.enqueue_dma source(%dma_start3A_356 : memref<1024xi32, #tpu.memory_space<hbm>>) target(%arg7 : memref<1024xi32, #tpu.memory_space<vmem>>) target_semaphore(%run_scoped3A : memref<!tpu.dma_semaphore, #tpu.memory_space<semaphore_mem>>)
        %dma_wait3A_357 = tpu.memref_slice %arg3[%add3A_65] : memref<1605632xi32, #tpu.memory_space<hbm>> -> memref<1024xi32, #tpu.memory_space<hbm>>
        %dma_wait3A_358 = tpu.memref_slice %arg3[%add3A_65] : memref<1605632xi32, #tpu.memory_space<hbm>> -> memref<1024xi32, #tpu.memory_space<hbm>>
        tpu.wait_dma2 semaphore(%run_scoped3A : memref<!tpu.dma_semaphore, #tpu.memory_space<semaphore_mem>>) src(%dma_wait3A_358 : memref<1024xi32, #tpu.memory_space<hbm>>) dst(%arg7 : memref<1024xi32, #tpu.memory_space<vmem>>)
        tpu.yield
      }) : () -> ()
      %mul3A_66 = arith.constant 8 : i32
      %mul3A_67 = arith.muli %scan3A_62, %mul3A_66 : i32
      %add3A_68 = arith.addi %select_n3A, %mul3A_67 : i32
      "tpu.region"() ({
        %run_scoped3A = tpu.sem_alloc : memref<!tpu.dma_semaphore, #tpu.memory_space<semaphore_mem>>
        %dma_start3A_355 = arith.constant 0 : i32
        %dma_start3A_356 = tpu.memref_slice %arg4[%add3A_68, %dma_start3A_355] : memref<6272x128xi32, #tpu.memory_space<hbm>> -> memref<8x128xi32, #tpu.memory_space<hbm>>
        %dma_start3A_357 = arith.constant 0 : i32
        %dma_start3A_358 = tpu.memref_slice %arg4[%add3A_68, %dma_start3A_357] : memref<6272x128xi32, #tpu.memory_space<hbm>> -> memref<8x128xi32, #tpu.memory_space<hbm>>
        tpu.enqueue_dma source(%dma_start3A_358 : memref<8x128xi32, #tpu.memory_space<hbm>>) target(%arg8 : memref<8x128xi32, #tpu.memory_space<vmem>>) target_semaphore(%run_scoped3A : memref<!tpu.dma_semaphore, #tpu.memory_space<semaphore_mem>>)
        %dma_wait3A_359 = arith.constant 0 : i32
        %dma_wait3A_360 = tpu.memref_slice %arg4[%add3A_68, %dma_wait3A_359] : memref<6272x128xi32, #tpu.memory_space<hbm>> -> memref<8x128xi32, #tpu.memory_space<hbm>>
        %dma_wait3A_361 = arith.constant 0 : i32
        %dma_wait3A_362 = tpu.memref_slice %arg4[%add3A_68, %dma_wait3A_361] : memref<6272x128xi32, #tpu.memory_space<hbm>> -> memref<8x128xi32, #tpu.memory_space<hbm>>
        tpu.wait_dma2 semaphore(%run_scoped3A : memref<!tpu.dma_semaphore, #tpu.memory_space<semaphore_mem>>) src(%dma_wait3A_362 : memref<8x128xi32, #tpu.memory_space<hbm>>) dst(%arg8 : memref<8x128xi32, #tpu.memory_space<vmem>>)
        tpu.yield
      }) : () -> ()
      %dma_start3A = arith.constant 0 : i32
      %dma_start3A_69 = arith.constant 0 : i32
      %dma_start3A_70 = tpu.memref_slice %arg9[%dma_start3A, %dma_start3A_69] : memref<1024x16xf32, #tpu.memory_space<vmem>> -> memref<128x16xf32, #tpu.memory_space<vmem>>
      %dma_start3A_71 = arith.constant 0 : i32
      %dma_start3A_72 = tpu.memref_slice %arg7[%dma_start3A_71] : memref<1024xi32, #tpu.memory_space<vmem>> -> memref<128xi32, #tpu.memory_space<vmem>>
      %dma_start3A_73 = arith.constant 0 : i32
      %dma_start3A_74 = arith.constant 0 : i32
      %dma_start3A_75 = tpu.memref_slice %arg2[%dma_start3A_73, %dma_start3A_74] : memref<5000x16xf32, #tpu.memory_space<hbm>> -> memref<5000x16xf32, #tpu.memory_space<hbm>>
      tpu.enqueue_indirect_dma source(%dma_start3A_75 : memref<5000x16xf32, #tpu.memory_space<hbm>>) target(%dma_start3A_70 : memref<128x16xf32, #tpu.memory_space<vmem>>) offsets(%dma_start3A_72 : memref<128xi32, #tpu.memory_space<vmem>>) semaphore(%arg10 : memref<!tpu.dma_semaphore, #tpu.memory_space<semaphore_mem>>)
      %dma_start3A_76 = arith.constant 128 : i32
      %dma_start3A_77 = arith.constant 0 : i32
      %dma_start3A_78 = tpu.memref_slice %arg9[%dma_start3A_76, %dma_start3A_77] : memref<1024x16xf32, #tpu.memory_space<vmem>> -> memref<128x16xf32, #tpu.memory_space<vmem>>
      %dma_start3A_79 = arith.constant 128 : i32
      %dma_start3A_80 = tpu.memref_slice %arg7[%dma_start3A_79] : memref<1024xi32, #tpu.memory_space<vmem>> -> memref<128xi32, #tpu.memory_space<vmem>>
      %dma_start3A_81 = arith.constant 0 : i32
      %dma_start3A_82 = arith.constant 0 : i32
      %dma_start3A_83 = tpu.memref_slice %arg2[%dma_start3A_81, %dma_start3A_82] : memref<5000x16xf32, #tpu.memory_space<hbm>> -> memref<5000x16xf32, #tpu.memory_space<hbm>>
      tpu.enqueue_indirect_dma source(%dma_start3A_83 : memref<5000x16xf32, #tpu.memory_space<hbm>>) target(%dma_start3A_78 : memref<128x16xf32, #tpu.memory_space<vmem>>) offsets(%dma_start3A_80 : memref<128xi32, #tpu.memory_space<vmem>>) semaphore(%arg10 : memref<!tpu.dma_semaphore, #tpu.memory_space<semaphore_mem>>)
      %dma_start3A_84 = arith.constant 256 : i32
      %dma_start3A_85 = arith.constant 0 : i32
      %dma_start3A_86 = tpu.memref_slice %arg9[%dma_start3A_84, %dma_start3A_85] : memref<1024x16xf32, #tpu.memory_space<vmem>> -> memref<128x16xf32, #tpu.memory_space<vmem>>
      %dma_start3A_87 = arith.constant 256 : i32
      %dma_start3A_88 = tpu.memref_slice %arg7[%dma_start3A_87] : memref<1024xi32, #tpu.memory_space<vmem>> -> memref<128xi32, #tpu.memory_space<vmem>>
      %dma_start3A_89 = arith.constant 0 : i32
      %dma_start3A_90 = arith.constant 0 : i32
      %dma_start3A_91 = tpu.memref_slice %arg2[%dma_start3A_89, %dma_start3A_90] : memref<5000x16xf32, #tpu.memory_space<hbm>> -> memref<5000x16xf32, #tpu.memory_space<hbm>>
      tpu.enqueue_indirect_dma source(%dma_start3A_91 : memref<5000x16xf32, #tpu.memory_space<hbm>>) target(%dma_start3A_86 : memref<128x16xf32, #tpu.memory_space<vmem>>) offsets(%dma_start3A_88 : memref<128xi32, #tpu.memory_space<vmem>>) semaphore(%arg10 : memref<!tpu.dma_semaphore, #tpu.memory_space<semaphore_mem>>)
      %dma_start3A_92 = arith.constant 384 : i32
      %dma_start3A_93 = arith.constant 0 : i32
      %dma_start3A_94 = tpu.memref_slice %arg9[%dma_start3A_92, %dma_start3A_93] : memref<1024x16xf32, #tpu.memory_space<vmem>> -> memref<128x16xf32, #tpu.memory_space<vmem>>
      %dma_start3A_95 = arith.constant 384 : i32
      %dma_start3A_96 = tpu.memref_slice %arg7[%dma_start3A_95] : memref<1024xi32, #tpu.memory_space<vmem>> -> memref<128xi32, #tpu.memory_space<vmem>>
      %dma_start3A_97 = arith.constant 0 : i32
      %dma_start3A_98 = arith.constant 0 : i32
      %dma_start3A_99 = tpu.memref_slice %arg2[%dma_start3A_97, %dma_start3A_98] : memref<5000x16xf32, #tpu.memory_space<hbm>> -> memref<5000x16xf32, #tpu.memory_space<hbm>>
      tpu.enqueue_indirect_dma source(%dma_start3A_99 : memref<5000x16xf32, #tpu.memory_space<hbm>>) target(%dma_start3A_94 : memref<128x16xf32, #tpu.memory_space<vmem>>) offsets(%dma_start3A_96 : memref<128xi32, #tpu.memory_space<vmem>>) semaphore(%arg10 : memref<!tpu.dma_semaphore, #tpu.memory_space<semaphore_mem>>)
      %dma_start3A_100 = arith.constant 512 : i32
      %dma_start3A_101 = arith.constant 0 : i32
      %dma_start3A_102 = tpu.memref_slice %arg9[%dma_start3A_100, %dma_start3A_101] : memref<1024x16xf32, #tpu.memory_space<vmem>> -> memref<128x16xf32, #tpu.memory_space<vmem>>
      %dma_start3A_103 = arith.constant 512 : i32
      %dma_start3A_104 = tpu.memref_slice %arg7[%dma_start3A_103] : memref<1024xi32, #tpu.memory_space<vmem>> -> memref<128xi32, #tpu.memory_space<vmem>>
      %dma_start3A_105 = arith.constant 0 : i32
      %dma_start3A_106 = arith.constant 0 : i32
      %dma_start3A_107 = tpu.memref_slice %arg2[%dma_start3A_105, %dma_start3A_106] : memref<5000x16xf32, #tpu.memory_space<hbm>> -> memref<5000x16xf32, #tpu.memory_space<hbm>>
      tpu.enqueue_indirect_dma source(%dma_start3A_107 : memref<5000x16xf32, #tpu.memory_space<hbm>>) target(%dma_start3A_102 : memref<128x16xf32, #tpu.memory_space<vmem>>) offsets(%dma_start3A_104 : memref<128xi32, #tpu.memory_space<vmem>>) semaphore(%arg10 : memref<!tpu.dma_semaphore, #tpu.memory_space<semaphore_mem>>)
      %dma_start3A_108 = arith.constant 640 : i32
      %dma_start3A_109 = arith.constant 0 : i32
      %dma_start3A_110 = tpu.memref_slice %arg9[%dma_start3A_108, %dma_start3A_109] : memref<1024x16xf32, #tpu.memory_space<vmem>> -> memref<128x16xf32, #tpu.memory_space<vmem>>
      %dma_start3A_111 = arith.constant 640 : i32
      %dma_start3A_112 = tpu.memref_slice %arg7[%dma_start3A_111] : memref<1024xi32, #tpu.memory_space<vmem>> -> memref<128xi32, #tpu.memory_space<vmem>>
      %dma_start3A_113 = arith.constant 0 : i32
      %dma_start3A_114 = arith.constant 0 : i32
      %dma_start3A_115 = tpu.memref_slice %arg2[%dma_start3A_113, %dma_start3A_114] : memref<5000x16xf32, #tpu.memory_space<hbm>> -> memref<5000x16xf32, #tpu.memory_space<hbm>>
      tpu.enqueue_indirect_dma source(%dma_start3A_115 : memref<5000x16xf32, #tpu.memory_space<hbm>>) target(%dma_start3A_110 : memref<128x16xf32, #tpu.memory_space<vmem>>) offsets(%dma_start3A_112 : memref<128xi32, #tpu.memory_space<vmem>>) semaphore(%arg10 : memref<!tpu.dma_semaphore, #tpu.memory_space<semaphore_mem>>)
      %dma_start3A_116 = arith.constant 768 : i32
      %dma_start3A_117 = arith.constant 0 : i32
      %dma_start3A_118 = tpu.memref_slice %arg9[%dma_start3A_116, %dma_start3A_117] : memref<1024x16xf32, #tpu.memory_space<vmem>> -> memref<128x16xf32, #tpu.memory_space<vmem>>
      %dma_start3A_119 = arith.constant 768 : i32
      %dma_start3A_120 = tpu.memref_slice %arg7[%dma_start3A_119] : memref<1024xi32, #tpu.memory_space<vmem>> -> memref<128xi32, #tpu.memory_space<vmem>>
      %dma_start3A_121 = arith.constant 0 : i32
      %dma_start3A_122 = arith.constant 0 : i32
      %dma_start3A_123 = tpu.memref_slice %arg2[%dma_start3A_121, %dma_start3A_122] : memref<5000x16xf32, #tpu.memory_space<hbm>> -> memref<5000x16xf32, #tpu.memory_space<hbm>>
      tpu.enqueue_indirect_dma source(%dma_start3A_123 : memref<5000x16xf32, #tpu.memory_space<hbm>>) target(%dma_start3A_118 : memref<128x16xf32, #tpu.memory_space<vmem>>) offsets(%dma_start3A_120 : memref<128xi32, #tpu.memory_space<vmem>>) semaphore(%arg10 : memref<!tpu.dma_semaphore, #tpu.memory_space<semaphore_mem>>)
      %dma_start3A_124 = arith.constant 896 : i32
      %dma_start3A_125 = arith.constant 0 : i32
      %dma_start3A_126 = tpu.memref_slice %arg9[%dma_start3A_124, %dma_start3A_125] : memref<1024x16xf32, #tpu.memory_space<vmem>> -> memref<128x16xf32, #tpu.memory_space<vmem>>
      %dma_start3A_127 = arith.constant 896 : i32
      %dma_start3A_128 = tpu.memref_slice %arg7[%dma_start3A_127] : memref<1024xi32, #tpu.memory_space<vmem>> -> memref<128xi32, #tpu.memory_space<vmem>>
      %dma_start3A_129 = arith.constant 0 : i32
      %dma_start3A_130 = arith.constant 0 : i32
      %dma_start3A_131 = tpu.memref_slice %arg2[%dma_start3A_129, %dma_start3A_130] : memref<5000x16xf32, #tpu.memory_space<hbm>> -> memref<5000x16xf32, #tpu.memory_space<hbm>>
      tpu.enqueue_indirect_dma source(%dma_start3A_131 : memref<5000x16xf32, #tpu.memory_space<hbm>>) target(%dma_start3A_126 : memref<128x16xf32, #tpu.memory_space<vmem>>) offsets(%dma_start3A_128 : memref<128xi32, #tpu.memory_space<vmem>>) semaphore(%arg10 : memref<!tpu.dma_semaphore, #tpu.memory_space<semaphore_mem>>)
      %dma_wait3A = arith.constant 0 : i32
      %dma_wait3A_132 = arith.constant 0 : i32
      %dma_wait3A_133 = tpu.memref_slice %arg9[%dma_wait3A, %dma_wait3A_132] : memref<1024x16xf32, #tpu.memory_space<vmem>> -> memref<128x16xf32, #tpu.memory_space<vmem>>
      %dma_wait3A_134 = arith.constant 0 : i32
      %dma_wait3A_135 = tpu.memref_slice %arg7[%dma_wait3A_134] : memref<1024xi32, #tpu.memory_space<vmem>> -> memref<128xi32, #tpu.memory_space<vmem>>
      %dma_wait3A_136 = arith.constant 0 : i32
      %dma_wait3A_137 = arith.constant 0 : i32
      %dma_wait3A_138 = tpu.memref_slice %arg2[%dma_wait3A_136, %dma_wait3A_137] : memref<5000x16xf32, #tpu.memory_space<hbm>> -> memref<5000x16xf32, #tpu.memory_space<hbm>>
      tpu.wait_indirect_dma semaphore(%arg10 : memref<!tpu.dma_semaphore, #tpu.memory_space<semaphore_mem>>) src(%dma_wait3A_138 : memref<5000x16xf32, #tpu.memory_space<hbm>>) dst(%dma_wait3A_133 : memref<128x16xf32, #tpu.memory_space<vmem>>)
      %dma_start3A_139 = arith.constant 0 : i32
      %dma_start3A_140 = arith.constant 0 : i32
      %dma_start3A_141 = arith.constant 0 : i32
      %dma_start3A_142 = tpu.memref_slice %arg9[%dma_start3A_140, %dma_start3A_141] : memref<1024x16xf32, #tpu.memory_space<vmem>> -> memref<128x16xf32, #tpu.memory_space<vmem>>
      %dma_start3A_143 = arith.constant 0 : i32
      %dma_start3A_144 = tpu.memref_slice %arg8[%dma_start3A_139, %dma_start3A_143] : memref<8x128xi32, #tpu.memory_space<vmem>> -> memref<1x128xi32, #tpu.memory_space<vmem>>
      %dma_start3A_145 = tpu.memref_squeeze %dma_start3A_144 : memref<1x128xi32, #tpu.memory_space<vmem>> -> memref<128xi32, #tpu.memory_space<vmem>>
      %dma_start3A_146 = arith.constant 0 : i32
      %dma_start3A_147 = arith.constant 0 : i32
      %dma_start3A_148 = tpu.memref_slice %arg6[%dma_start3A_146, %dma_start3A_147] : memref<50176x16xf32, #tpu.memory_space<vmem_shared>> -> memref<50176x16xf32, #tpu.memory_space<vmem_shared>>
      tpu.enqueue_indirect_dma source(%dma_start3A_142 : memref<128x16xf32, #tpu.memory_space<vmem>>) target(%dma_start3A_148 : memref<50176x16xf32, #tpu.memory_space<vmem_shared>>) offsets(%dma_start3A_145 : memref<128xi32, #tpu.memory_space<vmem>>) semaphore(%arg11 : memref<!tpu.dma_semaphore, #tpu.memory_space<semaphore_mem>>) {add = true}
      %dma_wait3A_149 = arith.constant 128 : i32
      %dma_wait3A_150 = arith.constant 0 : i32
      %dma_wait3A_151 = tpu.memref_slice %arg9[%dma_wait3A_149, %dma_wait3A_150] : memref<1024x16xf32, #tpu.memory_space<vmem>> -> memref<128x16xf32, #tpu.memory_space<vmem>>
      %dma_wait3A_152 = arith.constant 128 : i32
      %dma_wait3A_153 = tpu.memref_slice %arg7[%dma_wait3A_152] : memref<1024xi32, #tpu.memory_space<vmem>> -> memref<128xi32, #tpu.memory_space<vmem>>
      %dma_wait3A_154 = arith.constant 0 : i32
      %dma_wait3A_155 = arith.constant 0 : i32
      %dma_wait3A_156 = tpu.memref_slice %arg2[%dma_wait3A_154, %dma_wait3A_155] : memref<5000x16xf32, #tpu.memory_space<hbm>> -> memref<5000x16xf32, #tpu.memory_space<hbm>>
      tpu.wait_indirect_dma semaphore(%arg10 : memref<!tpu.dma_semaphore, #tpu.memory_space<semaphore_mem>>) src(%dma_wait3A_156 : memref<5000x16xf32, #tpu.memory_space<hbm>>) dst(%dma_wait3A_151 : memref<128x16xf32, #tpu.memory_space<vmem>>)
      %dma_start3A_157 = arith.constant 1 : i32
      %dma_start3A_158 = arith.constant 128 : i32
      %dma_start3A_159 = arith.constant 0 : i32
      %dma_start3A_160 = tpu.memref_slice %arg9[%dma_start3A_158, %dma_start3A_159] : memref<1024x16xf32, #tpu.memory_space<vmem>> -> memref<128x16xf32, #tpu.memory_space<vmem>>
      %dma_start3A_161 = arith.constant 0 : i32
      %dma_start3A_162 = tpu.memref_slice %arg8[%dma_start3A_157, %dma_start3A_161] : memref<8x128xi32, #tpu.memory_space<vmem>> -> memref<1x128xi32, #tpu.memory_space<vmem>>
      %dma_start3A_163 = tpu.memref_squeeze %dma_start3A_162 : memref<1x128xi32, #tpu.memory_space<vmem>> -> memref<128xi32, #tpu.memory_space<vmem>>
      %dma_start3A_164 = arith.constant 0 : i32
      %dma_start3A_165 = arith.constant 0 : i32
      %dma_start3A_166 = tpu.memref_slice %arg6[%dma_start3A_164, %dma_start3A_165] : memref<50176x16xf32, #tpu.memory_space<vmem_shared>> -> memref<50176x16xf32, #tpu.memory_space<vmem_shared>>
      tpu.enqueue_indirect_dma source(%dma_start3A_160 : memref<128x16xf32, #tpu.memory_space<vmem>>) target(%dma_start3A_166 : memref<50176x16xf32, #tpu.memory_space<vmem_shared>>) offsets(%dma_start3A_163 : memref<128xi32, #tpu.memory_space<vmem>>) semaphore(%arg11 : memref<!tpu.dma_semaphore, #tpu.memory_space<semaphore_mem>>) {add = true}
      %dma_wait3A_167 = arith.constant 256 : i32
      %dma_wait3A_168 = arith.constant 0 : i32
      %dma_wait3A_169 = tpu.memref_slice %arg9[%dma_wait3A_167, %dma_wait3A_168] : memref<1024x16xf32, #tpu.memory_space<vmem>> -> memref<128x16xf32, #tpu.memory_space<vmem>>
      %dma_wait3A_170 = arith.constant 256 : i32
      %dma_wait3A_171 = tpu.memref_slice %arg7[%dma_wait3A_170] : memref<1024xi32, #tpu.memory_space<vmem>> -> memref<128xi32, #tpu.memory_space<vmem>>
      %dma_wait3A_172 = arith.constant 0 : i32
      %dma_wait3A_173 = arith.constant 0 : i32
      %dma_wait3A_174 = tpu.memref_slice %arg2[%dma_wait3A_172, %dma_wait3A_173] : memref<5000x16xf32, #tpu.memory_space<hbm>> -> memref<5000x16xf32, #tpu.memory_space<hbm>>
      tpu.wait_indirect_dma semaphore(%arg10 : memref<!tpu.dma_semaphore, #tpu.memory_space<semaphore_mem>>) src(%dma_wait3A_174 : memref<5000x16xf32, #tpu.memory_space<hbm>>) dst(%dma_wait3A_169 : memref<128x16xf32, #tpu.memory_space<vmem>>)
      %dma_start3A_175 = arith.constant 2 : i32
      %dma_start3A_176 = arith.constant 256 : i32
      %dma_start3A_177 = arith.constant 0 : i32
      %dma_start3A_178 = tpu.memref_slice %arg9[%dma_start3A_176, %dma_start3A_177] : memref<1024x16xf32, #tpu.memory_space<vmem>> -> memref<128x16xf32, #tpu.memory_space<vmem>>
      %dma_start3A_179 = arith.constant 0 : i32
      %dma_start3A_180 = tpu.memref_slice %arg8[%dma_start3A_175, %dma_start3A_179] : memref<8x128xi32, #tpu.memory_space<vmem>> -> memref<1x128xi32, #tpu.memory_space<vmem>>
      %dma_start3A_181 = tpu.memref_squeeze %dma_start3A_180 : memref<1x128xi32, #tpu.memory_space<vmem>> -> memref<128xi32, #tpu.memory_space<vmem>>
      %dma_start3A_182 = arith.constant 0 : i32
      %dma_start3A_183 = arith.constant 0 : i32
      %dma_start3A_184 = tpu.memref_slice %arg6[%dma_start3A_182, %dma_start3A_183] : memref<50176x16xf32, #tpu.memory_space<vmem_shared>> -> memref<50176x16xf32, #tpu.memory_space<vmem_shared>>
      tpu.enqueue_indirect_dma source(%dma_start3A_178 : memref<128x16xf32, #tpu.memory_space<vmem>>) target(%dma_start3A_184 : memref<50176x16xf32, #tpu.memory_space<vmem_shared>>) offsets(%dma_start3A_181 : memref<128xi32, #tpu.memory_space<vmem>>) semaphore(%arg11 : memref<!tpu.dma_semaphore, #tpu.memory_space<semaphore_mem>>) {add = true}
      %dma_wait3A_185 = arith.constant 384 : i32
      %dma_wait3A_186 = arith.constant 0 : i32
      %dma_wait3A_187 = tpu.memref_slice %arg9[%dma_wait3A_185, %dma_wait3A_186] : memref<1024x16xf32, #tpu.memory_space<vmem>> -> memref<128x16xf32, #tpu.memory_space<vmem>>
      %dma_wait3A_188 = arith.constant 384 : i32
      %dma_wait3A_189 = tpu.memref_slice %arg7[%dma_wait3A_188] : memref<1024xi32, #tpu.memory_space<vmem>> -> memref<128xi32, #tpu.memory_space<vmem>>
      %dma_wait3A_190 = arith.constant 0 : i32
      %dma_wait3A_191 = arith.constant 0 : i32
      %dma_wait3A_192 = tpu.memref_slice %arg2[%dma_wait3A_190, %dma_wait3A_191] : memref<5000x16xf32, #tpu.memory_space<hbm>> -> memref<5000x16xf32, #tpu.memory_space<hbm>>
      tpu.wait_indirect_dma semaphore(%arg10 : memref<!tpu.dma_semaphore, #tpu.memory_space<semaphore_mem>>) src(%dma_wait3A_192 : memref<5000x16xf32, #tpu.memory_space<hbm>>) dst(%dma_wait3A_187 : memref<128x16xf32, #tpu.memory_space<vmem>>)
      %dma_start3A_193 = arith.constant 3 : i32
      %dma_start3A_194 = arith.constant 384 : i32
      %dma_start3A_195 = arith.constant 0 : i32
      %dma_start3A_196 = tpu.memref_slice %arg9[%dma_start3A_194, %dma_start3A_195] : memref<1024x16xf32, #tpu.memory_space<vmem>> -> memref<128x16xf32, #tpu.memory_space<vmem>>
      %dma_start3A_197 = arith.constant 0 : i32
      %dma_start3A_198 = tpu.memref_slice %arg8[%dma_start3A_193, %dma_start3A_197] : memref<8x128xi32, #tpu.memory_space<vmem>> -> memref<1x128xi32, #tpu.memory_space<vmem>>
      %dma_start3A_199 = tpu.memref_squeeze %dma_start3A_198 : memref<1x128xi32, #tpu.memory_space<vmem>> -> memref<128xi32, #tpu.memory_space<vmem>>
      %dma_start3A_200 = arith.constant 0 : i32
      %dma_start3A_201 = arith.constant 0 : i32
      %dma_start3A_202 = tpu.memref_slice %arg6[%dma_start3A_200, %dma_start3A_201] : memref<50176x16xf32, #tpu.memory_space<vmem_shared>> -> memref<50176x16xf32, #tpu.memory_space<vmem_shared>>
      tpu.enqueue_indirect_dma source(%dma_start3A_196 : memref<128x16xf32, #tpu.memory_space<vmem>>) target(%dma_start3A_202 : memref<50176x16xf32, #tpu.memory_space<vmem_shared>>) offsets(%dma_start3A_199 : memref<128xi32, #tpu.memory_space<vmem>>) semaphore(%arg11 : memref<!tpu.dma_semaphore, #tpu.memory_space<semaphore_mem>>) {add = true}
      %dma_wait3A_203 = arith.constant 512 : i32
      %dma_wait3A_204 = arith.constant 0 : i32
      %dma_wait3A_205 = tpu.memref_slice %arg9[%dma_wait3A_203, %dma_wait3A_204] : memref<1024x16xf32, #tpu.memory_space<vmem>> -> memref<128x16xf32, #tpu.memory_space<vmem>>
      %dma_wait3A_206 = arith.constant 512 : i32
      %dma_wait3A_207 = tpu.memref_slice %arg7[%dma_wait3A_206] : memref<1024xi32, #tpu.memory_space<vmem>> -> memref<128xi32, #tpu.memory_space<vmem>>
      %dma_wait3A_208 = arith.constant 0 : i32
      %dma_wait3A_209 = arith.constant 0 : i32
      %dma_wait3A_210 = tpu.memref_slice %arg2[%dma_wait3A_208, %dma_wait3A_209] : memref<5000x16xf32, #tpu.memory_space<hbm>> -> memref<5000x16xf32, #tpu.memory_space<hbm>>
      tpu.wait_indirect_dma semaphore(%arg10 : memref<!tpu.dma_semaphore, #tpu.memory_space<semaphore_mem>>) src(%dma_wait3A_210 : memref<5000x16xf32, #tpu.memory_space<hbm>>) dst(%dma_wait3A_205 : memref<128x16xf32, #tpu.memory_space<vmem>>)
      %dma_start3A_211 = arith.constant 4 : i32
      %dma_start3A_212 = arith.constant 512 : i32
      %dma_start3A_213 = arith.constant 0 : i32
      %dma_start3A_214 = tpu.memref_slice %arg9[%dma_start3A_212, %dma_start3A_213] : memref<1024x16xf32, #tpu.memory_space<vmem>> -> memref<128x16xf32, #tpu.memory_space<vmem>>
      %dma_start3A_215 = arith.constant 0 : i32
      %dma_start3A_216 = tpu.memref_slice %arg8[%dma_start3A_211, %dma_start3A_215] : memref<8x128xi32, #tpu.memory_space<vmem>> -> memref<1x128xi32, #tpu.memory_space<vmem>>
      %dma_start3A_217 = tpu.memref_squeeze %dma_start3A_216 : memref<1x128xi32, #tpu.memory_space<vmem>> -> memref<128xi32, #tpu.memory_space<vmem>>
      %dma_start3A_218 = arith.constant 0 : i32
      %dma_start3A_219 = arith.constant 0 : i32
      %dma_start3A_220 = tpu.memref_slice %arg6[%dma_start3A_218, %dma_start3A_219] : memref<50176x16xf32, #tpu.memory_space<vmem_shared>> -> memref<50176x16xf32, #tpu.memory_space<vmem_shared>>
      tpu.enqueue_indirect_dma source(%dma_start3A_214 : memref<128x16xf32, #tpu.memory_space<vmem>>) target(%dma_start3A_220 : memref<50176x16xf32, #tpu.memory_space<vmem_shared>>) offsets(%dma_start3A_217 : memref<128xi32, #tpu.memory_space<vmem>>) semaphore(%arg11 : memref<!tpu.dma_semaphore, #tpu.memory_space<semaphore_mem>>) {add = true}
      %dma_wait3A_221 = arith.constant 640 : i32
      %dma_wait3A_222 = arith.constant 0 : i32
      %dma_wait3A_223 = tpu.memref_slice %arg9[%dma_wait3A_221, %dma_wait3A_222] : memref<1024x16xf32, #tpu.memory_space<vmem>> -> memref<128x16xf32, #tpu.memory_space<vmem>>
      %dma_wait3A_224 = arith.constant 640 : i32
      %dma_wait3A_225 = tpu.memref_slice %arg7[%dma_wait3A_224] : memref<1024xi32, #tpu.memory_space<vmem>> -> memref<128xi32, #tpu.memory_space<vmem>>
      %dma_wait3A_226 = arith.constant 0 : i32
      %dma_wait3A_227 = arith.constant 0 : i32
      %dma_wait3A_228 = tpu.memref_slice %arg2[%dma_wait3A_226, %dma_wait3A_227] : memref<5000x16xf32, #tpu.memory_space<hbm>> -> memref<5000x16xf32, #tpu.memory_space<hbm>>
      tpu.wait_indirect_dma semaphore(%arg10 : memref<!tpu.dma_semaphore, #tpu.memory_space<semaphore_mem>>) src(%dma_wait3A_228 : memref<5000x16xf32, #tpu.memory_space<hbm>>) dst(%dma_wait3A_223 : memref<128x16xf32, #tpu.memory_space<vmem>>)
      %dma_start3A_229 = arith.constant 5 : i32
      %dma_start3A_230 = arith.constant 640 : i32
      %dma_start3A_231 = arith.constant 0 : i32
      %dma_start3A_232 = tpu.memref_slice %arg9[%dma_start3A_230, %dma_start3A_231] : memref<1024x16xf32, #tpu.memory_space<vmem>> -> memref<128x16xf32, #tpu.memory_space<vmem>>
      %dma_start3A_233 = arith.constant 0 : i32
      %dma_start3A_234 = tpu.memref_slice %arg8[%dma_start3A_229, %dma_start3A_233] : memref<8x128xi32, #tpu.memory_space<vmem>> -> memref<1x128xi32, #tpu.memory_space<vmem>>
      %dma_start3A_235 = tpu.memref_squeeze %dma_start3A_234 : memref<1x128xi32, #tpu.memory_space<vmem>> -> memref<128xi32, #tpu.memory_space<vmem>>
      %dma_start3A_236 = arith.constant 0 : i32
      %dma_start3A_237 = arith.constant 0 : i32
      %dma_start3A_238 = tpu.memref_slice %arg6[%dma_start3A_236, %dma_start3A_237] : memref<50176x16xf32, #tpu.memory_space<vmem_shared>> -> memref<50176x16xf32, #tpu.memory_space<vmem_shared>>
      tpu.enqueue_indirect_dma source(%dma_start3A_232 : memref<128x16xf32, #tpu.memory_space<vmem>>) target(%dma_start3A_238 : memref<50176x16xf32, #tpu.memory_space<vmem_shared>>) offsets(%dma_start3A_235 : memref<128xi32, #tpu.memory_space<vmem>>) semaphore(%arg11 : memref<!tpu.dma_semaphore, #tpu.memory_space<semaphore_mem>>) {add = true}
      %dma_wait3A_239 = arith.constant 768 : i32
      %dma_wait3A_240 = arith.constant 0 : i32
      %dma_wait3A_241 = tpu.memref_slice %arg9[%dma_wait3A_239, %dma_wait3A_240] : memref<1024x16xf32, #tpu.memory_space<vmem>> -> memref<128x16xf32, #tpu.memory_space<vmem>>
      %dma_wait3A_242 = arith.constant 768 : i32
      %dma_wait3A_243 = tpu.memref_slice %arg7[%dma_wait3A_242] : memref<1024xi32, #tpu.memory_space<vmem>> -> memref<128xi32, #tpu.memory_space<vmem>>
      %dma_wait3A_244 = arith.constant 0 : i32
      %dma_wait3A_245 = arith.constant 0 : i32
      %dma_wait3A_246 = tpu.memref_slice %arg2[%dma_wait3A_244, %dma_wait3A_245] : memref<5000x16xf32, #tpu.memory_space<hbm>> -> memref<5000x16xf32, #tpu.memory_space<hbm>>
      tpu.wait_indirect_dma semaphore(%arg10 : memref<!tpu.dma_semaphore, #tpu.memory_space<semaphore_mem>>) src(%dma_wait3A_246 : memref<5000x16xf32, #tpu.memory_space<hbm>>) dst(%dma_wait3A_241 : memref<128x16xf32, #tpu.memory_space<vmem>>)
      %dma_start3A_247 = arith.constant 6 : i32
      %dma_start3A_248 = arith.constant 768 : i32
      %dma_start3A_249 = arith.constant 0 : i32
      %dma_start3A_250 = tpu.memref_slice %arg9[%dma_start3A_248, %dma_start3A_249] : memref<1024x16xf32, #tpu.memory_space<vmem>> -> memref<128x16xf32, #tpu.memory_space<vmem>>
      %dma_start3A_251 = arith.constant 0 : i32
      %dma_start3A_252 = tpu.memref_slice %arg8[%dma_start3A_247, %dma_start3A_251] : memref<8x128xi32, #tpu.memory_space<vmem>> -> memref<1x128xi32, #tpu.memory_space<vmem>>
      %dma_start3A_253 = tpu.memref_squeeze %dma_start3A_252 : memref<1x128xi32, #tpu.memory_space<vmem>> -> memref<128xi32, #tpu.memory_space<vmem>>
      %dma_start3A_254 = arith.constant 0 : i32
      %dma_start3A_255 = arith.constant 0 : i32
      %dma_start3A_256 = tpu.memref_slice %arg6[%dma_start3A_254, %dma_start3A_255] : memref<50176x16xf32, #tpu.memory_space<vmem_shared>> -> memref<50176x16xf32, #tpu.memory_space<vmem_shared>>
      tpu.enqueue_indirect_dma source(%dma_start3A_250 : memref<128x16xf32, #tpu.memory_space<vmem>>) target(%dma_start3A_256 : memref<50176x16xf32, #tpu.memory_space<vmem_shared>>) offsets(%dma_start3A_253 : memref<128xi32, #tpu.memory_space<vmem>>) semaphore(%arg11 : memref<!tpu.dma_semaphore, #tpu.memory_space<semaphore_mem>>) {add = true}
      %dma_wait3A_257 = arith.constant 896 : i32
      %dma_wait3A_258 = arith.constant 0 : i32
      %dma_wait3A_259 = tpu.memref_slice %arg9[%dma_wait3A_257, %dma_wait3A_258] : memref<1024x16xf32, #tpu.memory_space<vmem>> -> memref<128x16xf32, #tpu.memory_space<vmem>>
      %dma_wait3A_260 = arith.constant 896 : i32
      %dma_wait3A_261 = tpu.memref_slice %arg7[%dma_wait3A_260] : memref<1024xi32, #tpu.memory_space<vmem>> -> memref<128xi32, #tpu.memory_space<vmem>>
      %dma_wait3A_262 = arith.constant 0 : i32
      %dma_wait3A_263 = arith.constant 0 : i32
      %dma_wait3A_264 = tpu.memref_slice %arg2[%dma_wait3A_262, %dma_wait3A_263] : memref<5000x16xf32, #tpu.memory_space<hbm>> -> memref<5000x16xf32, #tpu.memory_space<hbm>>
      tpu.wait_indirect_dma semaphore(%arg10 : memref<!tpu.dma_semaphore, #tpu.memory_space<semaphore_mem>>) src(%dma_wait3A_264 : memref<5000x16xf32, #tpu.memory_space<hbm>>) dst(%dma_wait3A_259 : memref<128x16xf32, #tpu.memory_space<vmem>>)
      %dma_start3A_265 = arith.constant 7 : i32
      %dma_start3A_266 = arith.constant 896 : i32
      %dma_start3A_267 = arith.constant 0 : i32
      %dma_start3A_268 = tpu.memref_slice %arg9[%dma_start3A_266, %dma_start3A_267] : memref<1024x16xf32, #tpu.memory_space<vmem>> -> memref<128x16xf32, #tpu.memory_space<vmem>>
      %dma_start3A_269 = arith.constant 0 : i32
      %dma_start3A_270 = tpu.memref_slice %arg8[%dma_start3A_265, %dma_start3A_269] : memref<8x128xi32, #tpu.memory_space<vmem>> -> memref<1x128xi32, #tpu.memory_space<vmem>>
      %dma_start3A_271 = tpu.memref_squeeze %dma_start3A_270 : memref<1x128xi32, #tpu.memory_space<vmem>> -> memref<128xi32, #tpu.memory_space<vmem>>
      %dma_start3A_272 = arith.constant 0 : i32
      %dma_start3A_273 = arith.constant 0 : i32
      %dma_start3A_274 = tpu.memref_slice %arg6[%dma_start3A_272, %dma_start3A_273] : memref<50176x16xf32, #tpu.memory_space<vmem_shared>> -> memref<50176x16xf32, #tpu.memory_space<vmem_shared>>
      tpu.enqueue_indirect_dma source(%dma_start3A_268 : memref<128x16xf32, #tpu.memory_space<vmem>>) target(%dma_start3A_274 : memref<50176x16xf32, #tpu.memory_space<vmem_shared>>) offsets(%dma_start3A_271 : memref<128xi32, #tpu.memory_space<vmem>>) semaphore(%arg11 : memref<!tpu.dma_semaphore, #tpu.memory_space<semaphore_mem>>) {add = true}
      %dma_wait3A_275 = arith.constant 0 : i32
      %dma_wait3A_276 = arith.constant 0 : i32
      %dma_wait3A_277 = arith.constant 0 : i32
      %dma_wait3A_278 = tpu.memref_slice %arg9[%dma_wait3A_276, %dma_wait3A_277] : memref<1024x16xf32, #tpu.memory_space<vmem>> -> memref<128x16xf32, #tpu.memory_space<vmem>>
      %dma_wait3A_279 = arith.constant 0 : i32
      %dma_wait3A_280 = tpu.memref_slice %arg8[%dma_wait3A_275, %dma_wait3A_279] : memref<8x128xi32, #tpu.memory_space<vmem>> -> memref<1x128xi32, #tpu.memory_space<vmem>>
      %dma_wait3A_281 = tpu.memref_squeeze %dma_wait3A_280 : memref<1x128xi32, #tpu.memory_space<vmem>> -> memref<128xi32, #tpu.memory_space<vmem>>
      %dma_wait3A_282 = arith.constant 0 : i32
      %dma_wait3A_283 = arith.constant 0 : i32
      %dma_wait3A_284 = tpu.memref_slice %arg6[%dma_wait3A_282, %dma_wait3A_283] : memref<50176x16xf32, #tpu.memory_space<vmem_shared>> -> memref<50176x16xf32, #tpu.memory_space<vmem_shared>>
      tpu.wait_indirect_dma semaphore(%arg11 : memref<!tpu.dma_semaphore, #tpu.memory_space<semaphore_mem>>) src(%dma_wait3A_278 : memref<128x16xf32, #tpu.memory_space<vmem>>) dst(%dma_wait3A_284 : memref<50176x16xf32, #tpu.memory_space<vmem_shared>>)
      %dma_wait3A_285 = arith.constant 1 : i32
      %dma_wait3A_286 = arith.constant 128 : i32
      %dma_wait3A_287 = arith.constant 0 : i32
      %dma_wait3A_288 = tpu.memref_slice %arg9[%dma_wait3A_286, %dma_wait3A_287] : memref<1024x16xf32, #tpu.memory_space<vmem>> -> memref<128x16xf32, #tpu.memory_space<vmem>>
      %dma_wait3A_289 = arith.constant 0 : i32
      %dma_wait3A_290 = tpu.memref_slice %arg8[%dma_wait3A_285, %dma_wait3A_289] : memref<8x128xi32, #tpu.memory_space<vmem>> -> memref<1x128xi32, #tpu.memory_space<vmem>>
      %dma_wait3A_291 = tpu.memref_squeeze %dma_wait3A_290 : memref<1x128xi32, #tpu.memory_space<vmem>> -> memref<128xi32, #tpu.memory_space<vmem>>
      %dma_wait3A_292 = arith.constant 0 : i32
      %dma_wait3A_293 = arith.constant 0 : i32
      %dma_wait3A_294 = tpu.memref_slice %arg6[%dma_wait3A_292, %dma_wait3A_293] : memref<50176x16xf32, #tpu.memory_space<vmem_shared>> -> memref<50176x16xf32, #tpu.memory_space<vmem_shared>>
      tpu.wait_indirect_dma semaphore(%arg11 : memref<!tpu.dma_semaphore, #tpu.memory_space<semaphore_mem>>) src(%dma_wait3A_288 : memref<128x16xf32, #tpu.memory_space<vmem>>) dst(%dma_wait3A_294 : memref<50176x16xf32, #tpu.memory_space<vmem_shared>>)
      %dma_wait3A_295 = arith.constant 2 : i32
      %dma_wait3A_296 = arith.constant 256 : i32
      %dma_wait3A_297 = arith.constant 0 : i32
      %dma_wait3A_298 = tpu.memref_slice %arg9[%dma_wait3A_296, %dma_wait3A_297] : memref<1024x16xf32, #tpu.memory_space<vmem>> -> memref<128x16xf32, #tpu.memory_space<vmem>>
      %dma_wait3A_299 = arith.constant 0 : i32
      %dma_wait3A_300 = tpu.memref_slice %arg8[%dma_wait3A_295, %dma_wait3A_299] : memref<8x128xi32, #tpu.memory_space<vmem>> -> memref<1x128xi32, #tpu.memory_space<vmem>>
      %dma_wait3A_301 = tpu.memref_squeeze %dma_wait3A_300 : memref<1x128xi32, #tpu.memory_space<vmem>> -> memref<128xi32, #tpu.memory_space<vmem>>
      %dma_wait3A_302 = arith.constant 0 : i32
      %dma_wait3A_303 = arith.constant 0 : i32
      %dma_wait3A_304 = tpu.memref_slice %arg6[%dma_wait3A_302, %dma_wait3A_303] : memref<50176x16xf32, #tpu.memory_space<vmem_shared>> -> memref<50176x16xf32, #tpu.memory_space<vmem_shared>>
      tpu.wait_indirect_dma semaphore(%arg11 : memref<!tpu.dma_semaphore, #tpu.memory_space<semaphore_mem>>) src(%dma_wait3A_298 : memref<128x16xf32, #tpu.memory_space<vmem>>) dst(%dma_wait3A_304 : memref<50176x16xf32, #tpu.memory_space<vmem_shared>>)
      %dma_wait3A_305 = arith.constant 3 : i32
      %dma_wait3A_306 = arith.constant 384 : i32
      %dma_wait3A_307 = arith.constant 0 : i32
      %dma_wait3A_308 = tpu.memref_slice %arg9[%dma_wait3A_306, %dma_wait3A_307] : memref<1024x16xf32, #tpu.memory_space<vmem>> -> memref<128x16xf32, #tpu.memory_space<vmem>>
      %dma_wait3A_309 = arith.constant 0 : i32
      %dma_wait3A_310 = tpu.memref_slice %arg8[%dma_wait3A_305, %dma_wait3A_309] : memref<8x128xi32, #tpu.memory_space<vmem>> -> memref<1x128xi32, #tpu.memory_space<vmem>>
      %dma_wait3A_311 = tpu.memref_squeeze %dma_wait3A_310 : memref<1x128xi32, #tpu.memory_space<vmem>> -> memref<128xi32, #tpu.memory_space<vmem>>
      %dma_wait3A_312 = arith.constant 0 : i32
      %dma_wait3A_313 = arith.constant 0 : i32
      %dma_wait3A_314 = tpu.memref_slice %arg6[%dma_wait3A_312, %dma_wait3A_313] : memref<50176x16xf32, #tpu.memory_space<vmem_shared>> -> memref<50176x16xf32, #tpu.memory_space<vmem_shared>>
      tpu.wait_indirect_dma semaphore(%arg11 : memref<!tpu.dma_semaphore, #tpu.memory_space<semaphore_mem>>) src(%dma_wait3A_308 : memref<128x16xf32, #tpu.memory_space<vmem>>) dst(%dma_wait3A_314 : memref<50176x16xf32, #tpu.memory_space<vmem_shared>>)
      %dma_wait3A_315 = arith.constant 4 : i32
      %dma_wait3A_316 = arith.constant 512 : i32
      %dma_wait3A_317 = arith.constant 0 : i32
      %dma_wait3A_318 = tpu.memref_slice %arg9[%dma_wait3A_316, %dma_wait3A_317] : memref<1024x16xf32, #tpu.memory_space<vmem>> -> memref<128x16xf32, #tpu.memory_space<vmem>>
      %dma_wait3A_319 = arith.constant 0 : i32
      %dma_wait3A_320 = tpu.memref_slice %arg8[%dma_wait3A_315, %dma_wait3A_319] : memref<8x128xi32, #tpu.memory_space<vmem>> -> memref<1x128xi32, #tpu.memory_space<vmem>>
      %dma_wait3A_321 = tpu.memref_squeeze %dma_wait3A_320 : memref<1x128xi32, #tpu.memory_space<vmem>> -> memref<128xi32, #tpu.memory_space<vmem>>
      %dma_wait3A_322 = arith.constant 0 : i32
      %dma_wait3A_323 = arith.constant 0 : i32
      %dma_wait3A_324 = tpu.memref_slice %arg6[%dma_wait3A_322, %dma_wait3A_323] : memref<50176x16xf32, #tpu.memory_space<vmem_shared>> -> memref<50176x16xf32, #tpu.memory_space<vmem_shared>>
      tpu.wait_indirect_dma semaphore(%arg11 : memref<!tpu.dma_semaphore, #tpu.memory_space<semaphore_mem>>) src(%dma_wait3A_318 : memref<128x16xf32, #tpu.memory_space<vmem>>) dst(%dma_wait3A_324 : memref<50176x16xf32, #tpu.memory_space<vmem_shared>>)
      %dma_wait3A_325 = arith.constant 5 : i32
      %dma_wait3A_326 = arith.constant 640 : i32
      %dma_wait3A_327 = arith.constant 0 : i32
      %dma_wait3A_328 = tpu.memref_slice %arg9[%dma_wait3A_326, %dma_wait3A_327] : memref<1024x16xf32, #tpu.memory_space<vmem>> -> memref<128x16xf32, #tpu.memory_space<vmem>>
      %dma_wait3A_329 = arith.constant 0 : i32
      %dma_wait3A_330 = tpu.memref_slice %arg8[%dma_wait3A_325, %dma_wait3A_329] : memref<8x128xi32, #tpu.memory_space<vmem>> -> memref<1x128xi32, #tpu.memory_space<vmem>>
      %dma_wait3A_331 = tpu.memref_squeeze %dma_wait3A_330 : memref<1x128xi32, #tpu.memory_space<vmem>> -> memref<128xi32, #tpu.memory_space<vmem>>
      %dma_wait3A_332 = arith.constant 0 : i32
      %dma_wait3A_333 = arith.constant 0 : i32
      %dma_wait3A_334 = tpu.memref_slice %arg6[%dma_wait3A_332, %dma_wait3A_333] : memref<50176x16xf32, #tpu.memory_space<vmem_shared>> -> memref<50176x16xf32, #tpu.memory_space<vmem_shared>>
      tpu.wait_indirect_dma semaphore(%arg11 : memref<!tpu.dma_semaphore, #tpu.memory_space<semaphore_mem>>) src(%dma_wait3A_328 : memref<128x16xf32, #tpu.memory_space<vmem>>) dst(%dma_wait3A_334 : memref<50176x16xf32, #tpu.memory_space<vmem_shared>>)
      %dma_wait3A_335 = arith.constant 6 : i32
      %dma_wait3A_336 = arith.constant 768 : i32
      %dma_wait3A_337 = arith.constant 0 : i32
      %dma_wait3A_338 = tpu.memref_slice %arg9[%dma_wait3A_336, %dma_wait3A_337] : memref<1024x16xf32, #tpu.memory_space<vmem>> -> memref<128x16xf32, #tpu.memory_space<vmem>>
      %dma_wait3A_339 = arith.constant 0 : i32
      %dma_wait3A_340 = tpu.memref_slice %arg8[%dma_wait3A_335, %dma_wait3A_339] : memref<8x128xi32, #tpu.memory_space<vmem>> -> memref<1x128xi32, #tpu.memory_space<vmem>>
      %dma_wait3A_341 = tpu.memref_squeeze %dma_wait3A_340 : memref<1x128xi32, #tpu.memory_space<vmem>> -> memref<128xi32, #tpu.memory_space<vmem>>
      %dma_wait3A_342 = arith.constant 0 : i32
      %dma_wait3A_343 = arith.constant 0 : i32
      %dma_wait3A_344 = tpu.memref_slice %arg6[%dma_wait3A_342, %dma_wait3A_343] : memref<50176x16xf32, #tpu.memory_space<vmem_shared>> -> memref<50176x16xf32, #tpu.memory_space<vmem_shared>>
      tpu.wait_indirect_dma semaphore(%arg11 : memref<!tpu.dma_semaphore, #tpu.memory_space<semaphore_mem>>) src(%dma_wait3A_338 : memref<128x16xf32, #tpu.memory_space<vmem>>) dst(%dma_wait3A_344 : memref<50176x16xf32, #tpu.memory_space<vmem_shared>>)
      %dma_wait3A_345 = arith.constant 7 : i32
      %dma_wait3A_346 = arith.constant 896 : i32
      %dma_wait3A_347 = arith.constant 0 : i32
      %dma_wait3A_348 = tpu.memref_slice %arg9[%dma_wait3A_346, %dma_wait3A_347] : memref<1024x16xf32, #tpu.memory_space<vmem>> -> memref<128x16xf32, #tpu.memory_space<vmem>>
      %dma_wait3A_349 = arith.constant 0 : i32
      %dma_wait3A_350 = tpu.memref_slice %arg8[%dma_wait3A_345, %dma_wait3A_349] : memref<8x128xi32, #tpu.memory_space<vmem>> -> memref<1x128xi32, #tpu.memory_space<vmem>>
      %dma_wait3A_351 = tpu.memref_squeeze %dma_wait3A_350 : memref<1x128xi32, #tpu.memory_space<vmem>> -> memref<128xi32, #tpu.memory_space<vmem>>
      %dma_wait3A_352 = arith.constant 0 : i32
      %dma_wait3A_353 = arith.constant 0 : i32
      %dma_wait3A_354 = tpu.memref_slice %arg6[%dma_wait3A_352, %dma_wait3A_353] : memref<50176x16xf32, #tpu.memory_space<vmem_shared>> -> memref<50176x16xf32, #tpu.memory_space<vmem_shared>>
      tpu.wait_indirect_dma semaphore(%arg11 : memref<!tpu.dma_semaphore, #tpu.memory_space<semaphore_mem>>) src(%dma_wait3A_348 : memref<128x16xf32, #tpu.memory_space<vmem>>) dst(%dma_wait3A_354 : memref<50176x16xf32, #tpu.memory_space<vmem_shared>>)
    }
    %scan3A_39 = arith.constant 49 : i32
    %barrier3A_40 = arith.constant 0 : index
    tpu.barrier barrier_id(%barrier3A_40)
    %mul3A_41 = arith.constant 3125 : i32
    %mul3A_42 = arith.muli %arg1, %mul3A_41 : i32
    %mul3A_43 = arith.constant 50000 : i32
    %mul3A_44 = arith.muli %arg0, %mul3A_43 : i32
    %add3A_45 = arith.addi %mul3A_44, %mul3A_42 : i32
    %add3A_46 = arith.constant 0 : i32
    %add3A_47 = arith.addi %mul3A_42, %add3A_46 : i32
    %add3A_48 = arith.constant 0 : i32
    %add3A_49 = arith.addi %add3A_45, %add3A_48 : i32
    "tpu.region"() ({
      %run_scoped3A = tpu.sem_alloc : memref<!tpu.dma_semaphore, #tpu.memory_space<semaphore_mem>>
      %dma_start3A = arith.constant 0 : i32
      %dma_start3A_62 = tpu.memref_slice %arg5[%add3A_49, %dma_start3A] : memref<100000x16xf32, #tpu.memory_space<hbm>> -> memref<1024x16xf32, #tpu.memory_space<hbm>>
      %dma_start3A_63 = arith.constant 0 : i32
      %dma_start3A_64 = tpu.memref_slice %arg6[%add3A_47, %dma_start3A_63] : memref<50176x16xf32, #tpu.memory_space<vmem_shared>> -> memref<1024x16xf32, #tpu.memory_space<vmem_shared>>
      tpu.enqueue_dma source(%dma_start3A_64 : memref<1024x16xf32, #tpu.memory_space<vmem_shared>>) target(%dma_start3A_62 : memref<1024x16xf32, #tpu.memory_space<hbm>>) target_semaphore(%run_scoped3A : memref<!tpu.dma_semaphore, #tpu.memory_space<semaphore_mem>>)
      %dma_wait3A = arith.constant 0 : i32
      %dma_wait3A_65 = tpu.memref_slice %arg5[%add3A_49, %dma_wait3A] : memref<100000x16xf32, #tpu.memory_space<hbm>> -> memref<1024x16xf32, #tpu.memory_space<hbm>>
      %dma_wait3A_66 = arith.constant 0 : i32
      %dma_wait3A_67 = tpu.memref_slice %arg6[%add3A_47, %dma_wait3A_66] : memref<50176x16xf32, #tpu.memory_space<vmem_shared>> -> memref<1024x16xf32, #tpu.memory_space<vmem_shared>>
      tpu.wait_dma2 semaphore(%run_scoped3A : memref<!tpu.dma_semaphore, #tpu.memory_space<semaphore_mem>>) src(%dma_wait3A_67 : memref<1024x16xf32, #tpu.memory_space<vmem_shared>>) dst(%dma_wait3A_65 : memref<1024x16xf32, #tpu.memory_space<hbm>>)
      tpu.yield
    }) : () -> ()
    %add3A_50 = arith.constant 1024 : i32
    %add3A_51 = arith.addi %mul3A_42, %add3A_50 : i32
    %add3A_52 = arith.constant 1024 : i32
    %add3A_53 = arith.addi %add3A_45, %add3A_52 : i32
    "tpu.region"() ({
      %run_scoped3A = tpu.sem_alloc : memref<!tpu.dma_semaphore, #tpu.memory_space<semaphore_mem>>
      %dma_start3A = arith.constant 0 : i32
      %dma_start3A_62 = tpu.memref_slice %arg5[%add3A_53, %dma_start3A] : memref<100000x16xf32, #tpu.memory_space<hbm>> -> memref<1024x16xf32, #tpu.memory_space<hbm>>
      %dma_start3A_63 = arith.constant 0 : i32
      %dma_start3A_64 = tpu.memref_slice %arg6[%add3A_51, %dma_start3A_63] : memref<50176x16xf32, #tpu.memory_space<vmem_shared>> -> memref<1024x16xf32, #tpu.memory_space<vmem_shared>>
      tpu.enqueue_dma source(%dma_start3A_64 : memref<1024x16xf32, #tpu.memory_space<vmem_shared>>) target(%dma_start3A_62 : memref<1024x16xf32, #tpu.memory_space<hbm>>) target_semaphore(%run_scoped3A : memref<!tpu.dma_semaphore, #tpu.memory_space<semaphore_mem>>)
      %dma_wait3A = arith.constant 0 : i32
      %dma_wait3A_65 = tpu.memref_slice %arg5[%add3A_53, %dma_wait3A] : memref<100000x16xf32, #tpu.memory_space<hbm>> -> memref<1024x16xf32, #tpu.memory_space<hbm>>
      %dma_wait3A_66 = arith.constant 0 : i32
      %dma_wait3A_67 = tpu.memref_slice %arg6[%add3A_51, %dma_wait3A_66] : memref<50176x16xf32, #tpu.memory_space<vmem_shared>> -> memref<1024x16xf32, #tpu.memory_space<vmem_shared>>
      tpu.wait_dma2 semaphore(%run_scoped3A : memref<!tpu.dma_semaphore, #tpu.memory_space<semaphore_mem>>) src(%dma_wait3A_67 : memref<1024x16xf32, #tpu.memory_space<vmem_shared>>) dst(%dma_wait3A_65 : memref<1024x16xf32, #tpu.memory_space<hbm>>)
      tpu.yield
    }) : () -> ()
    %add3A_54 = arith.constant 2048 : i32
    %add3A_55 = arith.addi %mul3A_42, %add3A_54 : i32
    %add3A_56 = arith.constant 2048 : i32
    %add3A_57 = arith.addi %add3A_45, %add3A_56 : i32
    "tpu.region"() ({
      %run_scoped3A = tpu.sem_alloc : memref<!tpu.dma_semaphore, #tpu.memory_space<semaphore_mem>>
      %dma_start3A = arith.constant 0 : i32
      %dma_start3A_62 = tpu.memref_slice %arg5[%add3A_57, %dma_start3A] : memref<100000x16xf32, #tpu.memory_space<hbm>> -> memref<1024x16xf32, #tpu.memory_space<hbm>>
      %dma_start3A_63 = arith.constant 0 : i32
      %dma_start3A_64 = tpu.memref_slice %arg6[%add3A_55, %dma_start3A_63] : memref<50176x16xf32, #tpu.memory_space<vmem_shared>> -> memref<1024x16xf32, #tpu.memory_space<vmem_shared>>
      tpu.enqueue_dma source(%dma_start3A_64 : memref<1024x16xf32, #tpu.memory_space<vmem_shared>>) target(%dma_start3A_62 : memref<1024x16xf32, #tpu.memory_space<hbm>>) target_semaphore(%run_scoped3A : memref<!tpu.dma_semaphore, #tpu.memory_space<semaphore_mem>>)
      %dma_wait3A = arith.constant 0 : i32
      %dma_wait3A_65 = tpu.memref_slice %arg5[%add3A_57, %dma_wait3A] : memref<100000x16xf32, #tpu.memory_space<hbm>> -> memref<1024x16xf32, #tpu.memory_space<hbm>>
      %dma_wait3A_66 = arith.constant 0 : i32
      %dma_wait3A_67 = tpu.memref_slice %arg6[%add3A_55, %dma_wait3A_66] : memref<50176x16xf32, #tpu.memory_space<vmem_shared>> -> memref<1024x16xf32, #tpu.memory_space<vmem_shared>>
      tpu.wait_dma2 semaphore(%run_scoped3A : memref<!tpu.dma_semaphore, #tpu.memory_space<semaphore_mem>>) src(%dma_wait3A_67 : memref<1024x16xf32, #tpu.memory_space<vmem_shared>>) dst(%dma_wait3A_65 : memref<1024x16xf32, #tpu.memory_space<hbm>>)
      tpu.yield
    }) : () -> ()
    %add3A_58 = arith.constant 3072 : i32
    %add3A_59 = arith.addi %mul3A_42, %add3A_58 : i32
    %add3A_60 = arith.constant 3072 : i32
    %add3A_61 = arith.addi %add3A_45, %add3A_60 : i32
    "tpu.region"() ({
      %run_scoped3A = tpu.sem_alloc : memref<!tpu.dma_semaphore, #tpu.memory_space<semaphore_mem>>
      %dma_start3A = arith.constant 0 : i32
      %dma_start3A_62 = tpu.memref_slice %arg5[%add3A_61, %dma_start3A] : memref<100000x16xf32, #tpu.memory_space<hbm>> -> memref<53x16xf32, #tpu.memory_space<hbm>>
      %dma_start3A_63 = arith.constant 0 : i32
      %dma_start3A_64 = tpu.memref_slice %arg6[%add3A_59, %dma_start3A_63] : memref<50176x16xf32, #tpu.memory_space<vmem_shared>> -> memref<53x16xf32, #tpu.memory_space<vmem_shared>>
      tpu.enqueue_dma source(%dma_start3A_64 : memref<53x16xf32, #tpu.memory_space<vmem_shared>>) target(%dma_start3A_62 : memref<53x16xf32, #tpu.memory_space<hbm>>) target_semaphore(%run_scoped3A : memref<!tpu.dma_semaphore, #tpu.memory_space<semaphore_mem>>)
      %dma_wait3A = arith.constant 0 : i32
      %dma_wait3A_65 = tpu.memref_slice %arg5[%add3A_61, %dma_wait3A] : memref<100000x16xf32, #tpu.memory_space<hbm>> -> memref<53x16xf32, #tpu.memory_space<hbm>>
      %dma_wait3A_66 = arith.constant 0 : i32
      %dma_wait3A_67 = tpu.memref_slice %arg6[%add3A_59, %dma_wait3A_66] : memref<50176x16xf32, #tpu.memory_space<vmem_shared>> -> memref<53x16xf32, #tpu.memory_space<vmem_shared>>
      tpu.wait_dma2 semaphore(%run_scoped3A : memref<!tpu.dma_semaphore, #tpu.memory_space<semaphore_mem>>) src(%dma_wait3A_67 : memref<53x16xf32, #tpu.memory_space<vmem_shared>>) dst(%dma_wait3A_65 : memref<53x16xf32, #tpu.memory_space<hbm>>)
      tpu.yield
    }) : () -> ()
    return
  }
}

module attributes {stable_mosaic.version = 14 : i64} {
  func.func @_tc_build_nf(%arg0: i32, %arg1: memref<2000x8xf32, #tpu.memory_space<vmem>>, %arg2: memref<8000x16xf32, #tpu.memory_space<vmem>>, %arg3: memref<2x2000x16xf32, #tpu.memory_space<vmem>>) attributes {dimension_semantics = [#tpu.dimension_semantics<arbitrary>], iteration_bounds = array<i64: 25>, scalar_prefetch = 0 : i64, scratch_operands = 0 : i64, tpu.core_type = #tpu.core_type<tc>, window_params = [{transform_indices = @transform_0, window_bounds = array<i64: 2000, 8>}, {transform_indices = @transform_1, window_bounds = array<i64: 8000, 16>}, {transform_indices = @transform_2, window_bounds = array<i64: 2, 2000, 16>}]} {
    %get3A = arith.constant 0 : index
    %get3A_0 = arith.constant 0 : index
    %get3A_1 = vector.load %arg1[%get3A, %get3A_0] : memref<2000x8xf32, #tpu.memory_space<vmem>>, vector<2000x8xf32>
    %get3A_2 = arith.constant 0 : index
    %get3A_3 = arith.constant 0 : index
    %get3A_4 = vector.load %arg2[%get3A_2, %get3A_3] : memref<8000x16xf32, #tpu.memory_space<vmem>>, vector<8000x16xf32>
    %reshape3A = vector.shape_cast %get3A_4 : vector<8000x16xf32> to vector<2000x4x16xf32>
    %slice3A = vector.extract_strided_slice %reshape3A {offsets = [0, 0, 0], sizes = [2000, 1, 16], strides = [1, 1, 1]} : vector<2000x4x16xf32> to vector<2000x1x16xf32>
    %squeeze3A = vector.shape_cast %slice3A : vector<2000x1x16xf32> to vector<2000x16xf32>
    %slice3A_5 = vector.extract_strided_slice %reshape3A {offsets = [0, 1, 0], sizes = [2000, 1, 16], strides = [1, 1, 1]} : vector<2000x4x16xf32> to vector<2000x1x16xf32>
    %squeeze3A_6 = vector.shape_cast %slice3A_5 : vector<2000x1x16xf32> to vector<2000x16xf32>
    %slice3A_7 = vector.extract_strided_slice %reshape3A {offsets = [0, 2, 0], sizes = [2000, 1, 16], strides = [1, 1, 1]} : vector<2000x4x16xf32> to vector<2000x1x16xf32>
    %squeeze3A_8 = vector.shape_cast %slice3A_7 : vector<2000x1x16xf32> to vector<2000x16xf32>
    %slice3A_9 = vector.extract_strided_slice %reshape3A {offsets = [0, 3, 0], sizes = [2000, 1, 16], strides = [1, 1, 1]} : vector<2000x4x16xf32> to vector<2000x1x16xf32>
    %squeeze3A_10 = vector.shape_cast %slice3A_9 : vector<2000x1x16xf32> to vector<2000x16xf32>
    %slice3A_11 = vector.extract_strided_slice %squeeze3A {offsets = [0, 0], sizes = [2000, 5], strides = [1, 1]} : vector<2000x16xf32> to vector<2000x5xf32>
    %slice3A_12 = vector.extract_strided_slice %squeeze3A_6 {offsets = [0, 0], sizes = [2000, 3], strides = [1, 1]} : vector<2000x16xf32> to vector<2000x3xf32>
    %concatenate3A = tpu.concatenate %get3A_1, %slice3A_11, %slice3A_12 in 1 : vector<2000x8xf32>, vector<2000x5xf32>, vector<2000x3xf32> -> vector<2000x16xf32>
    %slice3A_13 = vector.extract_strided_slice %squeeze3A_6 {offsets = [0, 3], sizes = [2000, 2], strides = [1, 1]} : vector<2000x16xf32> to vector<2000x2xf32>
    %slice3A_14 = vector.extract_strided_slice %squeeze3A_8 {offsets = [0, 0], sizes = [2000, 5], strides = [1, 1]} : vector<2000x16xf32> to vector<2000x5xf32>
    %slice3A_15 = vector.extract_strided_slice %squeeze3A_10 {offsets = [0, 0], sizes = [2000, 5], strides = [1, 1]} : vector<2000x16xf32> to vector<2000x5xf32>
    %broadcast_in_dim3A = arith.constant 0.000000e+00 : f32
    %broadcast_in_dim3A_16 = vector.broadcast %broadcast_in_dim3A : f32 to vector<2000x4xf32>
    %concatenate3A_17 = tpu.concatenate %slice3A_13, %slice3A_14, %slice3A_15, %broadcast_in_dim3A_16 in 1 : vector<2000x2xf32>, vector<2000x5xf32>, vector<2000x5xf32>, vector<2000x4xf32> -> vector<2000x16xf32>
    %swap3A = arith.constant 0 : index
    %swap3A_18 = arith.constant 0 : index
    %swap3A_19 = arith.constant 0 : index
    %swap3A_20 = vector.load %arg3[%swap3A, %swap3A_18, %swap3A_19] : memref<2x2000x16xf32, #tpu.memory_space<vmem>>, vector<1x2000x16xf32>
    %swap3A_21 = vector.shape_cast %swap3A_20 : vector<1x2000x16xf32> to vector<2000x16xf32>
    %swap3A_22 = vector.shape_cast %concatenate3A : vector<2000x16xf32> to vector<1x2000x16xf32>
    tpu.vector_store %arg3[%swap3A, %swap3A_18, %swap3A_19], %swap3A_22 {strides = array<i32>} : memref<2x2000x16xf32, #tpu.memory_space<vmem>>, vector<1x2000x16xf32>,
    %swap3A_23 = arith.constant 1 : index
    %swap3A_24 = arith.constant 0 : index
    %swap3A_25 = arith.constant 0 : index
    %swap3A_26 = vector.load %arg3[%swap3A_23, %swap3A_24, %swap3A_25] : memref<2x2000x16xf32, #tpu.memory_space<vmem>>, vector<1x2000x16xf32>
    %swap3A_27 = vector.shape_cast %swap3A_26 : vector<1x2000x16xf32> to vector<2000x16xf32>
    %swap3A_28 = vector.shape_cast %concatenate3A_17 : vector<2000x16xf32> to vector<1x2000x16xf32>
    tpu.vector_store %arg3[%swap3A_23, %swap3A_24, %swap3A_25], %swap3A_28 {strides = array<i32>} : memref<2x2000x16xf32, #tpu.memory_space<vmem>>, vector<1x2000x16xf32>,
    return
  }
  func.func @transform_0(%arg0: i32) -> (i32, i32) {
    %c0_i32 = arith.constant 0 : i32
    %c0_i32_0 = arith.constant 0 : i32
    return %arg0, %c0_i32 : i32, i32
  }
  func.func @transform_1(%arg0: i32) -> (i32, i32) {
    %c0_i32 = arith.constant 0 : i32
    %c0_i32_0 = arith.constant 0 : i32
    return %arg0, %c0_i32 : i32, i32
  }
  func.func @transform_2(%arg0: i32) -> (i32, i32, i32) {
    %c0_i32 = arith.constant 0 : i32
    %c0_i32_0 = arith.constant 0 : i32
    %c0_i32_1 = arith.constant 0 : i32
    return %c0_i32, %arg0, %c0_i32_0 : i32, i32, i32
  }
}

module attributes {stable_mosaic.version = 14 : i64} {
  func.func @_tc_layer0(%arg0: i32, %arg1: memref<2x2000x16xf32, #tpu.memory_space<vmem>>, %arg2: memref<2000x16xf32, #tpu.memory_space<vmem>>, %arg3: memref<2000x16xf32, #tpu.memory_space<vmem>>, %arg4: memref<2000x16xf32, #tpu.memory_space<vmem>>, %arg5: memref<2000x16xf32, #tpu.memory_space<vmem>>, %arg6: memref<2000x8xf32, #tpu.memory_space<vmem>>, %arg7: memref<2000x8xf32, #tpu.memory_space<vmem>>, %arg8: memref<112x64xf32, #tpu.memory_space<vmem>>, %arg9: memref<1x64xf32, #tpu.memory_space<vmem>>, %arg10: memref<2x2000x32xf32, #tpu.memory_space<vmem>>) attributes {dimension_semantics = [#tpu.dimension_semantics<arbitrary>], iteration_bounds = array<i64: 25>, scalar_prefetch = 0 : i64, scratch_operands = 0 : i64, tpu.core_type = #tpu.core_type<tc>, window_params = [{transform_indices = @transform_0, window_bounds = array<i64: 2, 2000, 16>}, {transform_indices = @transform_1, window_bounds = array<i64: 2000, 16>}, {transform_indices = @transform_2, window_bounds = array<i64: 2000, 16>}, {transform_indices = @transform_3, window_bounds = array<i64: 2000, 16>}, {transform_indices = @transform_4, window_bounds = array<i64: 2000, 16>}, {transform_indices = @transform_5, window_bounds = array<i64: 2000, 8>}, {transform_indices = @transform_6, window_bounds = array<i64: 2000, 8>}, {pipeline_mode = #tpu.pipeline_mode<synchronous>, transform_indices = @transform_7, window_bounds = array<i64: 112, 64>}, {pipeline_mode = #tpu.pipeline_mode<synchronous>, transform_indices = @transform_8, window_bounds = array<i64: 1, 64>}, {transform_indices = @transform_9, window_bounds = array<i64: 2, 2000, 32>}]} {
    %get3A = arith.constant 0 : index
    %get3A_0 = arith.constant 0 : index
    %get3A_1 = vector.load %arg8[%get3A, %get3A_0] : memref<112x64xf32, #tpu.memory_space<vmem>>, vector<112x64xf32>
    %get3A_2 = arith.constant 0 : index
    %get3A_3 = arith.constant 0 : index
    %get3A_4 = arith.constant 0 : index
    %get3A_5 = vector.load %arg1[%get3A_2, %get3A_3, %get3A_4] : memref<2x2000x16xf32, #tpu.memory_space<vmem>>, vector<1x2000x16xf32>
    %get3A_6 = vector.shape_cast %get3A_5 : vector<1x2000x16xf32> to vector<2000x16xf32>
    %slice3A = vector.extract_strided_slice %get3A_1 {offsets = [0, 0], sizes = [16, 64], strides = [1, 1]} : vector<112x64xf32> to vector<16x64xf32>
    %dot_general3A = arith.constant dense<0.000000e+00> : vector<2000x64xf32>
    %dot_general3A_7 = tpu.matmul %get3A_6, %slice3A, %dot_general3A {dimension_numbers = #tpu.dot_dimension_numbers<[1], [0], [0], [1], [0, 0, 1, 1], [], []>, transpose_lhs_hint = false} : vector<2000x16xf32>, vector<16x64xf32>, vector<2000x64xf32> -> vector<2000x64xf32>
    %get3A_8 = arith.constant 1 : index
    %get3A_9 = arith.constant 0 : index
    %get3A_10 = arith.constant 0 : index
    %get3A_11 = vector.load %arg1[%get3A_8, %get3A_9, %get3A_10] : memref<2x2000x16xf32, #tpu.memory_space<vmem>>, vector<1x2000x16xf32>
    %get3A_12 = vector.shape_cast %get3A_11 : vector<1x2000x16xf32> to vector<2000x16xf32>
    %slice3A_13 = vector.extract_strided_slice %get3A_1 {offsets = [16, 0], sizes = [16, 64], strides = [1, 1]} : vector<112x64xf32> to vector<16x64xf32>
    %dot_general3A_14 = arith.constant dense<0.000000e+00> : vector<2000x64xf32>
    %dot_general3A_15 = tpu.matmul %get3A_12, %slice3A_13, %dot_general3A_14 {dimension_numbers = #tpu.dot_dimension_numbers<[1], [0], [0], [1], [0, 0, 1, 1], [], []>, transpose_lhs_hint = false} : vector<2000x16xf32>, vector<16x64xf32>, vector<2000x64xf32> -> vector<2000x64xf32>
    %add3A = arith.addf %dot_general3A_7, %dot_general3A_15 : vector<2000x64xf32>
    %get3A_16 = arith.constant 0 : index
    %get3A_17 = arith.constant 0 : index
    %get3A_18 = vector.load %arg2[%get3A_16, %get3A_17] : memref<2000x16xf32, #tpu.memory_space<vmem>>, vector<2000x16xf32>
    %slice3A_19 = vector.extract_strided_slice %get3A_1 {offsets = [32, 0], sizes = [16, 64], strides = [1, 1]} : vector<112x64xf32> to vector<16x64xf32>
    %dot_general3A_20 = arith.constant dense<0.000000e+00> : vector<2000x64xf32>
    %dot_general3A_21 = tpu.matmul %get3A_18, %slice3A_19, %dot_general3A_20 {dimension_numbers = #tpu.dot_dimension_numbers<[1], [0], [0], [1], [0, 0, 1, 1], [], []>, transpose_lhs_hint = false} : vector<2000x16xf32>, vector<16x64xf32>, vector<2000x64xf32> -> vector<2000x64xf32>
    %add3A_22 = arith.addf %add3A, %dot_general3A_21 : vector<2000x64xf32>
    %get3A_23 = arith.constant 0 : index
    %get3A_24 = arith.constant 0 : index
    %get3A_25 = vector.load %arg3[%get3A_23, %get3A_24] : memref<2000x16xf32, #tpu.memory_space<vmem>>, vector<2000x16xf32>
    %slice3A_26 = vector.extract_strided_slice %get3A_1 {offsets = [48, 0], sizes = [16, 64], strides = [1, 1]} : vector<112x64xf32> to vector<16x64xf32>
    %dot_general3A_27 = arith.constant dense<0.000000e+00> : vector<2000x64xf32>
    %dot_general3A_28 = tpu.matmul %get3A_25, %slice3A_26, %dot_general3A_27 {dimension_numbers = #tpu.dot_dimension_numbers<[1], [0], [0], [1], [0, 0, 1, 1], [], []>, transpose_lhs_hint = false} : vector<2000x16xf32>, vector<16x64xf32>, vector<2000x64xf32> -> vector<2000x64xf32>
    %add3A_29 = arith.addf %add3A_22, %dot_general3A_28 : vector<2000x64xf32>
    %get3A_30 = arith.constant 0 : index
    %get3A_31 = arith.constant 0 : index
    %get3A_32 = vector.load %arg4[%get3A_30, %get3A_31] : memref<2000x16xf32, #tpu.memory_space<vmem>>, vector<2000x16xf32>
    %slice3A_33 = vector.extract_strided_slice %get3A_1 {offsets = [64, 0], sizes = [16, 64], strides = [1, 1]} : vector<112x64xf32> to vector<16x64xf32>
    %dot_general3A_34 = arith.constant dense<0.000000e+00> : vector<2000x64xf32>
    %dot_general3A_35 = tpu.matmul %get3A_32, %slice3A_33, %dot_general3A_34 {dimension_numbers = #tpu.dot_dimension_numbers<[1], [0], [0], [1], [0, 0, 1, 1], [], []>, transpose_lhs_hint = false} : vector<2000x16xf32>, vector<16x64xf32>, vector<2000x64xf32> -> vector<2000x64xf32>
    %add3A_36 = arith.addf %add3A_29, %dot_general3A_35 : vector<2000x64xf32>
    %get3A_37 = arith.constant 0 : index
    %get3A_38 = arith.constant 0 : index
    %get3A_39 = vector.load %arg5[%get3A_37, %get3A_38] : memref<2000x16xf32, #tpu.memory_space<vmem>>, vector<2000x16xf32>
    %slice3A_40 = vector.extract_strided_slice %get3A_1 {offsets = [80, 0], sizes = [16, 64], strides = [1, 1]} : vector<112x64xf32> to vector<16x64xf32>
    %dot_general3A_41 = arith.constant dense<0.000000e+00> : vector<2000x64xf32>
    %dot_general3A_42 = tpu.matmul %get3A_39, %slice3A_40, %dot_general3A_41 {dimension_numbers = #tpu.dot_dimension_numbers<[1], [0], [0], [1], [0, 0, 1, 1], [], []>, transpose_lhs_hint = false} : vector<2000x16xf32>, vector<16x64xf32>, vector<2000x64xf32> -> vector<2000x64xf32>
    %add3A_43 = arith.addf %add3A_36, %dot_general3A_42 : vector<2000x64xf32>
    %get3A_44 = arith.constant 0 : index
    %get3A_45 = arith.constant 0 : index
    %get3A_46 = vector.load %arg6[%get3A_44, %get3A_45] : memref<2000x8xf32, #tpu.memory_space<vmem>>, vector<2000x8xf32>
    %slice3A_47 = vector.extract_strided_slice %get3A_1 {offsets = [96, 0], sizes = [8, 64], strides = [1, 1]} : vector<112x64xf32> to vector<8x64xf32>
    %dot_general3A_48 = arith.constant dense<0.000000e+00> : vector<2000x64xf32>
    %dot_general3A_49 = tpu.matmul %get3A_46, %slice3A_47, %dot_general3A_48 {dimension_numbers = #tpu.dot_dimension_numbers<[1], [0], [0], [1], [0, 0, 1, 1], [], []>, transpose_lhs_hint = false} : vector<2000x8xf32>, vector<8x64xf32>, vector<2000x64xf32> -> vector<2000x64xf32>
    %add3A_50 = arith.addf %add3A_43, %dot_general3A_49 : vector<2000x64xf32>
    %get3A_51 = arith.constant 0 : index
    %get3A_52 = arith.constant 0 : index
    %get3A_53 = vector.load %arg7[%get3A_51, %get3A_52] : memref<2000x8xf32, #tpu.memory_space<vmem>>, vector<2000x8xf32>
    %slice3A_54 = vector.extract_strided_slice %get3A_1 {offsets = [104, 0], sizes = [8, 64], strides = [1, 1]} : vector<112x64xf32> to vector<8x64xf32>
    %dot_general3A_55 = arith.constant dense<0.000000e+00> : vector<2000x64xf32>
    %dot_general3A_56 = tpu.matmul %get3A_53, %slice3A_54, %dot_general3A_55 {dimension_numbers = #tpu.dot_dimension_numbers<[1], [0], [0], [1], [0, 0, 1, 1], [], []>, transpose_lhs_hint = false} : vector<2000x8xf32>, vector<8x64xf32>, vector<2000x64xf32> -> vector<2000x64xf32>
    %add3A_57 = arith.addf %add3A_50, %dot_general3A_56 : vector<2000x64xf32>
    %get3A_58 = arith.constant 0 : index
    %get3A_59 = arith.constant 0 : index
    %get3A_60 = vector.load %arg9[%get3A_58, %get3A_59] : memref<1x64xf32, #tpu.memory_space<vmem>>, vector<1x64xf32>
    %add3A_61 = vector.broadcast %get3A_60 : vector<1x64xf32> to vector<2000x64xf32>
    %add3A_62 = arith.addf %add3A_57, %add3A_61 : vector<2000x64xf32>
    %max3A = arith.constant 0.000000e+00 : f32
    %max3A_63 = vector.broadcast %max3A : f32 to vector<2000x64xf32>
    %max3A_64 = arith.maximumf %add3A_62, %max3A_63 : vector<2000x64xf32>
    %slice3A_65 = vector.extract_strided_slice %max3A_64 {offsets = [0, 0], sizes = [2000, 32], strides = [1, 1]} : vector<2000x64xf32> to vector<2000x32xf32>
    %swap3A = arith.constant 0 : index
    %swap3A_66 = arith.constant 0 : index
    %swap3A_67 = arith.constant 0 : index
    %swap3A_68 = vector.load %arg10[%swap3A, %swap3A_66, %swap3A_67] : memref<2x2000x32xf32, #tpu.memory_space<vmem>>, vector<1x2000x32xf32>
    %swap3A_69 = vector.shape_cast %swap3A_68 : vector<1x2000x32xf32> to vector<2000x32xf32>
    %swap3A_70 = vector.shape_cast %slice3A_65 : vector<2000x32xf32> to vector<1x2000x32xf32>
    tpu.vector_store %arg10[%swap3A, %swap3A_66, %swap3A_67], %swap3A_70 {strides = array<i32>} : memref<2x2000x32xf32, #tpu.memory_space<vmem>>, vector<1x2000x32xf32>,
    %slice3A_71 = vector.extract_strided_slice %max3A_64 {offsets = [0, 32], sizes = [2000, 32], strides = [1, 1]} : vector<2000x64xf32> to vector<2000x32xf32>
    %swap3A_72 = arith.constant 1 : index
    %swap3A_73 = arith.constant 0 : index
    %swap3A_74 = arith.constant 0 : index
    %swap3A_75 = vector.load %arg10[%swap3A_72, %swap3A_73, %swap3A_74] : memref<2x2000x32xf32, #tpu.memory_space<vmem>>, vector<1x2000x32xf32>
    %swap3A_76 = vector.shape_cast %swap3A_75 : vector<1x2000x32xf32> to vector<2000x32xf32>
    %swap3A_77 = vector.shape_cast %slice3A_71 : vector<2000x32xf32> to vector<1x2000x32xf32>
    tpu.vector_store %arg10[%swap3A_72, %swap3A_73, %swap3A_74], %swap3A_77 {strides = array<i32>} : memref<2x2000x32xf32, #tpu.memory_space<vmem>>, vector<1x2000x32xf32>,
    return
  }
  func.func @transform_0(%arg0: i32) -> (i32, i32, i32) {
    %c0_i32 = arith.constant 0 : i32
    %c0_i32_0 = arith.constant 0 : i32
    %c0_i32_1 = arith.constant 0 : i32
    return %c0_i32, %arg0, %c0_i32_0 : i32, i32, i32
  }
  func.func @transform_1(%arg0: i32) -> (i32, i32) {
    %c0_i32 = arith.constant 0 : i32
    %c0_i32_0 = arith.constant 0 : i32
    return %arg0, %c0_i32 : i32, i32
  }
  func.func @transform_2(%arg0: i32) -> (i32, i32) {
    %add3A = arith.constant 25 : i32
    %add3A_0 = arith.addi %arg0, %add3A : i32
    %c0_i32 = arith.constant 0 : i32
    %c0_i32_1 = arith.constant 0 : i32
    return %add3A_0, %c0_i32 : i32, i32
  }
  func.func @transform_3(%arg0: i32) -> (i32, i32) {
    %c0_i32 = arith.constant 0 : i32
    %c0_i32_0 = arith.constant 0 : i32
    return %arg0, %c0_i32 : i32, i32
  }
  func.func @transform_4(%arg0: i32) -> (i32, i32) {
    %add3A = arith.constant 25 : i32
    %add3A_0 = arith.addi %arg0, %add3A : i32
    %c0_i32 = arith.constant 0 : i32
    %c0_i32_1 = arith.constant 0 : i32
    return %add3A_0, %c0_i32 : i32, i32
  }
  func.func @transform_5(%arg0: i32) -> (i32, i32) {
    %c0_i32 = arith.constant 0 : i32
    %c0_i32_0 = arith.constant 0 : i32
    return %arg0, %c0_i32 : i32, i32
  }
  func.func @transform_6(%arg0: i32) -> (i32, i32) {
    %add3A = arith.constant 25 : i32
    %add3A_0 = arith.addi %arg0, %add3A : i32
    %c0_i32 = arith.constant 0 : i32
    %c0_i32_1 = arith.constant 0 : i32
    return %add3A_0, %c0_i32 : i32, i32
  }
  func.func @transform_7(%arg0: i32) -> (i32, i32) {
    %c0_i32 = arith.constant 0 : i32
    %c0_i32_0 = arith.constant 0 : i32
    %c0_i32_1 = arith.constant 0 : i32
    return %c0_i32, %c0_i32_0 : i32, i32
  }
  func.func @transform_8(%arg0: i32) -> (i32, i32) {
    %c0_i32 = arith.constant 0 : i32
    %c0_i32_0 = arith.constant 0 : i32
    %c0_i32_1 = arith.constant 0 : i32
    return %c0_i32, %c0_i32_0 : i32, i32
  }
  func.func @transform_9(%arg0: i32) -> (i32, i32, i32) {
    %c0_i32 = arith.constant 0 : i32
    %c0_i32_0 = arith.constant 0 : i32
    %c0_i32_1 = arith.constant 0 : i32
    return %c0_i32, %arg0, %c0_i32_0 : i32, i32, i32
  }
}

module attributes {stable_mosaic.version = 14 : i64} {
  func.func @_tc_layer1(%arg0: i32, %arg1: memref<2x2000x32xf32, #tpu.memory_space<vmem>>, %arg2: memref<2000x32xf32, #tpu.memory_space<vmem>>, %arg3: memref<2000x32xf32, #tpu.memory_space<vmem>>, %arg4: memref<2000x16xf32, #tpu.memory_space<vmem>>, %arg5: memref<2000x16xf32, #tpu.memory_space<vmem>>, %arg6: memref<2000x8xf32, #tpu.memory_space<vmem>>, %arg7: memref<2000x8xf32, #tpu.memory_space<vmem>>, %arg8: memref<176x64xf32, #tpu.memory_space<vmem>>, %arg9: memref<1x64xf32, #tpu.memory_space<vmem>>, %arg10: memref<25x64xf32, #tpu.memory_space<vmem>>) attributes {dimension_semantics = [#tpu.dimension_semantics<arbitrary>], iteration_bounds = array<i64: 25>, scalar_prefetch = 0 : i64, scratch_operands = 0 : i64, tpu.core_type = #tpu.core_type<tc>, window_params = [{transform_indices = @transform_0, window_bounds = array<i64: 2, 2000, 32>}, {transform_indices = @transform_1, window_bounds = array<i64: 2000, 32>}, {transform_indices = @transform_2, window_bounds = array<i64: 2000, 32>}, {transform_indices = @transform_3, window_bounds = array<i64: 2000, 16>}, {transform_indices = @transform_4, window_bounds = array<i64: 2000, 16>}, {transform_indices = @transform_5, window_bounds = array<i64: 2000, 8>}, {transform_indices = @transform_6, window_bounds = array<i64: 2000, 8>}, {pipeline_mode = #tpu.pipeline_mode<synchronous>, transform_indices = @transform_7, window_bounds = array<i64: 176, 64>}, {pipeline_mode = #tpu.pipeline_mode<synchronous>, transform_indices = @transform_8, window_bounds = array<i64: 1, 64>}, {pipeline_mode = #tpu.pipeline_mode<synchronous>, transform_indices = @transform_9, window_bounds = array<i64: 25, 64>}]} {
    %get3A = arith.constant 0 : index
    %get3A_0 = arith.constant 0 : index
    %get3A_1 = vector.load %arg8[%get3A, %get3A_0] : memref<176x64xf32, #tpu.memory_space<vmem>>, vector<176x64xf32>
    %get3A_2 = arith.constant 0 : index
    %get3A_3 = arith.constant 0 : index
    %get3A_4 = arith.constant 0 : index
    %get3A_5 = vector.load %arg1[%get3A_2, %get3A_3, %get3A_4] : memref<2x2000x32xf32, #tpu.memory_space<vmem>>, vector<1x2000x32xf32>
    %get3A_6 = vector.shape_cast %get3A_5 : vector<1x2000x32xf32> to vector<2000x32xf32>
    %slice3A = vector.extract_strided_slice %get3A_1 {offsets = [0, 0], sizes = [32, 64], strides = [1, 1]} : vector<176x64xf32> to vector<32x64xf32>
    %dot_general3A = arith.constant dense<0.000000e+00> : vector<2000x64xf32>
    %dot_general3A_7 = tpu.matmul %get3A_6, %slice3A, %dot_general3A {dimension_numbers = #tpu.dot_dimension_numbers<[1], [0], [0], [1], [0, 0, 1, 1], [], []>, transpose_lhs_hint = false} : vector<2000x32xf32>, vector<32x64xf32>, vector<2000x64xf32> -> vector<2000x64xf32>
    %get3A_8 = arith.constant 1 : index
    %get3A_9 = arith.constant 0 : index
    %get3A_10 = arith.constant 0 : index
    %get3A_11 = vector.load %arg1[%get3A_8, %get3A_9, %get3A_10] : memref<2x2000x32xf32, #tpu.memory_space<vmem>>, vector<1x2000x32xf32>
    %get3A_12 = vector.shape_cast %get3A_11 : vector<1x2000x32xf32> to vector<2000x32xf32>
    %slice3A_13 = vector.extract_strided_slice %get3A_1 {offsets = [32, 0], sizes = [32, 64], strides = [1, 1]} : vector<176x64xf32> to vector<32x64xf32>
    %dot_general3A_14 = arith.constant dense<0.000000e+00> : vector<2000x64xf32>
    %dot_general3A_15 = tpu.matmul %get3A_12, %slice3A_13, %dot_general3A_14 {dimension_numbers = #tpu.dot_dimension_numbers<[1], [0], [0], [1], [0, 0, 1, 1], [], []>, transpose_lhs_hint = false} : vector<2000x32xf32>, vector<32x64xf32>, vector<2000x64xf32> -> vector<2000x64xf32>
    %add3A = arith.addf %dot_general3A_7, %dot_general3A_15 : vector<2000x64xf32>
    %get3A_16 = arith.constant 0 : index
    %get3A_17 = arith.constant 0 : index
    %get3A_18 = vector.load %arg2[%get3A_16, %get3A_17] : memref<2000x32xf32, #tpu.memory_space<vmem>>, vector<2000x32xf32>
    %slice3A_19 = vector.extract_strided_slice %get3A_1 {offsets = [64, 0], sizes = [32, 64], strides = [1, 1]} : vector<176x64xf32> to vector<32x64xf32>
    %dot_general3A_20 = arith.constant dense<0.000000e+00> : vector<2000x64xf32>
    %dot_general3A_21 = tpu.matmul %get3A_18, %slice3A_19, %dot_general3A_20 {dimension_numbers = #tpu.dot_dimension_numbers<[1], [0], [0], [1], [0, 0, 1, 1], [], []>, transpose_lhs_hint = false} : vector<2000x32xf32>, vector<32x64xf32>, vector<2000x64xf32> -> vector<2000x64xf32>
    %add3A_22 = arith.addf %add3A, %dot_general3A_21 : vector<2000x64xf32>
    %get3A_23 = arith.constant 0 : index
    %get3A_24 = arith.constant 0 : index
    %get3A_25 = vector.load %arg3[%get3A_23, %get3A_24] : memref<2000x32xf32, #tpu.memory_space<vmem>>, vector<2000x32xf32>
    %slice3A_26 = vector.extract_strided_slice %get3A_1 {offsets = [96, 0], sizes = [32, 64], strides = [1, 1]} : vector<176x64xf32> to vector<32x64xf32>
    %dot_general3A_27 = arith.constant dense<0.000000e+00> : vector<2000x64xf32>
    %dot_general3A_28 = tpu.matmul %get3A_25, %slice3A_26, %dot_general3A_27 {dimension_numbers = #tpu.dot_dimension_numbers<[1], [0], [0], [1], [0, 0, 1, 1], [], []>, transpose_lhs_hint = false} : vector<2000x32xf32>, vector<32x64xf32>, vector<2000x64xf32> -> vector<2000x64xf32>
    %add3A_29 = arith.addf %add3A_22, %dot_general3A_28 : vector<2000x64xf32>
    %get3A_30 = arith.constant 0 : index
    %get3A_31 = arith.constant 0 : index
    %get3A_32 = vector.load %arg4[%get3A_30, %get3A_31] : memref<2000x16xf32, #tpu.memory_space<vmem>>, vector<2000x16xf32>
    %slice3A_33 = vector.extract_strided_slice %get3A_1 {offsets = [128, 0], sizes = [16, 64], strides = [1, 1]} : vector<176x64xf32> to vector<16x64xf32>
    %dot_general3A_34 = arith.constant dense<0.000000e+00> : vector<2000x64xf32>
    %dot_general3A_35 = tpu.matmul %get3A_32, %slice3A_33, %dot_general3A_34 {dimension_numbers = #tpu.dot_dimension_numbers<[1], [0], [0], [1], [0, 0, 1, 1], [], []>, transpose_lhs_hint = false} : vector<2000x16xf32>, vector<16x64xf32>, vector<2000x64xf32> -> vector<2000x64xf32>
    %add3A_36 = arith.addf %add3A_29, %dot_general3A_35 : vector<2000x64xf32>
    %get3A_37 = arith.constant 0 : index
    %get3A_38 = arith.constant 0 : index
    %get3A_39 = vector.load %arg5[%get3A_37, %get3A_38] : memref<2000x16xf32, #tpu.memory_space<vmem>>, vector<2000x16xf32>
    %slice3A_40 = vector.extract_strided_slice %get3A_1 {offsets = [144, 0], sizes = [16, 64], strides = [1, 1]} : vector<176x64xf32> to vector<16x64xf32>
    %dot_general3A_41 = arith.constant dense<0.000000e+00> : vector<2000x64xf32>
    %dot_general3A_42 = tpu.matmul %get3A_39, %slice3A_40, %dot_general3A_41 {dimension_numbers = #tpu.dot_dimension_numbers<[1], [0], [0], [1], [0, 0, 1, 1], [], []>, transpose_lhs_hint = false} : vector<2000x16xf32>, vector<16x64xf32>, vector<2000x64xf32> -> vector<2000x64xf32>
    %add3A_43 = arith.addf %add3A_36, %dot_general3A_42 : vector<2000x64xf32>
    %get3A_44 = arith.constant 0 : index
    %get3A_45 = arith.constant 0 : index
    %get3A_46 = vector.load %arg6[%get3A_44, %get3A_45] : memref<2000x8xf32, #tpu.memory_space<vmem>>, vector<2000x8xf32>
    %slice3A_47 = vector.extract_strided_slice %get3A_1 {offsets = [160, 0], sizes = [8, 64], strides = [1, 1]} : vector<176x64xf32> to vector<8x64xf32>
    %dot_general3A_48 = arith.constant dense<0.000000e+00> : vector<2000x64xf32>
    %dot_general3A_49 = tpu.matmul %get3A_46, %slice3A_47, %dot_general3A_48 {dimension_numbers = #tpu.dot_dimension_numbers<[1], [0], [0], [1], [0, 0, 1, 1], [], []>, transpose_lhs_hint = false} : vector<2000x8xf32>, vector<8x64xf32>, vector<2000x64xf32> -> vector<2000x64xf32>
    %add3A_50 = arith.addf %add3A_43, %dot_general3A_49 : vector<2000x64xf32>
    %get3A_51 = arith.constant 0 : index
    %get3A_52 = arith.constant 0 : index
    %get3A_53 = vector.load %arg7[%get3A_51, %get3A_52] : memref<2000x8xf32, #tpu.memory_space<vmem>>, vector<2000x8xf32>
    %slice3A_54 = vector.extract_strided_slice %get3A_1 {offsets = [168, 0], sizes = [8, 64], strides = [1, 1]} : vector<176x64xf32> to vector<8x64xf32>
    %dot_general3A_55 = arith.constant dense<0.000000e+00> : vector<2000x64xf32>
    %dot_general3A_56 = tpu.matmul %get3A_53, %slice3A_54, %dot_general3A_55 {dimension_numbers = #tpu.dot_dimension_numbers<[1], [0], [0], [1], [0, 0, 1, 1], [], []>, transpose_lhs_hint = false} : vector<2000x8xf32>, vector<8x64xf32>, vector<2000x64xf32> -> vector<2000x64xf32>
    %add3A_57 = arith.addf %add3A_50, %dot_general3A_56 : vector<2000x64xf32>
    %get3A_58 = arith.constant 0 : index
    %get3A_59 = arith.constant 0 : index
    %get3A_60 = vector.load %arg9[%get3A_58, %get3A_59] : memref<1x64xf32, #tpu.memory_space<vmem>>, vector<1x64xf32>
    %add3A_61 = vector.broadcast %get3A_60 : vector<1x64xf32> to vector<2000x64xf32>
    %add3A_62 = arith.addf %add3A_57, %add3A_61 : vector<2000x64xf32>
    %max3A = arith.constant 0.000000e+00 : f32
    %max3A_63 = vector.broadcast %max3A : f32 to vector<2000x64xf32>
    %max3A_64 = arith.maximumf %add3A_62, %max3A_63 : vector<2000x64xf32>
    %reduce_sum3A = arith.constant dense<0.000000e+00> : vector<64xf32>
    %reduce_sum3A_65 = vector.multi_reduction <add>, %max3A_64, %reduce_sum3A [0] : vector<2000x64xf32> to vector<64xf32>
    %broadcast_in_dim3A = vector.shape_cast %reduce_sum3A_65 : vector<64xf32> to vector<1x64xf32>
    %swap3A = arith.index_cast %arg0 : i32 to index
    %swap3A_66 = arith.constant 0 : index
    %swap3A_67 = vector.load %arg10[%swap3A, %swap3A_66] : memref<25x64xf32, #tpu.memory_space<vmem>>, vector<1x64xf32>
    tpu.vector_store %arg10[%swap3A, %swap3A_66], %broadcast_in_dim3A {strides = array<i32>} : memref<25x64xf32, #tpu.memory_space<vmem>>, vector<1x64xf32>,
    return
  }
  func.func @transform_0(%arg0: i32) -> (i32, i32, i32) {
    %c0_i32 = arith.constant 0 : i32
    %c0_i32_0 = arith.constant 0 : i32
    %c0_i32_1 = arith.constant 0 : i32
    return %c0_i32, %arg0, %c0_i32_0 : i32, i32, i32
  }
  func.func @transform_1(%arg0: i32) -> (i32, i32) {
    %c0_i32 = arith.constant 0 : i32
    %c0_i32_0 = arith.constant 0 : i32
    return %arg0, %c0_i32 : i32, i32
  }
  func.func @transform_2(%arg0: i32) -> (i32, i32) {
    %add3A = arith.constant 25 : i32
    %add3A_0 = arith.addi %arg0, %add3A : i32
    %c0_i32 = arith.constant 0 : i32
    %c0_i32_1 = arith.constant 0 : i32
    return %add3A_0, %c0_i32 : i32, i32
  }
  func.func @transform_3(%arg0: i32) -> (i32, i32) {
    %c0_i32 = arith.constant 0 : i32
    %c0_i32_0 = arith.constant 0 : i32
    return %arg0, %c0_i32 : i32, i32
  }
  func.func @transform_4(%arg0: i32) -> (i32, i32) {
    %add3A = arith.constant 25 : i32
    %add3A_0 = arith.addi %arg0, %add3A : i32
    %c0_i32 = arith.constant 0 : i32
    %c0_i32_1 = arith.constant 0 : i32
    return %add3A_0, %c0_i32 : i32, i32
  }
  func.func @transform_5(%arg0: i32) -> (i32, i32) {
    %c0_i32 = arith.constant 0 : i32
    %c0_i32_0 = arith.constant 0 : i32
    return %arg0, %c0_i32 : i32, i32
  }
  func.func @transform_6(%arg0: i32) -> (i32, i32) {
    %add3A = arith.constant 25 : i32
    %add3A_0 = arith.addi %arg0, %add3A : i32
    %c0_i32 = arith.constant 0 : i32
    %c0_i32_1 = arith.constant 0 : i32
    return %add3A_0, %c0_i32 : i32, i32
  }
  func.func @transform_7(%arg0: i32) -> (i32, i32) {
    %c0_i32 = arith.constant 0 : i32
    %c0_i32_0 = arith.constant 0 : i32
    %c0_i32_1 = arith.constant 0 : i32
    return %c0_i32, %c0_i32_0 : i32, i32
  }
  func.func @transform_8(%arg0: i32) -> (i32, i32) {
    %c0_i32 = arith.constant 0 : i32
    %c0_i32_0 = arith.constant 0 : i32
    %c0_i32_1 = arith.constant 0 : i32
    return %c0_i32, %c0_i32_0 : i32, i32
  }
  func.func @transform_9(%arg0: i32) -> (i32, i32) {
    %c0_i32 = arith.constant 0 : i32
    %c0_i32_0 = arith.constant 0 : i32
    %c0_i32_1 = arith.constant 0 : i32
    return %c0_i32, %c0_i32_0 : i32, i32
  }
}

module attributes {stable_mosaic.version = 14 : i64} {
  func.func @_tc_final(%arg0: memref<25x64xf32, #tpu.memory_space<vmem>>, %arg1: memref<64x10xf32, #tpu.memory_space<vmem>>, %arg2: memref<1x10xf32, #tpu.memory_space<vmem>>, %arg3: memref<1x10xf32, #tpu.memory_space<vmem>>) attributes {dimension_semantics = [], scalar_prefetch = 0 : i64, scratch_operands = 0 : i64, tpu.core_type = #tpu.core_type<tc>} {
    %get3A = arith.constant 0 : index
    %get3A_0 = arith.constant 0 : index
    %get3A_1 = vector.load %arg0[%get3A, %get3A_0] : memref<25x64xf32, #tpu.memory_space<vmem>>, vector<25x64xf32>
    %reduce_sum3A = arith.constant dense<0.000000e+00> : vector<64xf32>
    %reduce_sum3A_2 = vector.multi_reduction <add>, %get3A_1, %reduce_sum3A [0] : vector<25x64xf32> to vector<64xf32>
    %broadcast_in_dim3A = vector.shape_cast %reduce_sum3A_2 : vector<64xf32> to vector<1x64xf32>
    %get3A_3 = arith.constant 0 : index
    %get3A_4 = arith.constant 0 : index
    %get3A_5 = vector.load %arg1[%get3A_3, %get3A_4] : memref<64x10xf32, #tpu.memory_space<vmem>>, vector<64x10xf32>
    %dot_general3A = arith.constant dense<0.000000e+00> : vector<1x10xf32>
    %dot_general3A_6 = tpu.matmul %broadcast_in_dim3A, %get3A_5, %dot_general3A {dimension_numbers = #tpu.dot_dimension_numbers<[1], [0], [0], [1], [0, 0, 1, 1], [], []>, transpose_lhs_hint = false} : vector<1x64xf32>, vector<64x10xf32>, vector<1x10xf32> -> vector<1x10xf32>
    %get3A_7 = arith.constant 0 : index
    %get3A_8 = arith.constant 0 : index
    %get3A_9 = vector.load %arg2[%get3A_7, %get3A_8] : memref<1x10xf32, #tpu.memory_space<vmem>>, vector<1x10xf32>
    %add3A = arith.addf %dot_general3A_6, %get3A_9 : vector<1x10xf32>
    %swap3A = arith.constant 0 : index
    %swap3A_10 = arith.constant 0 : index
    %swap3A_11 = vector.load %arg3[%swap3A, %swap3A_10] : memref<1x10xf32, #tpu.memory_space<vmem>>, vector<1x10xf32>
    tpu.vector_store %arg3[%swap3A, %swap3A_10], %add3A {strides = array<i32>} : memref<1x10xf32, #tpu.memory_space<vmem>>, vector<1x10xf32>,
    return
  }
}

</mosaic_0001>

<sc_bundles>
// kernel: kernel.10.cloned.1.call-start
scs
__scs_entry_jumppad:
0x0: {  	(pc) =	sbr.rel $0x88, $3  }
0x1: {  	(tag) =	ssettag $0x0;
	lr =	simm.s32 $0x1  }
0x2: {  	[smem:$0x3F91] =	sst lr;
	_ =	strace $0xD0000000  }
0x3: {  	_ = 	snop  }
0x4: {  	_ = 	snop  }
0x5: {  	_ = 	snop  }
0x6: {  	_ = 	snop  }
0x7: {  	_ = 	snop  }
__scs_overlays_trampoline_lowered:
0x8: {  	[smem:$0x3FA0] =	sst s0  }
0x9: {  	[smem:$0x3FA1] =	sst s1  }
0xa: {  	[smem:$0x3FA2] =	sst s2  }
0xb: {  	[smem:$0x3FA3] =	sst s3  }
0xc: {  	[smem:$0x3FA4] =	sst s4  }
0xd: {  	[smem:$0x3FA5] =	sst s5  }
0xe: {  	[smem:$0x3FA6] =	sst s6  }
0xf: {  	[smem:$0x3FA7] =	sst s7  }
0x10: {  	[smem:$0x3FA8] =	sst s8  }
0x11: {  	[smem:$0x3FA9] =	sst s9;
	s0 =	simm.s32 @!p0 $0x0  }
0x12: {  	s1 =	sld [smem:$0x3F8F];
	s0 =	simm.s32 @p0 $0x1  }
0x13: {  	[smem:$0x3FAA] =	sst s0;
	s0 =	simm.s32 @!p1 $0x0  }
0x14: {  	s2 =	sld [smem:$0x3F8E];
	s0 =	simm.s32 @p1 $0x1  }
0x15: {  	[smem:$0x3FAB] =	sst s0;
	s0 =	simm.s32 @!p2 $0x0  }
0x16: {  	s3 =	sld [smem:$0x3FDB];
	s0 =	simm.s32 @p2 $0x1  }
0x17: {  	s4 =	simm.s32 $0x1BF5;
	[smem:$0x3FAD] =	sst s0  }
0x18: {  	s0 =	sld [smem:$0x3F90];
	_ =	swait.ge [sflag:s4], $0x0  }
0x19: {  	s7 =	sld [smem:$0x3F91]  }
0x1a: {  	s8 =	sadd.s32 $0xFFFFE003, lr  }
0x1b: {  	s9 =	sadd.s32 $0xFFFFFEF7, lr;
	s5 =	simm.s32 $0xFFFFFFFF;
	p2 =	slt.u32 s8, $0xFFFFF086  }
0x1c: {  	p1 =	slt.u32 s9, $0xF7A;
	s5 =	simm.s32 @!p2 $0x0  }
0x1d: {  	s5 =	simm.s32 @p1 $0x1;
	p0 =	seq.s32 s7, s2  }
0x1e: {  	s7 =	smul.u32 @!p0 $0xF7A, s2;
	p2 =	seq.s32 @!p0 s5, $0x0  }
0x1f: {  	s9 =	smul.u32 $0xF7A, s1;
	s8 =	simm.s32 @!p0 $0x1BF5;
	p2 =	por !p2, p0  }
0x20: {  	[sflag:s8] =	ssyncset.s32 @!p0 $0xFFFFF086;
	s6 =	sadd.s32 @!p0 s3, s7;
	s7 =	simm.s32 @!p0 $0x108  }
0x21: {  	s3 =	sadd.s32 s3, s9;
	s6 =	sadd.s32 @!p0 $0x88, s6;
	s7 =	simm.s32 @p2 $0x1082  }
0x22: {  	[simem:s7], [sflag:s8] =	dma.local @!p0 [hbm:s6], $0xF7A  }
0x23: {  	s9 =	sor.u32 $0xD0000000, s2;
	s6 =	simm.s32 $0x108;
	_ =	swait.ge @!p0 [sflag:s8], $0x0  }
0x24: {  	s3 =	sadd.s32 $0x88, s3;
	s6 =	simm.s32 @!p1 $0x1082;
	[sflag:s4] =	ssyncset.s32 $0xFFFFF086  }
0x25: {  	[simem:s6], [sflag:s4] =	dma.local [hbm:s3], $0xF7A  }
0x26: {  	[smem:$0x3F91] =	sst s1;
	(tag) =	ssettag s2;
	_ =	strace s9  }
0x27: {  	s1 =	sld [smem:$0x3FA1]  }
0x28: {  	s2 =	sld [smem:$0x3FA2]  }
0x29: {  	s4 =	sld [smem:$0x3FA4]  }
0x2a: {  	p0 =	seq.s32 s5, $0x0;
	s5 =	sld [smem:$0x3FA5]  }
0x2b: {  	s6 =	sld [smem:$0x3FA6]  }
0x2c: {  	s7 =	sld [smem:$0x3FA7]  }
0x2d: {  	s3 =	simm.s32 $0x108;
	s8 =	sld [smem:$0x3FA8]  }
0x2e: {  	s3 =	simm.s32 @!p0 $0x1082;
	s9 =	sld [smem:$0x3FA9]  }
0x2f: {  	lr =	sadd.s32 s0, s3;
	s0 =	sld [smem:$0x3FA0]  }
0x30: {  	s3 =	sld [smem:$0x3FA3]  }
0x31: {  	[smem:$0x3FAC] =	sst s10  }
0x32: {  	s10 =	sld [smem:$0x3FAA];
	_ =	sdelay $0x3  }
0x33: {  	p0 =	seq.s32 s10, $0x1;
	s10 =	sld [smem:$0x3FAC];
	_ =	sdelay $0x3  }
0x34: {  	[smem:$0x3FAC] =	sst s10  }
0x35: {  	s10 =	sld [smem:$0x3FAB];
	_ =	sdelay $0x3  }
0x36: {  	p1 =	seq.s32 s10, $0x1;
	s10 =	sld [smem:$0x3FAC];
	_ =	sdelay $0x3  }
0x37: {  	[smem:$0x3FAC] =	sst s10  }
0x38: {  	s10 =	sld [smem:$0x3FAD]  }
0x39: {  	_ = 	snop;
	(pc) =	sbr.ind lr, $3  }
0x3a: {  	_ = 	snop  }
0x3b: {  	_ = 	snop  }
0x3c: {  	p2 =	seq.s32 s10, $0x1;
	s10 =	sld [smem:$0x3FAC]  }
0x3d: {  	_ =	shalt  }
0x3e: {  	_ =	shalt  }
0x3f: {  	_ =	shalt  }
0x40: {  	_ =	shalt  }
0x41: {  	_ =	shalt  }
0x42: {  	_ =	shalt  }
0x43: {  	_ =	shalt  }
0x44: {  	_ =	shalt  }
0x45: {  	_ =	shalt  }
0x46: {  	_ =	shalt  }
0x47: {  	_ =	shalt  }
0x48: {  	_ =	shalt  }
0x49: {  	_ =	shalt  }
0x4a: {  	_ =	shalt  }
0x4b: {  	_ =	shalt  }
0x4c: {  	_ =	shalt  }
0x4d: {  	_ =	shalt  }
0x4e: {  	_ =	shalt  }
0x4f: {  	_ =	shalt  }
0x50: {  	_ =	shalt  }
0x51: {  	_ =	shalt  }
0x52: {  	_ =	shalt  }
0x53: {  	_ =	shalt  }
0x54: {  	_ =	shalt  }
0x55: {  	_ =	shalt  }
0x56: {  	_ =	shalt  }
0x57: {  	_ =	shalt  }
0x58: {  	_ =	shalt  }
0x59: {  	_ =	shalt  }
0x5a: {  	_ =	shalt  }
0x5b: {  	_ =	shalt  }
0x5c: {  	_ =	shalt  }
0x5d: {  	_ =	shalt  }
0x5e: {  	_ =	shalt  }
0x5f: {  	_ =	shalt  }
0x60: {  	_ =	shalt  }
0x61: {  	_ =	shalt  }
0x62: {  	_ =	shalt  }
0x63: {  	_ =	shalt  }
0x64: {  	_ =	shalt  }
0x65: {  	_ =	shalt  }
0x66: {  	_ =	shalt  }
0x67: {  	_ =	shalt  }
0x68: {  	_ =	shalt  }
0x69: {  	_ =	shalt  }
0x6a: {  	_ =	shalt  }
0x6b: {  	_ =	shalt  }
0x6c: {  	_ =	shalt  }
0x6d: {  	_ =	shalt  }
0x6e: {  	_ =	shalt  }
0x6f: {  	_ =	shalt  }
0x70: {  	_ =	shalt  }
0x71: {  	_ =	shalt  }
0x72: {  	_ =	shalt  }
0x73: {  	_ =	shalt  }
0x74: {  	_ =	shalt  }
0x75: {  	_ =	shalt  }
0x76: {  	_ =	shalt  }
0x77: {  	_ =	shalt  }
0x78: {  	_ =	shalt  }
0x79: {  	_ =	shalt  }
0x7a: {  	_ =	shalt  }
0x7b: {  	_ =	shalt  }
0x7c: {  	_ =	shalt  }
0x7d: {  	_ =	shalt  }
0x7e: {  	_ =	shalt  }
0x7f: {  	_ =	shalt  }
0x80: {  	_ =	shalt  }
0x81: {  	_ =	shalt  }
0x82: {  	_ =	shalt  }
0x83: {  	_ =	shalt  }
0x84: {  	_ =	shalt  }
0x85: {  	_ =	shalt  }
0x86: {  	_ =	shalt  }
0x87: {  	_ =	shalt  }
.Lfunc_end0:
.L_simem_size_0:
called_computation_lowered:
.L_overlay_start_0:
0x88: {  	s2 =	sld [smem:$0x3FD9]  }
0x89: {  	s3 =	sld [smem:$0x3FFE];
	_ =	sdelay $0x1  }
0x8a: {  	s1 =	srdreg.scid  }
0x8b: {  	s0 =	sand.u32 $0x1, s1  }
0x8c: {  	s16 =	sshll.u32 s0, $0xA;
	s2 =	sadd.s32 s3, s2  }
0x8d: {  	s2 =	sadd.s32 s2, s16  }
0x8e: {  	[smem:$0x3FB8] =	sst s2  }
0x8f: {  	_ = 	snop  }
0x90: {  	(tm) =	ssettm $0x1  }
0x91: {  	s17 =	sld [smem:$0x3FFB];
	_ =	sdelay $0x3  }
0x92: {  	_ =	strace s17  }
0x93: {  	s2 =	sld [smem:$0x3FFC];
	_ =	sdelay $0x3  }
0x94: {  	_ =	strace s2  }
0x95: {  	s2 =	sld [smem:$0x3FFD];
	_ =	sdelay $0x3  }
0x96: {  	_ =	strace s2  }
0x97: {  	_ =	strace $0x8FFFFFFF  }
0x98: {  	s18 =	sld [smem:$0x3FDB];
	_ =	sdelay $0x1  }
0x99: {  	s19 =	simm.s32 $_scs_section_size  }
0x9a: {  	s4 =	simm.s32 $_size__tile_overlayer_lowered;
	s5 =	simm.s32 $_tile_overlayer_lowered  }
0x9b: {  	s22 =	simm.s32 $0x1BFF;
	s21 =	sshll.u32 s5, $0x1;
	s2 =	sadd.s32 s19, s18  }
0x9c: {  	s6 =	simm.s32 $0x0;
	s20 =	sshll.u32 s4, $0x1;
	s4 =	sadd.s32 s21, s2  }
0x9d: {  	[timem:s6], [sflag:s22] =	dma.local [hbm:s4], s20  }
0x9e: {  	_ =	swait.ge [sflag:s22], s20  }
0x9f: {  	s3 =	ssub.s32 $0x0, s20;
	[sflag:s22] =	ssyncset.done $0x0  }
0xa0: {  	[sflag:s22] =	ssyncadd.s32 s3;
	_ =	sdelay $0x1  }
0xa1: {  	s23 =	simm.s32 $0x1B8B  }
0xa2: {  	_ =	swait.ge [sflag:s23], $0x1  }
0xa3: {  	[sflag:s23] =	ssyncset.done $0x0  }
0xa4: {  	s25 =	simm.s32 $0x1B8E;
	s24 =	sld [smem:$0x3FFE];
	[sflag:s23] =	ssyncadd.s32 $0xFFFFFFFF  }
0xa5: {  	s26 =	simm.s32 $execute0_lowered;
	[smem:$0x3FD2] =	sst s25  }
0xa6: {  	s4 =	sshll.u32 s26, $0x1;
	_ =	strace $0x80000046;
	[dreg:$0x1] =	wrdreg $0xFFFFFFFF  }
0xa7: {  	s28 =	simm.s32 $_size_execute0_lowered;
	s2 =	sadd.s32 s2, s4;
	[dreg:$0x0] =	wrdreg $0x0  }
0xa8: {  	s4 =	sshll.u32 s28, $0x1;
	[dreg:$0x2] =	wrdreg s2  }
0xa9: {  	[dreg:$0x3] =	wrdreg s4  }
0xaa: {  	[dreg:$0x4] =	wrdreg $0xC0  }
0xab: {  	_ =	task [dreg:s6], $0x5FFFF  }
0xac: {  	[dreg:$0x1] =	wrdreg $0xFFFFFFFF  }
0xad: {  	[dreg:$0x0] =	wrdreg $0x60  }
0xae: {  	[dreg:$0x2] =	wrdreg s24  }
0xaf: {  	[dreg:$0x3] =	wrdreg $0xA  }
0xb0: {  	_ =	task.clear_ibuf [dreg:s6], $0x4FFFF;
	_ =	strace $0x90000046  }
0xb1: {  	s29 =	simm.s32 $0xA;
	_ =	strace $0x80000048  }
0xb2: {  	_ =	swait.ge [sflag:s29], $0x1  }
0xb3: {  	[sflag:s29] =	ssyncadd.s32 $0xFFFFFFFF  }
0xb4: {  	_ =	strace $0x90000048  }
0xb5: {  	_ =	sfence  }
0xb6: {  	s30 =	sld [smem:$0x0];
	_ =	sdelay $0x2  }
0xb7: {  	s31 =	sshll.u32 s1, $0xD;
	s1 =	sshrl.u32 s1, $0x2  }
0xb8: {  	s3 =	sand.u32 $0x4000, s31;
	s1 =	sadd.s32 s1, s30  }
0xb9: {  	s0 =	sor.u32 s3, s0;
	s1 =	sshll.u32 s1, $0x11  }
0xba: {  	s0 =	sor.u32 s1, s0  }
0xbb: {  	s0 =	sadd.s32 $0x8F2B, s0  }
0xbc: {  	[sflag:s0] =	ssyncadd.remote.s32 $0x1  }
0xbd: {  	_ =	sfence.sel $0xFFFF  }
0xbe: {  	[dreg:$0x0] =	wrdreg $0xFFFFFFFF;
	(pc) =	sbr.abs _section_cstart, $3  }
0xbf: {  	[dreg:$0x1] =	wrdreg $0xFFFFFFFF  }
0xc0: {  	_ =	task.clear_ibuf [dreg:s6], $0x2FFFF;
	_ =	strace $0x9FFFFFFF  }
0xc1: {  	(tm) =	ssettm $0x7FFFFFFF  }
tec
execute0_lowered:
.L_overlay_start_1:
0x0: {  	(tag) =	ssettag $0x1  }
0x1: {  	s4 =	rddreg [dreg:$0x0]  }
0x2: {  	s0 =	rddreg [dreg:$0x1]  }
0x3: {  	s3 =	srdreg.scid;
	s1 =	stileid.u32;
	s2 =	simm.s32 $0x0  }
0x4: {  	s11 =	simm.s32 $0x2900;
	s12 =	simm.s32 $0x3100;
	s13 =	simm.s32 $0x3900  }
0x5: {  	s14 =	simm.s32 $0x4100;
	s15 =	simm.s32 $0x4900;
	s16 =	simm.s32 $0x5100  }
0x6: {  	s17 =	simm.s32 $0x5900;
	s18 =	simm.s32 $0x6100;
	s19 =	simm.s32 $0x1  }
0x7: {  	s20 =	simm.s32 $0x0;
	s5 =	sand.u32 $0x1, s3;
	s28 =	sshll.u32 s1, $0x1  }
0x8: {  	[smem:$0x7FF] =	sst s2;
	s7 =	smul.u32 $0x6400, s1;
	s3 =	sor.u32 s5, s28  }
0x9: {  	_ =	strace $0x80000047;
	s8 =	ssub.s32 $0x2, s5;
	s10 =	smul.u32 $0x3200, s5  }
0xa: {  	s6 =	smul.u32 $0x1900, s3;
	s3 =	sadd.s32 $0x4C00, s4;
	s9 =	sshrl.u32 s8, $0x1  }
0xb: {  	s30 =	sadd.s32 s7, s4;
	s7 =	simm.s32 $0x2;
	s31 =	ssub.s32 s8, s9  }
0xc: {  	s8 =	simm.s32 $0x80;
	s9 =	simm.s32 $0x1900;
	s6 =	sshrl.u32 s6, $0x3  }
0xd: {  	s5 =	smax.u32 s31, $0x1;
	s29 =	sadd.s32 s6, s4;
	s6 =	sadd.s32 s10, s30  }
0xe: {  	s10 =	simm.s32 $0x2100;
	s4 =	sadd.s32 $0x7400, s29;
	s6 =	sadd.s32 $0xD800, s6  }
.LBB2_1:
0xf: {  	[tilespmem:s2], [sflag:$0x2] =	stream.linear.gather [hbm4b:s4+s2], $0x1900, $0x38;
	[tilespmem:$0x6900] =	vst v63  }
0x10: {  	_ =	swait.ge [sflag:s7], $0x1900  }
0x11: {  	[sflag:s7] =	ssyncset.done $0x0  }
0x12: {  	s21 =	simm.s32 $0x0;
	[sflag:s7] =	ssyncadd.s32 $0xFFFFE700  }
0x13: {  	[tilespmem:s9], [sflag:$0x1] =	stream.indirect.gather [hbm4b:s3+s8], $0x10, s21, s8, $0xb8;
	[tilespmem:$0x6900] =	vst v63  }
0x14: {  	s22 =	simm.s32 $0x80  }
0x15: {  	[tilespmem:s10], [sflag:$0x1] =	stream.indirect.gather [hbm4b:s3+s8], $0x10, s22, s8, $0xb8;
	[tilespmem:$0x6900] =	vst v63  }
0x16: {  	s23 =	simm.s32 $0x100  }
0x17: {  	[tilespmem:s11], [sflag:$0x1] =	stream.indirect.gather [hbm4b:s3+s8], $0x10, s23, s8, $0xb8;
	[tilespmem:$0x6900] =	vst v63  }
0x18: {  	s24 =	simm.s32 $0x180  }
0x19: {  	[tilespmem:s12], [sflag:$0x1] =	stream.indirect.gather [hbm4b:s3+s8], $0x10, s24, s8, $0xb8;
	[tilespmem:$0x6900] =	vst v63  }
0x1a: {  	s25 =	simm.s32 $0x200  }
0x1b: {  	[tilespmem:s13], [sflag:$0x1] =	stream.indirect.gather [hbm4b:s3+s8], $0x10, s25, s8, $0xb8;
	[tilespmem:$0x6900] =	vst v63  }
0x1c: {  	s26 =	simm.s32 $0x280  }
0x1d: {  	[tilespmem:s14], [sflag:$0x1] =	stream.indirect.gather [hbm4b:s3+s8], $0x10, s26, s8, $0xb8;
	[tilespmem:$0x6900] =	vst v63  }
0x1e: {  	s28 =	simm.s32 $0x300  }
0x1f: {  	[tilespmem:s15], [sflag:$0x1] =	stream.indirect.gather [hbm4b:s3+s8], $0x10, s28, s8, $0xb8;
	[tilespmem:$0x6900] =	vst v63  }
0x20: {  	s29 =	simm.s32 $0x380  }
0x21: {  	[tilespmem:s16], [sflag:$0x1] =	stream.indirect.gather [hbm4b:s3+s8], $0x10, s29, s8, $0xb8;
	[tilespmem:$0x6900] =	vst v63  }
0x22: {  	s30 =	simm.s32 $0x400  }
0x23: {  	[tilespmem:s17], [sflag:$0x1] =	stream.indirect.gather [hbm4b:s3+s8], $0x10, s30, s8, $0xb8;
	[tilespmem:$0x6900] =	vst v63  }
0x24: {  	s31 =	simm.s32 $0x480  }
0x25: {  	[tilespmem:s18], [sflag:$0x1] =	stream.indirect.gather [hbm4b:s3+s8], $0x10, s31, s8, $0xb8;
	[tilespmem:$0x6900] =	vst v63  }
0x26: {  	_ =	swait.ge [sflag:s19], $0x800  }
0x27: {  	[sflag:s19] =	ssyncset.done $0x0  }
0x28: {  	[sflag:s19] =	ssyncadd.s32 $0xFFFFF800  }
0x29: {  	_ =	swait.ge [sflag:s19], $0x800  }
0x2a: {  	[sflag:s19] =	ssyncset.done $0x0  }
0x2b: {  	[sflag:s19] =	ssyncadd.s32 $0xFFFFF800  }
0x2c: {  	_ =	swait.ge [sflag:s19], $0x800  }
0x2d: {  	[sflag:s19] =	ssyncset.done $0x0  }
0x2e: {  	[sflag:s19] =	ssyncadd.s32 $0xFFFFF800  }
0x2f: {  	_ =	swait.ge [sflag:s19], $0x800  }
0x30: {  	[sflag:s19] =	ssyncset.done $0x0  }
0x31: {  	[sflag:s19] =	ssyncadd.s32 $0xFFFFF800  }
0x32: {  	_ =	swait.ge [sflag:s19], $0x800  }
0x33: {  	[sflag:s19] =	ssyncset.done $0x0  }
0x34: {  	[sflag:s19] =	ssyncadd.s32 $0xFFFFF800  }
0x35: {  	_ =	swait.ge [sflag:s19], $0x800  }
0x36: {  	[sflag:s19] =	ssyncset.done $0x0  }
0x37: {  	[sflag:s19] =	ssyncadd.s32 $0xFFFFF800  }
0x38: {  	_ =	swait.ge [sflag:s19], $0x800  }
0x39: {  	[sflag:s19] =	ssyncset.done $0x0  }
0x3a: {  	[sflag:s19] =	ssyncadd.s32 $0xFFFFF800  }
0x3b: {  	_ =	swait.ge [sflag:s19], $0x800  }
0x3c: {  	[sflag:s19] =	ssyncset.done $0x0  }
0x3d: {  	[sflag:s19] =	ssyncadd.s32 $0xFFFFF800  }
0x3e: {  	_ =	swait.ge [sflag:s19], $0x800  }
0x3f: {  	[sflag:s19] =	ssyncset.done $0x0  }
0x40: {  	[sflag:s19] =	ssyncadd.s32 $0xFFFFF800  }
0x41: {  	_ =	swait.ge [sflag:s19], $0x800  }
0x42: {  	[sflag:s19] =	ssyncset.done $0x0  }
0x43: {  	[sflag:s19] =	ssyncadd.s32 $0xFFFFF800  }
0x44: {  	[hbm4b:s6+s2] =	stream.linear.scatter [tilespmem:s9], [sflag:$0x2], $0x5000, $0x38;
	[tilespmem:$0x6900] =	vst v63  }
0x45: {  	s21 =	sadd.s32 $0xA00, s6;
	_ =	swait.ge [sflag:s7], $0x5000  }
0x46: {  	s22 =	simm.s32 $0x1400;
	s24 =	simm.s32 $0x2800;
	[sflag:s7] =	ssyncset.done $0x0  }
.LBB2_2:
0x47: {  	s25 =	sshra.s32 s22, $0x2  }
0x48: {  	[sflag:s7] =	ssyncadd.s32 $0xFFFFB000;
	s22 =	smov.u32 s24;
	s23 =	sadd.s32 $0x1400, s24  }
0x49: {  	[tilespmem:s9], [sflag:$0x1] =	stream.indirect.gather [hbm4b:s3+s8], $0x10, s25, s8, $0xb8;
	[tilespmem:$0x6900] =	vst v63  }
0x4a: {  	p0 =	sne.s32 s24, $0x5000;
	s24 =	sadd.s32 $0x80, s25  }
0x4b: {  	[tilespmem:s10], [sflag:$0x1] =	stream.indirect.gather [hbm4b:s3+s8], $0x10, s24, s8, $0xb8;
	[tilespmem:$0x6900] =	vst v63  }
0x4c: {  	s24 =	sadd.s32 $0x100, s25  }
0x4d: {  	[tilespmem:s11], [sflag:$0x1] =	stream.indirect.gather [hbm4b:s3+s8], $0x10, s24, s8, $0xb8;
	[tilespmem:$0x6900] =	vst v63  }
0x4e: {  	s24 =	sadd.s32 $0x180, s25  }
0x4f: {  	[tilespmem:s12], [sflag:$0x1] =	stream.indirect.gather [hbm4b:s3+s8], $0x10, s24, s8, $0xb8;
	[tilespmem:$0x6900] =	vst v63  }
0x50: {  	s24 =	sadd.s32 $0x200, s25  }
0x51: {  	[tilespmem:s13], [sflag:$0x1] =	stream.indirect.gather [hbm4b:s3+s8], $0x10, s24, s8, $0xb8;
	[tilespmem:$0x6900] =	vst v63  }
0x52: {  	s24 =	sadd.s32 $0x280, s25  }
0x53: {  	[tilespmem:s14], [sflag:$0x1] =	stream.indirect.gather [hbm4b:s3+s8], $0x10, s24, s8, $0xb8;
	[tilespmem:$0x6900] =	vst v63  }
0x54: {  	s24 =	sadd.s32 $0x300, s25  }
0x55: {  	[tilespmem:s15], [sflag:$0x1] =	stream.indirect.gather [hbm4b:s3+s8], $0x10, s24, s8, $0xb8;
	[tilespmem:$0x6900] =	vst v63  }
0x56: {  	s24 =	sadd.s32 $0x380, s25  }
0x57: {  	[tilespmem:s16], [sflag:$0x1] =	stream.indirect.gather [hbm4b:s3+s8], $0x10, s24, s8, $0xb8;
	[tilespmem:$0x6900] =	vst v63  }
0x58: {  	s24 =	sadd.s32 $0x400, s25  }
0x59: {  	[tilespmem:s17], [sflag:$0x1] =	stream.indirect.gather [hbm4b:s3+s8], $0x10, s24, s8, $0xb8;
	[tilespmem:$0x6900] =	vst v63  }
0x5a: {  	s24 =	sadd.s32 $0x480, s25  }
0x5b: {  	[tilespmem:s18], [sflag:$0x1] =	stream.indirect.gather [hbm4b:s3+s8], $0x10, s24, s8, $0xb8;
	[tilespmem:$0x6900] =	vst v63  }
0x5c: {  	_ =	swait.ge [sflag:s19], $0x800  }
0x5d: {  	[sflag:s19] =	ssyncset.done $0x0  }
0x5e: {  	[sflag:s19] =	ssyncadd.s32 $0xFFFFF800  }
0x5f: {  	_ =	swait.ge [sflag:s19], $0x800  }
0x60: {  	[sflag:s19] =	ssyncset.done $0x0  }
0x61: {  	[sflag:s19] =	ssyncadd.s32 $0xFFFFF800  }
0x62: {  	_ =	swait.ge [sflag:s19], $0x800  }
0x63: {  	[sflag:s19] =	ssyncset.done $0x0  }
0x64: {  	[sflag:s19] =	ssyncadd.s32 $0xFFFFF800  }
0x65: {  	_ =	swait.ge [sflag:s19], $0x800  }
0x66: {  	[sflag:s19] =	ssyncset.done $0x0  }
0x67: {  	[sflag:s19] =	ssyncadd.s32 $0xFFFFF800  }
0x68: {  	_ =	swait.ge [sflag:s19], $0x800  }
0x69: {  	[sflag:s19] =	ssyncset.done $0x0  }
0x6a: {  	[sflag:s19] =	ssyncadd.s32 $0xFFFFF800  }
0x6b: {  	_ =	swait.ge [sflag:s19], $0x800  }
0x6c: {  	[sflag:s19] =	ssyncset.done $0x0  }
0x6d: {  	[sflag:s19] =	ssyncadd.s32 $0xFFFFF800  }
0x6e: {  	_ =	swait.ge [sflag:s19], $0x800  }
0x6f: {  	[sflag:s19] =	ssyncset.done $0x0  }
0x70: {  	[sflag:s19] =	ssyncadd.s32 $0xFFFFF800  }
0x71: {  	_ =	swait.ge [sflag:s19], $0x800  }
0x72: {  	[sflag:s19] =	ssyncset.done $0x0  }
0x73: {  	[sflag:s19] =	ssyncadd.s32 $0xFFFFF800  }
0x74: {  	_ =	swait.ge [sflag:s19], $0x800  }
0x75: {  	[sflag:s19] =	ssyncset.done $0x0  }
0x76: {  	[sflag:s19] =	ssyncadd.s32 $0xFFFFF800  }
0x77: {  	_ =	swait.ge [sflag:s19], $0x800  }
.Ltmp0:
0x78: {  	[sflag:s19] =	ssyncset.done $0x0;
	(pc) =	sbr.rel @p0 .LBB2_2-.Ltmp0, $4  }
0x79: {  	[sflag:s19] =	ssyncadd.s32 $0xFFFFF800  }
0x7a: {  	[hbm4b:s21+s2] =	stream.linear.scatter [tilespmem:s9], [sflag:$0x2], $0x5000, $0x38;
	[tilespmem:$0x6900] =	vst v63  }
0x7b: {  	_ =	swait.ge [sflag:s7], $0x5000  }
0x7c: {  	s24 =	smov.u32 s23;
	s21 =	sadd.s32 $0xA00, s21;
	[sflag:s7] =	ssyncset.done $0x0  }
0x7d: {  	s22 =	sshra.s32 s22, $0x2;
	[sflag:s7] =	ssyncadd.s32 $0xFFFFB000  }
0x7e: {  	[tilespmem:s9], [sflag:$0x1] =	stream.indirect.gather [hbm4b:s3+s8], $0x10, s22, s8, $0xb8;
	[tilespmem:$0x6900] =	vst v63  }
0x7f: {  	s23 =	sadd.s32 $0x80, s22  }
0x80: {  	[tilespmem:s10], [sflag:$0x1] =	stream.indirect.gather [hbm4b:s3+s8], $0x10, s23, s8, $0xb8;
	[tilespmem:$0x6900] =	vst v63  }
0x81: {  	s24 =	sadd.s32 $0x100, s22  }
0x82: {  	[tilespmem:s11], [sflag:$0x1] =	stream.indirect.gather [hbm4b:s3+s8], $0x10, s24, s8, $0xb8;
	[tilespmem:$0x6900] =	vst v63  }
0x83: {  	s25 =	sadd.s32 $0x180, s22  }
0x84: {  	[tilespmem:s12], [sflag:$0x1] =	stream.indirect.gather [hbm4b:s3+s8], $0x10, s25, s8, $0xb8;
	[tilespmem:$0x6900] =	vst v63  }
0x85: {  	s26 =	sadd.s32 $0x200, s22  }
0x86: {  	[tilespmem:s13], [sflag:$0x1] =	stream.indirect.gather [hbm4b:s3+s8], $0x10, s26, s8, $0xb8;
	[tilespmem:$0x6900] =	vst v63  }
0x87: {  	s28 =	sadd.s32 $0x280, s22  }
0x88: {  	[tilespmem:s14], [sflag:$0x1] =	stream.indirect.gather [hbm4b:s3+s8], $0x10, s28, s8, $0xb8;
	[tilespmem:$0x6900] =	vst v63  }
0x89: {  	s29 =	sadd.s32 $0x300, s22  }
0x8a: {  	[tilespmem:s15], [sflag:$0x1] =	stream.indirect.gather [hbm4b:s3+s8], $0x10, s29, s8, $0xb8;
	[tilespmem:$0x6900] =	vst v63  }
0x8b: {  	s30 =	sadd.s32 $0x380, s22  }
0x8c: {  	[tilespmem:s16], [sflag:$0x1] =	stream.indirect.gather [hbm4b:s3+s8], $0x10, s30, s8, $0xb8;
	[tilespmem:$0x6900] =	vst v63  }
0x8d: {  	s31 =	sadd.s32 $0x400, s22  }
0x8e: {  	[tilespmem:s17], [sflag:$0x1] =	stream.indirect.gather [hbm4b:s3+s8], $0x10, s31, s8, $0xb8;
	[tilespmem:$0x6900] =	vst v63  }
0x8f: {  	s22 =	sadd.s32 $0x480, s22  }
0x90: {  	[tilespmem:s18], [sflag:$0x1] =	stream.indirect.gather [hbm4b:s3+s8], $0x10, s22, s8, $0xb8;
	[tilespmem:$0x6900] =	vst v63  }
0x91: {  	_ =	swait.ge [sflag:s19], $0x800  }
0x92: {  	[sflag:s19] =	ssyncset.done $0x0  }
0x93: {  	[sflag:s19] =	ssyncadd.s32 $0xFFFFF800  }
0x94: {  	_ =	swait.ge [sflag:s19], $0x800  }
0x95: {  	[sflag:s19] =	ssyncset.done $0x0  }
0x96: {  	[sflag:s19] =	ssyncadd.s32 $0xFFFFF800  }
0x97: {  	_ =	swait.ge [sflag:s19], $0x800  }
0x98: {  	[sflag:s19] =	ssyncset.done $0x0  }
0x99: {  	[sflag:s19] =	ssyncadd.s32 $0xFFFFF800  }
0x9a: {  	_ =	swait.ge [sflag:s19], $0x800  }
0x9b: {  	[sflag:s19] =	ssyncset.done $0x0  }
0x9c: {  	[sflag:s19] =	ssyncadd.s32 $0xFFFFF800  }
0x9d: {  	_ =	swait.ge [sflag:s19], $0x800  }
0x9e: {  	[sflag:s19] =	ssyncset.done $0x0  }
0x9f: {  	[sflag:s19] =	ssyncadd.s32 $0xFFFFF800  }
0xa0: {  	_ =	swait.ge [sflag:s19], $0x800  }
0xa1: {  	[sflag:s19] =	ssyncset.done $0x0  }
0xa2: {  	[sflag:s19] =	ssyncadd.s32 $0xFFFFF800  }
0xa3: {  	_ =	swait.ge [sflag:s19], $0x800  }
0xa4: {  	[sflag:s19] =	ssyncset.done $0x0  }
0xa5: {  	[sflag:s19] =	ssyncadd.s32 $0xFFFFF800  }
0xa6: {  	_ =	swait.ge [sflag:s19], $0x800  }
0xa7: {  	[sflag:s19] =	ssyncset.done $0x0  }
0xa8: {  	[sflag:s19] =	ssyncadd.s32 $0xFFFFF800  }
0xa9: {  	_ =	swait.ge [sflag:s19], $0x800  }
0xaa: {  	[sflag:s19] =	ssyncset.done $0x0  }
0xab: {  	[sflag:s19] =	ssyncadd.s32 $0xFFFFF800  }
0xac: {  	s20 =	sadd.s32 $0x1, s20;
	_ =	swait.ge [sflag:s19], $0x800  }
0xad: {  	p0 =	sne.s32 s20, s5;
	[sflag:s19] =	ssyncset.done $0x0  }
.Ltmp1:
0xae: {  	[sflag:s19] =	ssyncadd.s32 $0xFFFFF800;
	(pc) =	sbr.rel @p0 .LBB2_1-.Ltmp1, $4  }
0xaf: {  	[hbm4b:s21+s2] =	stream.linear.scatter [tilespmem:s9], [sflag:$0x2], $0x5000, $0x38;
	[tilespmem:$0x6900] =	vst v63  }
0xb0: {  	_ =	swait.ge [sflag:s7], $0x5000  }
0xb1: {  	[sflag:s7] =	ssyncset.done $0x0  }
0xb2: {  	[sflag:s7] =	ssyncadd.s32 $0xFFFFB000  }
0xb3: {  	_ =	sfence.sel $0x180000  }
0xb4: {  	[bflag:$0x0] =	sbarrier.arrive $0xFFFF  }
0xb5: {  	p0 =	sne.s32 s1, $0x0;
	_ =	strace $0x90000047  }
0xb6: {  	s0 =	sadd.s32 @!p0 $0x100000, s0;
	[bflag:$0x2] =	sbarrier.arrive $0xFFFF  }
0xb7: {  	[sflag:s0] =	ssyncadd.tile.s32 @!p0 $0x1;
	_ =	shalt  }
.Lfunc_end2:
_tile_overlayer_lowered:
.L_overlay_start_2:
0xb8: {  	(tag) =	ssettag $0x2  }
0xb9: {  	s0 =	rddreg [dreg:$0x0];
	s2 =	stileid.u32  }
0xba: {  	s1 =	rddreg [dreg:$0x1];
	p0 =	sne.s32 s2, $0x0  }
0xbb: {  	s3 =	rddreg [dreg:$0x2];
	[bflag:$0x3] =	sbarrier.arrive $0xFFFF;
	s2 =	simm.s32 @!p0 $0x1C02  }
0xbc: {  	[timem:s3], [sflag:s2] =	dma.local @!p0 [hbm:s0], s1  }
0xbd: {  	s0 =	simm.s32 @!p0 $0x2  }
0xbe: {  	_ =	swait.ge @!p0 [sflag:s0], s1  }
0xbf: {  	s1 =	ssub.s32 @!p0 $0x0, s1;
	[sflag:s0] =	ssyncset.done @!p0 $0x0  }
0xc0: {  	[sflag:s0] =	ssyncadd.s32 @!p0 s1  }
0xc1: {  	[bflag:$0x3] =	sbarrier.arrive $0xFFFF  }
0xc2: {  	_ =	shalt  }

// kernel: kernel.13.cloned.1.call-start
scs
__scs_entry_jumppad:
0x0: {  	(pc) =	sbr.rel $0x88, $3  }
0x1: {  	(tag) =	ssettag $0x0;
	lr =	simm.s32 $0x1  }
0x2: {  	[smem:$0x3F91] =	sst lr;
	_ =	strace $0xD0000000  }
0x3: {  	_ = 	snop  }
0x4: {  	_ = 	snop  }
0x5: {  	_ = 	snop  }
0x6: {  	_ = 	snop  }
0x7: {  	_ = 	snop  }
__scs_overlays_trampoline_lowered:
0x8: {  	[smem:$0x3FA0] =	sst s0  }
0x9: {  	[smem:$0x3FA1] =	sst s1  }
0xa: {  	[smem:$0x3FA2] =	sst s2  }
0xb: {  	[smem:$0x3FA3] =	sst s3  }
0xc: {  	[smem:$0x3FA4] =	sst s4  }
0xd: {  	[smem:$0x3FA5] =	sst s5  }
0xe: {  	[smem:$0x3FA6] =	sst s6  }
0xf: {  	[smem:$0x3FA7] =	sst s7  }
0x10: {  	[smem:$0x3FA8] =	sst s8  }
0x11: {  	[smem:$0x3FA9] =	sst s9;
	s0 =	simm.s32 @!p0 $0x0  }
0x12: {  	s1 =	sld [smem:$0x3F8F];
	s0 =	simm.s32 @p0 $0x1  }
0x13: {  	[smem:$0x3FAA] =	sst s0;
	s0 =	simm.s32 @!p1 $0x0  }
0x14: {  	s2 =	sld [smem:$0x3F8E];
	s0 =	simm.s32 @p1 $0x1  }
0x15: {  	[smem:$0x3FAB] =	sst s0;
	s0 =	simm.s32 @!p2 $0x0  }
0x16: {  	s3 =	sld [smem:$0x3FDB];
	s0 =	simm.s32 @p2 $0x1  }
0x17: {  	s4 =	simm.s32 $0x1BF5;
	[smem:$0x3FAD] =	sst s0  }
0x18: {  	s0 =	sld [smem:$0x3F90];
	_ =	swait.ge [sflag:s4], $0x0  }
0x19: {  	s7 =	sld [smem:$0x3F91]  }
0x1a: {  	s8 =	sadd.s32 $0xFFFFE003, lr  }
0x1b: {  	s9 =	sadd.s32 $0xFFFFFEF7, lr;
	s5 =	simm.s32 $0xFFFFFFFF;
	p2 =	slt.u32 s8, $0xFFFFF086  }
0x1c: {  	p1 =	slt.u32 s9, $0xF7A;
	s5 =	simm.s32 @!p2 $0x0  }
0x1d: {  	s5 =	simm.s32 @p1 $0x1;
	p0 =	seq.s32 s7, s2  }
0x1e: {  	s7 =	smul.u32 @!p0 $0xF7A, s2;
	p2 =	seq.s32 @!p0 s5, $0x0  }
0x1f: {  	s9 =	smul.u32 $0xF7A, s1;
	s8 =	simm.s32 @!p0 $0x1BF5;
	p2 =	por !p2, p0  }
0x20: {  	[sflag:s8] =	ssyncset.s32 @!p0 $0xFFFFF086;
	s6 =	sadd.s32 @!p0 s3, s7;
	s7 =	simm.s32 @!p0 $0x108  }
0x21: {  	s3 =	sadd.s32 s3, s9;
	s6 =	sadd.s32 @!p0 $0x88, s6;
	s7 =	simm.s32 @p2 $0x1082  }
0x22: {  	[simem:s7], [sflag:s8] =	dma.local @!p0 [hbm:s6], $0xF7A  }
0x23: {  	s9 =	sor.u32 $0xD0000000, s2;
	s6 =	simm.s32 $0x108;
	_ =	swait.ge @!p0 [sflag:s8], $0x0  }
0x24: {  	s3 =	sadd.s32 $0x88, s3;
	s6 =	simm.s32 @!p1 $0x1082;
	[sflag:s4] =	ssyncset.s32 $0xFFFFF086  }
0x25: {  	[simem:s6], [sflag:s4] =	dma.local [hbm:s3], $0xF7A  }
0x26: {  	[smem:$0x3F91] =	sst s1;
	(tag) =	ssettag s2;
	_ =	strace s9  }
0x27: {  	s1 =	sld [smem:$0x3FA1]  }
0x28: {  	s2 =	sld [smem:$0x3FA2]  }
0x29: {  	s4 =	sld [smem:$0x3FA4]  }
0x2a: {  	p0 =	seq.s32 s5, $0x0;
	s5 =	sld [smem:$0x3FA5]  }
0x2b: {  	s6 =	sld [smem:$0x3FA6]  }
0x2c: {  	s7 =	sld [smem:$0x3FA7]  }
0x2d: {  	s3 =	simm.s32 $0x108;
	s8 =	sld [smem:$0x3FA8]  }
0x2e: {  	s3 =	simm.s32 @!p0 $0x1082;
	s9 =	sld [smem:$0x3FA9]  }
0x2f: {  	lr =	sadd.s32 s0, s3;
	s0 =	sld [smem:$0x3FA0]  }
0x30: {  	s3 =	sld [smem:$0x3FA3]  }
0x31: {  	[smem:$0x3FAC] =	sst s10  }
0x32: {  	s10 =	sld [smem:$0x3FAA];
	_ =	sdelay $0x3  }
0x33: {  	p0 =	seq.s32 s10, $0x1;
	s10 =	sld [smem:$0x3FAC];
	_ =	sdelay $0x3  }
0x34: {  	[smem:$0x3FAC] =	sst s10  }
0x35: {  	s10 =	sld [smem:$0x3FAB];
	_ =	sdelay $0x3  }
0x36: {  	p1 =	seq.s32 s10, $0x1;
	s10 =	sld [smem:$0x3FAC];
	_ =	sdelay $0x3  }
0x37: {  	[smem:$0x3FAC] =	sst s10  }
0x38: {  	s10 =	sld [smem:$0x3FAD]  }
0x39: {  	_ = 	snop;
	(pc) =	sbr.ind lr, $3  }
0x3a: {  	_ = 	snop  }
0x3b: {  	_ = 	snop  }
0x3c: {  	p2 =	seq.s32 s10, $0x1;
	s10 =	sld [smem:$0x3FAC]  }
0x3d: {  	_ =	shalt  }
0x3e: {  	_ =	shalt  }
0x3f: {  	_ =	shalt  }
0x40: {  	_ =	shalt  }
0x41: {  	_ =	shalt  }
0x42: {  	_ =	shalt  }
0x43: {  	_ =	shalt  }
0x44: {  	_ =	shalt  }
0x45: {  	_ =	shalt  }
0x46: {  	_ =	shalt  }
0x47: {  	_ =	shalt  }
0x48: {  	_ =	shalt  }
0x49: {  	_ =	shalt  }
0x4a: {  	_ =	shalt  }
0x4b: {  	_ =	shalt  }
0x4c: {  	_ =	shalt  }
0x4d: {  	_ =	shalt  }
0x4e: {  	_ =	shalt  }
0x4f: {  	_ =	shalt  }
0x50: {  	_ =	shalt  }
0x51: {  	_ =	shalt  }
0x52: {  	_ =	shalt  }
0x53: {  	_ =	shalt  }
0x54: {  	_ =	shalt  }
0x55: {  	_ =	shalt  }
0x56: {  	_ =	shalt  }
0x57: {  	_ =	shalt  }
0x58: {  	_ =	shalt  }
0x59: {  	_ =	shalt  }
0x5a: {  	_ =	shalt  }
0x5b: {  	_ =	shalt  }
0x5c: {  	_ =	shalt  }
0x5d: {  	_ =	shalt  }
0x5e: {  	_ =	shalt  }
0x5f: {  	_ =	shalt  }
0x60: {  	_ =	shalt  }
0x61: {  	_ =	shalt  }
0x62: {  	_ =	shalt  }
0x63: {  	_ =	shalt  }
0x64: {  	_ =	shalt  }
0x65: {  	_ =	shalt  }
0x66: {  	_ =	shalt  }
0x67: {  	_ =	shalt  }
0x68: {  	_ =	shalt  }
0x69: {  	_ =	shalt  }
0x6a: {  	_ =	shalt  }
0x6b: {  	_ =	shalt  }
0x6c: {  	_ =	shalt  }
0x6d: {  	_ =	shalt  }
0x6e: {  	_ =	shalt  }
0x6f: {  	_ =	shalt  }
0x70: {  	_ =	shalt  }
0x71: {  	_ =	shalt  }
0x72: {  	_ =	shalt  }
0x73: {  	_ =	shalt  }
0x74: {  	_ =	shalt  }
0x75: {  	_ =	shalt  }
0x76: {  	_ =	shalt  }
0x77: {  	_ =	shalt  }
0x78: {  	_ =	shalt  }
0x79: {  	_ =	shalt  }
0x7a: {  	_ =	shalt  }
0x7b: {  	_ =	shalt  }
0x7c: {  	_ =	shalt  }
0x7d: {  	_ =	shalt  }
0x7e: {  	_ =	shalt  }
0x7f: {  	_ =	shalt  }
0x80: {  	_ =	shalt  }
0x81: {  	_ =	shalt  }
0x82: {  	_ =	shalt  }
0x83: {  	_ =	shalt  }
0x84: {  	_ =	shalt  }
0x85: {  	_ =	shalt  }
0x86: {  	_ =	shalt  }
0x87: {  	_ =	shalt  }
.Lfunc_end0:
.L_simem_size_0:
called_computation.1_lowered:
.L_overlay_start_0:
0x88: {  	s2 =	sld [smem:$0x3FD9]  }
0x89: {  	s3 =	sld [smem:$0x3FFE];
	_ =	sdelay $0x1  }
0x8a: {  	s1 =	srdreg.scid  }
0x8b: {  	s0 =	sand.u32 $0x1, s1  }
0x8c: {  	s17 =	sshll.u32 s0, $0xA;
	s2 =	sadd.s32 s3, s2  }
0x8d: {  	s2 =	sadd.s32 s2, s17  }
0x8e: {  	[smem:$0x3FB8] =	sst s2  }
0x8f: {  	_ = 	snop  }
0x90: {  	(tm) =	ssettm $0x1  }
0x91: {  	s18 =	sld [smem:$0x3FFB];
	_ =	sdelay $0x3  }
0x92: {  	_ =	strace s18  }
0x93: {  	s2 =	sld [smem:$0x3FFC];
	_ =	sdelay $0x3  }
0x94: {  	_ =	strace s2  }
0x95: {  	s2 =	sld [smem:$0x3FFD];
	_ =	sdelay $0x3  }
0x96: {  	_ =	strace s2  }
0x97: {  	_ =	strace $0x8FFFFFFF  }
0x98: {  	s19 =	sld [smem:$0x3FDB];
	_ =	sdelay $0x1  }
0x99: {  	s20 =	simm.s32 $_scs_section_size  }
0x9a: {  	s4 =	simm.s32 $_size__tile_overlayer_lowered;
	s5 =	simm.s32 $_tile_overlayer_lowered  }
0x9b: {  	s6 =	simm.s32 $0x1BFF;
	s21 =	sshll.u32 s5, $0x1;
	s3 =	sadd.s32 s20, s19  }
0x9c: {  	s22 =	simm.s32 $0x0;
	s4 =	sshll.u32 s4, $0x1;
	s5 =	sadd.s32 s21, s3  }
0x9d: {  	[timem:s22], [sflag:s6] =	dma.local [hbm:s5], s4  }
0x9e: {  	_ =	swait.ge [sflag:s6], s4  }
0x9f: {  	s4 =	ssub.s32 $0x0, s4;
	[sflag:s6] =	ssyncset.done $0x0  }
0xa0: {  	[sflag:s6] =	ssyncadd.s32 s4;
	_ =	sdelay $0x1  }
0xa1: {  	s23 =	simm.s32 $0x1B8B  }
0xa2: {  	_ =	swait.ge [sflag:s23], $0x1  }
0xa3: {  	[sflag:s23] =	ssyncset.done $0x0  }
0xa4: {  	[sflag:s23] =	ssyncadd.s32 $0xFFFFFFFF  }
0xa5: {  	s4 =	sld [smem:$0x0]  }
0xa6: {  	s5 =	sand.u32 $0xFFFFFFFE, s1  }
0xa7: {  	p0 =	sne.s32 s1, s5  }
0xa8: {  	s5 =	sshll.u32 @p0 s5, $0xE  }
0xa9: {  	s5 =	sadd.s32 @p0 $0x11B8D, s5;
	s6 =	sshll.u32 @p0 s4, $0x11  }
0xaa: {  	s5 =	sor.u32 @p0 s6, s5  }
0xab: {  	[sflag:s5] =	ssyncadd.remote.s32 @p0 $0x1;
	_ =	sdelay $0x1  }
0xac: {  	s5 =	simm.s32 @p0 $0x1B8D  }
0xad: {  	_ =	swait.eq @p0 [sflag:s5], $0x1  }
0xae: {  	[sflag:s5] =	ssyncadd.s32 @p0 $0xFFFFFFFF  }
0xaf: {  	s6 =	sshll.u32 @!p0 s1, $0xE  }
0xb0: {  	s6 =	sor.u32 @!p0 $0x4000, s6;
	s5 =	simm.s32 @!p0 $0x1B8D  }
0xb1: {  	s4 =	sshll.u32 @!p0 s4, $0x11;
	s6 =	sadd.s32 @!p0 $0x11B8D, s6;
	_ =	swait.eq @!p0 [sflag:s5], $0x1  }
0xb2: {  	s4 =	sor.u32 @!p0 s4, s6;
	[sflag:s5] =	ssyncadd.s32 @!p0 $0xFFFFFFFF  }
0xb3: {  	s25 =	simm.s32 $0x1B8E;
	s24 =	sld [smem:$0x3FFE];
	[sflag:s4] =	ssyncadd.remote.s32 @!p0 $0x1  }
0xb4: {  	s26 =	simm.s32 $execute0_lowered;
	[smem:$0x3FD2] =	sst s25  }
0xb5: {  	s5 =	sshll.u32 s26, $0x1;
	_ =	strace $0x8000004C;
	[dreg:$0x1] =	wrdreg $0xFFFFFFFF  }
0xb6: {  	s28 =	simm.s32 $_size_execute0_lowered;
	s3 =	sadd.s32 s3, s5;
	[dreg:$0x0] =	wrdreg $0x0  }
0xb7: {  	s5 =	sshll.u32 s28, $0x1;
	[dreg:$0x2] =	wrdreg s3  }
0xb8: {  	[dreg:$0x3] =	wrdreg s5  }
0xb9: {  	[dreg:$0x4] =	wrdreg $0xC0  }
0xba: {  	_ =	task [dreg:s22], $0x5FFFF  }
0xbb: {  	[dreg:$0x1] =	wrdreg $0xFFFFFFFF  }
0xbc: {  	[dreg:$0x0] =	wrdreg $0x60  }
0xbd: {  	[dreg:$0x2] =	wrdreg s24  }
0xbe: {  	[dreg:$0x3] =	wrdreg $0x0  }
0xbf: {  	[dreg:$0x4] =	wrdreg $0xC4000  }
0xc0: {  	[dreg:$0x5] =	wrdreg $0xA  }
0xc1: {  	_ =	task.clear_ibuf [dreg:s22], $0x6FFFF;
	_ =	strace $0x9000004C  }
0xc2: {  	s29 =	simm.s32 $0xA;
	_ =	strace $0x8000004E  }
0xc3: {  	_ =	swait.ge [sflag:s29], $0x1  }
0xc4: {  	[sflag:s29] =	ssyncadd.s32 $0xFFFFFFFF  }
0xc5: {  	_ =	strace $0x9000004E  }
0xc6: {  	_ =	sfence  }
0xc7: {  	s30 =	sld [smem:$0x0];
	_ =	sdelay $0x2  }
0xc8: {  	s31 =	sshll.u32 s1, $0xD;
	s1 =	sshrl.u32 s1, $0x2  }
0xc9: {  	s4 =	sand.u32 $0x4000, s31;
	s1 =	sadd.s32 s1, s30  }
0xca: {  	s0 =	sor.u32 s4, s0;
	s1 =	sshll.u32 s1, $0x11  }
0xcb: {  	s0 =	sor.u32 s1, s0  }
0xcc: {  	s0 =	sadd.s32 $0x8F2B, s0  }
0xcd: {  	[sflag:s0] =	ssyncadd.remote.s32 $0x1  }
0xce: {  	_ =	sfence.sel $0xFFFF  }
0xcf: {  	[dreg:$0x0] =	wrdreg $0xFFFFFFFF;
	(pc) =	sbr.abs _section_cstart, $3  }
0xd0: {  	[dreg:$0x1] =	wrdreg $0xFFFFFFFF  }
0xd1: {  	_ =	task.clear_ibuf [dreg:s22], $0x2FFFF;
	_ =	strace $0x9FFFFFFF  }
0xd2: {  	(tm) =	ssettm $0x7FFFFFFF  }
0xd3: {  	_ =	shalt  }
tec
execute0_lowered:
.L_overlay_start_1:
0x0: {  	(tag) =	ssettag $0x1  }
0x1: {  	s20 =	stileid.u32  }
0x2: {  	s7 =	rddreg [dreg:$0x0];
	s4 =	smul.u32 $0xC400, s20  }
0x3: {  	s2 =	rddreg [dreg:$0x1];
	s1 =	smul.u32 $0x1880, s20  }
0x4: {  	s0 =	srdreg.scid;
	s9 =	smul.u32 $0x31000, s20  }
0x5: {  	s3 =	rddreg [dreg:$0x2];
	s5 =	simm.s32 $0x0;
	s10 =	smul.u32 $0xC35, s20  }
0x6: {  	s28 =	simm.s32 $0x15600;
	s31 =	simm.s32 $0x1;
	s15 =	smul.u32 $0xC40, s20  }
0x7: {  	s8 =	sand.u32 $0x1, s0;
	[smem:$0x7FF] =	sst s5;
	s21 =	smul.u32 $0x18800, s20  }
0x8: {  	s6 =	sadd.s32 $0x7400, s7;
	s13 =	sadd.s32 $0x11CE00, s7;
	s0 =	smul.u32 $0xC4000, s8  }
0x9: {  	_ =	strace $0x8000004D;
	s11 =	ssub.s32 $0x2, s8;
	s12 =	smul.u32 $0xC350, s8  }
0xa: {  	p0 =	seq.s32 s8, $0x0;
	s1 =	sadd.s32 s1, s7;
	[dreg:$0x4] =	wrdreg s4  }
0xb: {  	s14 =	sshrl.u32 s11, $0x1;
	s9 =	sshrl.u32 s9, $0x2;
	s22 =	sadd.s32 $0x800, s15  }
0xc: {  	s23 =	sadd.s32 $0xC00, s15;
	s0 =	sadd.s32 s4, s0;
	s4 =	sadd.s32 s4, s7  }
0xd: {  	s12 =	sadd.s32 s10, s12;
	s11 =	ssub.s32 s11, s14;
	s9 =	sadd.s32 s9, s2  }
0xe: {  	s14 =	sadd.s32 $0x400, s15;
	s24 =	sshll.u32 s22, $0x4;
	s25 =	sshll.u32 s23, $0x4  }
0xf: {  	s8 =	sshll.u32 s22, $0x3;
	s1 =	sadd.s32 $0x71800, s1;
	s0 =	sshrl.u32 s0, $0x3  }
0x10: {  	[dreg:$0x5] =	wrdreg s9;
	s26 =	sshll.u32 s12, $0x1;
	s29 =	sadd.s32 $0x400, s12  }
0x11: {  	s17 =	sadd.s32 $0x800, s12;
	s18 =	sadd.s32 $0xC00, s12;
	s8 =	sadd.s32 s8, s3  }
0x12: {  	s11 =	smax.u32 s11, $0x1;
	[dreg:$0x16] =	wrdreg s1;
	s1 =	simm.s32 $0x0  }
0x13: {  	s0 =	sadd.s32 s0, s7;
	s7 =	sadd.s32 $0x38200, s7;
	[dreg:$0x13] =	wrdreg s8  }
0x14: {  	s9 =	sadd.s32 s13, s26;
	s16 =	sshll.u32 s29, $0x1;
	[dreg:$0x15] =	wrdreg s11  }
0x15: {  	s30 =	sshll.u32 s17, $0x1;
	s26 =	sadd.s32 s25, s2;
	[dreg:$0x6] =	wrdreg s9  }
0x16: {  	s19 =	sshll.u32 s18, $0x1;
	s16 =	sadd.s32 s13, s16;
	[dreg:$0x10] =	wrdreg s26  }
0x17: {  	s11 =	simm.s32 $0x12780;
	s12 =	sadd.s32 s7, s12;
	[dreg:$0x7] =	wrdreg s16  }
0x18: {  	s9 =	sadd.s32 s7, s29;
	s29 =	sshll.u32 s14, $0x3;
	[dreg:$0xb] =	wrdreg s12  }
0x19: {  	s0 =	sadd.s32 $0xBB000, s0;
	s16 =	sadd.s32 s13, s30;
	[dreg:$0xc] =	wrdreg s9  }
0x1a: {  	s13 =	sadd.s32 s13, s19;
	s19 =	sadd.s32 s7, s17;
	[dreg:$0x17] =	wrdreg s0  }
0x1b: {  	s7 =	sadd.s32 s7, s18;
	s12 =	sadd.s32 s24, s2;
	[dreg:$0x8] =	wrdreg s16  }
0x1c: {  	s30 =	smul.u32 $0x30D40, s20;
	s9 =	sshll.u32 s23, $0x3;
	[dreg:$0x9] =	wrdreg s13  }
0x1d: {  	s17 =	sadd.s32 $0x800, s10;
	s24 =	sadd.s32 $0xE15400, s4;
	[dreg:$0xd] =	wrdreg s19  }
0x1e: {  	s16 =	sshll.u32 s14, $0x4;
	[dreg:$0xe] =	wrdreg s7;
	s7 =	sshrl.u32 s21, $0x2  }
0x1f: {  	[dreg:$0xf] =	wrdreg s12;
	s18 =	sshll.u32 s17, $0x4;
	s13 =	sadd.s32 s16, s2  }
0x20: {  	s7 =	sadd.s32 s7, s3;
	s12 =	sshrl.u32 s30, $0x2;
	s16 =	smul.u32 $0x186A0, s20  }
0x21: {  	s14 =	sadd.s32 s18, s2;
	s18 =	simm.s32 $0x13E00;
	[dreg:$0xa] =	wrdreg s13  }
0x22: {  	[dreg:$0x11] =	wrdreg s7;
	s7 =	sadd.s32 s29, s3;
	s13 =	sadd.s32 $0x400, s10  }
0x23: {  	s10 =	sadd.s32 $0xC00, s10;
	s22 =	sshrl.u32 s14, $0x3;
	s14 =	simm.s32 $0x80  }
0x24: {  	[dreg:$0x12] =	wrdreg s7;
	s7 =	sadd.s32 s9, s3;
	s15 =	sshll.u32 s13, $0x4  }
0x25: {  	s19 =	sshll.u32 s10, $0x4;
	s8 =	sshll.u32 s13, $0x3;
	s13 =	sshll.u32 s17, $0x3  }
0x26: {  	s10 =	sshll.u32 s10, $0x3;
	[dreg:$0x1a] =	wrdreg s22;
	s22 =	simm.s32 $0x14E00  }
0x27: {  	s17 =	simm.s32 $0x2;
	[dreg:$0x14] =	wrdreg s7;
	s7 =	sadd.s32 s12, s2  }
0x28: {  	s9 =	sadd.s32 s15, s2;
	s12 =	sshrl.u32 s16, $0x2;
	s15 =	sadd.s32 s19, s2  }
0x29: {  	s8 =	sadd.s32 s8, s3;
	s13 =	sadd.s32 s13, s3;
	s10 =	sadd.s32 s10, s3  }
0x2a: {  	s16 =	simm.s32 $0x13600;
	s12 =	sadd.s32 s12, s3;
	s20 =	sshrl.u32 s7, $0x3  }
0x2b: {  	s21 =	sshrl.u32 s9, $0x3;
	s23 =	sshrl.u32 s15, $0x3;
	s26 =	sshrl.u32 s8, $0x3  }
0x2c: {  	s29 =	sshrl.u32 s13, $0x3;
	s30 =	sshrl.u32 s10, $0x3;
	[dreg:$0x18] =	wrdreg s20  }
0x2d: {  	s9 =	simm.s32 $0x12E00;
	s10 =	simm.s32 $0x3;
	[dreg:$0x19] =	wrdreg s21  }
.Ltmp0:
0x2e: {  	s13 =	simm.s32 $0x12A00;
	[dreg:$0x1b] =	wrdreg s23;
	(pc) =	sbr.rel .LBB2_1-.Ltmp0, $4  }
0x2f: {  	s7 =	simm.s32 $0x12680;
	s8 =	simm.s32 $0x12700;
	[dreg:$0x1d] =	wrdreg s26  }
0x30: {  	s15 =	simm.s32 $0x12D80;
	s25 =	sshrl.u32 s12, $0x3;
	[dreg:$0x1e] =	wrdreg s29  }
0x31: {  	[dreg:$0x1f] =	wrdreg s30;
	s12 =	simm.s32 $0x12600;
	s20 =	simm.s32 $0x14600  }
0x32: {  	v0 =	vimm.f32 $0.0e+00;
	s26 =	simm.s32 $0x16600;
	[dreg:$0x1c] =	wrdreg s25;
	s25 =	simm.s32 $0x15E00  }
.LBB2_9:
0x33: {  	s0 =	stileid.u32;
	[bflag:$0x0] =	sbarrier.arrive $0xFFFF  }
0x34: {  	s0 =	sshll.u32 s0, $0x6;
	s1 =	rddreg [dreg:$0x6]  }
0x35: {  	s4 =	rddreg [dreg:$0x18];
	s0 =	sor.u32 $0x1C03, s0  }
0x36: {  	[hbm:s1], [sflag:s0] =	dma.local [spmem:s4], $0x800  }
0x37: {  	_ =	swait.ge [sflag:s10], $0x800  }
0x38: {  	[sflag:s10] =	ssyncset.done $0x0;
	s21 =	rddreg [dreg:$0x7]  }
0x39: {  	s23 =	rddreg [dreg:$0x19];
	[sflag:s10] =	ssyncadd.s32 $0xFFFFF800  }
0x3a: {  	[hbm:s21], [sflag:s0] =	dma.local [spmem:s23], $0x800  }
0x3b: {  	_ =	swait.ge [sflag:s10], $0x800  }
0x3c: {  	[sflag:s10] =	ssyncset.done $0x0;
	s29 =	rddreg [dreg:$0x8]  }
0x3d: {  	s30 =	rddreg [dreg:$0x1a];
	[sflag:s10] =	ssyncadd.s32 $0xFFFFF800  }
0x3e: {  	[hbm:s29], [sflag:s0] =	dma.local [spmem:s30], $0x800  }
0x3f: {  	_ =	swait.ge [sflag:s10], $0x800  }
0x40: {  	[sflag:s10] =	ssyncset.done $0x0;
	s4 =	rddreg [dreg:$0x9]  }
0x41: {  	s19 =	rddreg [dreg:$0x1b];
	[sflag:s10] =	ssyncadd.s32 $0xFFFFF800  }
0x42: {  	[hbm:s4], [sflag:s0] =	dma.local [spmem:s19], $0x6A  }
0x43: {  	_ =	swait.ge [sflag:s10], $0x6A  }
0x44: {  	[sflag:s10] =	ssyncset.done $0x0;
	s21 =	rddreg [dreg:$0xb]  }
0x45: {  	s23 =	rddreg [dreg:$0x1c];
	[sflag:s10] =	ssyncadd.s32 $0xFFFFFF96  }
0x46: {  	[hbm:s21], [sflag:s0] =	dma.local [spmem:s23], $0x400  }
0x47: {  	_ =	swait.ge [sflag:s10], $0x400  }
0x48: {  	[sflag:s10] =	ssyncset.done $0x0;
	s29 =	rddreg [dreg:$0xc]  }
0x49: {  	s30 =	rddreg [dreg:$0x1d];
	[sflag:s10] =	ssyncadd.s32 $0xFFFFFC00  }
0x4a: {  	[hbm:s29], [sflag:s0] =	dma.local [spmem:s30], $0x400  }
0x4b: {  	_ =	swait.ge [sflag:s10], $0x400  }
0x4c: {  	[sflag:s10] =	ssyncset.done $0x0;
	s4 =	rddreg [dreg:$0xd]  }
0x4d: {  	s19 =	rddreg [dreg:$0x1e];
	[sflag:s10] =	ssyncadd.s32 $0xFFFFFC00  }
0x4e: {  	[hbm:s4], [sflag:s0] =	dma.local [spmem:s19], $0x400  }
0x4f: {  	_ =	swait.ge [sflag:s10], $0x400  }
0x50: {  	[sflag:s10] =	ssyncset.done $0x0;
	s21 =	rddreg [dreg:$0xe]  }
0x51: {  	s23 =	rddreg [dreg:$0x1f];
	[sflag:s10] =	ssyncadd.s32 $0xFFFFFC00  }
0x52: {  	[hbm:s21], [sflag:s0] =	dma.local [spmem:s23], $0x35  }
0x53: {  	_ =	swait.ge [sflag:s10], $0x35  }
0x54: {  	s29 =	sld [smem:$0x7FD];
	_ =	sdelay $0x2  }
0x55: {  	s30 =	rddreg [dreg:$0x15];
	s1 =	sadd.s32 $0x1, s29  }
0x56: {  	p1 =	sne.s32 s1, s30  }
.Ltmp1:
0x57: {  	_ = 	snop;
	(pc) =	sbr.rel @!p1 .LBB2_10-.Ltmp1, $3  }
0x58: {  	_ =	sdelay $0x1  }
0x59: {  	[sflag:s10] =	ssyncset.done $0x0  }
0x5a: {  	[sflag:s10] =	ssyncadd.s32 $0xFFFFFFCB  }
.LBB2_1:
0x5b: {  	s19 =	simm.s32 $0x40;
	s21 =	simm.s32 $0x0  }
.LBB2_2:
0x5c: {  	p1 =	sne.s32 s19, $0xFFC0;
	[tilespmem:s21+$0x12E00] =	vst v0;
	s21 =	smov.u32 s19;
	s19 =	sadd.s32 $0x40, s19  }
.Ltmp2:
0x5d: {  	(pc) =	sbr.rel @p1 .LBB2_2-.Ltmp2, $2  }
0x5e: {  	_ =	sdelay $0x2  }
0x5f: {  	s21 =	sshra.s32 s21, $0x2  }
0x60: {  	[smem:$0x7FD] =	sst s1  }
0x61: {  	[tilespmem:s21+$0x12E00] =	vst v0;
	s0 =	rddreg [dreg:$0x5]  }
0x62: {  	[spmem:s0] =	stream.linear.scatter [tilespmem:s9], [sflag:$0x3], $0x4000, $0x38;
	[tilespmem:$0x18E00] =	vst v63  }
0x63: {  	_ =	swait.ge [sflag:s10], $0x4000  }
0x64: {  	[sflag:s10] =	ssyncset.done $0x0  }
0x65: {  	s23 =	rddreg [dreg:$0xa];
	[sflag:s10] =	ssyncadd.s32 $0xFFFFC000  }
0x66: {  	[spmem:s23] =	stream.linear.scatter [tilespmem:s9], [sflag:$0x3], $0x4000, $0x38;
	[tilespmem:$0x18E00] =	vst v63  }
0x67: {  	_ =	swait.ge [sflag:s10], $0x4000  }
0x68: {  	[sflag:s10] =	ssyncset.done $0x0  }
0x69: {  	s29 =	rddreg [dreg:$0xf];
	[sflag:s10] =	ssyncadd.s32 $0xFFFFC000  }
0x6a: {  	[spmem:s29] =	stream.linear.scatter [tilespmem:s9], [sflag:$0x3], $0x4000, $0x38;
	[tilespmem:$0x18E00] =	vst v63  }
0x6b: {  	_ =	swait.ge [sflag:s10], $0x4000  }
0x6c: {  	[sflag:s10] =	ssyncset.done $0x0  }
0x6d: {  	s30 =	rddreg [dreg:$0x10];
	[sflag:s10] =	ssyncadd.s32 $0xFFFFC000  }
0x6e: {  	[spmem:s30] =	stream.linear.scatter [tilespmem:s9], [sflag:$0x3], $0x400, $0x38;
	[tilespmem:$0x18E00] =	vst v63  }
0x6f: {  	_ =	swait.ge [sflag:s10], $0x400  }
0x70: {  	[sflag:s10] =	ssyncset.done $0x0  }
0x71: {  	s19 =	simm.s32 $0x20;
	s21 =	simm.s32 $0x0;
	[sflag:s10] =	ssyncadd.s32 $0xFFFFFC00  }
.LBB2_4:
0x72: {  	p1 =	sne.s32 s19, $0x7FE0;
	[tilespmem:s21+$0x16E00] =	vst.msk $0xff, v0;
	s21 =	smov.u32 s19;
	s19 =	sadd.s32 $0x20, s19  }
.Ltmp3:
0x73: {  	(pc) =	sbr.rel @p1 .LBB2_4-.Ltmp3, $2  }
0x74: {  	_ =	sdelay $0x2  }
0x75: {  	s21 =	sshra.s32 s21, $0x2  }
0x76: {  	[tilespmem:s21+$0x16E00] =	vst.msk $0xff, v0;
	s0 =	rddreg [dreg:$0x11];
	s1 =	simm.s32 $0x16E00  }
0x77: {  	[spmem:s0] =	stream.linear.scatter [tilespmem:s1], [sflag:$0x3], $0x2000, $0x38;
	[tilespmem:$0x18E00] =	vst v63  }
0x78: {  	_ =	swait.ge [sflag:s10], $0x2000  }
0x79: {  	[sflag:s10] =	ssyncset.done $0x0  }
0x7a: {  	s21 =	rddreg [dreg:$0x12];
	[sflag:s10] =	ssyncadd.s32 $0xFFFFE000  }
0x7b: {  	[spmem:s21] =	stream.linear.scatter [tilespmem:s1], [sflag:$0x3], $0x2000, $0x38;
	[tilespmem:$0x18E00] =	vst v63  }
0x7c: {  	_ =	swait.ge [sflag:s10], $0x2000  }
0x7d: {  	[sflag:s10] =	ssyncset.done $0x0  }
0x7e: {  	s23 =	rddreg [dreg:$0x13];
	[sflag:s10] =	ssyncadd.s32 $0xFFFFE000  }
0x7f: {  	[spmem:s23] =	stream.linear.scatter [tilespmem:s1], [sflag:$0x3], $0x2000, $0x38;
	[tilespmem:$0x18E00] =	vst v63  }
0x80: {  	_ =	swait.ge [sflag:s10], $0x2000  }
0x81: {  	[sflag:s10] =	ssyncset.done $0x0  }
0x82: {  	s30 =	rddreg [dreg:$0x14];
	[sflag:s10] =	ssyncadd.s32 $0xFFFFE000  }
0x83: {  	[spmem:s30] =	stream.linear.scatter [tilespmem:s1], [sflag:$0x3], $0x200, $0x38;
	[tilespmem:$0x18E00] =	vst v63  }
0x84: {  	_ =	swait.ge [sflag:s10], $0x200  }
.Ltmp4:
0x85: {  	[sflag:s10] =	ssyncset.done $0x0;
	(pc) =	sbr.rel .LBB2_6-.Ltmp4, $4  }
0x86: {  	[sflag:s10] =	ssyncadd.s32 $0xFFFFFE00  }
0x87: {  	[bflag:$0x0] =	sbarrier.arrive $0xFFFF  }
0x88: {  	s21 =	rddreg [dreg:$0x17]  }
0x89: {  	s19 =	simm.s32 $0x0;
	s29 =	simm.s32 $0x0;
	s23 =	rddreg [dreg:$0x16]  }
.LBB2_8:
0x8a: {  	_ =	swait.ge [sflag:s31], $0x800  }
0x8b: {  	[sflag:s31] =	ssyncset.done $0x0  }
0x8c: {  	[sflag:s31] =	ssyncadd.s32 $0xFFFFF800  }
0x8d: {  	[spmem:s2] =	stream.indirect.scatter.add.f32 [tilespmem:s9], [sflag:$0x2], $0x10, s13, s14, $0xb8;
	[tilespmem:$0x18E00] =	vst v63  }
0x8e: {  	_ =	swait.ge [sflag:s31], $0x800  }
0x8f: {  	[sflag:s31] =	ssyncset.done $0x0  }
0x90: {  	s0 =	simm.s32 $0x12A80;
	[sflag:s31] =	ssyncadd.s32 $0xFFFFF800  }
0x91: {  	[spmem:s2] =	stream.indirect.scatter.add.f32 [tilespmem:s16], [sflag:$0x2], $0x10, s0, s14, $0xb8;
	[tilespmem:$0x18E00] =	vst v63  }
0x92: {  	_ =	swait.ge [sflag:s31], $0x800  }
0x93: {  	[sflag:s31] =	ssyncset.done $0x0  }
0x94: {  	s4 =	simm.s32 $0x12B00;
	[sflag:s31] =	ssyncadd.s32 $0xFFFFF800  }
0x95: {  	[spmem:s2] =	stream.indirect.scatter.add.f32 [tilespmem:s18], [sflag:$0x2], $0x10, s4, s14, $0xb8;
	[tilespmem:$0x18E00] =	vst v63  }
0x96: {  	_ =	swait.ge [sflag:s31], $0x800  }
0x97: {  	[sflag:s31] =	ssyncset.done $0x0  }
0x98: {  	s30 =	simm.s32 $0x12B80;
	[sflag:s31] =	ssyncadd.s32 $0xFFFFF800  }
0x99: {  	[spmem:s2] =	stream.indirect.scatter.add.f32 [tilespmem:s20], [sflag:$0x2], $0x10, s30, s14, $0xb8;
	[tilespmem:$0x18E00] =	vst v63  }
0x9a: {  	_ =	swait.ge [sflag:s31], $0x800  }
0x9b: {  	[sflag:s31] =	ssyncset.done $0x0  }
0x9c: {  	s1 =	simm.s32 $0x12C00;
	[sflag:s31] =	ssyncadd.s32 $0xFFFFF800  }
0x9d: {  	[spmem:s2] =	stream.indirect.scatter.add.f32 [tilespmem:s22], [sflag:$0x2], $0x10, s1, s14, $0xb8;
	[tilespmem:$0x18E00] =	vst v63  }
0x9e: {  	_ =	swait.ge [sflag:s31], $0x800  }
0x9f: {  	[sflag:s31] =	ssyncset.done $0x0  }
0xa0: {  	s4 =	simm.s32 $0x12C80;
	[sflag:s31] =	ssyncadd.s32 $0xFFFFF800  }
0xa1: {  	[spmem:s2] =	stream.indirect.scatter.add.f32 [tilespmem:s28], [sflag:$0x2], $0x10, s4, s14, $0xb8;
	[tilespmem:$0x18E00] =	vst v63  }
0xa2: {  	_ =	swait.ge [sflag:s31], $0x800  }
0xa3: {  	[sflag:s31] =	ssyncset.done $0x0  }
0xa4: {  	s30 =	simm.s32 $0x12D00;
	[sflag:s31] =	ssyncadd.s32 $0xFFFFF800  }
0xa5: {  	[spmem:s2] =	stream.indirect.scatter.add.f32 [tilespmem:s25], [sflag:$0x2], $0x10, s30, s14, $0xb8;
	[tilespmem:$0x18E00] =	vst v63  }
0xa6: {  	_ =	swait.ge [sflag:s31], $0x800  }
0xa7: {  	[sflag:s31] =	ssyncset.done $0x0  }
0xa8: {  	[sflag:s31] =	ssyncadd.s32 $0xFFFFF800  }
0xa9: {  	[spmem:s2] =	stream.indirect.scatter.add.f32 [tilespmem:s26], [sflag:$0x2], $0x10, s15, s14, $0xb8;
	[tilespmem:$0x18E00] =	vst v63  }
0xaa: {  	_ =	swait.ge [sflag:s17], $0x800  }
0xab: {  	[sflag:s17] =	ssyncset.done $0x0  }
0xac: {  	[sflag:s17] =	ssyncadd.s32 $0xFFFFF800  }
0xad: {  	_ =	swait.ge [sflag:s17], $0x800  }
0xae: {  	[sflag:s17] =	ssyncset.done $0x0  }
0xaf: {  	[sflag:s17] =	ssyncadd.s32 $0xFFFFF800  }
0xb0: {  	_ =	swait.ge [sflag:s17], $0x800  }
0xb1: {  	[sflag:s17] =	ssyncset.done $0x0  }
0xb2: {  	[sflag:s17] =	ssyncadd.s32 $0xFFFFF800  }
0xb3: {  	_ =	swait.ge [sflag:s17], $0x800  }
0xb4: {  	[sflag:s17] =	ssyncset.done $0x0  }
0xb5: {  	[sflag:s17] =	ssyncadd.s32 $0xFFFFF800  }
0xb6: {  	_ =	swait.ge [sflag:s17], $0x800  }
0xb7: {  	[sflag:s17] =	ssyncset.done $0x0  }
0xb8: {  	[sflag:s17] =	ssyncadd.s32 $0xFFFFF800  }
0xb9: {  	_ =	swait.ge [sflag:s17], $0x800  }
0xba: {  	[sflag:s17] =	ssyncset.done $0x0  }
0xbb: {  	s19 =	sadd.s32 $0x400, s19;
	[sflag:s17] =	ssyncadd.s32 $0xFFFFF800  }
0xbc: {  	p1 =	sne.s32 s19, $0xC400;
	_ =	swait.ge [sflag:s17], $0x800  }
.Ltmp5:
0xbd: {  	[sflag:s17] =	ssyncset.done $0x0;
	(pc) =	sbr.rel @!p1 .LBB2_9-.Ltmp5, $4  }
0xbe: {  	[sflag:s17] =	ssyncadd.s32 $0xFFFFF800  }
0xbf: {  	_ =	swait.ge [sflag:s17], $0x800  }
0xc0: {  	s29 =	sadd.s32 $0x1, s29;
	[sflag:s17] =	ssyncset.done $0x0  }
0xc1: {  	s23 =	sadd.s32 $0x80, s23;
	s21 =	sadd.s32 $0x80, s21;
	[sflag:s17] =	ssyncadd.s32 $0xFFFFF800  }
.LBB2_6:
0xc2: {  	[tilespmem:s12], [sflag:$0x3] =	stream.linear.gather [hbm4b:s21+s5], $0x400, $0x38;
	[tilespmem:$0x18E00] =	vst v63  }
0xc3: {  	_ =	swait.ge [sflag:s10], $0x400  }
0xc4: {  	[sflag:s10] =	ssyncset.done $0x0  }
0xc5: {  	[sflag:s10] =	ssyncadd.s32 $0xFFFFFC00  }
0xc6: {  	[tilespmem:s13], [sflag:$0x3] =	stream.linear.gather [hbm4b:s23+s5], $0x400, $0x38;
	[tilespmem:$0x18E00] =	vst v63  }
0xc7: {  	_ =	swait.ge [sflag:s10], $0x400  }
0xc8: {  	[sflag:s10] =	ssyncset.done $0x0  }
0xc9: {  	[sflag:s10] =	ssyncadd.s32 $0xFFFFFC00  }
0xca: {  	[tilespmem:s9], [sflag:$0x1] =	stream.indirect.gather [hbm4b:s6+s14], $0x10, s12, s14, $0xb8;
	[tilespmem:$0x18E00] =	vst v63  }
0xcb: {  	_ = 	snop  }
0xcc: {  	[tilespmem:s16], [sflag:$0x1] =	stream.indirect.gather [hbm4b:s6+s14], $0x10, s7, s14, $0xb8;
	[tilespmem:$0x18E00] =	vst v63  }
0xcd: {  	_ = 	snop  }
0xce: {  	[tilespmem:s18], [sflag:$0x1] =	stream.indirect.gather [hbm4b:s6+s14], $0x10, s8, s14, $0xb8;
	[tilespmem:$0x18E00] =	vst v63  }
0xcf: {  	_ = 	snop  }
0xd0: {  	[tilespmem:s20], [sflag:$0x1] =	stream.indirect.gather [hbm4b:s6+s14], $0x10, s11, s14, $0xb8;
	[tilespmem:$0x18E00] =	vst v63  }
0xd1: {  	s0 =	simm.s32 $0x12800  }
0xd2: {  	[tilespmem:s22], [sflag:$0x1] =	stream.indirect.gather [hbm4b:s6+s14], $0x10, s0, s14, $0xb8;
	[tilespmem:$0x18E00] =	vst v63  }
0xd3: {  	s1 =	simm.s32 $0x12880  }
0xd4: {  	[tilespmem:s28], [sflag:$0x1] =	stream.indirect.gather [hbm4b:s6+s14], $0x10, s1, s14, $0xb8;
	[tilespmem:$0x18E00] =	vst v63  }
0xd5: {  	s4 =	simm.s32 $0x12900  }
0xd6: {  	[tilespmem:s25], [sflag:$0x1] =	stream.indirect.gather [hbm4b:s6+s14], $0x10, s4, s14, $0xb8;
	[tilespmem:$0x18E00] =	vst v63  }
0xd7: {  	s30 =	simm.s32 $0x12980  }
0xd8: {  	[tilespmem:s26], [sflag:$0x1] =	stream.indirect.gather [hbm4b:s6+s14], $0x10, s30, s14, $0xb8;
	[tilespmem:$0x18E00] =	vst v63  }
0xd9: {  	p1 =	sgt.u32 s29, $0x18;
	s1 =	simm.s32 $0x1;
	s30 =	simm.s32 $0x1  }
0xda: {  	s1 =	simm.s32 @!p0 $0x0;
	s30 =	simm.s32 @!p1 $0x0  }
0xdb: {  	p1 =	seq.s32 s1, s30  }
.Ltmp6:
0xdc: {  	_ = 	snop;
	(pc) =	sbr.rel @p1 .LBB2_8-.Ltmp6, $1  }
0xdd: {  	_ =	sdelay $0x3  }
0xde: {  	s0 =	rddreg [dreg:$0x4]  }
0xdf: {  	s30 =	sadd.s32 s19, s0  }
0xe0: {  	p1 =	sgt.u32 s30, $0xC34FF  }
0xe1: {  	s1 =	sadd.s32 @!p1 s19, s24  }
0xe2: {  	s0 =	simm.s32 @!p1 $0x0;
	s7 =	simm.s32 @!p1 $0x16E00;
	s8 =	simm.s32 @!p1 $0x3  }
0xe3: {  	[tilespmem:s7], [sflag:$0x3] =	stream.linear.gather @!p1 [hbm4b:s1+s0], $0x400, $0x38;
	[tilespmem:$0x18E00] =	vst v63  }
0xe4: {  	_ =	swait.ge @!p1 [sflag:s8], $0x400  }
0xe5: {  	[sflag:s8] =	ssyncset.done @!p1 $0x0  }
0xe6: {  	s11 =	simm.s32 @!p1 $0x80;
	s4 =	simm.s32 @!p1 $0x12A00;
	[sflag:s8] =	ssyncadd.s32 @!p1 $0xFFFFFC00  }
0xe7: {  	[spmem:s3] =	stream.indirect.scatter.add.f32 @!p1 [tilespmem:s7], [sflag:$0x3], $0x8, s4, s11, $0xb8;
	[tilespmem:$0x18E00] =	vst v63  }
0xe8: {  	_ =	swait.ge @!p1 [sflag:s8], $0x400  }
0xe9: {  	[sflag:s8] =	ssyncset.done @!p1 $0x0  }
0xea: {  	s1 =	sadd.s32 @!p1 $0x80, s1;
	s4 =	simm.s32 @!p1 $0x17200;
	[sflag:s8] =	ssyncadd.s32 @!p1 $0xFFFFFC00  }
0xeb: {  	[tilespmem:s4], [sflag:$0x3] =	stream.linear.gather @!p1 [hbm4b:s1+s0], $0x400, $0x38;
	[tilespmem:$0x18E00] =	vst v63  }
0xec: {  	_ =	swait.ge @!p1 [sflag:s8], $0x400  }
0xed: {  	[sflag:s8] =	ssyncset.done @!p1 $0x0  }
0xee: {  	s0 =	simm.s32 @!p1 $0x12A80;
	s1 =	sadd.s32 $0x100, s30;
	[sflag:s8] =	ssyncadd.s32 @!p1 $0xFFFFFC00  }
0xef: {  	[spmem:s3] =	stream.indirect.scatter.add.f32 @!p1 [tilespmem:s4], [sflag:$0x3], $0x8, s0, s11, $0xb8;
	[tilespmem:$0x18E00] =	vst v63  }
0xf0: {  	p2 =	sgt.u32 s1, $0xC34FF;
	_ =	swait.ge @!p1 [sflag:s8], $0x400  }
0xf1: {  	s1 =	simm.s32 @!p2 $0x0;
	s0 =	sadd.s32 @!p2 s19, s24;
	[sflag:s8] =	ssyncset.done @!p1 $0x0  }
0xf2: {  	s4 =	simm.s32 @!p2 $0x17600;
	s0 =	sadd.s32 @!p2 $0x100, s0;
	[sflag:s8] =	ssyncadd.s32 @!p1 $0xFFFFFC00  }
0xf3: {  	[tilespmem:s4], [sflag:$0x3] =	stream.linear.gather @!p2 [hbm4b:s0+s1], $0x400, $0x38;
	[tilespmem:$0x18E00] =	vst v63  }
0xf4: {  	s0 =	simm.s32 @!p2 $0x3  }
0xf5: {  	_ =	swait.ge @!p2 [sflag:s0], $0x400  }
0xf6: {  	[sflag:s0] =	ssyncset.done @!p2 $0x0  }
0xf7: {  	s7 =	simm.s32 @!p2 $0x12B00;
	s1 =	simm.s32 @!p2 $0x80;
	[sflag:s0] =	ssyncadd.s32 @!p2 $0xFFFFFC00  }
0xf8: {  	[spmem:s3] =	stream.indirect.scatter.add.f32 @!p2 [tilespmem:s4], [sflag:$0x3], $0x8, s7, s1, $0xb8;
	[tilespmem:$0x18E00] =	vst v63  }
0xf9: {  	s4 =	sadd.s32 $0x180, s30;
	_ =	swait.ge @!p2 [sflag:s0], $0x400  }
0xfa: {  	p1 =	sgt.u32 s4, $0xC34FF;
	[sflag:s0] =	ssyncset.done @!p2 $0x0  }
0xfb: {  	[sflag:s0] =	ssyncadd.s32 @!p2 $0xFFFFFC00;
	s0 =	sadd.s32 @!p1 s19, s24  }
0xfc: {  	s1 =	simm.s32 @!p1 $0x0;
	s4 =	simm.s32 @!p1 $0x17A00;
	s0 =	sadd.s32 @!p1 $0x180, s0  }
0xfd: {  	[tilespmem:s4], [sflag:$0x3] =	stream.linear.gather @!p1 [hbm4b:s0+s1], $0x400, $0x38;
	[tilespmem:$0x18E00] =	vst v63  }
0xfe: {  	s0 =	simm.s32 @!p1 $0x3  }
0xff: {  	_ =	swait.ge @!p1 [sflag:s0], $0x400  }
0x100: {  	[sflag:s0] =	ssyncset.done @!p1 $0x0  }
0x101: {  	s7 =	simm.s32 @!p1 $0x12B80;
	s1 =	simm.s32 @!p1 $0x80;
	[sflag:s0] =	ssyncadd.s32 @!p1 $0xFFFFFC00  }
0x102: {  	[spmem:s3] =	stream.indirect.scatter.add.f32 @!p1 [tilespmem:s4], [sflag:$0x3], $0x8, s7, s1, $0xb8;
	[tilespmem:$0x18E00] =	vst v63  }
0x103: {  	s7 =	sadd.s32 $0x200, s30;
	_ =	swait.ge @!p1 [sflag:s0], $0x400  }
0x104: {  	p2 =	sgt.u32 s7, $0xC34FF;
	[sflag:s0] =	ssyncset.done @!p1 $0x0  }
0x105: {  	[sflag:s0] =	ssyncadd.s32 @!p1 $0xFFFFFC00;
	s0 =	sadd.s32 @!p2 s19, s24  }
0x106: {  	s1 =	simm.s32 @!p2 $0x0;
	s4 =	simm.s32 @!p2 $0x17E00;
	s0 =	sadd.s32 @!p2 $0x200, s0  }
0x107: {  	[tilespmem:s4], [sflag:$0x3] =	stream.linear.gather @!p2 [hbm4b:s0+s1], $0x400, $0x38;
	[tilespmem:$0x18E00] =	vst v63  }
0x108: {  	s0 =	simm.s32 @!p2 $0x3  }
0x109: {  	_ =	swait.ge @!p2 [sflag:s0], $0x400  }
0x10a: {  	[sflag:s0] =	ssyncset.done @!p2 $0x0  }
0x10b: {  	s7 =	simm.s32 @!p2 $0x12C00;
	s1 =	simm.s32 @!p2 $0x80;
	[sflag:s0] =	ssyncadd.s32 @!p2 $0xFFFFFC00  }
0x10c: {  	[spmem:s3] =	stream.indirect.scatter.add.f32 @!p2 [tilespmem:s4], [sflag:$0x3], $0x8, s7, s1, $0xb8;
	[tilespmem:$0x18E00] =	vst v63  }
0x10d: {  	s4 =	sadd.s32 $0x280, s30;
	_ =	swait.ge @!p2 [sflag:s0], $0x400  }
0x10e: {  	p1 =	sgt.u32 s4, $0xC34FF;
	[sflag:s0] =	ssyncset.done @!p2 $0x0  }
0x10f: {  	[sflag:s0] =	ssyncadd.s32 @!p2 $0xFFFFFC00;
	s0 =	sadd.s32 @!p1 s19, s24  }
0x110: {  	s1 =	simm.s32 @!p1 $0x0;
	s4 =	simm.s32 @!p1 $0x18200;
	s0 =	sadd.s32 @!p1 $0x280, s0  }
0x111: {  	[tilespmem:s4], [sflag:$0x3] =	stream.linear.gather @!p1 [hbm4b:s0+s1], $0x400, $0x38;
	[tilespmem:$0x18E00] =	vst v63  }
0x112: {  	s0 =	simm.s32 @!p1 $0x3  }
0x113: {  	_ =	swait.ge @!p1 [sflag:s0], $0x400  }
0x114: {  	[sflag:s0] =	ssyncset.done @!p1 $0x0  }
0x115: {  	s7 =	simm.s32 @!p1 $0x12C80;
	s1 =	simm.s32 @!p1 $0x80;
	[sflag:s0] =	ssyncadd.s32 @!p1 $0xFFFFFC00  }
0x116: {  	[spmem:s3] =	stream.indirect.scatter.add.f32 @!p1 [tilespmem:s4], [sflag:$0x3], $0x8, s7, s1, $0xb8;
	[tilespmem:$0x18E00] =	vst v63  }
0x117: {  	s7 =	sadd.s32 $0x300, s30;
	_ =	swait.ge @!p1 [sflag:s0], $0x400  }
0x118: {  	p2 =	sgt.u32 s7, $0xC34FF;
	[sflag:s0] =	ssyncset.done @!p1 $0x0  }
0x119: {  	[sflag:s0] =	ssyncadd.s32 @!p1 $0xFFFFFC00;
	s0 =	sadd.s32 @!p2 s19, s24  }
0x11a: {  	s1 =	simm.s32 @!p2 $0x0;
	s4 =	simm.s32 @!p2 $0x18600;
	s0 =	sadd.s32 @!p2 $0x300, s0  }
0x11b: {  	[tilespmem:s4], [sflag:$0x3] =	stream.linear.gather @!p2 [hbm4b:s0+s1], $0x400, $0x38;
	[tilespmem:$0x18E00] =	vst v63  }
0x11c: {  	s0 =	simm.s32 @!p2 $0x3  }
0x11d: {  	_ =	swait.ge @!p2 [sflag:s0], $0x400  }
0x11e: {  	[sflag:s0] =	ssyncset.done @!p2 $0x0  }
0x11f: {  	s7 =	simm.s32 @!p2 $0x12D00;
	s1 =	simm.s32 @!p2 $0x80;
	[sflag:s0] =	ssyncadd.s32 @!p2 $0xFFFFFC00  }
0x120: {  	[spmem:s3] =	stream.indirect.scatter.add.f32 @!p2 [tilespmem:s4], [sflag:$0x3], $0x8, s7, s1, $0xb8;
	[tilespmem:$0x18E00] =	vst v63  }
0x121: {  	s30 =	sadd.s32 $0x380, s30;
	_ =	swait.ge @!p2 [sflag:s0], $0x400  }
0x122: {  	p1 =	sgt.u32 s30, $0xC34FF;
	[sflag:s0] =	ssyncset.done @!p2 $0x0  }
0x123: {  	[sflag:s0] =	ssyncadd.s32 @!p2 $0xFFFFFC00;
	s0 =	sadd.s32 @!p1 s19, s24  }
0x124: {  	s1 =	simm.s32 @!p1 $0x0;
	s4 =	simm.s32 @!p1 $0x18A00;
	s0 =	sadd.s32 @!p1 $0x380, s0  }
0x125: {  	[tilespmem:s4], [sflag:$0x3] =	stream.linear.gather @!p1 [hbm4b:s0+s1], $0x400, $0x38;
	[tilespmem:$0x18E00] =	vst v63  }
0x126: {  	s0 =	simm.s32 @!p1 $0x3  }
0x127: {  	_ =	swait.ge @!p1 [sflag:s0], $0x400  }
0x128: {  	s7 =	simm.s32 @!p1 $0x12D80;
	[sflag:s0] =	ssyncset.done @!p1 $0x0  }
.Ltmp7:
0x129: {  	s1 =	simm.s32 @!p1 $0x80;
	[sflag:s0] =	ssyncadd.s32 @!p1 $0xFFFFFC00;
	(pc) =	sbr.rel .LBB2_8-.Ltmp7, $4  }
0x12a: {  	[spmem:s3] =	stream.indirect.scatter.add.f32 @!p1 [tilespmem:s4], [sflag:$0x3], $0x8, s7, s1, $0xb8;
	[tilespmem:$0x18E00] =	vst v63  }
0x12b: {  	_ =	swait.ge @!p1 [sflag:s0], $0x400  }
0x12c: {  	s11 =	simm.s32 $0x12780;
	[sflag:s0] =	ssyncset.done @!p1 $0x0  }
0x12d: {  	s8 =	simm.s32 $0x12700;
	s7 =	simm.s32 $0x12680;
	[sflag:s0] =	ssyncadd.s32 @!p1 $0xFFFFFC00  }
.LBB2_10:
0x12e: {  	_ =	sfence.sel $0x180000  }
0x12f: {  	[bflag:$0x0] =	sbarrier.arrive $0xFFFF  }
0x130: {  	_ =	strace $0x9000004D  }
0x131: {  	s0 =	stileid.u32;
	[bflag:$0x2] =	sbarrier.arrive $0xFFFF  }
0x132: {  	p0 =	sne.s32 s0, $0x0;
	s0 =	rddreg [dreg:$0x3]  }
0x133: {  	s0 =	sadd.s32 @!p0 $0x100000, s0  }
0x134: {  	[sflag:s0] =	ssyncadd.tile.s32 @!p0 $0x1;
	_ =	shalt  }
.Lfunc_end2:
_tile_overlayer_lowered:
.L_overlay_start_2:
0x135: {  	(tag) =	ssettag $0x2  }
0x136: {  	s0 =	rddreg [dreg:$0x0];
	s2 =	stileid.u32  }
0x137: {  	s1 =	rddreg [dreg:$0x1];
	p0 =	sne.s32 s2, $0x0  }
0x138: {  	s3 =	rddreg [dreg:$0x2];
	[bflag:$0x3] =	sbarrier.arrive $0xFFFF;
	s2 =	simm.s32 @!p0 $0x1C03  }
0x139: {  	[timem:s3], [sflag:s2] =	dma.local @!p0 [hbm:s0], s1  }
0x13a: {  	s0 =	simm.s32 @!p0 $0x3  }
0x13b: {  	_ =	swait.ge @!p0 [sflag:s0], s1  }
0x13c: {  	s1 =	ssub.s32 @!p0 $0x0, s1;
	[sflag:s0] =	ssyncset.done @!p0 $0x0  }
0x13d: {  	[sflag:s0] =	ssyncadd.s32 @!p0 s1  }
0x13e: {  	[bflag:$0x3] =	sbarrier.arrive $0xFFFF  }
0x13f: {  	_ =	shalt  }

// kernel: kernel.16.cloned.1.call-start
scs
__scs_entry_jumppad:
0x0: {  	(pc) =	sbr.rel $0x88, $3  }
0x1: {  	(tag) =	ssettag $0x0;
	lr =	simm.s32 $0x1  }
0x2: {  	[smem:$0x3F91] =	sst lr;
	_ =	strace $0xD0000000  }
0x3: {  	_ = 	snop  }
0x4: {  	_ = 	snop  }
0x5: {  	_ = 	snop  }
0x6: {  	_ = 	snop  }
0x7: {  	_ = 	snop  }
__scs_overlays_trampoline_lowered:
0x8: {  	[smem:$0x3FA0] =	sst s0  }
0x9: {  	[smem:$0x3FA1] =	sst s1  }
0xa: {  	[smem:$0x3FA2] =	sst s2  }
0xb: {  	[smem:$0x3FA3] =	sst s3  }
0xc: {  	[smem:$0x3FA4] =	sst s4  }
0xd: {  	[smem:$0x3FA5] =	sst s5  }
0xe: {  	[smem:$0x3FA6] =	sst s6  }
0xf: {  	[smem:$0x3FA7] =	sst s7  }
0x10: {  	[smem:$0x3FA8] =	sst s8  }
0x11: {  	[smem:$0x3FA9] =	sst s9;
	s0 =	simm.s32 @!p0 $0x0  }
0x12: {  	s1 =	sld [smem:$0x3F8F];
	s0 =	simm.s32 @p0 $0x1  }
0x13: {  	[smem:$0x3FAA] =	sst s0;
	s0 =	simm.s32 @!p1 $0x0  }
0x14: {  	s2 =	sld [smem:$0x3F8E];
	s0 =	simm.s32 @p1 $0x1  }
0x15: {  	[smem:$0x3FAB] =	sst s0;
	s0 =	simm.s32 @!p2 $0x0  }
0x16: {  	s3 =	sld [smem:$0x3FDB];
	s0 =	simm.s32 @p2 $0x1  }
0x17: {  	s4 =	simm.s32 $0x1BF5;
	[smem:$0x3FAD] =	sst s0  }
0x18: {  	s0 =	sld [smem:$0x3F90];
	_ =	swait.ge [sflag:s4], $0x0  }
0x19: {  	s7 =	sld [smem:$0x3F91]  }
0x1a: {  	s8 =	sadd.s32 $0xFFFFE003, lr  }
0x1b: {  	s9 =	sadd.s32 $0xFFFFFEF7, lr;
	s5 =	simm.s32 $0xFFFFFFFF;
	p2 =	slt.u32 s8, $0xFFFFF086  }
0x1c: {  	p1 =	slt.u32 s9, $0xF7A;
	s5 =	simm.s32 @!p2 $0x0  }
0x1d: {  	s5 =	simm.s32 @p1 $0x1;
	p0 =	seq.s32 s7, s2  }
0x1e: {  	s7 =	smul.u32 @!p0 $0xF7A, s2;
	p2 =	seq.s32 @!p0 s5, $0x0  }
0x1f: {  	s9 =	smul.u32 $0xF7A, s1;
	s8 =	simm.s32 @!p0 $0x1BF5;
	p2 =	por !p2, p0  }
0x20: {  	[sflag:s8] =	ssyncset.s32 @!p0 $0xFFFFF086;
	s6 =	sadd.s32 @!p0 s3, s7;
	s7 =	simm.s32 @!p0 $0x108  }
0x21: {  	s3 =	sadd.s32 s3, s9;
	s6 =	sadd.s32 @!p0 $0x88, s6;
	s7 =	simm.s32 @p2 $0x1082  }
0x22: {  	[simem:s7], [sflag:s8] =	dma.local @!p0 [hbm:s6], $0xF7A  }
0x23: {  	s9 =	sor.u32 $0xD0000000, s2;
	s6 =	simm.s32 $0x108;
	_ =	swait.ge @!p0 [sflag:s8], $0x0  }
0x24: {  	s3 =	sadd.s32 $0x88, s3;
	s6 =	simm.s32 @!p1 $0x1082;
	[sflag:s4] =	ssyncset.s32 $0xFFFFF086  }
0x25: {  	[simem:s6], [sflag:s4] =	dma.local [hbm:s3], $0xF7A  }
0x26: {  	[smem:$0x3F91] =	sst s1;
	(tag) =	ssettag s2;
	_ =	strace s9  }
0x27: {  	s1 =	sld [smem:$0x3FA1]  }
0x28: {  	s2 =	sld [smem:$0x3FA2]  }
0x29: {  	s4 =	sld [smem:$0x3FA4]  }
0x2a: {  	p0 =	seq.s32 s5, $0x0;
	s5 =	sld [smem:$0x3FA5]  }
0x2b: {  	s6 =	sld [smem:$0x3FA6]  }
0x2c: {  	s7 =	sld [smem:$0x3FA7]  }
0x2d: {  	s3 =	simm.s32 $0x108;
	s8 =	sld [smem:$0x3FA8]  }
0x2e: {  	s3 =	simm.s32 @!p0 $0x1082;
	s9 =	sld [smem:$0x3FA9]  }
0x2f: {  	lr =	sadd.s32 s0, s3;
	s0 =	sld [smem:$0x3FA0]  }
0x30: {  	s3 =	sld [smem:$0x3FA3]  }
0x31: {  	[smem:$0x3FAC] =	sst s10  }
0x32: {  	s10 =	sld [smem:$0x3FAA];
	_ =	sdelay $0x3  }
0x33: {  	p0 =	seq.s32 s10, $0x1;
	s10 =	sld [smem:$0x3FAC];
	_ =	sdelay $0x3  }
0x34: {  	[smem:$0x3FAC] =	sst s10  }
0x35: {  	s10 =	sld [smem:$0x3FAB];
	_ =	sdelay $0x3  }
0x36: {  	p1 =	seq.s32 s10, $0x1;
	s10 =	sld [smem:$0x3FAC];
	_ =	sdelay $0x3  }
0x37: {  	[smem:$0x3FAC] =	sst s10  }
0x38: {  	s10 =	sld [smem:$0x3FAD]  }
0x39: {  	_ = 	snop;
	(pc) =	sbr.ind lr, $3  }
0x3a: {  	_ = 	snop  }
0x3b: {  	_ = 	snop  }
0x3c: {  	p2 =	seq.s32 s10, $0x1;
	s10 =	sld [smem:$0x3FAC]  }
0x3d: {  	_ =	shalt  }
0x3e: {  	_ =	shalt  }
0x3f: {  	_ =	shalt  }
0x40: {  	_ =	shalt  }
0x41: {  	_ =	shalt  }
0x42: {  	_ =	shalt  }
0x43: {  	_ =	shalt  }
0x44: {  	_ =	shalt  }
0x45: {  	_ =	shalt  }
0x46: {  	_ =	shalt  }
0x47: {  	_ =	shalt  }
0x48: {  	_ =	shalt  }
0x49: {  	_ =	shalt  }
0x4a: {  	_ =	shalt  }
0x4b: {  	_ =	shalt  }
0x4c: {  	_ =	shalt  }
0x4d: {  	_ =	shalt  }
0x4e: {  	_ =	shalt  }
0x4f: {  	_ =	shalt  }
0x50: {  	_ =	shalt  }
0x51: {  	_ =	shalt  }
0x52: {  	_ =	shalt  }
0x53: {  	_ =	shalt  }
0x54: {  	_ =	shalt  }
0x55: {  	_ =	shalt  }
0x56: {  	_ =	shalt  }
0x57: {  	_ =	shalt  }
0x58: {  	_ =	shalt  }
0x59: {  	_ =	shalt  }
0x5a: {  	_ =	shalt  }
0x5b: {  	_ =	shalt  }
0x5c: {  	_ =	shalt  }
0x5d: {  	_ =	shalt  }
0x5e: {  	_ =	shalt  }
0x5f: {  	_ =	shalt  }
0x60: {  	_ =	shalt  }
0x61: {  	_ =	shalt  }
0x62: {  	_ =	shalt  }
0x63: {  	_ =	shalt  }
0x64: {  	_ =	shalt  }
0x65: {  	_ =	shalt  }
0x66: {  	_ =	shalt  }
0x67: {  	_ =	shalt  }
0x68: {  	_ =	shalt  }
0x69: {  	_ =	shalt  }
0x6a: {  	_ =	shalt  }
0x6b: {  	_ =	shalt  }
0x6c: {  	_ =	shalt  }
0x6d: {  	_ =	shalt  }
0x6e: {  	_ =	shalt  }
0x6f: {  	_ =	shalt  }
0x70: {  	_ =	shalt  }
0x71: {  	_ =	shalt  }
0x72: {  	_ =	shalt  }
0x73: {  	_ =	shalt  }
0x74: {  	_ =	shalt  }
0x75: {  	_ =	shalt  }
0x76: {  	_ =	shalt  }
0x77: {  	_ =	shalt  }
0x78: {  	_ =	shalt  }
0x79: {  	_ =	shalt  }
0x7a: {  	_ =	shalt  }
0x7b: {  	_ =	shalt  }
0x7c: {  	_ =	shalt  }
0x7d: {  	_ =	shalt  }
0x7e: {  	_ =	shalt  }
0x7f: {  	_ =	shalt  }
0x80: {  	_ =	shalt  }
0x81: {  	_ =	shalt  }
0x82: {  	_ =	shalt  }
0x83: {  	_ =	shalt  }
0x84: {  	_ =	shalt  }
0x85: {  	_ =	shalt  }
0x86: {  	_ =	shalt  }
0x87: {  	_ =	shalt  }
.Lfunc_end0:
.L_simem_size_0:
called_computation.2_lowered:
.L_overlay_start_0:
0x88: {  	s2 =	sld [smem:$0x3FD9]  }
0x89: {  	s3 =	sld [smem:$0x3FFE];
	_ =	sdelay $0x1  }
0x8a: {  	s1 =	srdreg.scid  }
0x8b: {  	s0 =	sand.u32 $0x1, s1  }
0x8c: {  	s17 =	sshll.u32 s0, $0xA;
	s2 =	sadd.s32 s3, s2  }
0x8d: {  	s2 =	sadd.s32 s2, s17  }
0x8e: {  	[smem:$0x3FB8] =	sst s2  }
0x8f: {  	_ = 	snop  }
0x90: {  	(tm) =	ssettm $0x1  }
0x91: {  	s18 =	sld [smem:$0x3FFB];
	_ =	sdelay $0x3  }
0x92: {  	_ =	strace s18  }
0x93: {  	s2 =	sld [smem:$0x3FFC];
	_ =	sdelay $0x3  }
0x94: {  	_ =	strace s2  }
0x95: {  	s2 =	sld [smem:$0x3FFD];
	_ =	sdelay $0x3  }
0x96: {  	_ =	strace s2  }
0x97: {  	_ =	strace $0x8FFFFFFF  }
0x98: {  	s19 =	sld [smem:$0x3FDB];
	_ =	sdelay $0x1  }
0x99: {  	s20 =	simm.s32 $_scs_section_size  }
0x9a: {  	s4 =	simm.s32 $_size__tile_overlayer_lowered;
	s5 =	simm.s32 $_tile_overlayer_lowered  }
0x9b: {  	s6 =	simm.s32 $0x1BFF;
	s21 =	sshll.u32 s5, $0x1;
	s3 =	sadd.s32 s20, s19  }
0x9c: {  	s22 =	simm.s32 $0x0;
	s4 =	sshll.u32 s4, $0x1;
	s5 =	sadd.s32 s21, s3  }
0x9d: {  	[timem:s22], [sflag:s6] =	dma.local [hbm:s5], s4  }
0x9e: {  	_ =	swait.ge [sflag:s6], s4  }
0x9f: {  	s4 =	ssub.s32 $0x0, s4;
	[sflag:s6] =	ssyncset.done $0x0  }
0xa0: {  	[sflag:s6] =	ssyncadd.s32 s4;
	_ =	sdelay $0x1  }
0xa1: {  	s23 =	simm.s32 $0x1B8B  }
0xa2: {  	_ =	swait.ge [sflag:s23], $0x1  }
0xa3: {  	[sflag:s23] =	ssyncset.done $0x0  }
0xa4: {  	[sflag:s23] =	ssyncadd.s32 $0xFFFFFFFF  }
0xa5: {  	s4 =	sld [smem:$0x0]  }
0xa6: {  	s5 =	sand.u32 $0xFFFFFFFE, s1  }
0xa7: {  	p0 =	sne.s32 s1, s5  }
0xa8: {  	s5 =	sshll.u32 @p0 s5, $0xE  }
0xa9: {  	s5 =	sadd.s32 @p0 $0x11B8D, s5;
	s6 =	sshll.u32 @p0 s4, $0x11  }
0xaa: {  	s5 =	sor.u32 @p0 s6, s5  }
0xab: {  	[sflag:s5] =	ssyncadd.remote.s32 @p0 $0x1;
	_ =	sdelay $0x1  }
0xac: {  	s5 =	simm.s32 @p0 $0x1B8D  }
0xad: {  	_ =	swait.eq @p0 [sflag:s5], $0x1  }
0xae: {  	[sflag:s5] =	ssyncadd.s32 @p0 $0xFFFFFFFF  }
0xaf: {  	s6 =	sshll.u32 @!p0 s1, $0xE  }
0xb0: {  	s6 =	sor.u32 @!p0 $0x4000, s6;
	s5 =	simm.s32 @!p0 $0x1B8D  }
0xb1: {  	s4 =	sshll.u32 @!p0 s4, $0x11;
	s6 =	sadd.s32 @!p0 $0x11B8D, s6;
	_ =	swait.eq @!p0 [sflag:s5], $0x1  }
0xb2: {  	s4 =	sor.u32 @!p0 s4, s6;
	[sflag:s5] =	ssyncadd.s32 @!p0 $0xFFFFFFFF  }
0xb3: {  	s25 =	simm.s32 $0x1B8E;
	s24 =	sld [smem:$0x3FFE];
	[sflag:s4] =	ssyncadd.remote.s32 @!p0 $0x1  }
0xb4: {  	s26 =	simm.s32 $execute0_lowered;
	[smem:$0x3FD2] =	sst s25  }
0xb5: {  	s5 =	sshll.u32 s26, $0x1;
	_ =	strace $0x80000049;
	[dreg:$0x1] =	wrdreg $0xFFFFFFFF  }
0xb6: {  	s28 =	simm.s32 $_size_execute0_lowered;
	s3 =	sadd.s32 s3, s5;
	[dreg:$0x0] =	wrdreg $0x0  }
0xb7: {  	s5 =	sshll.u32 s28, $0x1;
	[dreg:$0x2] =	wrdreg s3  }
0xb8: {  	[dreg:$0x3] =	wrdreg s5  }
0xb9: {  	[dreg:$0x4] =	wrdreg $0xC0  }
0xba: {  	_ =	task [dreg:s22], $0x5FFFF  }
0xbb: {  	[dreg:$0x1] =	wrdreg $0xFFFFFFFF  }
0xbc: {  	[dreg:$0x0] =	wrdreg $0x60  }
0xbd: {  	[dreg:$0x2] =	wrdreg s24  }
0xbe: {  	[dreg:$0x3] =	wrdreg $0x0  }
0xbf: {  	[dreg:$0x4] =	wrdreg $0x9  }
0xc0: {  	_ =	task.clear_ibuf [dreg:s22], $0x5FFFF;
	_ =	strace $0x90000049  }
0xc1: {  	s29 =	simm.s32 $0x9;
	_ =	strace $0x8000004B  }
0xc2: {  	_ =	swait.ge [sflag:s29], $0x1  }
0xc3: {  	[sflag:s29] =	ssyncadd.s32 $0xFFFFFFFF  }
0xc4: {  	_ =	strace $0x9000004B  }
0xc5: {  	_ =	sfence  }
0xc6: {  	s30 =	sld [smem:$0x0];
	_ =	sdelay $0x2  }
0xc7: {  	s31 =	sshll.u32 s1, $0xD;
	s1 =	sshrl.u32 s1, $0x2  }
0xc8: {  	s4 =	sand.u32 $0x4000, s31;
	s1 =	sadd.s32 s1, s30  }
0xc9: {  	s0 =	sor.u32 s4, s0;
	s1 =	sshll.u32 s1, $0x11  }
0xca: {  	s0 =	sor.u32 s1, s0  }
0xcb: {  	s0 =	sadd.s32 $0x8F2B, s0  }
0xcc: {  	[sflag:s0] =	ssyncadd.remote.s32 $0x1  }
0xcd: {  	_ =	sfence.sel $0xFFFF  }
0xce: {  	[dreg:$0x0] =	wrdreg $0xFFFFFFFF;
	(pc) =	sbr.abs _section_cstart, $3  }
0xcf: {  	[dreg:$0x1] =	wrdreg $0xFFFFFFFF  }
0xd0: {  	_ =	task.clear_ibuf [dreg:s22], $0x2FFFF;
	_ =	strace $0x9FFFFFFF  }
0xd1: {  	(tm) =	ssettm $0x7FFFFFFF  }
tec
execute0_lowered:
.L_overlay_start_1:
0x0: {  	(tag) =	ssettag $0x1  }
0x1: {  	s0 =	rddreg [dreg:$0x0];
	s1 =	srdreg.scid  }
0x2: {  	s9 =	stileid.u32;
	s2 =	rddreg [dreg:$0x1]  }
0x3: {  	s3 =	simm.s32 $0x0;
	s15 =	simm.s32 $0xCC00;
	s5 =	smul.u32 $0xC400, s9  }
0x4: {  	s16 =	simm.s32 $0x3;
	s17 =	simm.s32 $0xC400;
	s7 =	smul.u32 $0xC35, s9  }
0x5: {  	s18 =	simm.s32 $0xC800;
	s28 =	simm.s32 $0xC680;
	s19 =	smul.u32 $0x1880, s9  }
0x6: {  	s29 =	simm.s32 $0xF400;
	s30 =	simm.s32 $0xC700;
	s20 =	smul.u32 $0x31000, s9  }
0x7: {  	s31 =	simm.s32 $0xFC00;
	s1 =	sand.u32 $0x1, s1;
	s9 =	smul.u32 $0x30D40, s9  }
0x8: {  	[smem:$0x7FF] =	sst s3;
	s4 =	sadd.s32 $0x4C00, s0;
	s6 =	smul.u32 $0xC4000, s1  }
0x9: {  	_ =	strace $0x8000004A;
	s8 =	smul.u32 $0xC350, s1;
	s1 =	ssub.s32 $0x2, s1  }
0xa: {  	s21 =	sshrl.u32 s1, $0x1;
	s23 =	sshrl.u32 s9, $0x2;
	s9 =	simm.s32 $0x0  }
0xb: {  	s5 =	sadd.s32 s5, s6;
	s7 =	sadd.s32 s7, s8;
	s6 =	sadd.s32 s19, s0  }
0xc: {  	s8 =	sshrl.u32 s20, $0x2;
	s1 =	ssub.s32 s1, s21;
	s25 =	sadd.s32 s23, s2  }
0xd: {  	s20 =	simm.s32 $0xC480;
	s21 =	simm.s32 $0xC500;
	[dreg:$0xd] =	wrdreg s25  }
0xe: {  	s19 =	simm.s32 $0x80;
	s23 =	simm.s32 $0xC600;
	[dreg:$0x5] =	wrdreg s20  }
0xf: {  	s5 =	sshrl.u32 s5, $0x3;
	s7 =	sshll.u32 s7, $0x1;
	[dreg:$0x6] =	wrdreg s21  }
0x10: {  	s8 =	sadd.s32 s8, s2;
	s10 =	sadd.s32 $0x4000, s25;
	[dreg:$0x8] =	wrdreg s23  }
0x11: {  	s12 =	sadd.s32 $0x8000, s25;
	s6 =	sadd.s32 $0x71800, s6;
	[dreg:$0x9] =	wrdreg s8  }
0x12: {  	s14 =	sadd.s32 $0xC000, s25;
	s1 =	smax.u32 s1, $0x1;
	[dreg:$0x3] =	wrdreg s6  }
0x13: {  	s20 =	simm.s32 $0xD400;
	s22 =	sadd.s32 $0x4000, s8;
	[dreg:$0x12] =	wrdreg s1  }
0x14: {  	s21 =	simm.s32 $0xDC00;
	s24 =	sadd.s32 $0x8000, s8;
	[dreg:$0xa] =	wrdreg s22  }
0x15: {  	s5 =	sadd.s32 s5, s0;
	s8 =	sadd.s32 $0xC000, s8;
	[dreg:$0xb] =	wrdreg s24  }
0x16: {  	s0 =	sadd.s32 s7, s0;
	s25 =	sshrl.u32 s12, $0x3;
	[dreg:$0xc] =	wrdreg s8  }
0x17: {  	s23 =	simm.s32 $0x2;
	s26 =	sadd.s32 $0xEC000, s0;
	[dreg:$0x14] =	wrdreg s25  }
0x18: {  	s1 =	simm.s32 $0xC780;
	s8 =	sadd.s32 $0xEC800, s0;
	[dreg:$0xe] =	wrdreg s26  }
0x19: {  	s6 =	simm.s32 $0x1;
	s11 =	sadd.s32 $0xED000, s0;
	[dreg:$0xf] =	wrdreg s8  }
0x1a: {  	s7 =	simm.s32 $0xC880;
	s0 =	sadd.s32 $0xED800, s0;
	[dreg:$0x10] =	wrdreg s11  }
0x1b: {  	s12 =	simm.s32 $0xCA80;
	s13 =	sadd.s32 $0x8A000, s5;
	[dreg:$0x11] =	wrdreg s0  }
0x1c: {  	s22 =	simm.s32 $0xC580;
	s24 =	sshrl.u32 s10, $0x3;
	[dreg:$0x4] =	wrdreg s13  }
0x1d: {  	s10 =	simm.s32 $0xC980;
	[dreg:$0x7] =	wrdreg s22;
	s22 =	simm.s32 $0xE400  }
0x1e: {  	[dreg:$0x13] =	wrdreg s24;
	s26 =	sshrl.u32 s14, $0x3;
	s0 =	simm.s32 $0x10400  }
0x1f: {  	s8 =	simm.s32 $0xC900;
	s11 =	simm.s32 $0xCA00;
	s13 =	simm.s32 $0xCB00  }
0x20: {  	v0 =	vimm.f32 $0.0e+00;
	s14 =	simm.s32 $0xCB80;
	[dreg:$0x15] =	wrdreg s26;
	s26 =	simm.s32 $0xEC00  }
.LBB2_1:
0x21: {  	[dreg:$0x16] =	wrdreg s9;
	s5 =	simm.s32 $0x40;
	s9 =	simm.s32 $0x0  }
.LBB2_2:
0x22: {  	p0 =	sne.s32 s5, $0xFFC0;
	[tilespmem:s9+$0xCC00] =	vst v0;
	s9 =	smov.u32 s5;
	s5 =	sadd.s32 $0x40, s5  }
.Ltmp0:
0x23: {  	(pc) =	sbr.rel @p0 .LBB2_2-.Ltmp0, $2  }
0x24: {  	_ =	sdelay $0x2  }
0x25: {  	s9 =	sshra.s32 s9, $0x2  }
0x26: {  	[tilespmem:s9+$0xCC00] =	vst v0;
	s5 =	rddreg [dreg:$0x9]  }
0x27: {  	[spmem:s5] =	stream.linear.scatter [tilespmem:s15], [sflag:$0x3], $0x4000, $0x38;
	[tilespmem:$0x10C00] =	vst v63  }
0x28: {  	_ =	swait.ge [sflag:s16], $0x4000  }
0x29: {  	[sflag:s16] =	ssyncset.done $0x0  }
0x2a: {  	s25 =	rddreg [dreg:$0xa];
	[sflag:s16] =	ssyncadd.s32 $0xFFFFC000  }
0x2b: {  	[spmem:s25] =	stream.linear.scatter [tilespmem:s15], [sflag:$0x3], $0x4000, $0x38;
	[tilespmem:$0x10C00] =	vst v63  }
0x2c: {  	_ =	swait.ge [sflag:s16], $0x4000  }
0x2d: {  	[sflag:s16] =	ssyncset.done $0x0  }
0x2e: {  	s9 =	rddreg [dreg:$0xb];
	[sflag:s16] =	ssyncadd.s32 $0xFFFFC000  }
0x2f: {  	[spmem:s9] =	stream.linear.scatter [tilespmem:s15], [sflag:$0x3], $0x4000, $0x38;
	[tilespmem:$0x10C00] =	vst v63  }
0x30: {  	_ =	swait.ge [sflag:s16], $0x4000  }
0x31: {  	[sflag:s16] =	ssyncset.done $0x0  }
0x32: {  	s24 =	rddreg [dreg:$0xc];
	[sflag:s16] =	ssyncadd.s32 $0xFFFFC000  }
0x33: {  	[spmem:s24] =	stream.linear.scatter [tilespmem:s15], [sflag:$0x3], $0x400, $0x38;
	[tilespmem:$0x10C00] =	vst v63  }
0x34: {  	_ =	swait.ge [sflag:s16], $0x400  }
0x35: {  	[sflag:s16] =	ssyncset.done $0x0  }
0x36: {  	[sflag:s16] =	ssyncadd.s32 $0xFFFFFC00  }
0x37: {  	[bflag:$0x0] =	sbarrier.arrive $0xFFFF  }
0x38: {  	s25 =	rddreg [dreg:$0x4]  }
0x39: {  	s5 =	sadd.s32 $0x0, s25  }
0x3a: {  	[tilespmem:s17], [sflag:$0x3] =	stream.linear.gather [hbm4b:s5+s3], $0x400, $0x38;
	[tilespmem:$0x10C00] =	vst v63  }
0x3b: {  	_ =	swait.ge [sflag:s16], $0x400  }
0x3c: {  	s9 =	rddreg [dreg:$0x3];
	[sflag:s16] =	ssyncset.done $0x0  }
0x3d: {  	[sflag:s16] =	ssyncadd.s32 $0xFFFFFC00;
	s5 =	sadd.s32 $0x0, s9  }
0x3e: {  	[tilespmem:s18], [sflag:$0x3] =	stream.linear.gather [hbm4b:s5+s3], $0x400, $0x38;
	[tilespmem:$0x10C00] =	vst v63  }
0x3f: {  	_ =	swait.ge [sflag:s16], $0x400  }
0x40: {  	[sflag:s16] =	ssyncset.done $0x0  }
0x41: {  	[sflag:s16] =	ssyncadd.s32 $0xFFFFFC00  }
0x42: {  	[tilespmem:s15], [sflag:$0x1] =	stream.indirect.gather [hbm4b:s4+s19], $0x10, s17, s19, $0xb8;
	[tilespmem:$0x10C00] =	vst v63  }
0x43: {  	s24 =	rddreg [dreg:$0x5]  }
0x44: {  	[tilespmem:s20], [sflag:$0x1] =	stream.indirect.gather [hbm4b:s4+s19], $0x10, s24, s19, $0xb8;
	[tilespmem:$0x10C00] =	vst v63  }
0x45: {  	s25 =	rddreg [dreg:$0x6]  }
0x46: {  	[tilespmem:s21], [sflag:$0x1] =	stream.indirect.gather [hbm4b:s4+s19], $0x10, s25, s19, $0xb8;
	[tilespmem:$0x10C00] =	vst v63  }
0x47: {  	s24 =	rddreg [dreg:$0x7]  }
0x48: {  	[tilespmem:s22], [sflag:$0x1] =	stream.indirect.gather [hbm4b:s4+s19], $0x10, s24, s19, $0xb8;
	[tilespmem:$0x10C00] =	vst v63  }
0x49: {  	s25 =	rddreg [dreg:$0x8]  }
0x4a: {  	[tilespmem:s26], [sflag:$0x1] =	stream.indirect.gather [hbm4b:s4+s19], $0x10, s25, s19, $0xb8;
	[tilespmem:$0x10C00] =	vst v63  }
0x4b: {  	_ = 	snop  }
0x4c: {  	[tilespmem:s29], [sflag:$0x1] =	stream.indirect.gather [hbm4b:s4+s19], $0x10, s28, s19, $0xb8;
	[tilespmem:$0x10C00] =	vst v63  }
0x4d: {  	_ = 	snop  }
0x4e: {  	[tilespmem:s31], [sflag:$0x1] =	stream.indirect.gather [hbm4b:s4+s19], $0x10, s30, s19, $0xb8;
	[tilespmem:$0x10C00] =	vst v63  }
0x4f: {  	_ = 	snop  }
0x50: {  	[tilespmem:s0], [sflag:$0x1] =	stream.indirect.gather [hbm4b:s4+s19], $0x10, s1, s19, $0xb8;
	[tilespmem:$0x10C00] =	vst v63  }
0x51: {  	_ =	swait.ge [sflag:s6], $0x800  }
0x52: {  	[sflag:s6] =	ssyncset.done $0x0  }
0x53: {  	[sflag:s6] =	ssyncadd.s32 $0xFFFFF800  }
0x54: {  	[spmem:s2] =	stream.indirect.scatter.add.f32 [tilespmem:s15], [sflag:$0x2], $0x10, s18, s19, $0xb8;
	[tilespmem:$0x10C00] =	vst v63  }
0x55: {  	_ =	swait.ge [sflag:s6], $0x800  }
0x56: {  	[sflag:s6] =	ssyncset.done $0x0  }
0x57: {  	[sflag:s6] =	ssyncadd.s32 $0xFFFFF800  }
0x58: {  	[spmem:s2] =	stream.indirect.scatter.add.f32 [tilespmem:s20], [sflag:$0x2], $0x10, s7, s19, $0xb8;
	[tilespmem:$0x10C00] =	vst v63  }
0x59: {  	_ =	swait.ge [sflag:s6], $0x800  }
0x5a: {  	[sflag:s6] =	ssyncset.done $0x0  }
0x5b: {  	[sflag:s6] =	ssyncadd.s32 $0xFFFFF800  }
0x5c: {  	[spmem:s2] =	stream.indirect.scatter.add.f32 [tilespmem:s21], [sflag:$0x2], $0x10, s8, s19, $0xb8;
	[tilespmem:$0x10C00] =	vst v63  }
0x5d: {  	_ =	swait.ge [sflag:s6], $0x800  }
0x5e: {  	[sflag:s6] =	ssyncset.done $0x0  }
0x5f: {  	[sflag:s6] =	ssyncadd.s32 $0xFFFFF800  }
0x60: {  	[spmem:s2] =	stream.indirect.scatter.add.f32 [tilespmem:s22], [sflag:$0x2], $0x10, s10, s19, $0xb8;
	[tilespmem:$0x10C00] =	vst v63  }
0x61: {  	_ =	swait.ge [sflag:s6], $0x800  }
0x62: {  	[sflag:s6] =	ssyncset.done $0x0  }
0x63: {  	[sflag:s6] =	ssyncadd.s32 $0xFFFFF800  }
0x64: {  	[spmem:s2] =	stream.indirect.scatter.add.f32 [tilespmem:s26], [sflag:$0x2], $0x10, s11, s19, $0xb8;
	[tilespmem:$0x10C00] =	vst v63  }
0x65: {  	_ =	swait.ge [sflag:s6], $0x800  }
0x66: {  	[sflag:s6] =	ssyncset.done $0x0  }
0x67: {  	[sflag:s6] =	ssyncadd.s32 $0xFFFFF800  }
0x68: {  	[spmem:s2] =	stream.indirect.scatter.add.f32 [tilespmem:s29], [sflag:$0x2], $0x10, s12, s19, $0xb8;
	[tilespmem:$0x10C00] =	vst v63  }
0x69: {  	_ =	swait.ge [sflag:s6], $0x800  }
0x6a: {  	[sflag:s6] =	ssyncset.done $0x0  }
0x6b: {  	[sflag:s6] =	ssyncadd.s32 $0xFFFFF800  }
0x6c: {  	[spmem:s2] =	stream.indirect.scatter.add.f32 [tilespmem:s31], [sflag:$0x2], $0x10, s13, s19, $0xb8;
	[tilespmem:$0x10C00] =	vst v63  }
0x6d: {  	_ =	swait.ge [sflag:s6], $0x800  }
0x6e: {  	[sflag:s6] =	ssyncset.done $0x0  }
0x6f: {  	[sflag:s6] =	ssyncadd.s32 $0xFFFFF800  }
0x70: {  	[spmem:s2] =	stream.indirect.scatter.add.f32 [tilespmem:s0], [sflag:$0x2], $0x10, s14, s19, $0xb8;
	[tilespmem:$0x10C00] =	vst v63  }
0x71: {  	_ =	swait.ge [sflag:s23], $0x800  }
0x72: {  	[sflag:s23] =	ssyncset.done $0x0  }
0x73: {  	[sflag:s23] =	ssyncadd.s32 $0xFFFFF800  }
0x74: {  	_ =	swait.ge [sflag:s23], $0x800  }
0x75: {  	[sflag:s23] =	ssyncset.done $0x0  }
0x76: {  	[sflag:s23] =	ssyncadd.s32 $0xFFFFF800  }
0x77: {  	_ =	swait.ge [sflag:s23], $0x800  }
0x78: {  	[sflag:s23] =	ssyncset.done $0x0  }
0x79: {  	[sflag:s23] =	ssyncadd.s32 $0xFFFFF800  }
0x7a: {  	_ =	swait.ge [sflag:s23], $0x800  }
0x7b: {  	[sflag:s23] =	ssyncset.done $0x0  }
0x7c: {  	[sflag:s23] =	ssyncadd.s32 $0xFFFFF800  }
0x7d: {  	_ =	swait.ge [sflag:s23], $0x800  }
0x7e: {  	[sflag:s23] =	ssyncset.done $0x0  }
0x7f: {  	[sflag:s23] =	ssyncadd.s32 $0xFFFFF800  }
0x80: {  	_ =	swait.ge [sflag:s23], $0x800  }
0x81: {  	[sflag:s23] =	ssyncset.done $0x0  }
0x82: {  	[sflag:s23] =	ssyncadd.s32 $0xFFFFF800  }
0x83: {  	_ =	swait.ge [sflag:s23], $0x800  }
0x84: {  	[sflag:s23] =	ssyncset.done $0x0  }
0x85: {  	[sflag:s23] =	ssyncadd.s32 $0xFFFFF800  }
0x86: {  	s5 =	simm.s32 $0x100;
	_ =	swait.ge [sflag:s23], $0x800  }
0x87: {  	s25 =	simm.s32 $0x80;
	s9 =	rddreg [dreg:$0x4];
	[sflag:s23] =	ssyncset.done $0x0  }
.LBB2_4:
0x88: {  	[sflag:s23] =	ssyncadd.s32 $0xFFFFF800;
	s9 =	sadd.s32 s25, s9  }
0x89: {  	[tilespmem:s17], [sflag:$0x3] =	stream.linear.gather [hbm4b:s9+s3], $0x400, $0x38;
	[tilespmem:$0x10C00] =	vst v63  }
0x8a: {  	_ =	swait.ge [sflag:s16], $0x400  }
0x8b: {  	s9 =	rddreg [dreg:$0x3];
	[sflag:s16] =	ssyncset.done $0x0  }
0x8c: {  	[sflag:s16] =	ssyncadd.s32 $0xFFFFFC00;
	s9 =	sadd.s32 s25, s9  }
0x8d: {  	[tilespmem:s18], [sflag:$0x3] =	stream.linear.gather [hbm4b:s9+s3], $0x400, $0x38;
	[tilespmem:$0x10C00] =	vst v63  }
0x8e: {  	_ =	swait.ge [sflag:s16], $0x400  }
0x8f: {  	[sflag:s16] =	ssyncset.done $0x0  }
0x90: {  	[sflag:s16] =	ssyncadd.s32 $0xFFFFFC00  }
0x91: {  	[tilespmem:s15], [sflag:$0x1] =	stream.indirect.gather [hbm4b:s4+s19], $0x10, s17, s19, $0xb8;
	[tilespmem:$0x10C00] =	vst v63  }
0x92: {  	s24 =	smov.u32 s5;
	s9 =	rddreg [dreg:$0x5]  }
0x93: {  	[tilespmem:s20], [sflag:$0x1] =	stream.indirect.gather [hbm4b:s4+s19], $0x10, s9, s19, $0xb8;
	[tilespmem:$0x10C00] =	vst v63  }
0x94: {  	s25 =	smov.u32 s24;
	s24 =	rddreg [dreg:$0x6]  }
0x95: {  	[tilespmem:s21], [sflag:$0x1] =	stream.indirect.gather [hbm4b:s4+s19], $0x10, s24, s19, $0xb8;
	[tilespmem:$0x10C00] =	vst v63  }
0x96: {  	s9 =	rddreg [dreg:$0x7]  }
0x97: {  	[tilespmem:s22], [sflag:$0x1] =	stream.indirect.gather [hbm4b:s4+s19], $0x10, s9, s19, $0xb8;
	[tilespmem:$0x10C00] =	vst v63  }
0x98: {  	s24 =	rddreg [dreg:$0x8]  }
0x99: {  	[tilespmem:s26], [sflag:$0x1] =	stream.indirect.gather [hbm4b:s4+s19], $0x10, s24, s19, $0xb8;
	[tilespmem:$0x10C00] =	vst v63  }
0x9a: {  	_ = 	snop  }
0x9b: {  	[tilespmem:s29], [sflag:$0x1] =	stream.indirect.gather [hbm4b:s4+s19], $0x10, s28, s19, $0xb8;
	[tilespmem:$0x10C00] =	vst v63  }
0x9c: {  	_ = 	snop  }
0x9d: {  	[tilespmem:s31], [sflag:$0x1] =	stream.indirect.gather [hbm4b:s4+s19], $0x10, s30, s19, $0xb8;
	[tilespmem:$0x10C00] =	vst v63  }
0x9e: {  	_ = 	snop  }
0x9f: {  	[tilespmem:s0], [sflag:$0x1] =	stream.indirect.gather [hbm4b:s4+s19], $0x10, s1, s19, $0xb8;
	[tilespmem:$0x10C00] =	vst v63  }
0xa0: {  	_ =	swait.ge [sflag:s6], $0x800  }
0xa1: {  	[sflag:s6] =	ssyncset.done $0x0  }
0xa2: {  	[sflag:s6] =	ssyncadd.s32 $0xFFFFF800  }
0xa3: {  	[spmem:s2] =	stream.indirect.scatter.add.f32 [tilespmem:s15], [sflag:$0x2], $0x10, s18, s19, $0xb8;
	[tilespmem:$0x10C00] =	vst v63  }
0xa4: {  	_ =	swait.ge [sflag:s6], $0x800  }
0xa5: {  	[sflag:s6] =	ssyncset.done $0x0  }
0xa6: {  	[sflag:s6] =	ssyncadd.s32 $0xFFFFF800  }
0xa7: {  	[spmem:s2] =	stream.indirect.scatter.add.f32 [tilespmem:s20], [sflag:$0x2], $0x10, s7, s19, $0xb8;
	[tilespmem:$0x10C00] =	vst v63  }
0xa8: {  	_ =	swait.ge [sflag:s6], $0x800  }
0xa9: {  	[sflag:s6] =	ssyncset.done $0x0  }
0xaa: {  	[sflag:s6] =	ssyncadd.s32 $0xFFFFF800  }
0xab: {  	[spmem:s2] =	stream.indirect.scatter.add.f32 [tilespmem:s21], [sflag:$0x2], $0x10, s8, s19, $0xb8;
	[tilespmem:$0x10C00] =	vst v63  }
0xac: {  	_ =	swait.ge [sflag:s6], $0x800  }
0xad: {  	[sflag:s6] =	ssyncset.done $0x0  }
0xae: {  	[sflag:s6] =	ssyncadd.s32 $0xFFFFF800  }
0xaf: {  	[spmem:s2] =	stream.indirect.scatter.add.f32 [tilespmem:s22], [sflag:$0x2], $0x10, s10, s19, $0xb8;
	[tilespmem:$0x10C00] =	vst v63  }
0xb0: {  	_ =	swait.ge [sflag:s6], $0x800  }
0xb1: {  	[sflag:s6] =	ssyncset.done $0x0  }
0xb2: {  	[sflag:s6] =	ssyncadd.s32 $0xFFFFF800  }
0xb3: {  	[spmem:s2] =	stream.indirect.scatter.add.f32 [tilespmem:s26], [sflag:$0x2], $0x10, s11, s19, $0xb8;
	[tilespmem:$0x10C00] =	vst v63  }
0xb4: {  	_ =	swait.ge [sflag:s6], $0x800  }
0xb5: {  	[sflag:s6] =	ssyncset.done $0x0  }
0xb6: {  	[sflag:s6] =	ssyncadd.s32 $0xFFFFF800  }
0xb7: {  	[spmem:s2] =	stream.indirect.scatter.add.f32 [tilespmem:s29], [sflag:$0x2], $0x10, s12, s19, $0xb8;
	[tilespmem:$0x10C00] =	vst v63  }
0xb8: {  	_ =	swait.ge [sflag:s6], $0x800  }
0xb9: {  	[sflag:s6] =	ssyncset.done $0x0  }
0xba: {  	[sflag:s6] =	ssyncadd.s32 $0xFFFFF800  }
0xbb: {  	[spmem:s2] =	stream.indirect.scatter.add.f32 [tilespmem:s31], [sflag:$0x2], $0x10, s13, s19, $0xb8;
	[tilespmem:$0x10C00] =	vst v63  }
0xbc: {  	_ =	swait.ge [sflag:s6], $0x800  }
0xbd: {  	[sflag:s6] =	ssyncset.done $0x0  }
0xbe: {  	[sflag:s6] =	ssyncadd.s32 $0xFFFFF800  }
0xbf: {  	[spmem:s2] =	stream.indirect.scatter.add.f32 [tilespmem:s0], [sflag:$0x2], $0x10, s14, s19, $0xb8;
	[tilespmem:$0x10C00] =	vst v63  }
0xc0: {  	_ =	swait.ge [sflag:s23], $0x800  }
0xc1: {  	[sflag:s23] =	ssyncset.done $0x0  }
0xc2: {  	[sflag:s23] =	ssyncadd.s32 $0xFFFFF800  }
0xc3: {  	_ =	swait.ge [sflag:s23], $0x800  }
0xc4: {  	[sflag:s23] =	ssyncset.done $0x0  }
0xc5: {  	[sflag:s23] =	ssyncadd.s32 $0xFFFFF800  }
0xc6: {  	_ =	swait.ge [sflag:s23], $0x800  }
0xc7: {  	[sflag:s23] =	ssyncset.done $0x0  }
0xc8: {  	[sflag:s23] =	ssyncadd.s32 $0xFFFFF800  }
0xc9: {  	_ =	swait.ge [sflag:s23], $0x800  }
0xca: {  	[sflag:s23] =	ssyncset.done $0x0  }
0xcb: {  	[sflag:s23] =	ssyncadd.s32 $0xFFFFF800  }
0xcc: {  	_ =	swait.ge [sflag:s23], $0x800  }
0xcd: {  	[sflag:s23] =	ssyncset.done $0x0  }
0xce: {  	[sflag:s23] =	ssyncadd.s32 $0xFFFFF800  }
0xcf: {  	_ =	swait.ge [sflag:s23], $0x800  }
0xd0: {  	[sflag:s23] =	ssyncset.done $0x0  }
0xd1: {  	p0 =	sne.s32 s5, $0x1800;
	[sflag:s23] =	ssyncadd.s32 $0xFFFFF800  }
.Ltmp1:
0xd2: {  	_ =	swait.ge [sflag:s23], $0x800;
	(pc) =	sbr.rel @p0 .LBB2_4-.Ltmp1, $4  }
0xd3: {  	[sflag:s23] =	ssyncset.done $0x0  }
0xd4: {  	[sflag:s23] =	ssyncadd.s32 $0xFFFFF800  }
0xd5: {  	_ =	swait.ge [sflag:s23], $0x800  }
0xd6: {  	s5 =	sadd.s32 $0x80, s5;
	s9 =	rddreg [dreg:$0x4];
	[sflag:s23] =	ssyncset.done $0x0  }
0xd7: {  	[sflag:s23] =	ssyncadd.s32 $0xFFFFF800;
	s5 =	sadd.s32 s25, s9  }
0xd8: {  	[tilespmem:s17], [sflag:$0x3] =	stream.linear.gather [hbm4b:s5+s3], $0x400, $0x38;
	[tilespmem:$0x10C00] =	vst v63  }
0xd9: {  	_ =	swait.ge [sflag:s16], $0x400  }
0xda: {  	s9 =	rddreg [dreg:$0x3];
	[sflag:s16] =	ssyncset.done $0x0  }
0xdb: {  	[sflag:s16] =	ssyncadd.s32 $0xFFFFFC00;
	s5 =	sadd.s32 s25, s9  }
0xdc: {  	[tilespmem:s18], [sflag:$0x3] =	stream.linear.gather [hbm4b:s5+s3], $0x400, $0x38;
	[tilespmem:$0x10C00] =	vst v63  }
0xdd: {  	_ =	swait.ge [sflag:s16], $0x400  }
0xde: {  	[sflag:s16] =	ssyncset.done $0x0  }
0xdf: {  	[sflag:s16] =	ssyncadd.s32 $0xFFFFFC00  }
0xe0: {  	[tilespmem:s15], [sflag:$0x1] =	stream.indirect.gather [hbm4b:s4+s19], $0x10, s17, s19, $0xb8;
	[tilespmem:$0x10C00] =	vst v63  }
0xe1: {  	s24 =	rddreg [dreg:$0x5]  }
0xe2: {  	[tilespmem:s20], [sflag:$0x1] =	stream.indirect.gather [hbm4b:s4+s19], $0x10, s24, s19, $0xb8;
	[tilespmem:$0x10C00] =	vst v63  }
0xe3: {  	s25 =	rddreg [dreg:$0x6]  }
0xe4: {  	[tilespmem:s21], [sflag:$0x1] =	stream.indirect.gather [hbm4b:s4+s19], $0x10, s25, s19, $0xb8;
	[tilespmem:$0x10C00] =	vst v63  }
0xe5: {  	s24 =	rddreg [dreg:$0x7]  }
0xe6: {  	[tilespmem:s22], [sflag:$0x1] =	stream.indirect.gather [hbm4b:s4+s19], $0x10, s24, s19, $0xb8;
	[tilespmem:$0x10C00] =	vst v63  }
0xe7: {  	s25 =	rddreg [dreg:$0x8]  }
0xe8: {  	[tilespmem:s26], [sflag:$0x1] =	stream.indirect.gather [hbm4b:s4+s19], $0x10, s25, s19, $0xb8;
	[tilespmem:$0x10C00] =	vst v63  }
0xe9: {  	_ = 	snop  }
0xea: {  	[tilespmem:s29], [sflag:$0x1] =	stream.indirect.gather [hbm4b:s4+s19], $0x10, s28, s19, $0xb8;
	[tilespmem:$0x10C00] =	vst v63  }
0xeb: {  	_ = 	snop  }
0xec: {  	[tilespmem:s31], [sflag:$0x1] =	stream.indirect.gather [hbm4b:s4+s19], $0x10, s30, s19, $0xb8;
	[tilespmem:$0x10C00] =	vst v63  }
0xed: {  	_ = 	snop  }
0xee: {  	[tilespmem:s0], [sflag:$0x1] =	stream.indirect.gather [hbm4b:s4+s19], $0x10, s1, s19, $0xb8;
	[tilespmem:$0x10C00] =	vst v63  }
0xef: {  	_ =	swait.ge [sflag:s6], $0x800  }
0xf0: {  	[sflag:s6] =	ssyncset.done $0x0  }
0xf1: {  	[sflag:s6] =	ssyncadd.s32 $0xFFFFF800  }
0xf2: {  	[spmem:s2] =	stream.indirect.scatter.add.f32 [tilespmem:s15], [sflag:$0x2], $0x10, s18, s19, $0xb8;
	[tilespmem:$0x10C00] =	vst v63  }
0xf3: {  	_ =	swait.ge [sflag:s6], $0x800  }
0xf4: {  	[sflag:s6] =	ssyncset.done $0x0  }
0xf5: {  	[sflag:s6] =	ssyncadd.s32 $0xFFFFF800  }
0xf6: {  	[spmem:s2] =	stream.indirect.scatter.add.f32 [tilespmem:s20], [sflag:$0x2], $0x10, s7, s19, $0xb8;
	[tilespmem:$0x10C00] =	vst v63  }
0xf7: {  	_ =	swait.ge [sflag:s6], $0x800  }
0xf8: {  	[sflag:s6] =	ssyncset.done $0x0  }
0xf9: {  	[sflag:s6] =	ssyncadd.s32 $0xFFFFF800  }
0xfa: {  	[spmem:s2] =	stream.indirect.scatter.add.f32 [tilespmem:s21], [sflag:$0x2], $0x10, s8, s19, $0xb8;
	[tilespmem:$0x10C00] =	vst v63  }
0xfb: {  	_ =	swait.ge [sflag:s6], $0x800  }
0xfc: {  	[sflag:s6] =	ssyncset.done $0x0  }
0xfd: {  	[sflag:s6] =	ssyncadd.s32 $0xFFFFF800  }
0xfe: {  	[spmem:s2] =	stream.indirect.scatter.add.f32 [tilespmem:s22], [sflag:$0x2], $0x10, s10, s19, $0xb8;
	[tilespmem:$0x10C00] =	vst v63  }
0xff: {  	_ =	swait.ge [sflag:s6], $0x800  }
0x100: {  	[sflag:s6] =	ssyncset.done $0x0  }
0x101: {  	[sflag:s6] =	ssyncadd.s32 $0xFFFFF800  }
0x102: {  	[spmem:s2] =	stream.indirect.scatter.add.f32 [tilespmem:s26], [sflag:$0x2], $0x10, s11, s19, $0xb8;
	[tilespmem:$0x10C00] =	vst v63  }
0x103: {  	_ =	swait.ge [sflag:s6], $0x800  }
0x104: {  	[sflag:s6] =	ssyncset.done $0x0  }
0x105: {  	[sflag:s6] =	ssyncadd.s32 $0xFFFFF800  }
0x106: {  	[spmem:s2] =	stream.indirect.scatter.add.f32 [tilespmem:s29], [sflag:$0x2], $0x10, s12, s19, $0xb8;
	[tilespmem:$0x10C00] =	vst v63  }
0x107: {  	_ =	swait.ge [sflag:s6], $0x800  }
0x108: {  	[sflag:s6] =	ssyncset.done $0x0  }
0x109: {  	[sflag:s6] =	ssyncadd.s32 $0xFFFFF800  }
0x10a: {  	[spmem:s2] =	stream.indirect.scatter.add.f32 [tilespmem:s31], [sflag:$0x2], $0x10, s13, s19, $0xb8;
	[tilespmem:$0x10C00] =	vst v63  }
0x10b: {  	_ =	swait.ge [sflag:s6], $0x800  }
0x10c: {  	[sflag:s6] =	ssyncset.done $0x0  }
0x10d: {  	[sflag:s6] =	ssyncadd.s32 $0xFFFFF800  }
0x10e: {  	[spmem:s2] =	stream.indirect.scatter.add.f32 [tilespmem:s0], [sflag:$0x2], $0x10, s14, s19, $0xb8;
	[tilespmem:$0x10C00] =	vst v63  }
0x10f: {  	_ =	swait.ge [sflag:s23], $0x800  }
0x110: {  	[sflag:s23] =	ssyncset.done $0x0  }
0x111: {  	[sflag:s23] =	ssyncadd.s32 $0xFFFFF800  }
0x112: {  	_ =	swait.ge [sflag:s23], $0x800  }
0x113: {  	[sflag:s23] =	ssyncset.done $0x0  }
0x114: {  	[sflag:s23] =	ssyncadd.s32 $0xFFFFF800  }
0x115: {  	_ =	swait.ge [sflag:s23], $0x800  }
0x116: {  	[sflag:s23] =	ssyncset.done $0x0  }
0x117: {  	[sflag:s23] =	ssyncadd.s32 $0xFFFFF800  }
0x118: {  	_ =	swait.ge [sflag:s23], $0x800  }
0x119: {  	[sflag:s23] =	ssyncset.done $0x0  }
0x11a: {  	[sflag:s23] =	ssyncadd.s32 $0xFFFFF800  }
0x11b: {  	_ =	swait.ge [sflag:s23], $0x800  }
0x11c: {  	[sflag:s23] =	ssyncset.done $0x0  }
0x11d: {  	[sflag:s23] =	ssyncadd.s32 $0xFFFFF800  }
0x11e: {  	_ =	swait.ge [sflag:s23], $0x800  }
0x11f: {  	[sflag:s23] =	ssyncset.done $0x0  }
0x120: {  	[sflag:s23] =	ssyncadd.s32 $0xFFFFF800  }
0x121: {  	_ =	swait.ge [sflag:s23], $0x800  }
0x122: {  	[sflag:s23] =	ssyncset.done $0x0  }
0x123: {  	[sflag:s23] =	ssyncadd.s32 $0xFFFFF800  }
0x124: {  	_ =	swait.ge [sflag:s23], $0x800  }
0x125: {  	[sflag:s23] =	ssyncset.done $0x0  }
0x126: {  	[sflag:s23] =	ssyncadd.s32 $0xFFFFF800  }
0x127: {  	s24 =	stileid.u32;
	[bflag:$0x0] =	sbarrier.arrive $0xFFFF  }
0x128: {  	s5 =	sshll.u32 s24, $0x6;
	s25 =	rddreg [dreg:$0xd]  }
0x129: {  	s5 =	sor.u32 $0x1C03, s5;
	s24 =	rddreg [dreg:$0xe];
	s9 =	sshrl.u32 s25, $0x3  }
0x12a: {  	[hbm:s24], [sflag:s5] =	dma.local [spmem:s9], $0x800  }
0x12b: {  	_ =	swait.ge [sflag:s16], $0x800  }
0x12c: {  	[sflag:s16] =	ssyncset.done $0x0;
	s24 =	rddreg [dreg:$0xf]  }
0x12d: {  	s25 =	rddreg [dreg:$0x13];
	[sflag:s16] =	ssyncadd.s32 $0xFFFFF800  }
0x12e: {  	[hbm:s24], [sflag:s5] =	dma.local [spmem:s25], $0x800  }
0x12f: {  	_ =	swait.ge [sflag:s16], $0x800  }
0x130: {  	[sflag:s16] =	ssyncset.done $0x0;
	s24 =	rddreg [dreg:$0x10]  }
0x131: {  	s25 =	rddreg [dreg:$0x14];
	[sflag:s16] =	ssyncadd.s32 $0xFFFFF800  }
0x132: {  	[hbm:s24], [sflag:s5] =	dma.local [spmem:s25], $0x800  }
0x133: {  	_ =	swait.ge [sflag:s16], $0x800  }
0x134: {  	[sflag:s16] =	ssyncset.done $0x0;
	s24 =	rddreg [dreg:$0x11]  }
0x135: {  	s25 =	rddreg [dreg:$0x15];
	[sflag:s16] =	ssyncadd.s32 $0xFFFFF800  }
0x136: {  	[hbm:s24], [sflag:s5] =	dma.local [spmem:s25], $0x6A  }
0x137: {  	_ =	swait.ge [sflag:s16], $0x6A  }
0x138: {  	s24 =	rddreg [dreg:$0x16]  }
0x139: {  	s25 =	rddreg [dreg:$0x12];
	s9 =	sadd.s32 $0x1, s24  }
0x13a: {  	p0 =	sne.s32 s9, s25  }
.Ltmp2:
0x13b: {  	_ = 	snop;
	(pc) =	sbr.rel @p0 .LBB2_1-.Ltmp2, $3  }
0x13c: {  	_ =	sdelay $0x1  }
0x13d: {  	[sflag:s16] =	ssyncset.done $0x0  }
0x13e: {  	[sflag:s16] =	ssyncadd.s32 $0xFFFFFF96  }
0x13f: {  	_ =	sfence.sel $0x180000  }
0x140: {  	[bflag:$0x0] =	sbarrier.arrive $0xFFFF  }
0x141: {  	_ =	strace $0x9000004A  }
0x142: {  	s0 =	stileid.u32;
	[bflag:$0x2] =	sbarrier.arrive $0xFFFF  }
0x143: {  	p0 =	sne.s32 s0, $0x0;
	s0 =	rddreg [dreg:$0x2]  }
0x144: {  	s0 =	sadd.s32 @!p0 $0x100000, s0  }
0x145: {  	[sflag:s0] =	ssyncadd.tile.s32 @!p0 $0x1;
	_ =	shalt  }
.Lfunc_end2:
_tile_overlayer_lowered:
.L_overlay_start_2:
0x146: {  	(tag) =	ssettag $0x2  }
0x147: {  	s0 =	rddreg [dreg:$0x0];
	s2 =	stileid.u32  }
0x148: {  	s1 =	rddreg [dreg:$0x1];
	p0 =	sne.s32 s2, $0x0  }
0x149: {  	s3 =	rddreg [dreg:$0x2];
	[bflag:$0x3] =	sbarrier.arrive $0xFFFF;
	s2 =	simm.s32 @!p0 $0x1C03  }
0x14a: {  	[timem:s3], [sflag:s2] =	dma.local @!p0 [hbm:s0], s1  }
0x14b: {  	s0 =	simm.s32 @!p0 $0x3  }
0x14c: {  	_ =	swait.ge @!p0 [sflag:s0], s1  }
0x14d: {  	s1 =	ssub.s32 @!p0 $0x0, s1;
	[sflag:s0] =	ssyncset.done @!p0 $0x0  }
0x14e: {  	[sflag:s0] =	ssyncadd.s32 @!p0 s1  }
0x14f: {  	[bflag:$0x3] =	sbarrier.arrive $0xFFFF  }
0x150: {  	_ =	shalt  }

// kernel: kernel.19.cloned.1.call-start
scs
__scs_entry_jumppad:
0x0: {  	(pc) =	sbr.rel $0x88, $3  }
0x1: {  	(tag) =	ssettag $0x0;
	lr =	simm.s32 $0x1  }
0x2: {  	[smem:$0x3F91] =	sst lr;
	_ =	strace $0xD0000000  }
0x3: {  	_ = 	snop  }
0x4: {  	_ = 	snop  }
0x5: {  	_ = 	snop  }
0x6: {  	_ = 	snop  }
0x7: {  	_ = 	snop  }
__scs_overlays_trampoline_lowered:
0x8: {  	[smem:$0x3FA0] =	sst s0  }
0x9: {  	[smem:$0x3FA1] =	sst s1  }
0xa: {  	[smem:$0x3FA2] =	sst s2  }
0xb: {  	[smem:$0x3FA3] =	sst s3  }
0xc: {  	[smem:$0x3FA4] =	sst s4  }
0xd: {  	[smem:$0x3FA5] =	sst s5  }
0xe: {  	[smem:$0x3FA6] =	sst s6  }
0xf: {  	[smem:$0x3FA7] =	sst s7  }
0x10: {  	[smem:$0x3FA8] =	sst s8  }
0x11: {  	[smem:$0x3FA9] =	sst s9;
	s0 =	simm.s32 @!p0 $0x0  }
0x12: {  	s1 =	sld [smem:$0x3F8F];
	s0 =	simm.s32 @p0 $0x1  }
0x13: {  	[smem:$0x3FAA] =	sst s0;
	s0 =	simm.s32 @!p1 $0x0  }
0x14: {  	s2 =	sld [smem:$0x3F8E];
	s0 =	simm.s32 @p1 $0x1  }
0x15: {  	[smem:$0x3FAB] =	sst s0;
	s0 =	simm.s32 @!p2 $0x0  }
0x16: {  	s3 =	sld [smem:$0x3FDB];
	s0 =	simm.s32 @p2 $0x1  }
0x17: {  	s4 =	simm.s32 $0x1BF5;
	[smem:$0x3FAD] =	sst s0  }
0x18: {  	s0 =	sld [smem:$0x3F90];
	_ =	swait.ge [sflag:s4], $0x0  }
0x19: {  	s7 =	sld [smem:$0x3F91]  }
0x1a: {  	s8 =	sadd.s32 $0xFFFFE003, lr  }
0x1b: {  	s9 =	sadd.s32 $0xFFFFFEF7, lr;
	s5 =	simm.s32 $0xFFFFFFFF;
	p2 =	slt.u32 s8, $0xFFFFF086  }
0x1c: {  	p1 =	slt.u32 s9, $0xF7A;
	s5 =	simm.s32 @!p2 $0x0  }
0x1d: {  	s5 =	simm.s32 @p1 $0x1;
	p0 =	seq.s32 s7, s2  }
0x1e: {  	s7 =	smul.u32 @!p0 $0xF7A, s2;
	p2 =	seq.s32 @!p0 s5, $0x0  }
0x1f: {  	s9 =	smul.u32 $0xF7A, s1;
	s8 =	simm.s32 @!p0 $0x1BF5;
	p2 =	por !p2, p0  }
0x20: {  	[sflag:s8] =	ssyncset.s32 @!p0 $0xFFFFF086;
	s6 =	sadd.s32 @!p0 s3, s7;
	s7 =	simm.s32 @!p0 $0x108  }
0x21: {  	s3 =	sadd.s32 s3, s9;
	s6 =	sadd.s32 @!p0 $0x88, s6;
	s7 =	simm.s32 @p2 $0x1082  }
0x22: {  	[simem:s7], [sflag:s8] =	dma.local @!p0 [hbm:s6], $0xF7A  }
0x23: {  	s9 =	sor.u32 $0xD0000000, s2;
	s6 =	simm.s32 $0x108;
	_ =	swait.ge @!p0 [sflag:s8], $0x0  }
0x24: {  	s3 =	sadd.s32 $0x88, s3;
	s6 =	simm.s32 @!p1 $0x1082;
	[sflag:s4] =	ssyncset.s32 $0xFFFFF086  }
0x25: {  	[simem:s6], [sflag:s4] =	dma.local [hbm:s3], $0xF7A  }
0x26: {  	[smem:$0x3F91] =	sst s1;
	(tag) =	ssettag s2;
	_ =	strace s9  }
0x27: {  	s1 =	sld [smem:$0x3FA1]  }
0x28: {  	s2 =	sld [smem:$0x3FA2]  }
0x29: {  	s4 =	sld [smem:$0x3FA4]  }
0x2a: {  	p0 =	seq.s32 s5, $0x0;
	s5 =	sld [smem:$0x3FA5]  }
0x2b: {  	s6 =	sld [smem:$0x3FA6]  }
0x2c: {  	s7 =	sld [smem:$0x3FA7]  }
0x2d: {  	s3 =	simm.s32 $0x108;
	s8 =	sld [smem:$0x3FA8]  }
0x2e: {  	s3 =	simm.s32 @!p0 $0x1082;
	s9 =	sld [smem:$0x3FA9]  }
0x2f: {  	lr =	sadd.s32 s0, s3;
	s0 =	sld [smem:$0x3FA0]  }
0x30: {  	s3 =	sld [smem:$0x3FA3]  }
0x31: {  	[smem:$0x3FAC] =	sst s10  }
0x32: {  	s10 =	sld [smem:$0x3FAA];
	_ =	sdelay $0x3  }
0x33: {  	p0 =	seq.s32 s10, $0x1;
	s10 =	sld [smem:$0x3FAC];
	_ =	sdelay $0x3  }
0x34: {  	[smem:$0x3FAC] =	sst s10  }
0x35: {  	s10 =	sld [smem:$0x3FAB];
	_ =	sdelay $0x3  }
0x36: {  	p1 =	seq.s32 s10, $0x1;
	s10 =	sld [smem:$0x3FAC];
	_ =	sdelay $0x3  }
0x37: {  	[smem:$0x3FAC] =	sst s10  }
0x38: {  	s10 =	sld [smem:$0x3FAD]  }
0x39: {  	_ = 	snop;
	(pc) =	sbr.ind lr, $3  }
0x3a: {  	_ = 	snop  }
0x3b: {  	_ = 	snop  }
0x3c: {  	p2 =	seq.s32 s10, $0x1;
	s10 =	sld [smem:$0x3FAC]  }
0x3d: {  	_ =	shalt  }
0x3e: {  	_ =	shalt  }
0x3f: {  	_ =	shalt  }
0x40: {  	_ =	shalt  }
0x41: {  	_ =	shalt  }
0x42: {  	_ =	shalt  }
0x43: {  	_ =	shalt  }
0x44: {  	_ =	shalt  }
0x45: {  	_ =	shalt  }
0x46: {  	_ =	shalt  }
0x47: {  	_ =	shalt  }
0x48: {  	_ =	shalt  }
0x49: {  	_ =	shalt  }
0x4a: {  	_ =	shalt  }
0x4b: {  	_ =	shalt  }
0x4c: {  	_ =	shalt  }
0x4d: {  	_ =	shalt  }
0x4e: {  	_ =	shalt  }
0x4f: {  	_ =	shalt  }
0x50: {  	_ =	shalt  }
0x51: {  	_ =	shalt  }
0x52: {  	_ =	shalt  }
0x53: {  	_ =	shalt  }
0x54: {  	_ =	shalt  }
0x55: {  	_ =	shalt  }
0x56: {  	_ =	shalt  }
0x57: {  	_ =	shalt  }
0x58: {  	_ =	shalt  }
0x59: {  	_ =	shalt  }
0x5a: {  	_ =	shalt  }
0x5b: {  	_ =	shalt  }
0x5c: {  	_ =	shalt  }
0x5d: {  	_ =	shalt  }
0x5e: {  	_ =	shalt  }
0x5f: {  	_ =	shalt  }
0x60: {  	_ =	shalt  }
0x61: {  	_ =	shalt  }
0x62: {  	_ =	shalt  }
0x63: {  	_ =	shalt  }
0x64: {  	_ =	shalt  }
0x65: {  	_ =	shalt  }
0x66: {  	_ =	shalt  }
0x67: {  	_ =	shalt  }
0x68: {  	_ =	shalt  }
0x69: {  	_ =	shalt  }
0x6a: {  	_ =	shalt  }
0x6b: {  	_ =	shalt  }
0x6c: {  	_ =	shalt  }
0x6d: {  	_ =	shalt  }
0x6e: {  	_ =	shalt  }
0x6f: {  	_ =	shalt  }
0x70: {  	_ =	shalt  }
0x71: {  	_ =	shalt  }
0x72: {  	_ =	shalt  }
0x73: {  	_ =	shalt  }
0x74: {  	_ =	shalt  }
0x75: {  	_ =	shalt  }
0x76: {  	_ =	shalt  }
0x77: {  	_ =	shalt  }
0x78: {  	_ =	shalt  }
0x79: {  	_ =	shalt  }
0x7a: {  	_ =	shalt  }
0x7b: {  	_ =	shalt  }
0x7c: {  	_ =	shalt  }
0x7d: {  	_ =	shalt  }
0x7e: {  	_ =	shalt  }
0x7f: {  	_ =	shalt  }
0x80: {  	_ =	shalt  }
0x81: {  	_ =	shalt  }
0x82: {  	_ =	shalt  }
0x83: {  	_ =	shalt  }
0x84: {  	_ =	shalt  }
0x85: {  	_ =	shalt  }
0x86: {  	_ =	shalt  }
0x87: {  	_ =	shalt  }
.Lfunc_end0:
.L_simem_size_0:
called_computation.3_lowered:
.L_overlay_start_0:
0x88: {  	s2 =	sld [smem:$0x3FD9]  }
0x89: {  	s3 =	sld [smem:$0x3FFE];
	_ =	sdelay $0x1  }
0x8a: {  	s1 =	srdreg.scid  }
0x8b: {  	s0 =	sand.u32 $0x1, s1  }
0x8c: {  	s16 =	sshll.u32 s0, $0xA;
	s2 =	sadd.s32 s3, s2  }
0x8d: {  	s2 =	sadd.s32 s2, s16  }
0x8e: {  	[smem:$0x3FB8] =	sst s2  }
0x8f: {  	_ = 	snop  }
0x90: {  	(tm) =	ssettm $0x1  }
0x91: {  	s17 =	sld [smem:$0x3FFB];
	_ =	sdelay $0x3  }
0x92: {  	_ =	strace s17  }
0x93: {  	s2 =	sld [smem:$0x3FFC];
	_ =	sdelay $0x3  }
0x94: {  	_ =	strace s2  }
0x95: {  	s2 =	sld [smem:$0x3FFD];
	_ =	sdelay $0x3  }
0x96: {  	_ =	strace s2  }
0x97: {  	_ =	strace $0x8FFFFFFF  }
0x98: {  	s18 =	sld [smem:$0x3FDB];
	_ =	sdelay $0x1  }
0x99: {  	s19 =	simm.s32 $_scs_section_size  }
0x9a: {  	s4 =	simm.s32 $_size__tile_overlayer_lowered;
	s5 =	simm.s32 $_tile_overlayer_lowered  }
0x9b: {  	s22 =	simm.s32 $0x1BFF;
	s21 =	sshll.u32 s5, $0x1;
	s2 =	sadd.s32 s19, s18  }
0x9c: {  	s6 =	simm.s32 $0x0;
	s20 =	sshll.u32 s4, $0x1;
	s4 =	sadd.s32 s21, s2  }
0x9d: {  	[timem:s6], [sflag:s22] =	dma.local [hbm:s4], s20  }
0x9e: {  	_ =	swait.ge [sflag:s22], s20  }
0x9f: {  	s3 =	ssub.s32 $0x0, s20;
	[sflag:s22] =	ssyncset.done $0x0  }
0xa0: {  	[sflag:s22] =	ssyncadd.s32 s3;
	_ =	sdelay $0x1  }
0xa1: {  	s23 =	simm.s32 $0x1B8B  }
0xa2: {  	_ =	swait.ge [sflag:s23], $0x1  }
0xa3: {  	[sflag:s23] =	ssyncset.done $0x0  }
0xa4: {  	s25 =	simm.s32 $0x1B8E;
	s24 =	sld [smem:$0x3FFE];
	[sflag:s23] =	ssyncadd.s32 $0xFFFFFFFF  }
0xa5: {  	s26 =	simm.s32 $execute0_lowered;
	[smem:$0x3FD2] =	sst s25  }
0xa6: {  	s4 =	sshll.u32 s26, $0x1;
	_ =	strace $0x8000004F;
	[dreg:$0x1] =	wrdreg $0xFFFFFFFF  }
0xa7: {  	s28 =	simm.s32 $_size_execute0_lowered;
	s2 =	sadd.s32 s2, s4;
	[dreg:$0x0] =	wrdreg $0x0  }
0xa8: {  	s4 =	sshll.u32 s28, $0x1;
	[dreg:$0x2] =	wrdreg s2  }
0xa9: {  	[dreg:$0x3] =	wrdreg s4  }
0xaa: {  	[dreg:$0x4] =	wrdreg $0xC0  }
0xab: {  	_ =	task [dreg:s6], $0x5FFFF  }
0xac: {  	[dreg:$0x1] =	wrdreg $0xFFFFFFFF  }
0xad: {  	[dreg:$0x0] =	wrdreg $0x60  }
0xae: {  	[dreg:$0x2] =	wrdreg s24  }
0xaf: {  	[dreg:$0x3] =	wrdreg $0x0  }
0xb0: {  	[dreg:$0x4] =	wrdreg $0x9  }
0xb1: {  	_ =	task.clear_ibuf [dreg:s6], $0x5FFFF;
	_ =	strace $0x9000004F  }
0xb2: {  	s29 =	simm.s32 $0x9;
	_ =	strace $0x80000051  }
0xb3: {  	_ =	swait.ge [sflag:s29], $0x1  }
0xb4: {  	[sflag:s29] =	ssyncadd.s32 $0xFFFFFFFF  }
0xb5: {  	_ =	strace $0x90000051  }
0xb6: {  	_ =	sfence  }
0xb7: {  	s30 =	sld [smem:$0x0];
	_ =	sdelay $0x2  }
0xb8: {  	s31 =	sshll.u32 s1, $0xD;
	s1 =	sshrl.u32 s1, $0x2  }
0xb9: {  	s3 =	sand.u32 $0x4000, s31;
	s1 =	sadd.s32 s1, s30  }
0xba: {  	s0 =	sor.u32 s3, s0;
	s1 =	sshll.u32 s1, $0x11  }
0xbb: {  	s0 =	sor.u32 s1, s0  }
0xbc: {  	s0 =	sadd.s32 $0x8F2B, s0  }
0xbd: {  	[sflag:s0] =	ssyncadd.remote.s32 $0x1  }
0xbe: {  	_ =	sfence.sel $0xFFFF  }
0xbf: {  	[dreg:$0x0] =	wrdreg $0xFFFFFFFF;
	(pc) =	sbr.abs _section_cstart, $3  }
0xc0: {  	[dreg:$0x1] =	wrdreg $0xFFFFFFFF  }
0xc1: {  	_ =	task.clear_ibuf [dreg:s6], $0x2FFFF;
	_ =	strace $0x9FFFFFFF  }
0xc2: {  	(tm) =	ssettm $0x7FFFFFFF  }
0xc3: {  	_ =	shalt  }
tec
execute0_lowered:
.L_overlay_start_1:
0x0: {  	(tag) =	ssettag $0x1  }
0x1: {  	s0 =	rddreg [dreg:$0x0];
	s10 =	stileid.u32  }
0x2: {  	s1 =	srdreg.scid;
	s5 =	smul.u32 $0xC400, s10  }
0x3: {  	s2 =	rddreg [dreg:$0x1];
	s7 =	smul.u32 $0xC35, s10  }
0x4: {  	s3 =	simm.s32 $0x0;
	s28 =	simm.s32 $0x80;
	s19 =	smul.u32 $0x1880, s10  }
0x5: {  	s29 =	simm.s32 $0x18880;
	s30 =	simm.s32 $0x19C00;
	s20 =	smul.u32 $0x62000, s10  }
0x6: {  	s31 =	simm.s32 $0x18900;
	s1 =	sand.u32 $0x1, s1;
	s24 =	smul.u32 $0x61A80, s10  }
0x7: {  	[smem:$0x7FF] =	sst s3;
	s4 =	sadd.s32 $0xEC000, s0;
	s6 =	smul.u32 $0xC4000, s1  }
0x8: {  	_ =	strace $0x80000050;
	s8 =	smul.u32 $0xC350, s1;
	s1 =	ssub.s32 $0x2, s1  }
0x9: {  	s22 =	sshrl.u32 s20, $0x2;
	s23 =	sshrl.u32 s1, $0x1;
	s12 =	sshrl.u32 s24, $0x2  }
0xa: {  	s20 =	simm.s32 $0x18C00;
	s5 =	sadd.s32 s5, s6;
	s7 =	sadd.s32 s7, s8  }
0xb: {  	s6 =	sadd.s32 s19, s0;
	s1 =	ssub.s32 s1, s23;
	s12 =	sadd.s32 s12, s2  }
0xc: {  	s8 =	simm.s32 $0x18A80;
	s5 =	sshrl.u32 s5, $0x3;
	s21 =	sshll.u32 s7, $0x2  }
0xd: {  	s1 =	smax.u32 s1, $0x1;
	s9 =	sadd.s32 s5, s0;
	s5 =	sadd.s32 s22, s2  }
0xe: {  	s17 =	sadd.s32 $0x8000, s12;
	[dreg:$0xd] =	wrdreg s1;
	s25 =	sadd.s32 $0x4000, s5  }
0xf: {  	s24 =	sadd.s32 $0x10000, s12;
	s26 =	sadd.s32 $0x8000, s5;
	[dreg:$0x3] =	wrdreg s25  }
0x10: {  	s18 =	sadd.s32 $0x71800, s6;
	s10 =	sadd.s32 $0xC000, s5;
	[dreg:$0x4] =	wrdreg s26  }
0x11: {  	s6 =	simm.s32 $0x1BC00;
	s11 =	sadd.s32 $0x10000, s5;
	[dreg:$0x5] =	wrdreg s10  }
0x12: {  	s7 =	simm.s32 $0x1;
	s13 =	sadd.s32 $0x14000, s5;
	[dreg:$0x6] =	wrdreg s11  }
0x13: {  	s0 =	sadd.s32 s21, s0;
	s14 =	sadd.s32 $0x18000, s5;
	[dreg:$0x7] =	wrdreg s13  }
0x14: {  	s21 =	simm.s32 $0x3;
	s15 =	sadd.s32 $0x45B000, s0;
	[dreg:$0x8] =	wrdreg s14  }
0x15: {  	s22 =	simm.s32 $0x18800;
	s16 =	sadd.s32 $0x45C000, s0;
	[dreg:$0x9] =	wrdreg s15  }
0x16: {  	s24 =	sshrl.u32 s24, $0x3;
	s23 =	sadd.s32 $0x45D000, s0;
	[dreg:$0xa] =	wrdreg s16  }
0x17: {  	s1 =	simm.s32 $0x1AC00;
	s0 =	sadd.s32 $0x45E000, s0;
	[dreg:$0xb] =	wrdreg s23  }
0x18: {  	s19 =	sadd.s32 $0xBB000, s9;
	s9 =	simm.s32 $0x18B00;
	[dreg:$0xc] =	wrdreg s0  }
0x19: {  	s25 =	sadd.s32 $0x18000, s12;
	s26 =	sshrl.u32 s17, $0x3;
	s0 =	simm.s32 $0x18980  }
0x1a: {  	s10 =	simm.s32 $0x18B80;
	s11 =	simm.s32 $0x2;
	s13 =	simm.s32 $0x0  }
0x1b: {  	v0 =	vimm.f32 $0.0e+00;
	[dreg:$0xe] =	wrdreg s26;
	s25 =	sshrl.u32 s25, $0x3;
	s26 =	simm.s32 $0x18A00  }
.LBB2_1:
0x1c: {  	s14 =	simm.s32 $0x80;
	s15 =	simm.s32 $0x0  }
.LBB2_2:
0x1d: {  	p0 =	sne.s32 s14, $0xFF80;
	[tilespmem:s15+$0x18C00] =	vst v0;
	s16 =	smov.u32 s14;
	s14 =	sadd.s32 $0x80, s14  }
.Ltmp0:
0x1e: {  	[tilespmem:s15+$0x18C10] =	vst v0;
	(pc) =	sbr.rel @p0 .LBB2_2-.Ltmp0, $2  }
0x1f: {  	_ =	sdelay $0x2  }
0x20: {  	s15 =	sshra.s32 s16, $0x2  }
0x21: {  	[tilespmem:s15+$0x18C00] =	vst v0  }
0x22: {  	[tilespmem:s15+$0x18C10] =	vst v0  }
0x23: {  	[spmem:s5] =	stream.linear.scatter [tilespmem:s20], [sflag:$0x3], $0x4000, $0x38;
	[tilespmem:$0x1CC00] =	vst v63  }
0x24: {  	_ =	swait.ge [sflag:s21], $0x4000  }
0x25: {  	[sflag:s21] =	ssyncset.done $0x0  }
0x26: {  	s14 =	rddreg [dreg:$0x3];
	[sflag:s21] =	ssyncadd.s32 $0xFFFFC000  }
0x27: {  	[spmem:s14] =	stream.linear.scatter [tilespmem:s20], [sflag:$0x3], $0x4000, $0x38;
	[tilespmem:$0x1CC00] =	vst v63  }
0x28: {  	_ =	swait.ge [sflag:s21], $0x4000  }
0x29: {  	[sflag:s21] =	ssyncset.done $0x0  }
0x2a: {  	s16 =	rddreg [dreg:$0x4];
	[sflag:s21] =	ssyncadd.s32 $0xFFFFC000  }
0x2b: {  	[spmem:s16] =	stream.linear.scatter [tilespmem:s20], [sflag:$0x3], $0x4000, $0x38;
	[tilespmem:$0x1CC00] =	vst v63  }
0x2c: {  	_ =	swait.ge [sflag:s21], $0x4000  }
0x2d: {  	[sflag:s21] =	ssyncset.done $0x0  }
0x2e: {  	s17 =	rddreg [dreg:$0x5];
	[sflag:s21] =	ssyncadd.s32 $0xFFFFC000  }
0x2f: {  	[spmem:s17] =	stream.linear.scatter [tilespmem:s20], [sflag:$0x3], $0x4000, $0x38;
	[tilespmem:$0x1CC00] =	vst v63  }
0x30: {  	_ =	swait.ge [sflag:s21], $0x4000  }
0x31: {  	[sflag:s21] =	ssyncset.done $0x0  }
0x32: {  	s23 =	rddreg [dreg:$0x6];
	[sflag:s21] =	ssyncadd.s32 $0xFFFFC000  }
0x33: {  	[spmem:s23] =	stream.linear.scatter [tilespmem:s20], [sflag:$0x3], $0x4000, $0x38;
	[tilespmem:$0x1CC00] =	vst v63  }
0x34: {  	_ =	swait.ge [sflag:s21], $0x4000  }
0x35: {  	[sflag:s21] =	ssyncset.done $0x0  }
0x36: {  	s15 =	rddreg [dreg:$0x7];
	[sflag:s21] =	ssyncadd.s32 $0xFFFFC000  }
0x37: {  	[spmem:s15] =	stream.linear.scatter [tilespmem:s20], [sflag:$0x3], $0x4000, $0x38;
	[tilespmem:$0x1CC00] =	vst v63  }
0x38: {  	_ =	swait.ge [sflag:s21], $0x4000  }
0x39: {  	[sflag:s21] =	ssyncset.done $0x0  }
0x3a: {  	s16 =	rddreg [dreg:$0x8];
	[sflag:s21] =	ssyncadd.s32 $0xFFFFC000  }
0x3b: {  	[spmem:s16] =	stream.linear.scatter [tilespmem:s20], [sflag:$0x3], $0x800, $0x38;
	[tilespmem:$0x1CC00] =	vst v63  }
0x3c: {  	_ =	swait.ge [sflag:s21], $0x800  }
0x3d: {  	[sflag:s21] =	ssyncset.done $0x0  }
0x3e: {  	[sflag:s21] =	ssyncadd.s32 $0xFFFFF800  }
0x3f: {  	s17 =	sadd.s32 $0x0, s19;
	[bflag:$0x0] =	sbarrier.arrive $0xFFFF  }
0x40: {  	[tilespmem:s22], [sflag:$0x3] =	stream.linear.gather [hbm4b:s17+s3], $0x200, $0x38;
	[tilespmem:$0x1CC00] =	vst v63  }
0x41: {  	_ =	swait.ge [sflag:s21], $0x200  }
0x42: {  	[sflag:s21] =	ssyncset.done $0x0  }
0x43: {  	s23 =	sadd.s32 $0x0, s18;
	[sflag:s21] =	ssyncadd.s32 $0xFFFFFE00  }
0x44: {  	[tilespmem:s26], [sflag:$0x3] =	stream.linear.gather [hbm4b:s23+s3], $0x200, $0x38;
	[tilespmem:$0x1CC00] =	vst v63  }
0x45: {  	_ =	swait.ge [sflag:s21], $0x200  }
0x46: {  	[sflag:s21] =	ssyncset.done $0x0  }
0x47: {  	[sflag:s21] =	ssyncadd.s32 $0xFFFFFE00  }
0x48: {  	[tilespmem:s20], [sflag:$0x1] =	stream.indirect.gather [hbm4b:s4+s28], $0x20, s22, s28, $0xb8;
	[tilespmem:$0x1CC00] =	vst v63  }
0x49: {  	_ = 	snop  }
0x4a: {  	[tilespmem:s30], [sflag:$0x1] =	stream.indirect.gather [hbm4b:s4+s28], $0x20, s29, s28, $0xb8;
	[tilespmem:$0x1CC00] =	vst v63  }
0x4b: {  	_ = 	snop  }
0x4c: {  	[tilespmem:s1], [sflag:$0x1] =	stream.indirect.gather [hbm4b:s4+s28], $0x20, s31, s28, $0xb8;
	[tilespmem:$0x1CC00] =	vst v63  }
0x4d: {  	_ = 	snop  }
0x4e: {  	[tilespmem:s6], [sflag:$0x1] =	stream.indirect.gather [hbm4b:s4+s28], $0x20, s0, s28, $0xb8;
	[tilespmem:$0x1CC00] =	vst v63  }
0x4f: {  	_ =	swait.ge [sflag:s7], $0x1000  }
0x50: {  	[sflag:s7] =	ssyncset.done $0x0  }
0x51: {  	[sflag:s7] =	ssyncadd.s32 $0xFFFFF000  }
0x52: {  	[spmem:s2] =	stream.indirect.scatter.add.f32 [tilespmem:s20], [sflag:$0x2], $0x20, s26, s28, $0xb8;
	[tilespmem:$0x1CC00] =	vst v63  }
0x53: {  	_ =	swait.ge [sflag:s7], $0x1000  }
0x54: {  	[sflag:s7] =	ssyncset.done $0x0  }
0x55: {  	[sflag:s7] =	ssyncadd.s32 $0xFFFFF000  }
0x56: {  	[spmem:s2] =	stream.indirect.scatter.add.f32 [tilespmem:s30], [sflag:$0x2], $0x20, s8, s28, $0xb8;
	[tilespmem:$0x1CC00] =	vst v63  }
0x57: {  	_ =	swait.ge [sflag:s7], $0x1000  }
0x58: {  	[sflag:s7] =	ssyncset.done $0x0  }
0x59: {  	[sflag:s7] =	ssyncadd.s32 $0xFFFFF000  }
0x5a: {  	[spmem:s2] =	stream.indirect.scatter.add.f32 [tilespmem:s1], [sflag:$0x2], $0x20, s9, s28, $0xb8;
	[tilespmem:$0x1CC00] =	vst v63  }
0x5b: {  	_ =	swait.ge [sflag:s7], $0x1000  }
0x5c: {  	[sflag:s7] =	ssyncset.done $0x0  }
0x5d: {  	[sflag:s7] =	ssyncadd.s32 $0xFFFFF000  }
0x5e: {  	[spmem:s2] =	stream.indirect.scatter.add.f32 [tilespmem:s6], [sflag:$0x2], $0x20, s10, s28, $0xb8;
	[tilespmem:$0x1CC00] =	vst v63  }
0x5f: {  	_ =	swait.ge [sflag:s11], $0x1000  }
0x60: {  	[sflag:s11] =	ssyncset.done $0x0  }
0x61: {  	[sflag:s11] =	ssyncadd.s32 $0xFFFFF000  }
0x62: {  	_ =	swait.ge [sflag:s11], $0x1000  }
0x63: {  	[sflag:s11] =	ssyncset.done $0x0  }
0x64: {  	[sflag:s11] =	ssyncadd.s32 $0xFFFFF000  }
0x65: {  	_ =	swait.ge [sflag:s11], $0x1000  }
0x66: {  	[sflag:s11] =	ssyncset.done $0x0  }
0x67: {  	[sflag:s11] =	ssyncadd.s32 $0xFFFFF000  }
0x68: {  	_ =	swait.ge [sflag:s11], $0x1000  }
0x69: {  	s14 =	simm.s32 $0x40;
	s15 =	simm.s32 $0x80;
	[sflag:s11] =	ssyncset.done $0x0  }
.LBB2_4:
0x6a: {  	s17 =	sadd.s32 s14, s19  }
0x6b: {  	[sflag:s11] =	ssyncadd.s32 $0xFFFFF000;
	s23 =	smov.u32 s15;
	s16 =	sadd.s32 $0x40, s15  }
0x6c: {  	[tilespmem:s22], [sflag:$0x3] =	stream.linear.gather [hbm4b:s17+s3], $0x200, $0x38;
	[tilespmem:$0x1CC00] =	vst v63  }
0x6d: {  	p0 =	sne.s32 s15, $0x1840;
	_ =	swait.ge [sflag:s21], $0x200  }
0x6e: {  	[sflag:s21] =	ssyncset.done $0x0  }
0x6f: {  	s15 =	sadd.s32 s14, s18;
	s14 =	smov.u32 s23;
	[sflag:s21] =	ssyncadd.s32 $0xFFFFFE00  }
0x70: {  	[tilespmem:s26], [sflag:$0x3] =	stream.linear.gather [hbm4b:s15+s3], $0x200, $0x38;
	[tilespmem:$0x1CC00] =	vst v63  }
0x71: {  	_ =	swait.ge [sflag:s21], $0x200  }
0x72: {  	[sflag:s21] =	ssyncset.done $0x0  }
0x73: {  	[sflag:s21] =	ssyncadd.s32 $0xFFFFFE00  }
0x74: {  	[tilespmem:s20], [sflag:$0x1] =	stream.indirect.gather [hbm4b:s4+s28], $0x20, s22, s28, $0xb8;
	[tilespmem:$0x1CC00] =	vst v63  }
0x75: {  	_ = 	snop  }
0x76: {  	[tilespmem:s30], [sflag:$0x1] =	stream.indirect.gather [hbm4b:s4+s28], $0x20, s29, s28, $0xb8;
	[tilespmem:$0x1CC00] =	vst v63  }
0x77: {  	_ = 	snop  }
0x78: {  	[tilespmem:s1], [sflag:$0x1] =	stream.indirect.gather [hbm4b:s4+s28], $0x20, s31, s28, $0xb8;
	[tilespmem:$0x1CC00] =	vst v63  }
0x79: {  	_ = 	snop  }
0x7a: {  	[tilespmem:s6], [sflag:$0x1] =	stream.indirect.gather [hbm4b:s4+s28], $0x20, s0, s28, $0xb8;
	[tilespmem:$0x1CC00] =	vst v63  }
0x7b: {  	_ =	swait.ge [sflag:s7], $0x1000  }
0x7c: {  	[sflag:s7] =	ssyncset.done $0x0  }
0x7d: {  	[sflag:s7] =	ssyncadd.s32 $0xFFFFF000  }
0x7e: {  	[spmem:s2] =	stream.indirect.scatter.add.f32 [tilespmem:s20], [sflag:$0x2], $0x20, s26, s28, $0xb8;
	[tilespmem:$0x1CC00] =	vst v63  }
0x7f: {  	_ =	swait.ge [sflag:s7], $0x1000  }
0x80: {  	[sflag:s7] =	ssyncset.done $0x0  }
0x81: {  	[sflag:s7] =	ssyncadd.s32 $0xFFFFF000  }
0x82: {  	[spmem:s2] =	stream.indirect.scatter.add.f32 [tilespmem:s30], [sflag:$0x2], $0x20, s8, s28, $0xb8;
	[tilespmem:$0x1CC00] =	vst v63  }
0x83: {  	_ =	swait.ge [sflag:s7], $0x1000  }
0x84: {  	[sflag:s7] =	ssyncset.done $0x0  }
0x85: {  	[sflag:s7] =	ssyncadd.s32 $0xFFFFF000  }
0x86: {  	[spmem:s2] =	stream.indirect.scatter.add.f32 [tilespmem:s1], [sflag:$0x2], $0x20, s9, s28, $0xb8;
	[tilespmem:$0x1CC00] =	vst v63  }
0x87: {  	_ =	swait.ge [sflag:s7], $0x1000  }
0x88: {  	[sflag:s7] =	ssyncset.done $0x0  }
0x89: {  	[sflag:s7] =	ssyncadd.s32 $0xFFFFF000  }
0x8a: {  	[spmem:s2] =	stream.indirect.scatter.add.f32 [tilespmem:s6], [sflag:$0x2], $0x20, s10, s28, $0xb8;
	[tilespmem:$0x1CC00] =	vst v63  }
0x8b: {  	_ =	swait.ge [sflag:s11], $0x1000  }
0x8c: {  	[sflag:s11] =	ssyncset.done $0x0  }
0x8d: {  	[sflag:s11] =	ssyncadd.s32 $0xFFFFF000  }
0x8e: {  	_ =	swait.ge [sflag:s11], $0x1000  }
0x8f: {  	[sflag:s11] =	ssyncset.done $0x0  }
0x90: {  	[sflag:s11] =	ssyncadd.s32 $0xFFFFF000  }
.Ltmp1:
0x91: {  	_ =	swait.ge [sflag:s11], $0x1000;
	(pc) =	sbr.rel @p0 .LBB2_4-.Ltmp1, $4  }
0x92: {  	[sflag:s11] =	ssyncset.done $0x0  }
0x93: {  	[sflag:s11] =	ssyncadd.s32 $0xFFFFF000  }
0x94: {  	_ =	swait.ge [sflag:s11], $0x1000  }
0x95: {  	s15 =	smov.u32 s16;
	[sflag:s11] =	ssyncset.done $0x0  }
0x96: {  	s15 =	sadd.s32 s14, s19;
	[sflag:s11] =	ssyncadd.s32 $0xFFFFF000  }
0x97: {  	[tilespmem:s22], [sflag:$0x3] =	stream.linear.gather [hbm4b:s15+s3], $0x200, $0x38;
	[tilespmem:$0x1CC00] =	vst v63  }
0x98: {  	_ =	swait.ge [sflag:s21], $0x200  }
0x99: {  	[sflag:s21] =	ssyncset.done $0x0  }
0x9a: {  	s16 =	sadd.s32 s14, s18;
	[sflag:s21] =	ssyncadd.s32 $0xFFFFFE00  }
0x9b: {  	[tilespmem:s26], [sflag:$0x3] =	stream.linear.gather [hbm4b:s16+s3], $0x200, $0x38;
	[tilespmem:$0x1CC00] =	vst v63  }
0x9c: {  	_ =	swait.ge [sflag:s21], $0x200  }
0x9d: {  	[sflag:s21] =	ssyncset.done $0x0  }
0x9e: {  	[sflag:s21] =	ssyncadd.s32 $0xFFFFFE00  }
0x9f: {  	[tilespmem:s20], [sflag:$0x1] =	stream.indirect.gather [hbm4b:s4+s28], $0x20, s22, s28, $0xb8;
	[tilespmem:$0x1CC00] =	vst v63  }
0xa0: {  	_ = 	snop  }
0xa1: {  	[tilespmem:s30], [sflag:$0x1] =	stream.indirect.gather [hbm4b:s4+s28], $0x20, s29, s28, $0xb8;
	[tilespmem:$0x1CC00] =	vst v63  }
0xa2: {  	_ = 	snop  }
0xa3: {  	[tilespmem:s1], [sflag:$0x1] =	stream.indirect.gather [hbm4b:s4+s28], $0x20, s31, s28, $0xb8;
	[tilespmem:$0x1CC00] =	vst v63  }
0xa4: {  	_ = 	snop  }
0xa5: {  	[tilespmem:s6], [sflag:$0x1] =	stream.indirect.gather [hbm4b:s4+s28], $0x20, s0, s28, $0xb8;
	[tilespmem:$0x1CC00] =	vst v63  }
0xa6: {  	_ =	swait.ge [sflag:s7], $0x1000  }
0xa7: {  	[sflag:s7] =	ssyncset.done $0x0  }
0xa8: {  	[sflag:s7] =	ssyncadd.s32 $0xFFFFF000  }
0xa9: {  	[spmem:s2] =	stream.indirect.scatter.add.f32 [tilespmem:s20], [sflag:$0x2], $0x20, s26, s28, $0xb8;
	[tilespmem:$0x1CC00] =	vst v63  }
0xaa: {  	_ =	swait.ge [sflag:s7], $0x1000  }
0xab: {  	[sflag:s7] =	ssyncset.done $0x0  }
0xac: {  	[sflag:s7] =	ssyncadd.s32 $0xFFFFF000  }
0xad: {  	[spmem:s2] =	stream.indirect.scatter.add.f32 [tilespmem:s30], [sflag:$0x2], $0x20, s8, s28, $0xb8;
	[tilespmem:$0x1CC00] =	vst v63  }
0xae: {  	_ =	swait.ge [sflag:s7], $0x1000  }
0xaf: {  	[sflag:s7] =	ssyncset.done $0x0  }
0xb0: {  	[sflag:s7] =	ssyncadd.s32 $0xFFFFF000  }
0xb1: {  	[spmem:s2] =	stream.indirect.scatter.add.f32 [tilespmem:s1], [sflag:$0x2], $0x20, s9, s28, $0xb8;
	[tilespmem:$0x1CC00] =	vst v63  }
0xb2: {  	_ =	swait.ge [sflag:s7], $0x1000  }
0xb3: {  	[sflag:s7] =	ssyncset.done $0x0  }
0xb4: {  	[sflag:s7] =	ssyncadd.s32 $0xFFFFF000  }
0xb5: {  	[spmem:s2] =	stream.indirect.scatter.add.f32 [tilespmem:s6], [sflag:$0x2], $0x20, s10, s28, $0xb8;
	[tilespmem:$0x1CC00] =	vst v63  }
0xb6: {  	_ =	swait.ge [sflag:s11], $0x1000  }
0xb7: {  	[sflag:s11] =	ssyncset.done $0x0  }
0xb8: {  	[sflag:s11] =	ssyncadd.s32 $0xFFFFF000  }
0xb9: {  	_ =	swait.ge [sflag:s11], $0x1000  }
0xba: {  	[sflag:s11] =	ssyncset.done $0x0  }
0xbb: {  	[sflag:s11] =	ssyncadd.s32 $0xFFFFF000  }
0xbc: {  	_ =	swait.ge [sflag:s11], $0x1000  }
0xbd: {  	[sflag:s11] =	ssyncset.done $0x0  }
0xbe: {  	[sflag:s11] =	ssyncadd.s32 $0xFFFFF000  }
0xbf: {  	_ =	swait.ge [sflag:s11], $0x1000  }
0xc0: {  	[sflag:s11] =	ssyncset.done $0x0  }
0xc1: {  	s17 =	stileid.u32;
	[sflag:s11] =	ssyncadd.s32 $0xFFFFF000  }
0xc2: {  	s14 =	sshll.u32 s17, $0x6;
	[bflag:$0x0] =	sbarrier.arrive $0xFFFF  }
0xc3: {  	s23 =	sshrl.u32 s12, $0x3;
	s14 =	sor.u32 $0x1C03, s14;
	s16 =	rddreg [dreg:$0x9]  }
0xc4: {  	[hbm:s16], [sflag:s14] =	dma.local [spmem:s23], $0x1000  }
0xc5: {  	_ =	swait.ge [sflag:s21], $0x1000  }
0xc6: {  	[sflag:s21] =	ssyncset.done $0x0;
	s17 =	rddreg [dreg:$0xa]  }
0xc7: {  	s23 =	rddreg [dreg:$0xe];
	[sflag:s21] =	ssyncadd.s32 $0xFFFFF000  }
0xc8: {  	[hbm:s17], [sflag:s14] =	dma.local [spmem:s23], $0x1000  }
0xc9: {  	_ =	swait.ge [sflag:s21], $0x1000  }
0xca: {  	[sflag:s21] =	ssyncset.done $0x0  }
0xcb: {  	s16 =	rddreg [dreg:$0xb];
	[sflag:s21] =	ssyncadd.s32 $0xFFFFF000  }
0xcc: {  	[hbm:s16], [sflag:s14] =	dma.local [spmem:s24], $0x1000  }
0xcd: {  	_ =	swait.ge [sflag:s21], $0x1000  }
0xce: {  	[sflag:s21] =	ssyncset.done $0x0  }
0xcf: {  	s17 =	rddreg [dreg:$0xc];
	[sflag:s21] =	ssyncadd.s32 $0xFFFFF000  }
0xd0: {  	[hbm:s17], [sflag:s14] =	dma.local [spmem:s25], $0xD4  }
0xd1: {  	_ =	swait.ge [sflag:s21], $0xD4  }
0xd2: {  	s13 =	sadd.s32 $0x1, s13;
	s23 =	rddreg [dreg:$0xd]  }
0xd3: {  	p0 =	sne.s32 s13, s23  }
.Ltmp2:
0xd4: {  	_ = 	snop;
	(pc) =	sbr.rel @p0 .LBB2_1-.Ltmp2, $3  }
0xd5: {  	_ =	sdelay $0x1  }
0xd6: {  	[sflag:s21] =	ssyncset.done $0x0  }
0xd7: {  	[sflag:s21] =	ssyncadd.s32 $0xFFFFFF2C  }
0xd8: {  	_ =	sfence.sel $0x180000  }
0xd9: {  	[bflag:$0x0] =	sbarrier.arrive $0xFFFF  }
0xda: {  	_ =	strace $0x90000050  }
0xdb: {  	s0 =	stileid.u32;
	[bflag:$0x2] =	sbarrier.arrive $0xFFFF  }
0xdc: {  	p0 =	sne.s32 s0, $0x0;
	s0 =	rddreg [dreg:$0x2]  }
0xdd: {  	s0 =	sadd.s32 @!p0 $0x100000, s0  }
0xde: {  	[sflag:s0] =	ssyncadd.tile.s32 @!p0 $0x1;
	_ =	shalt  }
.Lfunc_end2:
_tile_overlayer_lowered:
.L_overlay_start_2:
0xdf: {  	(tag) =	ssettag $0x2  }
0xe0: {  	s0 =	rddreg [dreg:$0x0];
	s2 =	stileid.u32  }
0xe1: {  	s1 =	rddreg [dreg:$0x1];
	p0 =	sne.s32 s2, $0x0  }
0xe2: {  	s3 =	rddreg [dreg:$0x2];
	[bflag:$0x3] =	sbarrier.arrive $0xFFFF;
	s2 =	simm.s32 @!p0 $0x1C03  }
0xe3: {  	[timem:s3], [sflag:s2] =	dma.local @!p0 [hbm:s0], s1  }
0xe4: {  	s0 =	simm.s32 @!p0 $0x3  }
0xe5: {  	_ =	swait.ge @!p0 [sflag:s0], s1  }
0xe6: {  	s1 =	ssub.s32 @!p0 $0x0, s1;
	[sflag:s0] =	ssyncset.done @!p0 $0x0  }
0xe7: {  	[sflag:s0] =	ssyncadd.s32 @!p0 s1  }
0xe8: {  	[bflag:$0x3] =	sbarrier.arrive $0xFFFF  }
0xe9: {  	_ =	shalt  }

</sc_bundles>
